<compile_context>
chip_gen: v7x
topology: tpu7x:2x2x1
jax: 0.10.2.dev20260603
libtpu: 0.0.44.dev20260713+nightly
codegen_flags: <defaults>
</compile_context>

<pallas_src>
import functools
import jax
import jax.numpy as jnp
from jax import lax
from jax.experimental import pallas as pl
from jax.experimental.pallas import tpu as pltpu
from jax.experimental.pallas import tpu_sc as plsc

_B, _S, _D = 4, 8192, 1024
_NW = 32
_SPW = _S // _NW
_CH = 8
_NCH = _SPW // _CH
_LANES = 16


def _sc_body(x_hbm, pos_hbm, out_hbm, pbuf, xbuf, insem, outsem):
    cid = lax.axis_index("c")
    sid = lax.axis_index("s")
    wid = sid * 2 + cid
    s_base = wid * _SPW

    def in_cps(i, slot):
        s0 = s_base + i * _CH
        return (
            pltpu.make_async_copy(
                pos_hbm.at[pl.ds(s0, _CH), :], pbuf.at[slot], insem.at[slot]),
            pltpu.make_async_copy(
                x_hbm.at[:, pl.ds(s0, _CH), :], xbuf.at[slot], insem.at[slot]),
        )

    def out_cp(i, slot):
        s0 = s_base + i * _CH
        return pltpu.make_async_copy(
            xbuf.at[slot], out_hbm.at[:, pl.ds(s0, _CH), :], outsem.at[slot])

    def compute(slot):
        @plsc.parallel_loop(0, _D // _LANES, unroll=2)
        def _(g):
            c = g * _LANES
            for r in range(_CH):
                pv = pbuf[slot, r, pl.ds(c, _LANES)]
                for b in range(_B):
                    xbuf[slot, b, r, pl.ds(c, _LANES)] = (
                        xbuf[slot, b, r, pl.ds(c, _LANES)] + pv)

    def phase(i, slot):
        @pl.when(i + 1 < _NCH)
        def _():
            other = 1 - slot

            @pl.when(i >= 1)
            def _():
                out_cp(i - 1, other).wait()

            for d in in_cps(i + 1, other):
                d.start()

        for d in in_cps(i, slot):
            d.wait()
        compute(slot)
        out_cp(i, slot).start()

    for d in in_cps(0, 0):
        d.start()

    def kloop(k, carry):
        phase(k * 2, 0)
        phase(k * 2 + 1, 1)
        return carry

    lax.fori_loop(0, _NCH // 2, kloop, 0)
    out_cp(_NCH - 2, 0).wait()
    out_cp(_NCH - 1, 1).wait()


_sc_kernel = functools.partial(
    pl.kernel,
    out_type=jax.ShapeDtypeStruct((_B, _S, _D), jnp.float32),
    mesh=plsc.VectorSubcoreMesh(core_axis_name="c", subcore_axis_name="s"),
    scratch_types=[
        pltpu.VMEM((2, _CH, _D), jnp.float32),
        pltpu.VMEM((2, _B, _CH, _D), jnp.float32),
        pltpu.SemaphoreType.DMA((2,)),
        pltpu.SemaphoreType.DMA((2,)),
    ],
    compiler_params=pltpu.CompilerParams(use_tc_tiling_on_sc=True),
)(_sc_body)


def kernel(x, pos_table):
    B, S, D = x.shape
    return _sc_kernel(x, pos_table[:S])

# --- scband reference (transcript-rebuilt; emitter-appended) ---
"""Pipeline reference for scband-positional-embedding-18640158065194 (READ-ONLY COPY).

The authoritative reference and input builder live on the scoring server;
editing this copy changes nothing except your own understanding.
"""

import jax, jax.numpy as jnp
import numpy as np

N_EMBD = 1024
MAX_LEN = 8192
BATCH = 4
SEQ = 8192

def setup_inputs(seed: int = 0) -> dict:
    key = jax.random.key(seed)
    k1, k2 = jax.random.split(key)
    x = jax.random.normal(k1, (BATCH, SEQ, N_EMBD), dtype=jnp.float32)
    pos_table = jax.random.normal(k2, (MAX_LEN, N_EMBD), dtype=jnp.float32) * 0.02
    return {"x": x, "pos_table": pos_table}

def reference(x, pos_table):
    seq_len = x.shape[1]
    pos = jnp.arange(seq_len).reshape(1, seq_len)
    embedding = jnp.take(pos_table, pos, axis=0)  # [1, S, n_embd]
    return x + embedding

if __name__ == "__main__":
    import jax
    _d = setup_inputs()
    print(jax.jit(kernel)(*tuple(_d.values())))

</pallas_src>

<mosaic_0001>
#map = affine_map<(d0, d1) -> (0, 0, 0)>
#map1 = affine_map<(d0, d1) -> (0, 0)>
module attributes {stable_mosaic.version = 14 : i64} {
  func.func @_sc_body(%arg0: i32, %arg1: i32, %arg2: memref<4x8192x1024xf32, #tpu.memory_space<hbm>>, %arg3: memref<8192x1024xf32, #tpu.memory_space<hbm>>, %arg4: memref<4x8192x1024xf32, #tpu.memory_space<hbm>>, %arg5: memref<2x8x1024xf32, #tpu.memory_space<vmem>>, %arg6: memref<2x4x8x1024xf32, #tpu.memory_space<vmem>>, %arg7: memref<2x!tpu.dma_semaphore, #tpu.memory_space<semaphore_mem>>, %arg8: memref<2x!tpu.dma_semaphore, #tpu.memory_space<semaphore_mem>>) attributes {dimension_semantics = [#tpu.dimension_semantics<core_parallel>, #tpu.dimension_semantics<subcore_parallel>], iteration_bounds = array<i64: 2, 16>, scalar_prefetch = 0 : i64, scratch_operands = 4 : i64, tpu.core_type = #tpu.core_type<sc_vector_subcore>, window_params = [{transform_indices = #map}, {transform_indices = #map1}, {transform_indices = #map}]} {
    %mul3A = arith.constant 2 : i32
    %mul3A_0 = arith.muli %arg1, %mul3A : i32
    %add3A = arith.addi %mul3A_0, %arg0 : i32
    %mul3A_1 = arith.constant 256 : i32
    %mul3A_2 = arith.muli %add3A, %mul3A_1 : i32
    %add3A_3 = arith.constant 0 : i32
    %add3A_4 = arith.addi %mul3A_2, %add3A_3 : i32
    %dma_start3A = arith.constant 0 : i32
    %dma_start3A_5 = arith.constant 0 : i32
    %dma_start3A_6 = arith.constant 0 : i32
    %dma_start3A_7 = arith.constant 0 : i32
    %dma_start3A_8 = tpu.memref_slice %arg5[%dma_start3A, %dma_start3A_6, %dma_start3A_7] : memref<2x8x1024xf32, #tpu.memory_space<vmem>> -> memref<1x8x1024xf32, #tpu.memory_space<vmem>>
    %dma_start3A_9 = tpu.memref_squeeze %dma_start3A_8 : memref<1x8x1024xf32, #tpu.memory_space<vmem>> -> memref<8x1024xf32, #tpu.memory_space<vmem>>
    %dma_start3A_10 = arith.constant 0 : i32
    %dma_start3A_11 = tpu.memref_slice %arg3[%add3A_4, %dma_start3A_10] : memref<8192x1024xf32, #tpu.memory_space<hbm>> -> memref<8x1024xf32, #tpu.memory_space<hbm>>
    %dma_start3A_12 = tpu.memref_slice %arg7[%dma_start3A_5] : memref<2x!tpu.dma_semaphore, #tpu.memory_space<semaphore_mem>> -> memref<1x!tpu.dma_semaphore, #tpu.memory_space<semaphore_mem>>
    %dma_start3A_13 = tpu.memref_squeeze %dma_start3A_12 : memref<1x!tpu.dma_semaphore, #tpu.memory_space<semaphore_mem>> -> memref<!tpu.dma_semaphore, #tpu.memory_space<semaphore_mem>>
    %dma_start3A_14 = arith.constant 0 : i32
    %dma_start3A_15 = arith.constant 0 : i32
    %dma_start3A_16 = tpu.memref_slice %arg5[%dma_start3A, %dma_start3A_14, %dma_start3A_15] : memref<2x8x1024xf32, #tpu.memory_space<vmem>> -> memref<1x8x1024xf32, #tpu.memory_space<vmem>>
    %dma_start3A_17 = tpu.memref_squeeze %dma_start3A_16 : memref<1x8x1024xf32, #tpu.memory_space<vmem>> -> memref<8x1024xf32, #tpu.memory_space<vmem>>
    %dma_start3A_18 = arith.constant 0 : i32
    %dma_start3A_19 = tpu.memref_slice %arg3[%add3A_4, %dma_start3A_18] : memref<8192x1024xf32, #tpu.memory_space<hbm>> -> memref<8x1024xf32, #tpu.memory_space<hbm>>
    tpu.enqueue_dma source(%dma_start3A_19 : memref<8x1024xf32, #tpu.memory_space<hbm>>) target(%dma_start3A_17 : memref<8x1024xf32, #tpu.memory_space<vmem>>) target_semaphore(%dma_start3A_13 : memref<!tpu.dma_semaphore, #tpu.memory_space<semaphore_mem>>)
    %dma_start3A_20 = arith.constant 0 : i32
    %dma_start3A_21 = arith.constant 0 : i32
    %dma_start3A_22 = arith.constant 0 : i32
    %dma_start3A_23 = arith.constant 0 : i32
    %dma_start3A_24 = arith.constant 0 : i32
    %dma_start3A_25 = tpu.memref_slice %arg6[%dma_start3A_20, %dma_start3A_22, %dma_start3A_23, %dma_start3A_24] : memref<2x4x8x1024xf32, #tpu.memory_space<vmem>> -> memref<1x4x8x1024xf32, #tpu.memory_space<vmem>>
    %dma_start3A_26 = tpu.memref_squeeze %dma_start3A_25 : memref<1x4x8x1024xf32, #tpu.memory_space<vmem>> -> memref<4x8x1024xf32, #tpu.memory_space<vmem>>
    %dma_start3A_27 = arith.constant 0 : i32
    %dma_start3A_28 = arith.constant 0 : i32
    %dma_start3A_29 = tpu.memref_slice %arg2[%dma_start3A_27, %add3A_4, %dma_start3A_28] : memref<4x8192x1024xf32, #tpu.memory_space<hbm>> -> memref<4x8x1024xf32, #tpu.memory_space<hbm>>
    %dma_start3A_30 = tpu.memref_slice %arg7[%dma_start3A_21] : memref<2x!tpu.dma_semaphore, #tpu.memory_space<semaphore_mem>> -> memref<1x!tpu.dma_semaphore, #tpu.memory_space<semaphore_mem>>
    %dma_start3A_31 = tpu.memref_squeeze %dma_start3A_30 : memref<1x!tpu.dma_semaphore, #tpu.memory_space<semaphore_mem>> -> memref<!tpu.dma_semaphore, #tpu.memory_space<semaphore_mem>>
    %dma_start3A_32 = arith.constant 0 : i32
    %dma_start3A_33 = arith.constant 0 : i32
    %dma_start3A_34 = arith.constant 0 : i32
    %dma_start3A_35 = tpu.memref_slice %arg6[%dma_start3A_20, %dma_start3A_32, %dma_start3A_33, %dma_start3A_34] : memref<2x4x8x1024xf32, #tpu.memory_space<vmem>> -> memref<1x4x8x1024xf32, #tpu.memory_space<vmem>>
    %dma_start3A_36 = tpu.memref_squeeze %dma_start3A_35 : memref<1x4x8x1024xf32, #tpu.memory_space<vmem>> -> memref<4x8x1024xf32, #tpu.memory_space<vmem>>
    %dma_start3A_37 = arith.constant 0 : i32
    %dma_start3A_38 = arith.constant 0 : i32
    %dma_start3A_39 = tpu.memref_slice %arg2[%dma_start3A_37, %add3A_4, %dma_start3A_38] : memref<4x8192x1024xf32, #tpu.memory_space<hbm>> -> memref<4x8x1024xf32, #tpu.memory_space<hbm>>
    tpu.enqueue_dma source(%dma_start3A_39 : memref<4x8x1024xf32, #tpu.memory_space<hbm>>) target(%dma_start3A_36 : memref<4x8x1024xf32, #tpu.memory_space<vmem>>) target_semaphore(%dma_start3A_31 : memref<!tpu.dma_semaphore, #tpu.memory_space<semaphore_mem>>)
    %scan3A = arith.constant 0 : i32
    %scan3A_40 = arith.constant 0 : i32
    %scan3A_41 = arith.constant 16 : i32
    %scan3A_42 = arith.addi %scan3A_40, %scan3A_41 : i32
    %scan3A_43 = arith.constant 1 : i32
    scf.for %scan3A_88 = %scan3A_40 to %scan3A_42 step %scan3A_43  : i32 {
      %mul3A_89 = arith.constant 2 : i32
      %mul3A_90 = arith.muli %scan3A_88, %mul3A_89 : i32
      %add3A_91 = arith.constant 1 : i32
      %add3A_92 = arith.addi %mul3A_90, %add3A_91 : i32
      %lt3A = arith.constant 32 : i32
      %lt3A_93 = arith.cmpi slt, %add3A_92, %lt3A : i32
      %convert_element_type3A = arith.extui %lt3A_93 : i1 to i32
      %cond3A = arith.constant 0 : i32
      %cond3A_94 = arith.cmpi ne, %convert_element_type3A, %cond3A : i32
      scf.if %cond3A_94 {
        %ge3A = arith.constant 1 : i32
        %ge3A_235 = arith.cmpi sge, %mul3A_90, %ge3A : i32
        %convert_element_type3A_236 = arith.extui %ge3A_235 : i1 to i32
        %cond3A_237 = arith.constant 0 : i32
        %cond3A_238 = arith.cmpi ne, %convert_element_type3A_236, %cond3A_237 : i32
        scf.if %cond3A_238 {
          %sub3A = arith.constant 1 : i32
          %sub3A_280 = arith.subi %mul3A_90, %sub3A : i32
          %mul3A_281 = arith.constant 8 : i32
          %mul3A_282 = arith.muli %sub3A_280, %mul3A_281 : i32
          %add3A_283 = arith.addi %mul3A_2, %mul3A_282 : i32
          %dma_wait3A_284 = arith.constant 1 : i32
          %dma_wait3A_285 = arith.constant 1 : i32
          %dma_wait3A_286 = arith.constant 0 : i32
          %dma_wait3A_287 = arith.constant 0 : i32
          %dma_wait3A_288 = arith.constant 0 : i32
          %dma_wait3A_289 = tpu.memref_slice %arg6[%dma_wait3A_284, %dma_wait3A_286, %dma_wait3A_287, %dma_wait3A_288] : memref<2x4x8x1024xf32, #tpu.memory_space<vmem>> -> memref<1x4x8x1024xf32, #tpu.memory_space<vmem>>
          %dma_wait3A_290 = tpu.memref_squeeze %dma_wait3A_289 : memref<1x4x8x1024xf32, #tpu.memory_space<vmem>> -> memref<4x8x1024xf32, #tpu.memory_space<vmem>>
          %dma_wait3A_291 = arith.constant 0 : i32
          %dma_wait3A_292 = arith.constant 0 : i32
          %dma_wait3A_293 = tpu.memref_slice %arg4[%dma_wait3A_291, %add3A_283, %dma_wait3A_292] : memref<4x8192x1024xf32, #tpu.memory_space<hbm>> -> memref<4x8x1024xf32, #tpu.memory_space<hbm>>
          %dma_wait3A_294 = tpu.memref_slice %arg8[%dma_wait3A_285] : memref<2x!tpu.dma_semaphore, #tpu.memory_space<semaphore_mem>> -> memref<1x!tpu.dma_semaphore, #tpu.memory_space<semaphore_mem>>
          %dma_wait3A_295 = tpu.memref_squeeze %dma_wait3A_294 : memref<1x!tpu.dma_semaphore, #tpu.memory_space<semaphore_mem>> -> memref<!tpu.dma_semaphore, #tpu.memory_space<semaphore_mem>>
          %dma_wait3A_296 = arith.constant 0 : i32
          %dma_wait3A_297 = arith.constant 0 : i32
          %dma_wait3A_298 = tpu.memref_slice %arg4[%dma_wait3A_296, %add3A_283, %dma_wait3A_297] : memref<4x8192x1024xf32, #tpu.memory_space<hbm>> -> memref<4x8x1024xf32, #tpu.memory_space<hbm>>
          %dma_wait3A_299 = arith.constant 0 : i32
          %dma_wait3A_300 = arith.constant 0 : i32
          %dma_wait3A_301 = arith.constant 0 : i32
          %dma_wait3A_302 = tpu.memref_slice %arg6[%dma_wait3A_284, %dma_wait3A_299, %dma_wait3A_300, %dma_wait3A_301] : memref<2x4x8x1024xf32, #tpu.memory_space<vmem>> -> memref<1x4x8x1024xf32, #tpu.memory_space<vmem>>
          %dma_wait3A_303 = tpu.memref_squeeze %dma_wait3A_302 : memref<1x4x8x1024xf32, #tpu.memory_space<vmem>> -> memref<4x8x1024xf32, #tpu.memory_space<vmem>>
          tpu.wait_dma2 semaphore(%dma_wait3A_295 : memref<!tpu.dma_semaphore, #tpu.memory_space<semaphore_mem>>) src(%dma_wait3A_303 : memref<4x8x1024xf32, #tpu.memory_space<vmem>>) dst(%dma_wait3A_298 : memref<4x8x1024xf32, #tpu.memory_space<hbm>>)
        } else {
        }
        %add3A_239 = arith.constant 1 : i32
        %add3A_240 = arith.addi %mul3A_90, %add3A_239 : i32
        %mul3A_241 = arith.constant 8 : i32
        %mul3A_242 = arith.muli %add3A_240, %mul3A_241 : i32
        %add3A_243 = arith.addi %mul3A_2, %mul3A_242 : i32
        %dma_start3A_244 = arith.constant 1 : i32
        %dma_start3A_245 = arith.constant 1 : i32
        %dma_start3A_246 = arith.constant 0 : i32
        %dma_start3A_247 = arith.constant 0 : i32
        %dma_start3A_248 = tpu.memref_slice %arg5[%dma_start3A_244, %dma_start3A_246, %dma_start3A_247] : memref<2x8x1024xf32, #tpu.memory_space<vmem>> -> memref<1x8x1024xf32, #tpu.memory_space<vmem>>
        %dma_start3A_249 = tpu.memref_squeeze %dma_start3A_248 : memref<1x8x1024xf32, #tpu.memory_space<vmem>> -> memref<8x1024xf32, #tpu.memory_space<vmem>>
        %dma_start3A_250 = arith.constant 0 : i32
        %dma_start3A_251 = tpu.memref_slice %arg3[%add3A_243, %dma_start3A_250] : memref<8192x1024xf32, #tpu.memory_space<hbm>> -> memref<8x1024xf32, #tpu.memory_space<hbm>>
        %dma_start3A_252 = tpu.memref_slice %arg7[%dma_start3A_245] : memref<2x!tpu.dma_semaphore, #tpu.memory_space<semaphore_mem>> -> memref<1x!tpu.dma_semaphore, #tpu.memory_space<semaphore_mem>>
        %dma_start3A_253 = tpu.memref_squeeze %dma_start3A_252 : memref<1x!tpu.dma_semaphore, #tpu.memory_space<semaphore_mem>> -> memref<!tpu.dma_semaphore, #tpu.memory_space<semaphore_mem>>
        %dma_start3A_254 = arith.constant 0 : i32
        %dma_start3A_255 = arith.constant 0 : i32
        %dma_start3A_256 = tpu.memref_slice %arg5[%dma_start3A_244, %dma_start3A_254, %dma_start3A_255] : memref<2x8x1024xf32, #tpu.memory_space<vmem>> -> memref<1x8x1024xf32, #tpu.memory_space<vmem>>
        %dma_start3A_257 = tpu.memref_squeeze %dma_start3A_256 : memref<1x8x1024xf32, #tpu.memory_space<vmem>> -> memref<8x1024xf32, #tpu.memory_space<vmem>>
        %dma_start3A_258 = arith.constant 0 : i32
        %dma_start3A_259 = tpu.memref_slice %arg3[%add3A_243, %dma_start3A_258] : memref<8192x1024xf32, #tpu.memory_space<hbm>> -> memref<8x1024xf32, #tpu.memory_space<hbm>>
        tpu.enqueue_dma source(%dma_start3A_259 : memref<8x1024xf32, #tpu.memory_space<hbm>>) target(%dma_start3A_257 : memref<8x1024xf32, #tpu.memory_space<vmem>>) target_semaphore(%dma_start3A_253 : memref<!tpu.dma_semaphore, #tpu.memory_space<semaphore_mem>>)
        %dma_start3A_260 = arith.constant 1 : i32
        %dma_start3A_261 = arith.constant 1 : i32
        %dma_start3A_262 = arith.constant 0 : i32
        %dma_start3A_263 = arith.constant 0 : i32
        %dma_start3A_264 = arith.constant 0 : i32
        %dma_start3A_265 = tpu.memref_slice %arg6[%dma_start3A_260, %dma_start3A_262, %dma_start3A_263, %dma_start3A_264] : memref<2x4x8x1024xf32, #tpu.memory_space<vmem>> -> memref<1x4x8x1024xf32, #tpu.memory_space<vmem>>
        %dma_start3A_266 = tpu.memref_squeeze %dma_start3A_265 : memref<1x4x8x1024xf32, #tpu.memory_space<vmem>> -> memref<4x8x1024xf32, #tpu.memory_space<vmem>>
        %dma_start3A_267 = arith.constant 0 : i32
        %dma_start3A_268 = arith.constant 0 : i32
        %dma_start3A_269 = tpu.memref_slice %arg2[%dma_start3A_267, %add3A_243, %dma_start3A_268] : memref<4x8192x1024xf32, #tpu.memory_space<hbm>> -> memref<4x8x1024xf32, #tpu.memory_space<hbm>>
        %dma_start3A_270 = tpu.memref_slice %arg7[%dma_start3A_261] : memref<2x!tpu.dma_semaphore, #tpu.memory_space<semaphore_mem>> -> memref<1x!tpu.dma_semaphore, #tpu.memory_space<semaphore_mem>>
        %dma_start3A_271 = tpu.memref_squeeze %dma_start3A_270 : memref<1x!tpu.dma_semaphore, #tpu.memory_space<semaphore_mem>> -> memref<!tpu.dma_semaphore, #tpu.memory_space<semaphore_mem>>
        %dma_start3A_272 = arith.constant 0 : i32
        %dma_start3A_273 = arith.constant 0 : i32
        %dma_start3A_274 = arith.constant 0 : i32
        %dma_start3A_275 = tpu.memref_slice %arg6[%dma_start3A_260, %dma_start3A_272, %dma_start3A_273, %dma_start3A_274] : memref<2x4x8x1024xf32, #tpu.memory_space<vmem>> -> memref<1x4x8x1024xf32, #tpu.memory_space<vmem>>
        %dma_start3A_276 = tpu.memref_squeeze %dma_start3A_275 : memref<1x4x8x1024xf32, #tpu.memory_space<vmem>> -> memref<4x8x1024xf32, #tpu.memory_space<vmem>>
        %dma_start3A_277 = arith.constant 0 : i32
        %dma_start3A_278 = arith.constant 0 : i32
        %dma_start3A_279 = tpu.memref_slice %arg2[%dma_start3A_277, %add3A_243, %dma_start3A_278] : memref<4x8192x1024xf32, #tpu.memory_space<hbm>> -> memref<4x8x1024xf32, #tpu.memory_space<hbm>>
        tpu.enqueue_dma source(%dma_start3A_279 : memref<4x8x1024xf32, #tpu.memory_space<hbm>>) target(%dma_start3A_276 : memref<4x8x1024xf32, #tpu.memory_space<vmem>>) target_semaphore(%dma_start3A_271 : memref<!tpu.dma_semaphore, #tpu.memory_space<semaphore_mem>>)
      } else {
      }
      %mul3A_95 = arith.constant 8 : i32
      %mul3A_96 = arith.muli %mul3A_90, %mul3A_95 : i32
      %add3A_97 = arith.addi %mul3A_2, %mul3A_96 : i32
      %dma_wait3A_98 = arith.constant 0 : i32
      %dma_wait3A_99 = arith.constant 0 : i32
      %dma_wait3A_100 = arith.constant 0 : i32
      %dma_wait3A_101 = arith.constant 0 : i32
      %dma_wait3A_102 = tpu.memref_slice %arg5[%dma_wait3A_98, %dma_wait3A_100, %dma_wait3A_101] : memref<2x8x1024xf32, #tpu.memory_space<vmem>> -> memref<1x8x1024xf32, #tpu.memory_space<vmem>>
      %dma_wait3A_103 = tpu.memref_squeeze %dma_wait3A_102 : memref<1x8x1024xf32, #tpu.memory_space<vmem>> -> memref<8x1024xf32, #tpu.memory_space<vmem>>
      %dma_wait3A_104 = arith.constant 0 : i32
      %dma_wait3A_105 = tpu.memref_slice %arg3[%add3A_97, %dma_wait3A_104] : memref<8192x1024xf32, #tpu.memory_space<hbm>> -> memref<8x1024xf32, #tpu.memory_space<hbm>>
      %dma_wait3A_106 = tpu.memref_slice %arg7[%dma_wait3A_99] : memref<2x!tpu.dma_semaphore, #tpu.memory_space<semaphore_mem>> -> memref<1x!tpu.dma_semaphore, #tpu.memory_space<semaphore_mem>>
      %dma_wait3A_107 = tpu.memref_squeeze %dma_wait3A_106 : memref<1x!tpu.dma_semaphore, #tpu.memory_space<semaphore_mem>> -> memref<!tpu.dma_semaphore, #tpu.memory_space<semaphore_mem>>
      %dma_wait3A_108 = arith.constant 0 : i32
      %dma_wait3A_109 = arith.constant 0 : i32
      %dma_wait3A_110 = tpu.memref_slice %arg5[%dma_wait3A_98, %dma_wait3A_108, %dma_wait3A_109] : memref<2x8x1024xf32, #tpu.memory_space<vmem>> -> memref<1x8x1024xf32, #tpu.memory_space<vmem>>
      %dma_wait3A_111 = tpu.memref_squeeze %dma_wait3A_110 : memref<1x8x1024xf32, #tpu.memory_space<vmem>> -> memref<8x1024xf32, #tpu.memory_space<vmem>>
      %dma_wait3A_112 = arith.constant 0 : i32
      %dma_wait3A_113 = tpu.memref_slice %arg3[%add3A_97, %dma_wait3A_112] : memref<8192x1024xf32, #tpu.memory_space<hbm>> -> memref<8x1024xf32, #tpu.memory_space<hbm>>
      tpu.wait_dma2 semaphore(%dma_wait3A_107 : memref<!tpu.dma_semaphore, #tpu.memory_space<semaphore_mem>>) src(%dma_wait3A_113 : memref<8x1024xf32, #tpu.memory_space<hbm>>) dst(%dma_wait3A_111 : memref<8x1024xf32, #tpu.memory_space<vmem>>)
      %dma_wait3A_114 = arith.constant 0 : i32
      %dma_wait3A_115 = arith.constant 0 : i32
      %dma_wait3A_116 = arith.constant 0 : i32
      %dma_wait3A_117 = arith.constant 0 : i32
      %dma_wait3A_118 = arith.constant 0 : i32
      %dma_wait3A_119 = tpu.memref_slice %arg6[%dma_wait3A_114, %dma_wait3A_116, %dma_wait3A_117, %dma_wait3A_118] : memref<2x4x8x1024xf32, #tpu.memory_space<vmem>> -> memref<1x4x8x1024xf32, #tpu.memory_space<vmem>>
      %dma_wait3A_120 = tpu.memref_squeeze %dma_wait3A_119 : memref<1x4x8x1024xf32, #tpu.memory_space<vmem>> -> memref<4x8x1024xf32, #tpu.memory_space<vmem>>
      %dma_wait3A_121 = arith.constant 0 : i32
      %dma_wait3A_122 = arith.constant 0 : i32
      %dma_wait3A_123 = tpu.memref_slice %arg2[%dma_wait3A_121, %add3A_97, %dma_wait3A_122] : memref<4x8192x1024xf32, #tpu.memory_space<hbm>> -> memref<4x8x1024xf32, #tpu.memory_space<hbm>>
      %dma_wait3A_124 = tpu.memref_slice %arg7[%dma_wait3A_115] : memref<2x!tpu.dma_semaphore, #tpu.memory_space<semaphore_mem>> -> memref<1x!tpu.dma_semaphore, #tpu.memory_space<semaphore_mem>>
      %dma_wait3A_125 = tpu.memref_squeeze %dma_wait3A_124 : memref<1x!tpu.dma_semaphore, #tpu.memory_space<semaphore_mem>> -> memref<!tpu.dma_semaphore, #tpu.memory_space<semaphore_mem>>
      %dma_wait3A_126 = arith.constant 0 : i32
      %dma_wait3A_127 = arith.constant 0 : i32
      %dma_wait3A_128 = arith.constant 0 : i32
      %dma_wait3A_129 = tpu.memref_slice %arg6[%dma_wait3A_114, %dma_wait3A_126, %dma_wait3A_127, %dma_wait3A_128] : memref<2x4x8x1024xf32, #tpu.memory_space<vmem>> -> memref<1x4x8x1024xf32, #tpu.memory_space<vmem>>
      %dma_wait3A_130 = tpu.memref_squeeze %dma_wait3A_129 : memref<1x4x8x1024xf32, #tpu.memory_space<vmem>> -> memref<4x8x1024xf32, #tpu.memory_space<vmem>>
      %dma_wait3A_131 = arith.constant 0 : i32
      %dma_wait3A_132 = arith.constant 0 : i32
      %dma_wait3A_133 = tpu.memref_slice %arg2[%dma_wait3A_131, %add3A_97, %dma_wait3A_132] : memref<4x8192x1024xf32, #tpu.memory_space<hbm>> -> memref<4x8x1024xf32, #tpu.memory_space<hbm>>
      tpu.wait_dma2 semaphore(%dma_wait3A_125 : memref<!tpu.dma_semaphore, #tpu.memory_space<semaphore_mem>>) src(%dma_wait3A_133 : memref<4x8x1024xf32, #tpu.memory_space<hbm>>) dst(%dma_wait3A_130 : memref<4x8x1024xf32, #tpu.memory_space<vmem>>)
      %parallel_loop3A = arith.constant 0 : i32
      %parallel_loop3A_134 = arith.constant 64 : i32
      %parallel_loop3A_135 = arith.constant 1 : i32
      scf.for %parallel_loop3A_235 = %parallel_loop3A to %parallel_loop3A_134 step %parallel_loop3A_135  : i32 {
        %parallel_loop3A_236 = arith.constant 16 : i32
        %parallel_loop3A_237 = arith.muli %parallel_loop3A_235, %parallel_loop3A_236 : i32
        %parallel_loop3A_238 = arith.constant 0 : i32
        %parallel_loop3A_239 = arith.constant 0 : i32
        %parallel_loop3A_240 = arith.index_cast %parallel_loop3A_238 : i32 to index
        %parallel_loop3A_241 = arith.index_cast %parallel_loop3A_239 : i32 to index
        %parallel_loop3A_242 = arith.index_cast %parallel_loop3A_237 : i32 to index
        %parallel_loop3A_243 = tpu.vector_load %arg5[%parallel_loop3A_240, %parallel_loop3A_241, %parallel_loop3A_242] {strides = array<i32>} : memref<2x8x1024xf32, #tpu.memory_space<vmem>>, vector<1x1x16xf32>,
        %parallel_loop3A_244 = vector.shape_cast %parallel_loop3A_243 : vector<1x1x16xf32> to vector<16xf32>
        %parallel_loop3A_245 = arith.constant 0 : i32
        %parallel_loop3A_246 = arith.constant 0 : i32
        %parallel_loop3A_247 = arith.constant 0 : i32
        %parallel_loop3A_248 = arith.index_cast %parallel_loop3A_245 : i32 to index
        %parallel_loop3A_249 = arith.index_cast %parallel_loop3A_246 : i32 to index
        %parallel_loop3A_250 = arith.index_cast %parallel_loop3A_247 : i32 to index
        %parallel_loop3A_251 = arith.index_cast %parallel_loop3A_237 : i32 to index
        %parallel_loop3A_252 = tpu.vector_load %arg6[%parallel_loop3A_248, %parallel_loop3A_249, %parallel_loop3A_250, %parallel_loop3A_251] {strides = array<i32>} : memref<2x4x8x1024xf32, #tpu.memory_space<vmem>>, vector<1x1x1x16xf32>,
        %parallel_loop3A_253 = vector.shape_cast %parallel_loop3A_252 : vector<1x1x1x16xf32> to vector<16xf32>
        %parallel_loop3A_254 = arith.addf %parallel_loop3A_253, %parallel_loop3A_244 : vector<16xf32>
        %parallel_loop3A_255 = arith.constant 0 : i32
        %parallel_loop3A_256 = arith.constant 0 : i32
        %parallel_loop3A_257 = arith.constant 0 : i32
        %parallel_loop3A_258 = arith.index_cast %parallel_loop3A_255 : i32 to index
        %parallel_loop3A_259 = arith.index_cast %parallel_loop3A_256 : i32 to index
        %parallel_loop3A_260 = arith.index_cast %parallel_loop3A_257 : i32 to index
        %parallel_loop3A_261 = arith.index_cast %parallel_loop3A_237 : i32 to index
        %parallel_loop3A_262 = tpu.vector_load %arg6[%parallel_loop3A_258, %parallel_loop3A_259, %parallel_loop3A_260, %parallel_loop3A_261] {strides = array<i32>} : memref<2x4x8x1024xf32, #tpu.memory_space<vmem>>, vector<1x1x1x16xf32>,
        %parallel_loop3A_263 = vector.shape_cast %parallel_loop3A_262 : vector<1x1x1x16xf32> to vector<16xf32>
        %parallel_loop3A_264 = vector.shape_cast %parallel_loop3A_254 : vector<16xf32> to vector<1x1x1x16xf32>
        tpu.vector_store %arg6[%parallel_loop3A_258, %parallel_loop3A_259, %parallel_loop3A_260, %parallel_loop3A_261], %parallel_loop3A_264 {strides = array<i32>} : memref<2x4x8x1024xf32, #tpu.memory_space<vmem>>, vector<1x1x1x16xf32>,
        %parallel_loop3A_265 = arith.constant 0 : i32
        %parallel_loop3A_266 = arith.constant 1 : i32
        %parallel_loop3A_267 = arith.constant 0 : i32
        %parallel_loop3A_268 = arith.index_cast %parallel_loop3A_265 : i32 to index
        %parallel_loop3A_269 = arith.index_cast %parallel_loop3A_266 : i32 to index
        %parallel_loop3A_270 = arith.index_cast %parallel_loop3A_267 : i32 to index
        %parallel_loop3A_271 = arith.index_cast %parallel_loop3A_237 : i32 to index
        %parallel_loop3A_272 = tpu.vector_load %arg6[%parallel_loop3A_268, %parallel_loop3A_269, %parallel_loop3A_270, %parallel_loop3A_271] {strides = array<i32>} : memref<2x4x8x1024xf32, #tpu.memory_space<vmem>>, vector<1x1x1x16xf32>,
        %parallel_loop3A_273 = vector.shape_cast %parallel_loop3A_272 : vector<1x1x1x16xf32> to vector<16xf32>
        %parallel_loop3A_274 = arith.addf %parallel_loop3A_273, %parallel_loop3A_244 : vector<16xf32>
        %parallel_loop3A_275 = arith.constant 0 : i32
        %parallel_loop3A_276 = arith.constant 1 : i32
        %parallel_loop3A_277 = arith.constant 0 : i32
        %parallel_loop3A_278 = arith.index_cast %parallel_loop3A_275 : i32 to index
        %parallel_loop3A_279 = arith.index_cast %parallel_loop3A_276 : i32 to index
        %parallel_loop3A_280 = arith.index_cast %parallel_loop3A_277 : i32 to index
        %parallel_loop3A_281 = arith.index_cast %parallel_loop3A_237 : i32 to index
        %parallel_loop3A_282 = tpu.vector_load %arg6[%parallel_loop3A_278, %parallel_loop3A_279, %parallel_loop3A_280, %parallel_loop3A_281] {strides = array<i32>} : memref<2x4x8x1024xf32, #tpu.memory_space<vmem>>, vector<1x1x1x16xf32>,
        %parallel_loop3A_283 = vector.shape_cast %parallel_loop3A_282 : vector<1x1x1x16xf32> to vector<16xf32>
        %parallel_loop3A_284 = vector.shape_cast %parallel_loop3A_274 : vector<16xf32> to vector<1x1x1x16xf32>
        tpu.vector_store %arg6[%parallel_loop3A_278, %parallel_loop3A_279, %parallel_loop3A_280, %parallel_loop3A_281], %parallel_loop3A_284 {strides = array<i32>} : memref<2x4x8x1024xf32, #tpu.memory_space<vmem>>, vector<1x1x1x16xf32>,
        %parallel_loop3A_285 = arith.constant 0 : i32
        %parallel_loop3A_286 = arith.constant 2 : i32
        %parallel_loop3A_287 = arith.constant 0 : i32
        %parallel_loop3A_288 = arith.index_cast %parallel_loop3A_285 : i32 to index
        %parallel_loop3A_289 = arith.index_cast %parallel_loop3A_286 : i32 to index
        %parallel_loop3A_290 = arith.index_cast %parallel_loop3A_287 : i32 to index
        %parallel_loop3A_291 = arith.index_cast %parallel_loop3A_237 : i32 to index
        %parallel_loop3A_292 = tpu.vector_load %arg6[%parallel_loop3A_288, %parallel_loop3A_289, %parallel_loop3A_290, %parallel_loop3A_291] {strides = array<i32>} : memref<2x4x8x1024xf32, #tpu.memory_space<vmem>>, vector<1x1x1x16xf32>,
        %parallel_loop3A_293 = vector.shape_cast %parallel_loop3A_292 : vector<1x1x1x16xf32> to vector<16xf32>
        %parallel_loop3A_294 = arith.addf %parallel_loop3A_293, %parallel_loop3A_244 : vector<16xf32>
        %parallel_loop3A_295 = arith.constant 0 : i32
        %parallel_loop3A_296 = arith.constant 2 : i32
        %parallel_loop3A_297 = arith.constant 0 : i32
        %parallel_loop3A_298 = arith.index_cast %parallel_loop3A_295 : i32 to index
        %parallel_loop3A_299 = arith.index_cast %parallel_loop3A_296 : i32 to index
        %parallel_loop3A_300 = arith.index_cast %parallel_loop3A_297 : i32 to index
        %parallel_loop3A_301 = arith.index_cast %parallel_loop3A_237 : i32 to index
        %parallel_loop3A_302 = tpu.vector_load %arg6[%parallel_loop3A_298, %parallel_loop3A_299, %parallel_loop3A_300, %parallel_loop3A_301] {strides = array<i32>} : memref<2x4x8x1024xf32, #tpu.memory_space<vmem>>, vector<1x1x1x16xf32>,
        %parallel_loop3A_303 = vector.shape_cast %parallel_loop3A_302 : vector<1x1x1x16xf32> to vector<16xf32>
        %parallel_loop3A_304 = vector.shape_cast %parallel_loop3A_294 : vector<16xf32> to vector<1x1x1x16xf32>
        tpu.vector_store %arg6[%parallel_loop3A_298, %parallel_loop3A_299, %parallel_loop3A_300, %parallel_loop3A_301], %parallel_loop3A_304 {strides = array<i32>} : memref<2x4x8x1024xf32, #tpu.memory_space<vmem>>, vector<1x1x1x16xf32>,
        %parallel_loop3A_305 = arith.constant 0 : i32
        %parallel_loop3A_306 = arith.constant 3 : i32
        %parallel_loop3A_307 = arith.constant 0 : i32
        %parallel_loop3A_308 = arith.index_cast %parallel_loop3A_305 : i32 to index
        %parallel_loop3A_309 = arith.index_cast %parallel_loop3A_306 : i32 to index
        %parallel_loop3A_310 = arith.index_cast %parallel_loop3A_307 : i32 to index
        %parallel_loop3A_311 = arith.index_cast %parallel_loop3A_237 : i32 to index
        %parallel_loop3A_312 = tpu.vector_load %arg6[%parallel_loop3A_308, %parallel_loop3A_309, %parallel_loop3A_310, %parallel_loop3A_311] {strides = array<i32>} : memref<2x4x8x1024xf32, #tpu.memory_space<vmem>>, vector<1x1x1x16xf32>,
        %parallel_loop3A_313 = vector.shape_cast %parallel_loop3A_312 : vector<1x1x1x16xf32> to vector<16xf32>
        %parallel_loop3A_314 = arith.addf %parallel_loop3A_313, %parallel_loop3A_244 : vector<16xf32>
        %parallel_loop3A_315 = arith.constant 0 : i32
        %parallel_loop3A_316 = arith.constant 3 : i32
        %parallel_loop3A_317 = arith.constant 0 : i32
        %parallel_loop3A_318 = arith.index_cast %parallel_loop3A_315 : i32 to index
        %parallel_loop3A_319 = arith.index_cast %parallel_loop3A_316 : i32 to index
        %parallel_loop3A_320 = arith.index_cast %parallel_loop3A_317 : i32 to index
        %parallel_loop3A_321 = arith.index_cast %parallel_loop3A_237 : i32 to index
        %parallel_loop3A_322 = tpu.vector_load %arg6[%parallel_loop3A_318, %parallel_loop3A_319, %parallel_loop3A_320, %parallel_loop3A_321] {strides = array<i32>} : memref<2x4x8x1024xf32, #tpu.memory_space<vmem>>, vector<1x1x1x16xf32>,
        %parallel_loop3A_323 = vector.shape_cast %parallel_loop3A_322 : vector<1x1x1x16xf32> to vector<16xf32>
        %parallel_loop3A_324 = vector.shape_cast %parallel_loop3A_314 : vector<16xf32> to vector<1x1x1x16xf32>
        tpu.vector_store %arg6[%parallel_loop3A_318, %parallel_loop3A_319, %parallel_loop3A_320, %parallel_loop3A_321], %parallel_loop3A_324 {strides = array<i32>} : memref<2x4x8x1024xf32, #tpu.memory_space<vmem>>, vector<1x1x1x16xf32>,
        %parallel_loop3A_325 = arith.constant 0 : i32
        %parallel_loop3A_326 = arith.constant 1 : i32
        %parallel_loop3A_327 = arith.index_cast %parallel_loop3A_325 : i32 to index
        %parallel_loop3A_328 = arith.index_cast %parallel_loop3A_326 : i32 to index
        %parallel_loop3A_329 = arith.index_cast %parallel_loop3A_237 : i32 to index
        %parallel_loop3A_330 = tpu.vector_load %arg5[%parallel_loop3A_327, %parallel_loop3A_328, %parallel_loop3A_329] {strides = array<i32>} : memref<2x8x1024xf32, #tpu.memory_space<vmem>>, vector<1x1x16xf32>,
        %parallel_loop3A_331 = vector.shape_cast %parallel_loop3A_330 : vector<1x1x16xf32> to vector<16xf32>
        %parallel_loop3A_332 = arith.constant 0 : i32
        %parallel_loop3A_333 = arith.constant 0 : i32
        %parallel_loop3A_334 = arith.constant 1 : i32
        %parallel_loop3A_335 = arith.index_cast %parallel_loop3A_332 : i32 to index
        %parallel_loop3A_336 = arith.index_cast %parallel_loop3A_333 : i32 to index
        %parallel_loop3A_337 = arith.index_cast %parallel_loop3A_334 : i32 to index
        %parallel_loop3A_338 = arith.index_cast %parallel_loop3A_237 : i32 to index
        %parallel_loop3A_339 = tpu.vector_load %arg6[%parallel_loop3A_335, %parallel_loop3A_336, %parallel_loop3A_337, %parallel_loop3A_338] {strides = array<i32>} : memref<2x4x8x1024xf32, #tpu.memory_space<vmem>>, vector<1x1x1x16xf32>,
        %parallel_loop3A_340 = vector.shape_cast %parallel_loop3A_339 : vector<1x1x1x16xf32> to vector<16xf32>
        %parallel_loop3A_341 = arith.addf %parallel_loop3A_340, %parallel_loop3A_331 : vector<16xf32>
        %parallel_loop3A_342 = arith.constant 0 : i32
        %parallel_loop3A_343 = arith.constant 0 : i32
        %parallel_loop3A_344 = arith.constant 1 : i32
        %parallel_loop3A_345 = arith.index_cast %parallel_loop3A_342 : i32 to index
        %parallel_loop3A_346 = arith.index_cast %parallel_loop3A_343 : i32 to index
        %parallel_loop3A_347 = arith.index_cast %parallel_loop3A_344 : i32 to index
        %parallel_loop3A_348 = arith.index_cast %parallel_loop3A_237 : i32 to index
        %parallel_loop3A_349 = tpu.vector_load %arg6[%parallel_loop3A_345, %parallel_loop3A_346, %parallel_loop3A_347, %parallel_loop3A_348] {strides = array<i32>} : memref<2x4x8x1024xf32, #tpu.memory_space<vmem>>, vector<1x1x1x16xf32>,
        %parallel_loop3A_350 = vector.shape_cast %parallel_loop3A_349 : vector<1x1x1x16xf32> to vector<16xf32>
        %parallel_loop3A_351 = vector.shape_cast %parallel_loop3A_341 : vector<16xf32> to vector<1x1x1x16xf32>
        tpu.vector_store %arg6[%parallel_loop3A_345, %parallel_loop3A_346, %parallel_loop3A_347, %parallel_loop3A_348], %parallel_loop3A_351 {strides = array<i32>} : memref<2x4x8x1024xf32, #tpu.memory_space<vmem>>, vector<1x1x1x16xf32>,
        %parallel_loop3A_352 = arith.constant 0 : i32
        %parallel_loop3A_353 = arith.constant 1 : i32
        %parallel_loop3A_354 = arith.constant 1 : i32
        %parallel_loop3A_355 = arith.index_cast %parallel_loop3A_352 : i32 to index
        %parallel_loop3A_356 = arith.index_cast %parallel_loop3A_353 : i32 to index
        %parallel_loop3A_357 = arith.index_cast %parallel_loop3A_354 : i32 to index
        %parallel_loop3A_358 = arith.index_cast %parallel_loop3A_237 : i32 to index
        %parallel_loop3A_359 = tpu.vector_load %arg6[%parallel_loop3A_355, %parallel_loop3A_356, %parallel_loop3A_357, %parallel_loop3A_358] {strides = array<i32>} : memref<2x4x8x1024xf32, #tpu.memory_space<vmem>>, vector<1x1x1x16xf32>,
        %parallel_loop3A_360 = vector.shape_cast %parallel_loop3A_359 : vector<1x1x1x16xf32> to vector<16xf32>
        %parallel_loop3A_361 = arith.addf %parallel_loop3A_360, %parallel_loop3A_331 : vector<16xf32>
        %parallel_loop3A_362 = arith.constant 0 : i32
        %parallel_loop3A_363 = arith.constant 1 : i32
        %parallel_loop3A_364 = arith.constant 1 : i32
        %parallel_loop3A_365 = arith.index_cast %parallel_loop3A_362 : i32 to index
        %parallel_loop3A_366 = arith.index_cast %parallel_loop3A_363 : i32 to index
        %parallel_loop3A_367 = arith.index_cast %parallel_loop3A_364 : i32 to index
        %parallel_loop3A_368 = arith.index_cast %parallel_loop3A_237 : i32 to index
        %parallel_loop3A_369 = tpu.vector_load %arg6[%parallel_loop3A_365, %parallel_loop3A_366, %parallel_loop3A_367, %parallel_loop3A_368] {strides = array<i32>} : memref<2x4x8x1024xf32, #tpu.memory_space<vmem>>, vector<1x1x1x16xf32>,
        %parallel_loop3A_370 = vector.shape_cast %parallel_loop3A_369 : vector<1x1x1x16xf32> to vector<16xf32>
        %parallel_loop3A_371 = vector.shape_cast %parallel_loop3A_361 : vector<16xf32> to vector<1x1x1x16xf32>
        tpu.vector_store %arg6[%parallel_loop3A_365, %parallel_loop3A_366, %parallel_loop3A_367, %parallel_loop3A_368], %parallel_loop3A_371 {strides = array<i32>} : memref<2x4x8x1024xf32, #tpu.memory_space<vmem>>, vector<1x1x1x16xf32>,
        %parallel_loop3A_372 = arith.constant 0 : i32
        %parallel_loop3A_373 = arith.constant 2 : i32
        %parallel_loop3A_374 = arith.constant 1 : i32
        %parallel_loop3A_375 = arith.index_cast %parallel_loop3A_372 : i32 to index
        %parallel_loop3A_376 = arith.index_cast %parallel_loop3A_373 : i32 to index
        %parallel_loop3A_377 = arith.index_cast %parallel_loop3A_374 : i32 to index
        %parallel_loop3A_378 = arith.index_cast %parallel_loop3A_237 : i32 to index
        %parallel_loop3A_379 = tpu.vector_load %arg6[%parallel_loop3A_375, %parallel_loop3A_376, %parallel_loop3A_377, %parallel_loop3A_378] {strides = array<i32>} : memref<2x4x8x1024xf32, #tpu.memory_space<vmem>>, vector<1x1x1x16xf32>,
        %parallel_loop3A_380 = vector.shape_cast %parallel_loop3A_379 : vector<1x1x1x16xf32> to vector<16xf32>
        %parallel_loop3A_381 = arith.addf %parallel_loop3A_380, %parallel_loop3A_331 : vector<16xf32>
        %parallel_loop3A_382 = arith.constant 0 : i32
        %parallel_loop3A_383 = arith.constant 2 : i32
        %parallel_loop3A_384 = arith.constant 1 : i32
        %parallel_loop3A_385 = arith.index_cast %parallel_loop3A_382 : i32 to index
        %parallel_loop3A_386 = arith.index_cast %parallel_loop3A_383 : i32 to index
        %parallel_loop3A_387 = arith.index_cast %parallel_loop3A_384 : i32 to index
        %parallel_loop3A_388 = arith.index_cast %parallel_loop3A_237 : i32 to index
        %parallel_loop3A_389 = tpu.vector_load %arg6[%parallel_loop3A_385, %parallel_loop3A_386, %parallel_loop3A_387, %parallel_loop3A_388] {strides = array<i32>} : memref<2x4x8x1024xf32, #tpu.memory_space<vmem>>, vector<1x1x1x16xf32>,
        %parallel_loop3A_390 = vector.shape_cast %parallel_loop3A_389 : vector<1x1x1x16xf32> to vector<16xf32>
        %parallel_loop3A_391 = vector.shape_cast %parallel_loop3A_381 : vector<16xf32> to vector<1x1x1x16xf32>
        tpu.vector_store %arg6[%parallel_loop3A_385, %parallel_loop3A_386, %parallel_loop3A_387, %parallel_loop3A_388], %parallel_loop3A_391 {strides = array<i32>} : memref<2x4x8x1024xf32, #tpu.memory_space<vmem>>, vector<1x1x1x16xf32>,
        %parallel_loop3A_392 = arith.constant 0 : i32
        %parallel_loop3A_393 = arith.constant 3 : i32
        %parallel_loop3A_394 = arith.constant 1 : i32
        %parallel_loop3A_395 = arith.index_cast %parallel_loop3A_392 : i32 to index
        %parallel_loop3A_396 = arith.index_cast %parallel_loop3A_393 : i32 to index
        %parallel_loop3A_397 = arith.index_cast %parallel_loop3A_394 : i32 to index
        %parallel_loop3A_398 = arith.index_cast %parallel_loop3A_237 : i32 to index
        %parallel_loop3A_399 = tpu.vector_load %arg6[%parallel_loop3A_395, %parallel_loop3A_396, %parallel_loop3A_397, %parallel_loop3A_398] {strides = array<i32>} : memref<2x4x8x1024xf32, #tpu.memory_space<vmem>>, vector<1x1x1x16xf32>,
        %parallel_loop3A_400 = vector.shape_cast %parallel_loop3A_399 : vector<1x1x1x16xf32> to vector<16xf32>
        %parallel_loop3A_401 = arith.addf %parallel_loop3A_400, %parallel_loop3A_331 : vector<16xf32>
        %parallel_loop3A_402 = arith.constant 0 : i32
        %parallel_loop3A_403 = arith.constant 3 : i32
        %parallel_loop3A_404 = arith.constant 1 : i32
        %parallel_loop3A_405 = arith.index_cast %parallel_loop3A_402 : i32 to index
        %parallel_loop3A_406 = arith.index_cast %parallel_loop3A_403 : i32 to index
        %parallel_loop3A_407 = arith.index_cast %parallel_loop3A_404 : i32 to index
        %parallel_loop3A_408 = arith.index_cast %parallel_loop3A_237 : i32 to index
        %parallel_loop3A_409 = tpu.vector_load %arg6[%parallel_loop3A_405, %parallel_loop3A_406, %parallel_loop3A_407, %parallel_loop3A_408] {strides = array<i32>} : memref<2x4x8x1024xf32, #tpu.memory_space<vmem>>, vector<1x1x1x16xf32>,
        %parallel_loop3A_410 = vector.shape_cast %parallel_loop3A_409 : vector<1x1x1x16xf32> to vector<16xf32>
        %parallel_loop3A_411 = vector.shape_cast %parallel_loop3A_401 : vector<16xf32> to vector<1x1x1x16xf32>
        tpu.vector_store %arg6[%parallel_loop3A_405, %parallel_loop3A_406, %parallel_loop3A_407, %parallel_loop3A_408], %parallel_loop3A_411 {strides = array<i32>} : memref<2x4x8x1024xf32, #tpu.memory_space<vmem>>, vector<1x1x1x16xf32>,
        %parallel_loop3A_412 = arith.constant 0 : i32
        %parallel_loop3A_413 = arith.constant 2 : i32
        %parallel_loop3A_414 = arith.index_cast %parallel_loop3A_412 : i32 to index
        %parallel_loop3A_415 = arith.index_cast %parallel_loop3A_413 : i32 to index
        %parallel_loop3A_416 = arith.index_cast %parallel_loop3A_237 : i32 to index
        %parallel_loop3A_417 = tpu.vector_load %arg5[%parallel_loop3A_414, %parallel_loop3A_415, %parallel_loop3A_416] {strides = array<i32>} : memref<2x8x1024xf32, #tpu.memory_space<vmem>>, vector<1x1x16xf32>,
        %parallel_loop3A_418 = vector.shape_cast %parallel_loop3A_417 : vector<1x1x16xf32> to vector<16xf32>
        %parallel_loop3A_419 = arith.constant 0 : i32
        %parallel_loop3A_420 = arith.constant 0 : i32
        %parallel_loop3A_421 = arith.constant 2 : i32
        %parallel_loop3A_422 = arith.index_cast %parallel_loop3A_419 : i32 to index
        %parallel_loop3A_423 = arith.index_cast %parallel_loop3A_420 : i32 to index
        %parallel_loop3A_424 = arith.index_cast %parallel_loop3A_421 : i32 to index
        %parallel_loop3A_425 = arith.index_cast %parallel_loop3A_237 : i32 to index
        %parallel_loop3A_426 = tpu.vector_load %arg6[%parallel_loop3A_422, %parallel_loop3A_423, %parallel_loop3A_424, %parallel_loop3A_425] {strides = array<i32>} : memref<2x4x8x1024xf32, #tpu.memory_space<vmem>>, vector<1x1x1x16xf32>,
        %parallel_loop3A_427 = vector.shape_cast %parallel_loop3A_426 : vector<1x1x1x16xf32> to vector<16xf32>
        %parallel_loop3A_428 = arith.addf %parallel_loop3A_427, %parallel_loop3A_418 : vector<16xf32>
        %parallel_loop3A_429 = arith.constant 0 : i32
        %parallel_loop3A_430 = arith.constant 0 : i32
        %parallel_loop3A_431 = arith.constant 2 : i32
        %parallel_loop3A_432 = arith.index_cast %parallel_loop3A_429 : i32 to index
        %parallel_loop3A_433 = arith.index_cast %parallel_loop3A_430 : i32 to index
        %parallel_loop3A_434 = arith.index_cast %parallel_loop3A_431 : i32 to index
        %parallel_loop3A_435 = arith.index_cast %parallel_loop3A_237 : i32 to index
        %parallel_loop3A_436 = tpu.vector_load %arg6[%parallel_loop3A_432, %parallel_loop3A_433, %parallel_loop3A_434, %parallel_loop3A_435] {strides = array<i32>} : memref<2x4x8x1024xf32, #tpu.memory_space<vmem>>, vector<1x1x1x16xf32>,
        %parallel_loop3A_437 = vector.shape_cast %parallel_loop3A_436 : vector<1x1x1x16xf32> to vector<16xf32>
        %parallel_loop3A_438 = vector.shape_cast %parallel_loop3A_428 : vector<16xf32> to vector<1x1x1x16xf32>
        tpu.vector_store %arg6[%parallel_loop3A_432, %parallel_loop3A_433, %parallel_loop3A_434, %parallel_loop3A_435], %parallel_loop3A_438 {strides = array<i32>} : memref<2x4x8x1024xf32, #tpu.memory_space<vmem>>, vector<1x1x1x16xf32>,
        %parallel_loop3A_439 = arith.constant 0 : i32
        %parallel_loop3A_440 = arith.constant 1 : i32
        %parallel_loop3A_441 = arith.constant 2 : i32
        %parallel_loop3A_442 = arith.index_cast %parallel_loop3A_439 : i32 to index
        %parallel_loop3A_443 = arith.index_cast %parallel_loop3A_440 : i32 to index
        %parallel_loop3A_444 = arith.index_cast %parallel_loop3A_441 : i32 to index
        %parallel_loop3A_445 = arith.index_cast %parallel_loop3A_237 : i32 to index
        %parallel_loop3A_446 = tpu.vector_load %arg6[%parallel_loop3A_442, %parallel_loop3A_443, %parallel_loop3A_444, %parallel_loop3A_445] {strides = array<i32>} : memref<2x4x8x1024xf32, #tpu.memory_space<vmem>>, vector<1x1x1x16xf32>,
        %parallel_loop3A_447 = vector.shape_cast %parallel_loop3A_446 : vector<1x1x1x16xf32> to vector<16xf32>
        %parallel_loop3A_448 = arith.addf %parallel_loop3A_447, %parallel_loop3A_418 : vector<16xf32>
        %parallel_loop3A_449 = arith.constant 0 : i32
        %parallel_loop3A_450 = arith.constant 1 : i32
        %parallel_loop3A_451 = arith.constant 2 : i32
        %parallel_loop3A_452 = arith.index_cast %parallel_loop3A_449 : i32 to index
        %parallel_loop3A_453 = arith.index_cast %parallel_loop3A_450 : i32 to index
        %parallel_loop3A_454 = arith.index_cast %parallel_loop3A_451 : i32 to index
        %parallel_loop3A_455 = arith.index_cast %parallel_loop3A_237 : i32 to index
        %parallel_loop3A_456 = tpu.vector_load %arg6[%parallel_loop3A_452, %parallel_loop3A_453, %parallel_loop3A_454, %parallel_loop3A_455] {strides = array<i32>} : memref<2x4x8x1024xf32, #tpu.memory_space<vmem>>, vector<1x1x1x16xf32>,
        %parallel_loop3A_457 = vector.shape_cast %parallel_loop3A_456 : vector<1x1x1x16xf32> to vector<16xf32>
        %parallel_loop3A_458 = vector.shape_cast %parallel_loop3A_448 : vector<16xf32> to vector<1x1x1x16xf32>
        tpu.vector_store %arg6[%parallel_loop3A_452, %parallel_loop3A_453, %parallel_loop3A_454, %parallel_loop3A_455], %parallel_loop3A_458 {strides = array<i32>} : memref<2x4x8x1024xf32, #tpu.memory_space<vmem>>, vector<1x1x1x16xf32>,
        %parallel_loop3A_459 = arith.constant 0 : i32
        %parallel_loop3A_460 = arith.constant 2 : i32
        %parallel_loop3A_461 = arith.constant 2 : i32
        %parallel_loop3A_462 = arith.index_cast %parallel_loop3A_459 : i32 to index
        %parallel_loop3A_463 = arith.index_cast %parallel_loop3A_460 : i32 to index
        %parallel_loop3A_464 = arith.index_cast %parallel_loop3A_461 : i32 to index
        %parallel_loop3A_465 = arith.index_cast %parallel_loop3A_237 : i32 to index
        %parallel_loop3A_466 = tpu.vector_load %arg6[%parallel_loop3A_462, %parallel_loop3A_463, %parallel_loop3A_464, %parallel_loop3A_465] {strides = array<i32>} : memref<2x4x8x1024xf32, #tpu.memory_space<vmem>>, vector<1x1x1x16xf32>,
        %parallel_loop3A_467 = vector.shape_cast %parallel_loop3A_466 : vector<1x1x1x16xf32> to vector<16xf32>
        %parallel_loop3A_468 = arith.addf %parallel_loop3A_467, %parallel_loop3A_418 : vector<16xf32>
        %parallel_loop3A_469 = arith.constant 0 : i32
        %parallel_loop3A_470 = arith.constant 2 : i32
        %parallel_loop3A_471 = arith.constant 2 : i32
        %parallel_loop3A_472 = arith.index_cast %parallel_loop3A_469 : i32 to index
        %parallel_loop3A_473 = arith.index_cast %parallel_loop3A_470 : i32 to index
        %parallel_loop3A_474 = arith.index_cast %parallel_loop3A_471 : i32 to index
        %parallel_loop3A_475 = arith.index_cast %parallel_loop3A_237 : i32 to index
        %parallel_loop3A_476 = tpu.vector_load %arg6[%parallel_loop3A_472, %parallel_loop3A_473, %parallel_loop3A_474, %parallel_loop3A_475] {strides = array<i32>} : memref<2x4x8x1024xf32, #tpu.memory_space<vmem>>, vector<1x1x1x16xf32>,
        %parallel_loop3A_477 = vector.shape_cast %parallel_loop3A_476 : vector<1x1x1x16xf32> to vector<16xf32>
        %parallel_loop3A_478 = vector.shape_cast %parallel_loop3A_468 : vector<16xf32> to vector<1x1x1x16xf32>
        tpu.vector_store %arg6[%parallel_loop3A_472, %parallel_loop3A_473, %parallel_loop3A_474, %parallel_loop3A_475], %parallel_loop3A_478 {strides = array<i32>} : memref<2x4x8x1024xf32, #tpu.memory_space<vmem>>, vector<1x1x1x16xf32>,
        %parallel_loop3A_479 = arith.constant 0 : i32
        %parallel_loop3A_480 = arith.constant 3 : i32
        %parallel_loop3A_481 = arith.constant 2 : i32
        %parallel_loop3A_482 = arith.index_cast %parallel_loop3A_479 : i32 to index
        %parallel_loop3A_483 = arith.index_cast %parallel_loop3A_480 : i32 to index
        %parallel_loop3A_484 = arith.index_cast %parallel_loop3A_481 : i32 to index
        %parallel_loop3A_485 = arith.index_cast %parallel_loop3A_237 : i32 to index
        %parallel_loop3A_486 = tpu.vector_load %arg6[%parallel_loop3A_482, %parallel_loop3A_483, %parallel_loop3A_484, %parallel_loop3A_485] {strides = array<i32>} : memref<2x4x8x1024xf32, #tpu.memory_space<vmem>>, vector<1x1x1x16xf32>,
        %parallel_loop3A_487 = vector.shape_cast %parallel_loop3A_486 : vector<1x1x1x16xf32> to vector<16xf32>
        %parallel_loop3A_488 = arith.addf %parallel_loop3A_487, %parallel_loop3A_418 : vector<16xf32>
        %parallel_loop3A_489 = arith.constant 0 : i32
        %parallel_loop3A_490 = arith.constant 3 : i32
        %parallel_loop3A_491 = arith.constant 2 : i32
        %parallel_loop3A_492 = arith.index_cast %parallel_loop3A_489 : i32 to index
        %parallel_loop3A_493 = arith.index_cast %parallel_loop3A_490 : i32 to index
        %parallel_loop3A_494 = arith.index_cast %parallel_loop3A_491 : i32 to index
        %parallel_loop3A_495 = arith.index_cast %parallel_loop3A_237 : i32 to index
        %parallel_loop3A_496 = tpu.vector_load %arg6[%parallel_loop3A_492, %parallel_loop3A_493, %parallel_loop3A_494, %parallel_loop3A_495] {strides = array<i32>} : memref<2x4x8x1024xf32, #tpu.memory_space<vmem>>, vector<1x1x1x16xf32>,
        %parallel_loop3A_497 = vector.shape_cast %parallel_loop3A_496 : vector<1x1x1x16xf32> to vector<16xf32>
        %parallel_loop3A_498 = vector.shape_cast %parallel_loop3A_488 : vector<16xf32> to vector<1x1x1x16xf32>
        tpu.vector_store %arg6[%parallel_loop3A_492, %parallel_loop3A_493, %parallel_loop3A_494, %parallel_loop3A_495], %parallel_loop3A_498 {strides = array<i32>} : memref<2x4x8x1024xf32, #tpu.memory_space<vmem>>, vector<1x1x1x16xf32>,
        %parallel_loop3A_499 = arith.constant 0 : i32
        %parallel_loop3A_500 = arith.constant 3 : i32
        %parallel_loop3A_501 = arith.index_cast %parallel_loop3A_499 : i32 to index
        %parallel_loop3A_502 = arith.index_cast %parallel_loop3A_500 : i32 to index
        %parallel_loop3A_503 = arith.index_cast %parallel_loop3A_237 : i32 to index
        %parallel_loop3A_504 = tpu.vector_load %arg5[%parallel_loop3A_501, %parallel_loop3A_502, %parallel_loop3A_503] {strides = array<i32>} : memref<2x8x1024xf32, #tpu.memory_space<vmem>>, vector<1x1x16xf32>,
        %parallel_loop3A_505 = vector.shape_cast %parallel_loop3A_504 : vector<1x1x16xf32> to vector<16xf32>
        %parallel_loop3A_506 = arith.constant 0 : i32
        %parallel_loop3A_507 = arith.constant 0 : i32
        %parallel_loop3A_508 = arith.constant 3 : i32
        %parallel_loop3A_509 = arith.index_cast %parallel_loop3A_506 : i32 to index
        %parallel_loop3A_510 = arith.index_cast %parallel_loop3A_507 : i32 to index
        %parallel_loop3A_511 = arith.index_cast %parallel_loop3A_508 : i32 to index
        %parallel_loop3A_512 = arith.index_cast %parallel_loop3A_237 : i32 to index
        %parallel_loop3A_513 = tpu.vector_load %arg6[%parallel_loop3A_509, %parallel_loop3A_510, %parallel_loop3A_511, %parallel_loop3A_512] {strides = array<i32>} : memref<2x4x8x1024xf32, #tpu.memory_space<vmem>>, vector<1x1x1x16xf32>,
        %parallel_loop3A_514 = vector.shape_cast %parallel_loop3A_513 : vector<1x1x1x16xf32> to vector<16xf32>
        %parallel_loop3A_515 = arith.addf %parallel_loop3A_514, %parallel_loop3A_505 : vector<16xf32>
        %parallel_loop3A_516 = arith.constant 0 : i32
        %parallel_loop3A_517 = arith.constant 0 : i32
        %parallel_loop3A_518 = arith.constant 3 : i32
        %parallel_loop3A_519 = arith.index_cast %parallel_loop3A_516 : i32 to index
        %parallel_loop3A_520 = arith.index_cast %parallel_loop3A_517 : i32 to index
        %parallel_loop3A_521 = arith.index_cast %parallel_loop3A_518 : i32 to index
        %parallel_loop3A_522 = arith.index_cast %parallel_loop3A_237 : i32 to index
        %parallel_loop3A_523 = tpu.vector_load %arg6[%parallel_loop3A_519, %parallel_loop3A_520, %parallel_loop3A_521, %parallel_loop3A_522] {strides = array<i32>} : memref<2x4x8x1024xf32, #tpu.memory_space<vmem>>, vector<1x1x1x16xf32>,
        %parallel_loop3A_524 = vector.shape_cast %parallel_loop3A_523 : vector<1x1x1x16xf32> to vector<16xf32>
        %parallel_loop3A_525 = vector.shape_cast %parallel_loop3A_515 : vector<16xf32> to vector<1x1x1x16xf32>
        tpu.vector_store %arg6[%parallel_loop3A_519, %parallel_loop3A_520, %parallel_loop3A_521, %parallel_loop3A_522], %parallel_loop3A_525 {strides = array<i32>} : memref<2x4x8x1024xf32, #tpu.memory_space<vmem>>, vector<1x1x1x16xf32>,
        %parallel_loop3A_526 = arith.constant 0 : i32
        %parallel_loop3A_527 = arith.constant 1 : i32
        %parallel_loop3A_528 = arith.constant 3 : i32
        %parallel_loop3A_529 = arith.index_cast %parallel_loop3A_526 : i32 to index
        %parallel_loop3A_530 = arith.index_cast %parallel_loop3A_527 : i32 to index
        %parallel_loop3A_531 = arith.index_cast %parallel_loop3A_528 : i32 to index
        %parallel_loop3A_532 = arith.index_cast %parallel_loop3A_237 : i32 to index
        %parallel_loop3A_533 = tpu.vector_load %arg6[%parallel_loop3A_529, %parallel_loop3A_530, %parallel_loop3A_531, %parallel_loop3A_532] {strides = array<i32>} : memref<2x4x8x1024xf32, #tpu.memory_space<vmem>>, vector<1x1x1x16xf32>,
        %parallel_loop3A_534 = vector.shape_cast %parallel_loop3A_533 : vector<1x1x1x16xf32> to vector<16xf32>
        %parallel_loop3A_535 = arith.addf %parallel_loop3A_534, %parallel_loop3A_505 : vector<16xf32>
        %parallel_loop3A_536 = arith.constant 0 : i32
        %parallel_loop3A_537 = arith.constant 1 : i32
        %parallel_loop3A_538 = arith.constant 3 : i32
        %parallel_loop3A_539 = arith.index_cast %parallel_loop3A_536 : i32 to index
        %parallel_loop3A_540 = arith.index_cast %parallel_loop3A_537 : i32 to index
        %parallel_loop3A_541 = arith.index_cast %parallel_loop3A_538 : i32 to index
        %parallel_loop3A_542 = arith.index_cast %parallel_loop3A_237 : i32 to index
        %parallel_loop3A_543 = tpu.vector_load %arg6[%parallel_loop3A_539, %parallel_loop3A_540, %parallel_loop3A_541, %parallel_loop3A_542] {strides = array<i32>} : memref<2x4x8x1024xf32, #tpu.memory_space<vmem>>, vector<1x1x1x16xf32>,
        %parallel_loop3A_544 = vector.shape_cast %parallel_loop3A_543 : vector<1x1x1x16xf32> to vector<16xf32>
        %parallel_loop3A_545 = vector.shape_cast %parallel_loop3A_535 : vector<16xf32> to vector<1x1x1x16xf32>
        tpu.vector_store %arg6[%parallel_loop3A_539, %parallel_loop3A_540, %parallel_loop3A_541, %parallel_loop3A_542], %parallel_loop3A_545 {strides = array<i32>} : memref<2x4x8x1024xf32, #tpu.memory_space<vmem>>, vector<1x1x1x16xf32>,
        %parallel_loop3A_546 = arith.constant 0 : i32
        %parallel_loop3A_547 = arith.constant 2 : i32
        %parallel_loop3A_548 = arith.constant 3 : i32
        %parallel_loop3A_549 = arith.index_cast %parallel_loop3A_546 : i32 to index
        %parallel_loop3A_550 = arith.index_cast %parallel_loop3A_547 : i32 to index
        %parallel_loop3A_551 = arith.index_cast %parallel_loop3A_548 : i32 to index
        %parallel_loop3A_552 = arith.index_cast %parallel_loop3A_237 : i32 to index
        %parallel_loop3A_553 = tpu.vector_load %arg6[%parallel_loop3A_549, %parallel_loop3A_550, %parallel_loop3A_551, %parallel_loop3A_552] {strides = array<i32>} : memref<2x4x8x1024xf32, #tpu.memory_space<vmem>>, vector<1x1x1x16xf32>,
        %parallel_loop3A_554 = vector.shape_cast %parallel_loop3A_553 : vector<1x1x1x16xf32> to vector<16xf32>
        %parallel_loop3A_555 = arith.addf %parallel_loop3A_554, %parallel_loop3A_505 : vector<16xf32>
        %parallel_loop3A_556 = arith.constant 0 : i32
        %parallel_loop3A_557 = arith.constant 2 : i32
        %parallel_loop3A_558 = arith.constant 3 : i32
        %parallel_loop3A_559 = arith.index_cast %parallel_loop3A_556 : i32 to index
        %parallel_loop3A_560 = arith.index_cast %parallel_loop3A_557 : i32 to index
        %parallel_loop3A_561 = arith.index_cast %parallel_loop3A_558 : i32 to index
        %parallel_loop3A_562 = arith.index_cast %parallel_loop3A_237 : i32 to index
        %parallel_loop3A_563 = tpu.vector_load %arg6[%parallel_loop3A_559, %parallel_loop3A_560, %parallel_loop3A_561, %parallel_loop3A_562] {strides = array<i32>} : memref<2x4x8x1024xf32, #tpu.memory_space<vmem>>, vector<1x1x1x16xf32>,
        %parallel_loop3A_564 = vector.shape_cast %parallel_loop3A_563 : vector<1x1x1x16xf32> to vector<16xf32>
        %parallel_loop3A_565 = vector.shape_cast %parallel_loop3A_555 : vector<16xf32> to vector<1x1x1x16xf32>
        tpu.vector_store %arg6[%parallel_loop3A_559, %parallel_loop3A_560, %parallel_loop3A_561, %parallel_loop3A_562], %parallel_loop3A_565 {strides = array<i32>} : memref<2x4x8x1024xf32, #tpu.memory_space<vmem>>, vector<1x1x1x16xf32>,
        %parallel_loop3A_566 = arith.constant 0 : i32
        %parallel_loop3A_567 = arith.constant 3 : i32
        %parallel_loop3A_568 = arith.constant 3 : i32
        %parallel_loop3A_569 = arith.index_cast %parallel_loop3A_566 : i32 to index
        %parallel_loop3A_570 = arith.index_cast %parallel_loop3A_567 : i32 to index
        %parallel_loop3A_571 = arith.index_cast %parallel_loop3A_568 : i32 to index
        %parallel_loop3A_572 = arith.index_cast %parallel_loop3A_237 : i32 to index
        %parallel_loop3A_573 = tpu.vector_load %arg6[%parallel_loop3A_569, %parallel_loop3A_570, %parallel_loop3A_571, %parallel_loop3A_572] {strides = array<i32>} : memref<2x4x8x1024xf32, #tpu.memory_space<vmem>>, vector<1x1x1x16xf32>,
        %parallel_loop3A_574 = vector.shape_cast %parallel_loop3A_573 : vector<1x1x1x16xf32> to vector<16xf32>
        %parallel_loop3A_575 = arith.addf %parallel_loop3A_574, %parallel_loop3A_505 : vector<16xf32>
        %parallel_loop3A_576 = arith.constant 0 : i32
        %parallel_loop3A_577 = arith.constant 3 : i32
        %parallel_loop3A_578 = arith.constant 3 : i32
        %parallel_loop3A_579 = arith.index_cast %parallel_loop3A_576 : i32 to index
        %parallel_loop3A_580 = arith.index_cast %parallel_loop3A_577 : i32 to index
        %parallel_loop3A_581 = arith.index_cast %parallel_loop3A_578 : i32 to index
        %parallel_loop3A_582 = arith.index_cast %parallel_loop3A_237 : i32 to index
        %parallel_loop3A_583 = tpu.vector_load %arg6[%parallel_loop3A_579, %parallel_loop3A_580, %parallel_loop3A_581, %parallel_loop3A_582] {strides = array<i32>} : memref<2x4x8x1024xf32, #tpu.memory_space<vmem>>, vector<1x1x1x16xf32>,
        %parallel_loop3A_584 = vector.shape_cast %parallel_loop3A_583 : vector<1x1x1x16xf32> to vector<16xf32>
        %parallel_loop3A_585 = vector.shape_cast %parallel_loop3A_575 : vector<16xf32> to vector<1x1x1x16xf32>
        tpu.vector_store %arg6[%parallel_loop3A_579, %parallel_loop3A_580, %parallel_loop3A_581, %parallel_loop3A_582], %parallel_loop3A_585 {strides = array<i32>} : memref<2x4x8x1024xf32, #tpu.memory_space<vmem>>, vector<1x1x1x16xf32>,
        %parallel_loop3A_586 = arith.constant 0 : i32
        %parallel_loop3A_587 = arith.constant 4 : i32
        %parallel_loop3A_588 = arith.index_cast %parallel_loop3A_586 : i32 to index
        %parallel_loop3A_589 = arith.index_cast %parallel_loop3A_587 : i32 to index
        %parallel_loop3A_590 = arith.index_cast %parallel_loop3A_237 : i32 to index
        %parallel_loop3A_591 = tpu.vector_load %arg5[%parallel_loop3A_588, %parallel_loop3A_589, %parallel_loop3A_590] {strides = array<i32>} : memref<2x8x1024xf32, #tpu.memory_space<vmem>>, vector<1x1x16xf32>,
        %parallel_loop3A_592 = vector.shape_cast %parallel_loop3A_591 : vector<1x1x16xf32> to vector<16xf32>
        %parallel_loop3A_593 = arith.constant 0 : i32
        %parallel_loop3A_594 = arith.constant 0 : i32
        %parallel_loop3A_595 = arith.constant 4 : i32
        %parallel_loop3A_596 = arith.index_cast %parallel_loop3A_593 : i32 to index
        %parallel_loop3A_597 = arith.index_cast %parallel_loop3A_594 : i32 to index
        %parallel_loop3A_598 = arith.index_cast %parallel_loop3A_595 : i32 to index
        %parallel_loop3A_599 = arith.index_cast %parallel_loop3A_237 : i32 to index
        %parallel_loop3A_600 = tpu.vector_load %arg6[%parallel_loop3A_596, %parallel_loop3A_597, %parallel_loop3A_598, %parallel_loop3A_599] {strides = array<i32>} : memref<2x4x8x1024xf32, #tpu.memory_space<vmem>>, vector<1x1x1x16xf32>,
        %parallel_loop3A_601 = vector.shape_cast %parallel_loop3A_600 : vector<1x1x1x16xf32> to vector<16xf32>
        %parallel_loop3A_602 = arith.addf %parallel_loop3A_601, %parallel_loop3A_592 : vector<16xf32>
        %parallel_loop3A_603 = arith.constant 0 : i32
        %parallel_loop3A_604 = arith.constant 0 : i32
        %parallel_loop3A_605 = arith.constant 4 : i32
        %parallel_loop3A_606 = arith.index_cast %parallel_loop3A_603 : i32 to index
        %parallel_loop3A_607 = arith.index_cast %parallel_loop3A_604 : i32 to index
        %parallel_loop3A_608 = arith.index_cast %parallel_loop3A_605 : i32 to index
        %parallel_loop3A_609 = arith.index_cast %parallel_loop3A_237 : i32 to index
        %parallel_loop3A_610 = tpu.vector_load %arg6[%parallel_loop3A_606, %parallel_loop3A_607, %parallel_loop3A_608, %parallel_loop3A_609] {strides = array<i32>} : memref<2x4x8x1024xf32, #tpu.memory_space<vmem>>, vector<1x1x1x16xf32>,
        %parallel_loop3A_611 = vector.shape_cast %parallel_loop3A_610 : vector<1x1x1x16xf32> to vector<16xf32>
        %parallel_loop3A_612 = vector.shape_cast %parallel_loop3A_602 : vector<16xf32> to vector<1x1x1x16xf32>
        tpu.vector_store %arg6[%parallel_loop3A_606, %parallel_loop3A_607, %parallel_loop3A_608, %parallel_loop3A_609], %parallel_loop3A_612 {strides = array<i32>} : memref<2x4x8x1024xf32, #tpu.memory_space<vmem>>, vector<1x1x1x16xf32>,
        %parallel_loop3A_613 = arith.constant 0 : i32
        %parallel_loop3A_614 = arith.constant 1 : i32
        %parallel_loop3A_615 = arith.constant 4 : i32
        %parallel_loop3A_616 = arith.index_cast %parallel_loop3A_613 : i32 to index
        %parallel_loop3A_617 = arith.index_cast %parallel_loop3A_614 : i32 to index
        %parallel_loop3A_618 = arith.index_cast %parallel_loop3A_615 : i32 to index
        %parallel_loop3A_619 = arith.index_cast %parallel_loop3A_237 : i32 to index
        %parallel_loop3A_620 = tpu.vector_load %arg6[%parallel_loop3A_616, %parallel_loop3A_617, %parallel_loop3A_618, %parallel_loop3A_619] {strides = array<i32>} : memref<2x4x8x1024xf32, #tpu.memory_space<vmem>>, vector<1x1x1x16xf32>,
        %parallel_loop3A_621 = vector.shape_cast %parallel_loop3A_620 : vector<1x1x1x16xf32> to vector<16xf32>
        %parallel_loop3A_622 = arith.addf %parallel_loop3A_621, %parallel_loop3A_592 : vector<16xf32>
        %parallel_loop3A_623 = arith.constant 0 : i32
        %parallel_loop3A_624 = arith.constant 1 : i32
        %parallel_loop3A_625 = arith.constant 4 : i32
        %parallel_loop3A_626 = arith.index_cast %parallel_loop3A_623 : i32 to index
        %parallel_loop3A_627 = arith.index_cast %parallel_loop3A_624 : i32 to index
        %parallel_loop3A_628 = arith.index_cast %parallel_loop3A_625 : i32 to index
        %parallel_loop3A_629 = arith.index_cast %parallel_loop3A_237 : i32 to index
        %parallel_loop3A_630 = tpu.vector_load %arg6[%parallel_loop3A_626, %parallel_loop3A_627, %parallel_loop3A_628, %parallel_loop3A_629] {strides = array<i32>} : memref<2x4x8x1024xf32, #tpu.memory_space<vmem>>, vector<1x1x1x16xf32>,
        %parallel_loop3A_631 = vector.shape_cast %parallel_loop3A_630 : vector<1x1x1x16xf32> to vector<16xf32>
        %parallel_loop3A_632 = vector.shape_cast %parallel_loop3A_622 : vector<16xf32> to vector<1x1x1x16xf32>
        tpu.vector_store %arg6[%parallel_loop3A_626, %parallel_loop3A_627, %parallel_loop3A_628, %parallel_loop3A_629], %parallel_loop3A_632 {strides = array<i32>} : memref<2x4x8x1024xf32, #tpu.memory_space<vmem>>, vector<1x1x1x16xf32>,
        %parallel_loop3A_633 = arith.constant 0 : i32
        %parallel_loop3A_634 = arith.constant 2 : i32
        %parallel_loop3A_635 = arith.constant 4 : i32
        %parallel_loop3A_636 = arith.index_cast %parallel_loop3A_633 : i32 to index
        %parallel_loop3A_637 = arith.index_cast %parallel_loop3A_634 : i32 to index
        %parallel_loop3A_638 = arith.index_cast %parallel_loop3A_635 : i32 to index
        %parallel_loop3A_639 = arith.index_cast %parallel_loop3A_237 : i32 to index
        %parallel_loop3A_640 = tpu.vector_load %arg6[%parallel_loop3A_636, %parallel_loop3A_637, %parallel_loop3A_638, %parallel_loop3A_639] {strides = array<i32>} : memref<2x4x8x1024xf32, #tpu.memory_space<vmem>>, vector<1x1x1x16xf32>,
        %parallel_loop3A_641 = vector.shape_cast %parallel_loop3A_640 : vector<1x1x1x16xf32> to vector<16xf32>
        %parallel_loop3A_642 = arith.addf %parallel_loop3A_641, %parallel_loop3A_592 : vector<16xf32>
        %parallel_loop3A_643 = arith.constant 0 : i32
        %parallel_loop3A_644 = arith.constant 2 : i32
        %parallel_loop3A_645 = arith.constant 4 : i32
        %parallel_loop3A_646 = arith.index_cast %parallel_loop3A_643 : i32 to index
        %parallel_loop3A_647 = arith.index_cast %parallel_loop3A_644 : i32 to index
        %parallel_loop3A_648 = arith.index_cast %parallel_loop3A_645 : i32 to index
        %parallel_loop3A_649 = arith.index_cast %parallel_loop3A_237 : i32 to index
        %parallel_loop3A_650 = tpu.vector_load %arg6[%parallel_loop3A_646, %parallel_loop3A_647, %parallel_loop3A_648, %parallel_loop3A_649] {strides = array<i32>} : memref<2x4x8x1024xf32, #tpu.memory_space<vmem>>, vector<1x1x1x16xf32>,
        %parallel_loop3A_651 = vector.shape_cast %parallel_loop3A_650 : vector<1x1x1x16xf32> to vector<16xf32>
        %parallel_loop3A_652 = vector.shape_cast %parallel_loop3A_642 : vector<16xf32> to vector<1x1x1x16xf32>
        tpu.vector_store %arg6[%parallel_loop3A_646, %parallel_loop3A_647, %parallel_loop3A_648, %parallel_loop3A_649], %parallel_loop3A_652 {strides = array<i32>} : memref<2x4x8x1024xf32, #tpu.memory_space<vmem>>, vector<1x1x1x16xf32>,
        %parallel_loop3A_653 = arith.constant 0 : i32
        %parallel_loop3A_654 = arith.constant 3 : i32
        %parallel_loop3A_655 = arith.constant 4 : i32
        %parallel_loop3A_656 = arith.index_cast %parallel_loop3A_653 : i32 to index
        %parallel_loop3A_657 = arith.index_cast %parallel_loop3A_654 : i32 to index
        %parallel_loop3A_658 = arith.index_cast %parallel_loop3A_655 : i32 to index
        %parallel_loop3A_659 = arith.index_cast %parallel_loop3A_237 : i32 to index
        %parallel_loop3A_660 = tpu.vector_load %arg6[%parallel_loop3A_656, %parallel_loop3A_657, %parallel_loop3A_658, %parallel_loop3A_659] {strides = array<i32>} : memref<2x4x8x1024xf32, #tpu.memory_space<vmem>>, vector<1x1x1x16xf32>,
        %parallel_loop3A_661 = vector.shape_cast %parallel_loop3A_660 : vector<1x1x1x16xf32> to vector<16xf32>
        %parallel_loop3A_662 = arith.addf %parallel_loop3A_661, %parallel_loop3A_592 : vector<16xf32>
        %parallel_loop3A_663 = arith.constant 0 : i32
        %parallel_loop3A_664 = arith.constant 3 : i32
        %parallel_loop3A_665 = arith.constant 4 : i32
        %parallel_loop3A_666 = arith.index_cast %parallel_loop3A_663 : i32 to index
        %parallel_loop3A_667 = arith.index_cast %parallel_loop3A_664 : i32 to index
        %parallel_loop3A_668 = arith.index_cast %parallel_loop3A_665 : i32 to index
        %parallel_loop3A_669 = arith.index_cast %parallel_loop3A_237 : i32 to index
        %parallel_loop3A_670 = tpu.vector_load %arg6[%parallel_loop3A_666, %parallel_loop3A_667, %parallel_loop3A_668, %parallel_loop3A_669] {strides = array<i32>} : memref<2x4x8x1024xf32, #tpu.memory_space<vmem>>, vector<1x1x1x16xf32>,
        %parallel_loop3A_671 = vector.shape_cast %parallel_loop3A_670 : vector<1x1x1x16xf32> to vector<16xf32>
        %parallel_loop3A_672 = vector.shape_cast %parallel_loop3A_662 : vector<16xf32> to vector<1x1x1x16xf32>
        tpu.vector_store %arg6[%parallel_loop3A_666, %parallel_loop3A_667, %parallel_loop3A_668, %parallel_loop3A_669], %parallel_loop3A_672 {strides = array<i32>} : memref<2x4x8x1024xf32, #tpu.memory_space<vmem>>, vector<1x1x1x16xf32>,
        %parallel_loop3A_673 = arith.constant 0 : i32
        %parallel_loop3A_674 = arith.constant 5 : i32
        %parallel_loop3A_675 = arith.index_cast %parallel_loop3A_673 : i32 to index
        %parallel_loop3A_676 = arith.index_cast %parallel_loop3A_674 : i32 to index
        %parallel_loop3A_677 = arith.index_cast %parallel_loop3A_237 : i32 to index
        %parallel_loop3A_678 = tpu.vector_load %arg5[%parallel_loop3A_675, %parallel_loop3A_676, %parallel_loop3A_677] {strides = array<i32>} : memref<2x8x1024xf32, #tpu.memory_space<vmem>>, vector<1x1x16xf32>,
        %parallel_loop3A_679 = vector.shape_cast %parallel_loop3A_678 : vector<1x1x16xf32> to vector<16xf32>
        %parallel_loop3A_680 = arith.constant 0 : i32
        %parallel_loop3A_681 = arith.constant 0 : i32
        %parallel_loop3A_682 = arith.constant 5 : i32
        %parallel_loop3A_683 = arith.index_cast %parallel_loop3A_680 : i32 to index
        %parallel_loop3A_684 = arith.index_cast %parallel_loop3A_681 : i32 to index
        %parallel_loop3A_685 = arith.index_cast %parallel_loop3A_682 : i32 to index
        %parallel_loop3A_686 = arith.index_cast %parallel_loop3A_237 : i32 to index
        %parallel_loop3A_687 = tpu.vector_load %arg6[%parallel_loop3A_683, %parallel_loop3A_684, %parallel_loop3A_685, %parallel_loop3A_686] {strides = array<i32>} : memref<2x4x8x1024xf32, #tpu.memory_space<vmem>>, vector<1x1x1x16xf32>,
        %parallel_loop3A_688 = vector.shape_cast %parallel_loop3A_687 : vector<1x1x1x16xf32> to vector<16xf32>
        %parallel_loop3A_689 = arith.addf %parallel_loop3A_688, %parallel_loop3A_679 : vector<16xf32>
        %parallel_loop3A_690 = arith.constant 0 : i32
        %parallel_loop3A_691 = arith.constant 0 : i32
        %parallel_loop3A_692 = arith.constant 5 : i32
        %parallel_loop3A_693 = arith.index_cast %parallel_loop3A_690 : i32 to index
        %parallel_loop3A_694 = arith.index_cast %parallel_loop3A_691 : i32 to index
        %parallel_loop3A_695 = arith.index_cast %parallel_loop3A_692 : i32 to index
        %parallel_loop3A_696 = arith.index_cast %parallel_loop3A_237 : i32 to index
        %parallel_loop3A_697 = tpu.vector_load %arg6[%parallel_loop3A_693, %parallel_loop3A_694, %parallel_loop3A_695, %parallel_loop3A_696] {strides = array<i32>} : memref<2x4x8x1024xf32, #tpu.memory_space<vmem>>, vector<1x1x1x16xf32>,
        %parallel_loop3A_698 = vector.shape_cast %parallel_loop3A_697 : vector<1x1x1x16xf32> to vector<16xf32>
        %parallel_loop3A_699 = vector.shape_cast %parallel_loop3A_689 : vector<16xf32> to vector<1x1x1x16xf32>
        tpu.vector_store %arg6[%parallel_loop3A_693, %parallel_loop3A_694, %parallel_loop3A_695, %parallel_loop3A_696], %parallel_loop3A_699 {strides = array<i32>} : memref<2x4x8x1024xf32, #tpu.memory_space<vmem>>, vector<1x1x1x16xf32>,
        %parallel_loop3A_700 = arith.constant 0 : i32
        %parallel_loop3A_701 = arith.constant 1 : i32
        %parallel_loop3A_702 = arith.constant 5 : i32
        %parallel_loop3A_703 = arith.index_cast %parallel_loop3A_700 : i32 to index
        %parallel_loop3A_704 = arith.index_cast %parallel_loop3A_701 : i32 to index
        %parallel_loop3A_705 = arith.index_cast %parallel_loop3A_702 : i32 to index
        %parallel_loop3A_706 = arith.index_cast %parallel_loop3A_237 : i32 to index
        %parallel_loop3A_707 = tpu.vector_load %arg6[%parallel_loop3A_703, %parallel_loop3A_704, %parallel_loop3A_705, %parallel_loop3A_706] {strides = array<i32>} : memref<2x4x8x1024xf32, #tpu.memory_space<vmem>>, vector<1x1x1x16xf32>,
        %parallel_loop3A_708 = vector.shape_cast %parallel_loop3A_707 : vector<1x1x1x16xf32> to vector<16xf32>
        %parallel_loop3A_709 = arith.addf %parallel_loop3A_708, %parallel_loop3A_679 : vector<16xf32>
        %parallel_loop3A_710 = arith.constant 0 : i32
        %parallel_loop3A_711 = arith.constant 1 : i32
        %parallel_loop3A_712 = arith.constant 5 : i32
        %parallel_loop3A_713 = arith.index_cast %parallel_loop3A_710 : i32 to index
        %parallel_loop3A_714 = arith.index_cast %parallel_loop3A_711 : i32 to index
        %parallel_loop3A_715 = arith.index_cast %parallel_loop3A_712 : i32 to index
        %parallel_loop3A_716 = arith.index_cast %parallel_loop3A_237 : i32 to index
        %parallel_loop3A_717 = tpu.vector_load %arg6[%parallel_loop3A_713, %parallel_loop3A_714, %parallel_loop3A_715, %parallel_loop3A_716] {strides = array<i32>} : memref<2x4x8x1024xf32, #tpu.memory_space<vmem>>, vector<1x1x1x16xf32>,
        %parallel_loop3A_718 = vector.shape_cast %parallel_loop3A_717 : vector<1x1x1x16xf32> to vector<16xf32>
        %parallel_loop3A_719 = vector.shape_cast %parallel_loop3A_709 : vector<16xf32> to vector<1x1x1x16xf32>
        tpu.vector_store %arg6[%parallel_loop3A_713, %parallel_loop3A_714, %parallel_loop3A_715, %parallel_loop3A_716], %parallel_loop3A_719 {strides = array<i32>} : memref<2x4x8x1024xf32, #tpu.memory_space<vmem>>, vector<1x1x1x16xf32>,
        %parallel_loop3A_720 = arith.constant 0 : i32
        %parallel_loop3A_721 = arith.constant 2 : i32
        %parallel_loop3A_722 = arith.constant 5 : i32
        %parallel_loop3A_723 = arith.index_cast %parallel_loop3A_720 : i32 to index
        %parallel_loop3A_724 = arith.index_cast %parallel_loop3A_721 : i32 to index
        %parallel_loop3A_725 = arith.index_cast %parallel_loop3A_722 : i32 to index
        %parallel_loop3A_726 = arith.index_cast %parallel_loop3A_237 : i32 to index
        %parallel_loop3A_727 = tpu.vector_load %arg6[%parallel_loop3A_723, %parallel_loop3A_724, %parallel_loop3A_725, %parallel_loop3A_726] {strides = array<i32>} : memref<2x4x8x1024xf32, #tpu.memory_space<vmem>>, vector<1x1x1x16xf32>,
        %parallel_loop3A_728 = vector.shape_cast %parallel_loop3A_727 : vector<1x1x1x16xf32> to vector<16xf32>
        %parallel_loop3A_729 = arith.addf %parallel_loop3A_728, %parallel_loop3A_679 : vector<16xf32>
        %parallel_loop3A_730 = arith.constant 0 : i32
        %parallel_loop3A_731 = arith.constant 2 : i32
        %parallel_loop3A_732 = arith.constant 5 : i32
        %parallel_loop3A_733 = arith.index_cast %parallel_loop3A_730 : i32 to index
        %parallel_loop3A_734 = arith.index_cast %parallel_loop3A_731 : i32 to index
        %parallel_loop3A_735 = arith.index_cast %parallel_loop3A_732 : i32 to index
        %parallel_loop3A_736 = arith.index_cast %parallel_loop3A_237 : i32 to index
        %parallel_loop3A_737 = tpu.vector_load %arg6[%parallel_loop3A_733, %parallel_loop3A_734, %parallel_loop3A_735, %parallel_loop3A_736] {strides = array<i32>} : memref<2x4x8x1024xf32, #tpu.memory_space<vmem>>, vector<1x1x1x16xf32>,
        %parallel_loop3A_738 = vector.shape_cast %parallel_loop3A_737 : vector<1x1x1x16xf32> to vector<16xf32>
        %parallel_loop3A_739 = vector.shape_cast %parallel_loop3A_729 : vector<16xf32> to vector<1x1x1x16xf32>
        tpu.vector_store %arg6[%parallel_loop3A_733, %parallel_loop3A_734, %parallel_loop3A_735, %parallel_loop3A_736], %parallel_loop3A_739 {strides = array<i32>} : memref<2x4x8x1024xf32, #tpu.memory_space<vmem>>, vector<1x1x1x16xf32>,
        %parallel_loop3A_740 = arith.constant 0 : i32
        %parallel_loop3A_741 = arith.constant 3 : i32
        %parallel_loop3A_742 = arith.constant 5 : i32
        %parallel_loop3A_743 = arith.index_cast %parallel_loop3A_740 : i32 to index
        %parallel_loop3A_744 = arith.index_cast %parallel_loop3A_741 : i32 to index
        %parallel_loop3A_745 = arith.index_cast %parallel_loop3A_742 : i32 to index
        %parallel_loop3A_746 = arith.index_cast %parallel_loop3A_237 : i32 to index
        %parallel_loop3A_747 = tpu.vector_load %arg6[%parallel_loop3A_743, %parallel_loop3A_744, %parallel_loop3A_745, %parallel_loop3A_746] {strides = array<i32>} : memref<2x4x8x1024xf32, #tpu.memory_space<vmem>>, vector<1x1x1x16xf32>,
        %parallel_loop3A_748 = vector.shape_cast %parallel_loop3A_747 : vector<1x1x1x16xf32> to vector<16xf32>
        %parallel_loop3A_749 = arith.addf %parallel_loop3A_748, %parallel_loop3A_679 : vector<16xf32>
        %parallel_loop3A_750 = arith.constant 0 : i32
        %parallel_loop3A_751 = arith.constant 3 : i32
        %parallel_loop3A_752 = arith.constant 5 : i32
        %parallel_loop3A_753 = arith.index_cast %parallel_loop3A_750 : i32 to index
        %parallel_loop3A_754 = arith.index_cast %parallel_loop3A_751 : i32 to index
        %parallel_loop3A_755 = arith.index_cast %parallel_loop3A_752 : i32 to index
        %parallel_loop3A_756 = arith.index_cast %parallel_loop3A_237 : i32 to index
        %parallel_loop3A_757 = tpu.vector_load %arg6[%parallel_loop3A_753, %parallel_loop3A_754, %parallel_loop3A_755, %parallel_loop3A_756] {strides = array<i32>} : memref<2x4x8x1024xf32, #tpu.memory_space<vmem>>, vector<1x1x1x16xf32>,
        %parallel_loop3A_758 = vector.shape_cast %parallel_loop3A_757 : vector<1x1x1x16xf32> to vector<16xf32>
        %parallel_loop3A_759 = vector.shape_cast %parallel_loop3A_749 : vector<16xf32> to vector<1x1x1x16xf32>
        tpu.vector_store %arg6[%parallel_loop3A_753, %parallel_loop3A_754, %parallel_loop3A_755, %parallel_loop3A_756], %parallel_loop3A_759 {strides = array<i32>} : memref<2x4x8x1024xf32, #tpu.memory_space<vmem>>, vector<1x1x1x16xf32>,
        %parallel_loop3A_760 = arith.constant 0 : i32
        %parallel_loop3A_761 = arith.constant 6 : i32
        %parallel_loop3A_762 = arith.index_cast %parallel_loop3A_760 : i32 to index
        %parallel_loop3A_763 = arith.index_cast %parallel_loop3A_761 : i32 to index
        %parallel_loop3A_764 = arith.index_cast %parallel_loop3A_237 : i32 to index
        %parallel_loop3A_765 = tpu.vector_load %arg5[%parallel_loop3A_762, %parallel_loop3A_763, %parallel_loop3A_764] {strides = array<i32>} : memref<2x8x1024xf32, #tpu.memory_space<vmem>>, vector<1x1x16xf32>,
        %parallel_loop3A_766 = vector.shape_cast %parallel_loop3A_765 : vector<1x1x16xf32> to vector<16xf32>
        %parallel_loop3A_767 = arith.constant 0 : i32
        %parallel_loop3A_768 = arith.constant 0 : i32
        %parallel_loop3A_769 = arith.constant 6 : i32
        %parallel_loop3A_770 = arith.index_cast %parallel_loop3A_767 : i32 to index
        %parallel_loop3A_771 = arith.index_cast %parallel_loop3A_768 : i32 to index
        %parallel_loop3A_772 = arith.index_cast %parallel_loop3A_769 : i32 to index
        %parallel_loop3A_773 = arith.index_cast %parallel_loop3A_237 : i32 to index
        %parallel_loop3A_774 = tpu.vector_load %arg6[%parallel_loop3A_770, %parallel_loop3A_771, %parallel_loop3A_772, %parallel_loop3A_773] {strides = array<i32>} : memref<2x4x8x1024xf32, #tpu.memory_space<vmem>>, vector<1x1x1x16xf32>,
        %parallel_loop3A_775 = vector.shape_cast %parallel_loop3A_774 : vector<1x1x1x16xf32> to vector<16xf32>
        %parallel_loop3A_776 = arith.addf %parallel_loop3A_775, %parallel_loop3A_766 : vector<16xf32>
        %parallel_loop3A_777 = arith.constant 0 : i32
        %parallel_loop3A_778 = arith.constant 0 : i32
        %parallel_loop3A_779 = arith.constant 6 : i32
        %parallel_loop3A_780 = arith.index_cast %parallel_loop3A_777 : i32 to index
        %parallel_loop3A_781 = arith.index_cast %parallel_loop3A_778 : i32 to index
        %parallel_loop3A_782 = arith.index_cast %parallel_loop3A_779 : i32 to index
        %parallel_loop3A_783 = arith.index_cast %parallel_loop3A_237 : i32 to index
        %parallel_loop3A_784 = tpu.vector_load %arg6[%parallel_loop3A_780, %parallel_loop3A_781, %parallel_loop3A_782, %parallel_loop3A_783] {strides = array<i32>} : memref<2x4x8x1024xf32, #tpu.memory_space<vmem>>, vector<1x1x1x16xf32>,
        %parallel_loop3A_785 = vector.shape_cast %parallel_loop3A_784 : vector<1x1x1x16xf32> to vector<16xf32>
        %parallel_loop3A_786 = vector.shape_cast %parallel_loop3A_776 : vector<16xf32> to vector<1x1x1x16xf32>
        tpu.vector_store %arg6[%parallel_loop3A_780, %parallel_loop3A_781, %parallel_loop3A_782, %parallel_loop3A_783], %parallel_loop3A_786 {strides = array<i32>} : memref<2x4x8x1024xf32, #tpu.memory_space<vmem>>, vector<1x1x1x16xf32>,
        %parallel_loop3A_787 = arith.constant 0 : i32
        %parallel_loop3A_788 = arith.constant 1 : i32
        %parallel_loop3A_789 = arith.constant 6 : i32
        %parallel_loop3A_790 = arith.index_cast %parallel_loop3A_787 : i32 to index
        %parallel_loop3A_791 = arith.index_cast %parallel_loop3A_788 : i32 to index
        %parallel_loop3A_792 = arith.index_cast %parallel_loop3A_789 : i32 to index
        %parallel_loop3A_793 = arith.index_cast %parallel_loop3A_237 : i32 to index
        %parallel_loop3A_794 = tpu.vector_load %arg6[%parallel_loop3A_790, %parallel_loop3A_791, %parallel_loop3A_792, %parallel_loop3A_793] {strides = array<i32>} : memref<2x4x8x1024xf32, #tpu.memory_space<vmem>>, vector<1x1x1x16xf32>,
        %parallel_loop3A_795 = vector.shape_cast %parallel_loop3A_794 : vector<1x1x1x16xf32> to vector<16xf32>
        %parallel_loop3A_796 = arith.addf %parallel_loop3A_795, %parallel_loop3A_766 : vector<16xf32>
        %parallel_loop3A_797 = arith.constant 0 : i32
        %parallel_loop3A_798 = arith.constant 1 : i32
        %parallel_loop3A_799 = arith.constant 6 : i32
        %parallel_loop3A_800 = arith.index_cast %parallel_loop3A_797 : i32 to index
        %parallel_loop3A_801 = arith.index_cast %parallel_loop3A_798 : i32 to index
        %parallel_loop3A_802 = arith.index_cast %parallel_loop3A_799 : i32 to index
        %parallel_loop3A_803 = arith.index_cast %parallel_loop3A_237 : i32 to index
        %parallel_loop3A_804 = tpu.vector_load %arg6[%parallel_loop3A_800, %parallel_loop3A_801, %parallel_loop3A_802, %parallel_loop3A_803] {strides = array<i32>} : memref<2x4x8x1024xf32, #tpu.memory_space<vmem>>, vector<1x1x1x16xf32>,
        %parallel_loop3A_805 = vector.shape_cast %parallel_loop3A_804 : vector<1x1x1x16xf32> to vector<16xf32>
        %parallel_loop3A_806 = vector.shape_cast %parallel_loop3A_796 : vector<16xf32> to vector<1x1x1x16xf32>
        tpu.vector_store %arg6[%parallel_loop3A_800, %parallel_loop3A_801, %parallel_loop3A_802, %parallel_loop3A_803], %parallel_loop3A_806 {strides = array<i32>} : memref<2x4x8x1024xf32, #tpu.memory_space<vmem>>, vector<1x1x1x16xf32>,
        %parallel_loop3A_807 = arith.constant 0 : i32
        %parallel_loop3A_808 = arith.constant 2 : i32
        %parallel_loop3A_809 = arith.constant 6 : i32
        %parallel_loop3A_810 = arith.index_cast %parallel_loop3A_807 : i32 to index
        %parallel_loop3A_811 = arith.index_cast %parallel_loop3A_808 : i32 to index
        %parallel_loop3A_812 = arith.index_cast %parallel_loop3A_809 : i32 to index
        %parallel_loop3A_813 = arith.index_cast %parallel_loop3A_237 : i32 to index
        %parallel_loop3A_814 = tpu.vector_load %arg6[%parallel_loop3A_810, %parallel_loop3A_811, %parallel_loop3A_812, %parallel_loop3A_813] {strides = array<i32>} : memref<2x4x8x1024xf32, #tpu.memory_space<vmem>>, vector<1x1x1x16xf32>,
        %parallel_loop3A_815 = vector.shape_cast %parallel_loop3A_814 : vector<1x1x1x16xf32> to vector<16xf32>
        %parallel_loop3A_816 = arith.addf %parallel_loop3A_815, %parallel_loop3A_766 : vector<16xf32>
        %parallel_loop3A_817 = arith.constant 0 : i32
        %parallel_loop3A_818 = arith.constant 2 : i32
        %parallel_loop3A_819 = arith.constant 6 : i32
        %parallel_loop3A_820 = arith.index_cast %parallel_loop3A_817 : i32 to index
        %parallel_loop3A_821 = arith.index_cast %parallel_loop3A_818 : i32 to index
        %parallel_loop3A_822 = arith.index_cast %parallel_loop3A_819 : i32 to index
        %parallel_loop3A_823 = arith.index_cast %parallel_loop3A_237 : i32 to index
        %parallel_loop3A_824 = tpu.vector_load %arg6[%parallel_loop3A_820, %parallel_loop3A_821, %parallel_loop3A_822, %parallel_loop3A_823] {strides = array<i32>} : memref<2x4x8x1024xf32, #tpu.memory_space<vmem>>, vector<1x1x1x16xf32>,
        %parallel_loop3A_825 = vector.shape_cast %parallel_loop3A_824 : vector<1x1x1x16xf32> to vector<16xf32>
        %parallel_loop3A_826 = vector.shape_cast %parallel_loop3A_816 : vector<16xf32> to vector<1x1x1x16xf32>
        tpu.vector_store %arg6[%parallel_loop3A_820, %parallel_loop3A_821, %parallel_loop3A_822, %parallel_loop3A_823], %parallel_loop3A_826 {strides = array<i32>} : memref<2x4x8x1024xf32, #tpu.memory_space<vmem>>, vector<1x1x1x16xf32>,
        %parallel_loop3A_827 = arith.constant 0 : i32
        %parallel_loop3A_828 = arith.constant 3 : i32
        %parallel_loop3A_829 = arith.constant 6 : i32
        %parallel_loop3A_830 = arith.index_cast %parallel_loop3A_827 : i32 to index
        %parallel_loop3A_831 = arith.index_cast %parallel_loop3A_828 : i32 to index
        %parallel_loop3A_832 = arith.index_cast %parallel_loop3A_829 : i32 to index
        %parallel_loop3A_833 = arith.index_cast %parallel_loop3A_237 : i32 to index
        %parallel_loop3A_834 = tpu.vector_load %arg6[%parallel_loop3A_830, %parallel_loop3A_831, %parallel_loop3A_832, %parallel_loop3A_833] {strides = array<i32>} : memref<2x4x8x1024xf32, #tpu.memory_space<vmem>>, vector<1x1x1x16xf32>,
        %parallel_loop3A_835 = vector.shape_cast %parallel_loop3A_834 : vector<1x1x1x16xf32> to vector<16xf32>
        %parallel_loop3A_836 = arith.addf %parallel_loop3A_835, %parallel_loop3A_766 : vector<16xf32>
        %parallel_loop3A_837 = arith.constant 0 : i32
        %parallel_loop3A_838 = arith.constant 3 : i32
        %parallel_loop3A_839 = arith.constant 6 : i32
        %parallel_loop3A_840 = arith.index_cast %parallel_loop3A_837 : i32 to index
        %parallel_loop3A_841 = arith.index_cast %parallel_loop3A_838 : i32 to index
        %parallel_loop3A_842 = arith.index_cast %parallel_loop3A_839 : i32 to index
        %parallel_loop3A_843 = arith.index_cast %parallel_loop3A_237 : i32 to index
        %parallel_loop3A_844 = tpu.vector_load %arg6[%parallel_loop3A_840, %parallel_loop3A_841, %parallel_loop3A_842, %parallel_loop3A_843] {strides = array<i32>} : memref<2x4x8x1024xf32, #tpu.memory_space<vmem>>, vector<1x1x1x16xf32>,
        %parallel_loop3A_845 = vector.shape_cast %parallel_loop3A_844 : vector<1x1x1x16xf32> to vector<16xf32>
        %parallel_loop3A_846 = vector.shape_cast %parallel_loop3A_836 : vector<16xf32> to vector<1x1x1x16xf32>
        tpu.vector_store %arg6[%parallel_loop3A_840, %parallel_loop3A_841, %parallel_loop3A_842, %parallel_loop3A_843], %parallel_loop3A_846 {strides = array<i32>} : memref<2x4x8x1024xf32, #tpu.memory_space<vmem>>, vector<1x1x1x16xf32>,
        %parallel_loop3A_847 = arith.constant 0 : i32
        %parallel_loop3A_848 = arith.constant 7 : i32
        %parallel_loop3A_849 = arith.index_cast %parallel_loop3A_847 : i32 to index
        %parallel_loop3A_850 = arith.index_cast %parallel_loop3A_848 : i32 to index
        %parallel_loop3A_851 = arith.index_cast %parallel_loop3A_237 : i32 to index
        %parallel_loop3A_852 = tpu.vector_load %arg5[%parallel_loop3A_849, %parallel_loop3A_850, %parallel_loop3A_851] {strides = array<i32>} : memref<2x8x1024xf32, #tpu.memory_space<vmem>>, vector<1x1x16xf32>,
        %parallel_loop3A_853 = vector.shape_cast %parallel_loop3A_852 : vector<1x1x16xf32> to vector<16xf32>
        %parallel_loop3A_854 = arith.constant 0 : i32
        %parallel_loop3A_855 = arith.constant 0 : i32
        %parallel_loop3A_856 = arith.constant 7 : i32
        %parallel_loop3A_857 = arith.index_cast %parallel_loop3A_854 : i32 to index
        %parallel_loop3A_858 = arith.index_cast %parallel_loop3A_855 : i32 to index
        %parallel_loop3A_859 = arith.index_cast %parallel_loop3A_856 : i32 to index
        %parallel_loop3A_860 = arith.index_cast %parallel_loop3A_237 : i32 to index
        %parallel_loop3A_861 = tpu.vector_load %arg6[%parallel_loop3A_857, %parallel_loop3A_858, %parallel_loop3A_859, %parallel_loop3A_860] {strides = array<i32>} : memref<2x4x8x1024xf32, #tpu.memory_space<vmem>>, vector<1x1x1x16xf32>,
        %parallel_loop3A_862 = vector.shape_cast %parallel_loop3A_861 : vector<1x1x1x16xf32> to vector<16xf32>
        %parallel_loop3A_863 = arith.addf %parallel_loop3A_862, %parallel_loop3A_853 : vector<16xf32>
        %parallel_loop3A_864 = arith.constant 0 : i32
        %parallel_loop3A_865 = arith.constant 0 : i32
        %parallel_loop3A_866 = arith.constant 7 : i32
        %parallel_loop3A_867 = arith.index_cast %parallel_loop3A_864 : i32 to index
        %parallel_loop3A_868 = arith.index_cast %parallel_loop3A_865 : i32 to index
        %parallel_loop3A_869 = arith.index_cast %parallel_loop3A_866 : i32 to index
        %parallel_loop3A_870 = arith.index_cast %parallel_loop3A_237 : i32 to index
        %parallel_loop3A_871 = tpu.vector_load %arg6[%parallel_loop3A_867, %parallel_loop3A_868, %parallel_loop3A_869, %parallel_loop3A_870] {strides = array<i32>} : memref<2x4x8x1024xf32, #tpu.memory_space<vmem>>, vector<1x1x1x16xf32>,
        %parallel_loop3A_872 = vector.shape_cast %parallel_loop3A_871 : vector<1x1x1x16xf32> to vector<16xf32>
        %parallel_loop3A_873 = vector.shape_cast %parallel_loop3A_863 : vector<16xf32> to vector<1x1x1x16xf32>
        tpu.vector_store %arg6[%parallel_loop3A_867, %parallel_loop3A_868, %parallel_loop3A_869, %parallel_loop3A_870], %parallel_loop3A_873 {strides = array<i32>} : memref<2x4x8x1024xf32, #tpu.memory_space<vmem>>, vector<1x1x1x16xf32>,
        %parallel_loop3A_874 = arith.constant 0 : i32
        %parallel_loop3A_875 = arith.constant 1 : i32
        %parallel_loop3A_876 = arith.constant 7 : i32
        %parallel_loop3A_877 = arith.index_cast %parallel_loop3A_874 : i32 to index
        %parallel_loop3A_878 = arith.index_cast %parallel_loop3A_875 : i32 to index
        %parallel_loop3A_879 = arith.index_cast %parallel_loop3A_876 : i32 to index
        %parallel_loop3A_880 = arith.index_cast %parallel_loop3A_237 : i32 to index
        %parallel_loop3A_881 = tpu.vector_load %arg6[%parallel_loop3A_877, %parallel_loop3A_878, %parallel_loop3A_879, %parallel_loop3A_880] {strides = array<i32>} : memref<2x4x8x1024xf32, #tpu.memory_space<vmem>>, vector<1x1x1x16xf32>,
        %parallel_loop3A_882 = vector.shape_cast %parallel_loop3A_881 : vector<1x1x1x16xf32> to vector<16xf32>
        %parallel_loop3A_883 = arith.addf %parallel_loop3A_882, %parallel_loop3A_853 : vector<16xf32>
        %parallel_loop3A_884 = arith.constant 0 : i32
        %parallel_loop3A_885 = arith.constant 1 : i32
        %parallel_loop3A_886 = arith.constant 7 : i32
        %parallel_loop3A_887 = arith.index_cast %parallel_loop3A_884 : i32 to index
        %parallel_loop3A_888 = arith.index_cast %parallel_loop3A_885 : i32 to index
        %parallel_loop3A_889 = arith.index_cast %parallel_loop3A_886 : i32 to index
        %parallel_loop3A_890 = arith.index_cast %parallel_loop3A_237 : i32 to index
        %parallel_loop3A_891 = tpu.vector_load %arg6[%parallel_loop3A_887, %parallel_loop3A_888, %parallel_loop3A_889, %parallel_loop3A_890] {strides = array<i32>} : memref<2x4x8x1024xf32, #tpu.memory_space<vmem>>, vector<1x1x1x16xf32>,
        %parallel_loop3A_892 = vector.shape_cast %parallel_loop3A_891 : vector<1x1x1x16xf32> to vector<16xf32>
        %parallel_loop3A_893 = vector.shape_cast %parallel_loop3A_883 : vector<16xf32> to vector<1x1x1x16xf32>
        tpu.vector_store %arg6[%parallel_loop3A_887, %parallel_loop3A_888, %parallel_loop3A_889, %parallel_loop3A_890], %parallel_loop3A_893 {strides = array<i32>} : memref<2x4x8x1024xf32, #tpu.memory_space<vmem>>, vector<1x1x1x16xf32>,
        %parallel_loop3A_894 = arith.constant 0 : i32
        %parallel_loop3A_895 = arith.constant 2 : i32
        %parallel_loop3A_896 = arith.constant 7 : i32
        %parallel_loop3A_897 = arith.index_cast %parallel_loop3A_894 : i32 to index
        %parallel_loop3A_898 = arith.index_cast %parallel_loop3A_895 : i32 to index
        %parallel_loop3A_899 = arith.index_cast %parallel_loop3A_896 : i32 to index
        %parallel_loop3A_900 = arith.index_cast %parallel_loop3A_237 : i32 to index
        %parallel_loop3A_901 = tpu.vector_load %arg6[%parallel_loop3A_897, %parallel_loop3A_898, %parallel_loop3A_899, %parallel_loop3A_900] {strides = array<i32>} : memref<2x4x8x1024xf32, #tpu.memory_space<vmem>>, vector<1x1x1x16xf32>,
        %parallel_loop3A_902 = vector.shape_cast %parallel_loop3A_901 : vector<1x1x1x16xf32> to vector<16xf32>
        %parallel_loop3A_903 = arith.addf %parallel_loop3A_902, %parallel_loop3A_853 : vector<16xf32>
        %parallel_loop3A_904 = arith.constant 0 : i32
        %parallel_loop3A_905 = arith.constant 2 : i32
        %parallel_loop3A_906 = arith.constant 7 : i32
        %parallel_loop3A_907 = arith.index_cast %parallel_loop3A_904 : i32 to index
        %parallel_loop3A_908 = arith.index_cast %parallel_loop3A_905 : i32 to index
        %parallel_loop3A_909 = arith.index_cast %parallel_loop3A_906 : i32 to index
        %parallel_loop3A_910 = arith.index_cast %parallel_loop3A_237 : i32 to index
        %parallel_loop3A_911 = tpu.vector_load %arg6[%parallel_loop3A_907, %parallel_loop3A_908, %parallel_loop3A_909, %parallel_loop3A_910] {strides = array<i32>} : memref<2x4x8x1024xf32, #tpu.memory_space<vmem>>, vector<1x1x1x16xf32>,
        %parallel_loop3A_912 = vector.shape_cast %parallel_loop3A_911 : vector<1x1x1x16xf32> to vector<16xf32>
        %parallel_loop3A_913 = vector.shape_cast %parallel_loop3A_903 : vector<16xf32> to vector<1x1x1x16xf32>
        tpu.vector_store %arg6[%parallel_loop3A_907, %parallel_loop3A_908, %parallel_loop3A_909, %parallel_loop3A_910], %parallel_loop3A_913 {strides = array<i32>} : memref<2x4x8x1024xf32, #tpu.memory_space<vmem>>, vector<1x1x1x16xf32>,
        %parallel_loop3A_914 = arith.constant 0 : i32
        %parallel_loop3A_915 = arith.constant 3 : i32
        %parallel_loop3A_916 = arith.constant 7 : i32
        %parallel_loop3A_917 = arith.index_cast %parallel_loop3A_914 : i32 to index
        %parallel_loop3A_918 = arith.index_cast %parallel_loop3A_915 : i32 to index
        %parallel_loop3A_919 = arith.index_cast %parallel_loop3A_916 : i32 to index
        %parallel_loop3A_920 = arith.index_cast %parallel_loop3A_237 : i32 to index
        %parallel_loop3A_921 = tpu.vector_load %arg6[%parallel_loop3A_917, %parallel_loop3A_918, %parallel_loop3A_919, %parallel_loop3A_920] {strides = array<i32>} : memref<2x4x8x1024xf32, #tpu.memory_space<vmem>>, vector<1x1x1x16xf32>,
        %parallel_loop3A_922 = vector.shape_cast %parallel_loop3A_921 : vector<1x1x1x16xf32> to vector<16xf32>
        %parallel_loop3A_923 = arith.addf %parallel_loop3A_922, %parallel_loop3A_853 : vector<16xf32>
        %parallel_loop3A_924 = arith.constant 0 : i32
        %parallel_loop3A_925 = arith.constant 3 : i32
        %parallel_loop3A_926 = arith.constant 7 : i32
        %parallel_loop3A_927 = arith.index_cast %parallel_loop3A_924 : i32 to index
        %parallel_loop3A_928 = arith.index_cast %parallel_loop3A_925 : i32 to index
        %parallel_loop3A_929 = arith.index_cast %parallel_loop3A_926 : i32 to index
        %parallel_loop3A_930 = arith.index_cast %parallel_loop3A_237 : i32 to index
        %parallel_loop3A_931 = tpu.vector_load %arg6[%parallel_loop3A_927, %parallel_loop3A_928, %parallel_loop3A_929, %parallel_loop3A_930] {strides = array<i32>} : memref<2x4x8x1024xf32, #tpu.memory_space<vmem>>, vector<1x1x1x16xf32>,
        %parallel_loop3A_932 = vector.shape_cast %parallel_loop3A_931 : vector<1x1x1x16xf32> to vector<16xf32>
        %parallel_loop3A_933 = vector.shape_cast %parallel_loop3A_923 : vector<16xf32> to vector<1x1x1x16xf32>
        tpu.vector_store %arg6[%parallel_loop3A_927, %parallel_loop3A_928, %parallel_loop3A_929, %parallel_loop3A_930], %parallel_loop3A_933 {strides = array<i32>} : memref<2x4x8x1024xf32, #tpu.memory_space<vmem>>, vector<1x1x1x16xf32>,
      } {sc.loop_unroll_factor = 2 : i64, sc.parallel_access}
      %mul3A_136 = arith.constant 8 : i32
      %mul3A_137 = arith.muli %mul3A_90, %mul3A_136 : i32
      %add3A_138 = arith.addi %mul3A_2, %mul3A_137 : i32
      %dma_start3A_139 = arith.constant 0 : i32
      %dma_start3A_140 = arith.constant 0 : i32
      %dma_start3A_141 = arith.constant 0 : i32
      %dma_start3A_142 = arith.constant 0 : i32
      %dma_start3A_143 = arith.constant 0 : i32
      %dma_start3A_144 = tpu.memref_slice %arg6[%dma_start3A_139, %dma_start3A_141, %dma_start3A_142, %dma_start3A_143] : memref<2x4x8x1024xf32, #tpu.memory_space<vmem>> -> memref<1x4x8x1024xf32, #tpu.memory_space<vmem>>
      %dma_start3A_145 = tpu.memref_squeeze %dma_start3A_144 : memref<1x4x8x1024xf32, #tpu.memory_space<vmem>> -> memref<4x8x1024xf32, #tpu.memory_space<vmem>>
      %dma_start3A_146 = arith.constant 0 : i32
      %dma_start3A_147 = arith.constant 0 : i32
      %dma_start3A_148 = tpu.memref_slice %arg4[%dma_start3A_146, %add3A_138, %dma_start3A_147] : memref<4x8192x1024xf32, #tpu.memory_space<hbm>> -> memref<4x8x1024xf32, #tpu.memory_space<hbm>>
      %dma_start3A_149 = tpu.memref_slice %arg8[%dma_start3A_140] : memref<2x!tpu.dma_semaphore, #tpu.memory_space<semaphore_mem>> -> memref<1x!tpu.dma_semaphore, #tpu.memory_space<semaphore_mem>>
      %dma_start3A_150 = tpu.memref_squeeze %dma_start3A_149 : memref<1x!tpu.dma_semaphore, #tpu.memory_space<semaphore_mem>> -> memref<!tpu.dma_semaphore, #tpu.memory_space<semaphore_mem>>
      %dma_start3A_151 = arith.constant 0 : i32
      %dma_start3A_152 = arith.constant 0 : i32
      %dma_start3A_153 = tpu.memref_slice %arg4[%dma_start3A_151, %add3A_138, %dma_start3A_152] : memref<4x8192x1024xf32, #tpu.memory_space<hbm>> -> memref<4x8x1024xf32, #tpu.memory_space<hbm>>
      %dma_start3A_154 = arith.constant 0 : i32
      %dma_start3A_155 = arith.constant 0 : i32
      %dma_start3A_156 = arith.constant 0 : i32
      %dma_start3A_157 = tpu.memref_slice %arg6[%dma_start3A_139, %dma_start3A_154, %dma_start3A_155, %dma_start3A_156] : memref<2x4x8x1024xf32, #tpu.memory_space<vmem>> -> memref<1x4x8x1024xf32, #tpu.memory_space<vmem>>
      %dma_start3A_158 = tpu.memref_squeeze %dma_start3A_157 : memref<1x4x8x1024xf32, #tpu.memory_space<vmem>> -> memref<4x8x1024xf32, #tpu.memory_space<vmem>>
      tpu.enqueue_dma source(%dma_start3A_158 : memref<4x8x1024xf32, #tpu.memory_space<vmem>>) target(%dma_start3A_153 : memref<4x8x1024xf32, #tpu.memory_space<hbm>>) target_semaphore(%dma_start3A_150 : memref<!tpu.dma_semaphore, #tpu.memory_space<semaphore_mem>>)
      %mul3A_159 = arith.constant 2 : i32
      %mul3A_160 = arith.muli %scan3A_88, %mul3A_159 : i32
      %add3A_161 = arith.constant 1 : i32
      %add3A_162 = arith.addi %mul3A_160, %add3A_161 : i32
      %add3A_163 = arith.constant 1 : i32
      %add3A_164 = arith.addi %add3A_162, %add3A_163 : i32
      %lt3A_165 = arith.constant 32 : i32
      %lt3A_166 = arith.cmpi slt, %add3A_164, %lt3A_165 : i32
      %convert_element_type3A_167 = arith.extui %lt3A_166 : i1 to i32
      %cond3A_168 = arith.constant 0 : i32
      %cond3A_169 = arith.cmpi ne, %convert_element_type3A_167, %cond3A_168 : i32
      scf.if %cond3A_169 {
        %ge3A = arith.constant 1 : i32
        %ge3A_235 = arith.cmpi sge, %add3A_162, %ge3A : i32
        %convert_element_type3A_236 = arith.extui %ge3A_235 : i1 to i32
        %cond3A_237 = arith.constant 0 : i32
        %cond3A_238 = arith.cmpi ne, %convert_element_type3A_236, %cond3A_237 : i32
        scf.if %cond3A_238 {
          %sub3A = arith.constant 1 : i32
          %sub3A_280 = arith.subi %add3A_162, %sub3A : i32
          %mul3A_281 = arith.constant 8 : i32
          %mul3A_282 = arith.muli %sub3A_280, %mul3A_281 : i32
          %add3A_283 = arith.addi %mul3A_2, %mul3A_282 : i32
          %dma_wait3A_284 = arith.constant 0 : i32
          %dma_wait3A_285 = arith.constant 0 : i32
          %dma_wait3A_286 = arith.constant 0 : i32
          %dma_wait3A_287 = arith.constant 0 : i32
          %dma_wait3A_288 = arith.constant 0 : i32
          %dma_wait3A_289 = tpu.memref_slice %arg6[%dma_wait3A_284, %dma_wait3A_286, %dma_wait3A_287, %dma_wait3A_288] : memref<2x4x8x1024xf32, #tpu.memory_space<vmem>> -> memref<1x4x8x1024xf32, #tpu.memory_space<vmem>>
          %dma_wait3A_290 = tpu.memref_squeeze %dma_wait3A_289 : memref<1x4x8x1024xf32, #tpu.memory_space<vmem>> -> memref<4x8x1024xf32, #tpu.memory_space<vmem>>
          %dma_wait3A_291 = arith.constant 0 : i32
          %dma_wait3A_292 = arith.constant 0 : i32
          %dma_wait3A_293 = tpu.memref_slice %arg4[%dma_wait3A_291, %add3A_283, %dma_wait3A_292] : memref<4x8192x1024xf32, #tpu.memory_space<hbm>> -> memref<4x8x1024xf32, #tpu.memory_space<hbm>>
          %dma_wait3A_294 = tpu.memref_slice %arg8[%dma_wait3A_285] : memref<2x!tpu.dma_semaphore, #tpu.memory_space<semaphore_mem>> -> memref<1x!tpu.dma_semaphore, #tpu.memory_space<semaphore_mem>>
          %dma_wait3A_295 = tpu.memref_squeeze %dma_wait3A_294 : memref<1x!tpu.dma_semaphore, #tpu.memory_space<semaphore_mem>> -> memref<!tpu.dma_semaphore, #tpu.memory_space<semaphore_mem>>
          %dma_wait3A_296 = arith.constant 0 : i32
          %dma_wait3A_297 = arith.constant 0 : i32
          %dma_wait3A_298 = tpu.memref_slice %arg4[%dma_wait3A_296, %add3A_283, %dma_wait3A_297] : memref<4x8192x1024xf32, #tpu.memory_space<hbm>> -> memref<4x8x1024xf32, #tpu.memory_space<hbm>>
          %dma_wait3A_299 = arith.constant 0 : i32
          %dma_wait3A_300 = arith.constant 0 : i32
          %dma_wait3A_301 = arith.constant 0 : i32
          %dma_wait3A_302 = tpu.memref_slice %arg6[%dma_wait3A_284, %dma_wait3A_299, %dma_wait3A_300, %dma_wait3A_301] : memref<2x4x8x1024xf32, #tpu.memory_space<vmem>> -> memref<1x4x8x1024xf32, #tpu.memory_space<vmem>>
          %dma_wait3A_303 = tpu.memref_squeeze %dma_wait3A_302 : memref<1x4x8x1024xf32, #tpu.memory_space<vmem>> -> memref<4x8x1024xf32, #tpu.memory_space<vmem>>
          tpu.wait_dma2 semaphore(%dma_wait3A_295 : memref<!tpu.dma_semaphore, #tpu.memory_space<semaphore_mem>>) src(%dma_wait3A_303 : memref<4x8x1024xf32, #tpu.memory_space<vmem>>) dst(%dma_wait3A_298 : memref<4x8x1024xf32, #tpu.memory_space<hbm>>)
        } else {
        }
        %add3A_239 = arith.constant 1 : i32
        %add3A_240 = arith.addi %add3A_162, %add3A_239 : i32
        %mul3A_241 = arith.constant 8 : i32
        %mul3A_242 = arith.muli %add3A_240, %mul3A_241 : i32
        %add3A_243 = arith.addi %mul3A_2, %mul3A_242 : i32
        %dma_start3A_244 = arith.constant 0 : i32
        %dma_start3A_245 = arith.constant 0 : i32
        %dma_start3A_246 = arith.constant 0 : i32
        %dma_start3A_247 = arith.constant 0 : i32
        %dma_start3A_248 = tpu.memref_slice %arg5[%dma_start3A_244, %dma_start3A_246, %dma_start3A_247] : memref<2x8x1024xf32, #tpu.memory_space<vmem>> -> memref<1x8x1024xf32, #tpu.memory_space<vmem>>
        %dma_start3A_249 = tpu.memref_squeeze %dma_start3A_248 : memref<1x8x1024xf32, #tpu.memory_space<vmem>> -> memref<8x1024xf32, #tpu.memory_space<vmem>>
        %dma_start3A_250 = arith.constant 0 : i32
        %dma_start3A_251 = tpu.memref_slice %arg3[%add3A_243, %dma_start3A_250] : memref<8192x1024xf32, #tpu.memory_space<hbm>> -> memref<8x1024xf32, #tpu.memory_space<hbm>>
        %dma_start3A_252 = tpu.memref_slice %arg7[%dma_start3A_245] : memref<2x!tpu.dma_semaphore, #tpu.memory_space<semaphore_mem>> -> memref<1x!tpu.dma_semaphore, #tpu.memory_space<semaphore_mem>>
        %dma_start3A_253 = tpu.memref_squeeze %dma_start3A_252 : memref<1x!tpu.dma_semaphore, #tpu.memory_space<semaphore_mem>> -> memref<!tpu.dma_semaphore, #tpu.memory_space<semaphore_mem>>
        %dma_start3A_254 = arith.constant 0 : i32
        %dma_start3A_255 = arith.constant 0 : i32
        %dma_start3A_256 = tpu.memref_slice %arg5[%dma_start3A_244, %dma_start3A_254, %dma_start3A_255] : memref<2x8x1024xf32, #tpu.memory_space<vmem>> -> memref<1x8x1024xf32, #tpu.memory_space<vmem>>
        %dma_start3A_257 = tpu.memref_squeeze %dma_start3A_256 : memref<1x8x1024xf32, #tpu.memory_space<vmem>> -> memref<8x1024xf32, #tpu.memory_space<vmem>>
        %dma_start3A_258 = arith.constant 0 : i32
        %dma_start3A_259 = tpu.memref_slice %arg3[%add3A_243, %dma_start3A_258] : memref<8192x1024xf32, #tpu.memory_space<hbm>> -> memref<8x1024xf32, #tpu.memory_space<hbm>>
        tpu.enqueue_dma source(%dma_start3A_259 : memref<8x1024xf32, #tpu.memory_space<hbm>>) target(%dma_start3A_257 : memref<8x1024xf32, #tpu.memory_space<vmem>>) target_semaphore(%dma_start3A_253 : memref<!tpu.dma_semaphore, #tpu.memory_space<semaphore_mem>>)
        %dma_start3A_260 = arith.constant 0 : i32
        %dma_start3A_261 = arith.constant 0 : i32
        %dma_start3A_262 = arith.constant 0 : i32
        %dma_start3A_263 = arith.constant 0 : i32
        %dma_start3A_264 = arith.constant 0 : i32
        %dma_start3A_265 = tpu.memref_slice %arg6[%dma_start3A_260, %dma_start3A_262, %dma_start3A_263, %dma_start3A_264] : memref<2x4x8x1024xf32, #tpu.memory_space<vmem>> -> memref<1x4x8x1024xf32, #tpu.memory_space<vmem>>
        %dma_start3A_266 = tpu.memref_squeeze %dma_start3A_265 : memref<1x4x8x1024xf32, #tpu.memory_space<vmem>> -> memref<4x8x1024xf32, #tpu.memory_space<vmem>>
        %dma_start3A_267 = arith.constant 0 : i32
        %dma_start3A_268 = arith.constant 0 : i32
        %dma_start3A_269 = tpu.memref_slice %arg2[%dma_start3A_267, %add3A_243, %dma_start3A_268] : memref<4x8192x1024xf32, #tpu.memory_space<hbm>> -> memref<4x8x1024xf32, #tpu.memory_space<hbm>>
        %dma_start3A_270 = tpu.memref_slice %arg7[%dma_start3A_261] : memref<2x!tpu.dma_semaphore, #tpu.memory_space<semaphore_mem>> -> memref<1x!tpu.dma_semaphore, #tpu.memory_space<semaphore_mem>>
        %dma_start3A_271 = tpu.memref_squeeze %dma_start3A_270 : memref<1x!tpu.dma_semaphore, #tpu.memory_space<semaphore_mem>> -> memref<!tpu.dma_semaphore, #tpu.memory_space<semaphore_mem>>
        %dma_start3A_272 = arith.constant 0 : i32
        %dma_start3A_273 = arith.constant 0 : i32
        %dma_start3A_274 = arith.constant 0 : i32
        %dma_start3A_275 = tpu.memref_slice %arg6[%dma_start3A_260, %dma_start3A_272, %dma_start3A_273, %dma_start3A_274] : memref<2x4x8x1024xf32, #tpu.memory_space<vmem>> -> memref<1x4x8x1024xf32, #tpu.memory_space<vmem>>
        %dma_start3A_276 = tpu.memref_squeeze %dma_start3A_275 : memref<1x4x8x1024xf32, #tpu.memory_space<vmem>> -> memref<4x8x1024xf32, #tpu.memory_space<vmem>>
        %dma_start3A_277 = arith.constant 0 : i32
        %dma_start3A_278 = arith.constant 0 : i32
        %dma_start3A_279 = tpu.memref_slice %arg2[%dma_start3A_277, %add3A_243, %dma_start3A_278] : memref<4x8192x1024xf32, #tpu.memory_space<hbm>> -> memref<4x8x1024xf32, #tpu.memory_space<hbm>>
        tpu.enqueue_dma source(%dma_start3A_279 : memref<4x8x1024xf32, #tpu.memory_space<hbm>>) target(%dma_start3A_276 : memref<4x8x1024xf32, #tpu.memory_space<vmem>>) target_semaphore(%dma_start3A_271 : memref<!tpu.dma_semaphore, #tpu.memory_space<semaphore_mem>>)
      } else {
      }
      %mul3A_170 = arith.constant 8 : i32
      %mul3A_171 = arith.muli %add3A_162, %mul3A_170 : i32
      %add3A_172 = arith.addi %mul3A_2, %mul3A_171 : i32
      %dma_wait3A_173 = arith.constant 1 : i32
      %dma_wait3A_174 = arith.constant 1 : i32
      %dma_wait3A_175 = arith.constant 0 : i32
      %dma_wait3A_176 = arith.constant 0 : i32
      %dma_wait3A_177 = tpu.memref_slice %arg5[%dma_wait3A_173, %dma_wait3A_175, %dma_wait3A_176] : memref<2x8x1024xf32, #tpu.memory_space<vmem>> -> memref<1x8x1024xf32, #tpu.memory_space<vmem>>
      %dma_wait3A_178 = tpu.memref_squeeze %dma_wait3A_177 : memref<1x8x1024xf32, #tpu.memory_space<vmem>> -> memref<8x1024xf32, #tpu.memory_space<vmem>>
      %dma_wait3A_179 = arith.constant 0 : i32
      %dma_wait3A_180 = tpu.memref_slice %arg3[%add3A_172, %dma_wait3A_179] : memref<8192x1024xf32, #tpu.memory_space<hbm>> -> memref<8x1024xf32, #tpu.memory_space<hbm>>
      %dma_wait3A_181 = tpu.memref_slice %arg7[%dma_wait3A_174] : memref<2x!tpu.dma_semaphore, #tpu.memory_space<semaphore_mem>> -> memref<1x!tpu.dma_semaphore, #tpu.memory_space<semaphore_mem>>
      %dma_wait3A_182 = tpu.memref_squeeze %dma_wait3A_181 : memref<1x!tpu.dma_semaphore, #tpu.memory_space<semaphore_mem>> -> memref<!tpu.dma_semaphore, #tpu.memory_space<semaphore_mem>>
      %dma_wait3A_183 = arith.constant 0 : i32
      %dma_wait3A_184 = arith.constant 0 : i32
      %dma_wait3A_185 = tpu.memref_slice %arg5[%dma_wait3A_173, %dma_wait3A_183, %dma_wait3A_184] : memref<2x8x1024xf32, #tpu.memory_space<vmem>> -> memref<1x8x1024xf32, #tpu.memory_space<vmem>>
      %dma_wait3A_186 = tpu.memref_squeeze %dma_wait3A_185 : memref<1x8x1024xf32, #tpu.memory_space<vmem>> -> memref<8x1024xf32, #tpu.memory_space<vmem>>
      %dma_wait3A_187 = arith.constant 0 : i32
      %dma_wait3A_188 = tpu.memref_slice %arg3[%add3A_172, %dma_wait3A_187] : memref<8192x1024xf32, #tpu.memory_space<hbm>> -> memref<8x1024xf32, #tpu.memory_space<hbm>>
      tpu.wait_dma2 semaphore(%dma_wait3A_182 : memref<!tpu.dma_semaphore, #tpu.memory_space<semaphore_mem>>) src(%dma_wait3A_188 : memref<8x1024xf32, #tpu.memory_space<hbm>>) dst(%dma_wait3A_186 : memref<8x1024xf32, #tpu.memory_space<vmem>>)
      %dma_wait3A_189 = arith.constant 1 : i32
      %dma_wait3A_190 = arith.constant 1 : i32
      %dma_wait3A_191 = arith.constant 0 : i32
      %dma_wait3A_192 = arith.constant 0 : i32
      %dma_wait3A_193 = arith.constant 0 : i32
      %dma_wait3A_194 = tpu.memref_slice %arg6[%dma_wait3A_189, %dma_wait3A_191, %dma_wait3A_192, %dma_wait3A_193] : memref<2x4x8x1024xf32, #tpu.memory_space<vmem>> -> memref<1x4x8x1024xf32, #tpu.memory_space<vmem>>
      %dma_wait3A_195 = tpu.memref_squeeze %dma_wait3A_194 : memref<1x4x8x1024xf32, #tpu.memory_space<vmem>> -> memref<4x8x1024xf32, #tpu.memory_space<vmem>>
      %dma_wait3A_196 = arith.constant 0 : i32
      %dma_wait3A_197 = arith.constant 0 : i32
      %dma_wait3A_198 = tpu.memref_slice %arg2[%dma_wait3A_196, %add3A_172, %dma_wait3A_197] : memref<4x8192x1024xf32, #tpu.memory_space<hbm>> -> memref<4x8x1024xf32, #tpu.memory_space<hbm>>
      %dma_wait3A_199 = tpu.memref_slice %arg7[%dma_wait3A_190] : memref<2x!tpu.dma_semaphore, #tpu.memory_space<semaphore_mem>> -> memref<1x!tpu.dma_semaphore, #tpu.memory_space<semaphore_mem>>
      %dma_wait3A_200 = tpu.memref_squeeze %dma_wait3A_199 : memref<1x!tpu.dma_semaphore, #tpu.memory_space<semaphore_mem>> -> memref<!tpu.dma_semaphore, #tpu.memory_space<semaphore_mem>>
      %dma_wait3A_201 = arith.constant 0 : i32
      %dma_wait3A_202 = arith.constant 0 : i32
      %dma_wait3A_203 = arith.constant 0 : i32
      %dma_wait3A_204 = tpu.memref_slice %arg6[%dma_wait3A_189, %dma_wait3A_201, %dma_wait3A_202, %dma_wait3A_203] : memref<2x4x8x1024xf32, #tpu.memory_space<vmem>> -> memref<1x4x8x1024xf32, #tpu.memory_space<vmem>>
      %dma_wait3A_205 = tpu.memref_squeeze %dma_wait3A_204 : memref<1x4x8x1024xf32, #tpu.memory_space<vmem>> -> memref<4x8x1024xf32, #tpu.memory_space<vmem>>
      %dma_wait3A_206 = arith.constant 0 : i32
      %dma_wait3A_207 = arith.constant 0 : i32
      %dma_wait3A_208 = tpu.memref_slice %arg2[%dma_wait3A_206, %add3A_172, %dma_wait3A_207] : memref<4x8192x1024xf32, #tpu.memory_space<hbm>> -> memref<4x8x1024xf32, #tpu.memory_space<hbm>>
      tpu.wait_dma2 semaphore(%dma_wait3A_200 : memref<!tpu.dma_semaphore, #tpu.memory_space<semaphore_mem>>) src(%dma_wait3A_208 : memref<4x8x1024xf32, #tpu.memory_space<hbm>>) dst(%dma_wait3A_205 : memref<4x8x1024xf32, #tpu.memory_space<vmem>>)
      %parallel_loop3A_209 = arith.constant 0 : i32
      %parallel_loop3A_210 = arith.constant 64 : i32
      %parallel_loop3A_211 = arith.constant 1 : i32
      scf.for %parallel_loop3A_235 = %parallel_loop3A_209 to %parallel_loop3A_210 step %parallel_loop3A_211  : i32 {
        %parallel_loop3A_236 = arith.constant 16 : i32
        %parallel_loop3A_237 = arith.muli %parallel_loop3A_235, %parallel_loop3A_236 : i32
        %parallel_loop3A_238 = arith.constant 1 : i32
        %parallel_loop3A_239 = arith.constant 0 : i32
        %parallel_loop3A_240 = arith.index_cast %parallel_loop3A_238 : i32 to index
        %parallel_loop3A_241 = arith.index_cast %parallel_loop3A_239 : i32 to index
        %parallel_loop3A_242 = arith.index_cast %parallel_loop3A_237 : i32 to index
        %parallel_loop3A_243 = tpu.vector_load %arg5[%parallel_loop3A_240, %parallel_loop3A_241, %parallel_loop3A_242] {strides = array<i32>} : memref<2x8x1024xf32, #tpu.memory_space<vmem>>, vector<1x1x16xf32>,
        %parallel_loop3A_244 = vector.shape_cast %parallel_loop3A_243 : vector<1x1x16xf32> to vector<16xf32>
        %parallel_loop3A_245 = arith.constant 1 : i32
        %parallel_loop3A_246 = arith.constant 0 : i32
        %parallel_loop3A_247 = arith.constant 0 : i32
        %parallel_loop3A_248 = arith.index_cast %parallel_loop3A_245 : i32 to index
        %parallel_loop3A_249 = arith.index_cast %parallel_loop3A_246 : i32 to index
        %parallel_loop3A_250 = arith.index_cast %parallel_loop3A_247 : i32 to index
        %parallel_loop3A_251 = arith.index_cast %parallel_loop3A_237 : i32 to index
        %parallel_loop3A_252 = tpu.vector_load %arg6[%parallel_loop3A_248, %parallel_loop3A_249, %parallel_loop3A_250, %parallel_loop3A_251] {strides = array<i32>} : memref<2x4x8x1024xf32, #tpu.memory_space<vmem>>, vector<1x1x1x16xf32>,
        %parallel_loop3A_253 = vector.shape_cast %parallel_loop3A_252 : vector<1x1x1x16xf32> to vector<16xf32>
        %parallel_loop3A_254 = arith.addf %parallel_loop3A_253, %parallel_loop3A_244 : vector<16xf32>
        %parallel_loop3A_255 = arith.constant 1 : i32
        %parallel_loop3A_256 = arith.constant 0 : i32
        %parallel_loop3A_257 = arith.constant 0 : i32
        %parallel_loop3A_258 = arith.index_cast %parallel_loop3A_255 : i32 to index
        %parallel_loop3A_259 = arith.index_cast %parallel_loop3A_256 : i32 to index
        %parallel_loop3A_260 = arith.index_cast %parallel_loop3A_257 : i32 to index
        %parallel_loop3A_261 = arith.index_cast %parallel_loop3A_237 : i32 to index
        %parallel_loop3A_262 = tpu.vector_load %arg6[%parallel_loop3A_258, %parallel_loop3A_259, %parallel_loop3A_260, %parallel_loop3A_261] {strides = array<i32>} : memref<2x4x8x1024xf32, #tpu.memory_space<vmem>>, vector<1x1x1x16xf32>,
        %parallel_loop3A_263 = vector.shape_cast %parallel_loop3A_262 : vector<1x1x1x16xf32> to vector<16xf32>
        %parallel_loop3A_264 = vector.shape_cast %parallel_loop3A_254 : vector<16xf32> to vector<1x1x1x16xf32>
        tpu.vector_store %arg6[%parallel_loop3A_258, %parallel_loop3A_259, %parallel_loop3A_260, %parallel_loop3A_261], %parallel_loop3A_264 {strides = array<i32>} : memref<2x4x8x1024xf32, #tpu.memory_space<vmem>>, vector<1x1x1x16xf32>,
        %parallel_loop3A_265 = arith.constant 1 : i32
        %parallel_loop3A_266 = arith.constant 1 : i32
        %parallel_loop3A_267 = arith.constant 0 : i32
        %parallel_loop3A_268 = arith.index_cast %parallel_loop3A_265 : i32 to index
        %parallel_loop3A_269 = arith.index_cast %parallel_loop3A_266 : i32 to index
        %parallel_loop3A_270 = arith.index_cast %parallel_loop3A_267 : i32 to index
        %parallel_loop3A_271 = arith.index_cast %parallel_loop3A_237 : i32 to index
        %parallel_loop3A_272 = tpu.vector_load %arg6[%parallel_loop3A_268, %parallel_loop3A_269, %parallel_loop3A_270, %parallel_loop3A_271] {strides = array<i32>} : memref<2x4x8x1024xf32, #tpu.memory_space<vmem>>, vector<1x1x1x16xf32>,
        %parallel_loop3A_273 = vector.shape_cast %parallel_loop3A_272 : vector<1x1x1x16xf32> to vector<16xf32>
        %parallel_loop3A_274 = arith.addf %parallel_loop3A_273, %parallel_loop3A_244 : vector<16xf32>
        %parallel_loop3A_275 = arith.constant 1 : i32
        %parallel_loop3A_276 = arith.constant 1 : i32
        %parallel_loop3A_277 = arith.constant 0 : i32
        %parallel_loop3A_278 = arith.index_cast %parallel_loop3A_275 : i32 to index
        %parallel_loop3A_279 = arith.index_cast %parallel_loop3A_276 : i32 to index
        %parallel_loop3A_280 = arith.index_cast %parallel_loop3A_277 : i32 to index
        %parallel_loop3A_281 = arith.index_cast %parallel_loop3A_237 : i32 to index
        %parallel_loop3A_282 = tpu.vector_load %arg6[%parallel_loop3A_278, %parallel_loop3A_279, %parallel_loop3A_280, %parallel_loop3A_281] {strides = array<i32>} : memref<2x4x8x1024xf32, #tpu.memory_space<vmem>>, vector<1x1x1x16xf32>,
        %parallel_loop3A_283 = vector.shape_cast %parallel_loop3A_282 : vector<1x1x1x16xf32> to vector<16xf32>
        %parallel_loop3A_284 = vector.shape_cast %parallel_loop3A_274 : vector<16xf32> to vector<1x1x1x16xf32>
        tpu.vector_store %arg6[%parallel_loop3A_278, %parallel_loop3A_279, %parallel_loop3A_280, %parallel_loop3A_281], %parallel_loop3A_284 {strides = array<i32>} : memref<2x4x8x1024xf32, #tpu.memory_space<vmem>>, vector<1x1x1x16xf32>,
        %parallel_loop3A_285 = arith.constant 1 : i32
        %parallel_loop3A_286 = arith.constant 2 : i32
        %parallel_loop3A_287 = arith.constant 0 : i32
        %parallel_loop3A_288 = arith.index_cast %parallel_loop3A_285 : i32 to index
        %parallel_loop3A_289 = arith.index_cast %parallel_loop3A_286 : i32 to index
        %parallel_loop3A_290 = arith.index_cast %parallel_loop3A_287 : i32 to index
        %parallel_loop3A_291 = arith.index_cast %parallel_loop3A_237 : i32 to index
        %parallel_loop3A_292 = tpu.vector_load %arg6[%parallel_loop3A_288, %parallel_loop3A_289, %parallel_loop3A_290, %parallel_loop3A_291] {strides = array<i32>} : memref<2x4x8x1024xf32, #tpu.memory_space<vmem>>, vector<1x1x1x16xf32>,
        %parallel_loop3A_293 = vector.shape_cast %parallel_loop3A_292 : vector<1x1x1x16xf32> to vector<16xf32>
        %parallel_loop3A_294 = arith.addf %parallel_loop3A_293, %parallel_loop3A_244 : vector<16xf32>
        %parallel_loop3A_295 = arith.constant 1 : i32
        %parallel_loop3A_296 = arith.constant 2 : i32
        %parallel_loop3A_297 = arith.constant 0 : i32
        %parallel_loop3A_298 = arith.index_cast %parallel_loop3A_295 : i32 to index
        %parallel_loop3A_299 = arith.index_cast %parallel_loop3A_296 : i32 to index
        %parallel_loop3A_300 = arith.index_cast %parallel_loop3A_297 : i32 to index
        %parallel_loop3A_301 = arith.index_cast %parallel_loop3A_237 : i32 to index
        %parallel_loop3A_302 = tpu.vector_load %arg6[%parallel_loop3A_298, %parallel_loop3A_299, %parallel_loop3A_300, %parallel_loop3A_301] {strides = array<i32>} : memref<2x4x8x1024xf32, #tpu.memory_space<vmem>>, vector<1x1x1x16xf32>,
        %parallel_loop3A_303 = vector.shape_cast %parallel_loop3A_302 : vector<1x1x1x16xf32> to vector<16xf32>
        %parallel_loop3A_304 = vector.shape_cast %parallel_loop3A_294 : vector<16xf32> to vector<1x1x1x16xf32>
        tpu.vector_store %arg6[%parallel_loop3A_298, %parallel_loop3A_299, %parallel_loop3A_300, %parallel_loop3A_301], %parallel_loop3A_304 {strides = array<i32>} : memref<2x4x8x1024xf32, #tpu.memory_space<vmem>>, vector<1x1x1x16xf32>,
        %parallel_loop3A_305 = arith.constant 1 : i32
        %parallel_loop3A_306 = arith.constant 3 : i32
        %parallel_loop3A_307 = arith.constant 0 : i32
        %parallel_loop3A_308 = arith.index_cast %parallel_loop3A_305 : i32 to index
        %parallel_loop3A_309 = arith.index_cast %parallel_loop3A_306 : i32 to index
        %parallel_loop3A_310 = arith.index_cast %parallel_loop3A_307 : i32 to index
        %parallel_loop3A_311 = arith.index_cast %parallel_loop3A_237 : i32 to index
        %parallel_loop3A_312 = tpu.vector_load %arg6[%parallel_loop3A_308, %parallel_loop3A_309, %parallel_loop3A_310, %parallel_loop3A_311] {strides = array<i32>} : memref<2x4x8x1024xf32, #tpu.memory_space<vmem>>, vector<1x1x1x16xf32>,
        %parallel_loop3A_313 = vector.shape_cast %parallel_loop3A_312 : vector<1x1x1x16xf32> to vector<16xf32>
        %parallel_loop3A_314 = arith.addf %parallel_loop3A_313, %parallel_loop3A_244 : vector<16xf32>
        %parallel_loop3A_315 = arith.constant 1 : i32
        %parallel_loop3A_316 = arith.constant 3 : i32
        %parallel_loop3A_317 = arith.constant 0 : i32
        %parallel_loop3A_318 = arith.index_cast %parallel_loop3A_315 : i32 to index
        %parallel_loop3A_319 = arith.index_cast %parallel_loop3A_316 : i32 to index
        %parallel_loop3A_320 = arith.index_cast %parallel_loop3A_317 : i32 to index
        %parallel_loop3A_321 = arith.index_cast %parallel_loop3A_237 : i32 to index
        %parallel_loop3A_322 = tpu.vector_load %arg6[%parallel_loop3A_318, %parallel_loop3A_319, %parallel_loop3A_320, %parallel_loop3A_321] {strides = array<i32>} : memref<2x4x8x1024xf32, #tpu.memory_space<vmem>>, vector<1x1x1x16xf32>,
        %parallel_loop3A_323 = vector.shape_cast %parallel_loop3A_322 : vector<1x1x1x16xf32> to vector<16xf32>
        %parallel_loop3A_324 = vector.shape_cast %parallel_loop3A_314 : vector<16xf32> to vector<1x1x1x16xf32>
        tpu.vector_store %arg6[%parallel_loop3A_318, %parallel_loop3A_319, %parallel_loop3A_320, %parallel_loop3A_321], %parallel_loop3A_324 {strides = array<i32>} : memref<2x4x8x1024xf32, #tpu.memory_space<vmem>>, vector<1x1x1x16xf32>,
        %parallel_loop3A_325 = arith.constant 1 : i32
        %parallel_loop3A_326 = arith.constant 1 : i32
        %parallel_loop3A_327 = arith.index_cast %parallel_loop3A_325 : i32 to index
        %parallel_loop3A_328 = arith.index_cast %parallel_loop3A_326 : i32 to index
        %parallel_loop3A_329 = arith.index_cast %parallel_loop3A_237 : i32 to index
        %parallel_loop3A_330 = tpu.vector_load %arg5[%parallel_loop3A_327, %parallel_loop3A_328, %parallel_loop3A_329] {strides = array<i32>} : memref<2x8x1024xf32, #tpu.memory_space<vmem>>, vector<1x1x16xf32>,
        %parallel_loop3A_331 = vector.shape_cast %parallel_loop3A_330 : vector<1x1x16xf32> to vector<16xf32>
        %parallel_loop3A_332 = arith.constant 1 : i32
        %parallel_loop3A_333 = arith.constant 0 : i32
        %parallel_loop3A_334 = arith.constant 1 : i32
        %parallel_loop3A_335 = arith.index_cast %parallel_loop3A_332 : i32 to index
        %parallel_loop3A_336 = arith.index_cast %parallel_loop3A_333 : i32 to index
        %parallel_loop3A_337 = arith.index_cast %parallel_loop3A_334 : i32 to index
        %parallel_loop3A_338 = arith.index_cast %parallel_loop3A_237 : i32 to index
        %parallel_loop3A_339 = tpu.vector_load %arg6[%parallel_loop3A_335, %parallel_loop3A_336, %parallel_loop3A_337, %parallel_loop3A_338] {strides = array<i32>} : memref<2x4x8x1024xf32, #tpu.memory_space<vmem>>, vector<1x1x1x16xf32>,
        %parallel_loop3A_340 = vector.shape_cast %parallel_loop3A_339 : vector<1x1x1x16xf32> to vector<16xf32>
        %parallel_loop3A_341 = arith.addf %parallel_loop3A_340, %parallel_loop3A_331 : vector<16xf32>
        %parallel_loop3A_342 = arith.constant 1 : i32
        %parallel_loop3A_343 = arith.constant 0 : i32
        %parallel_loop3A_344 = arith.constant 1 : i32
        %parallel_loop3A_345 = arith.index_cast %parallel_loop3A_342 : i32 to index
        %parallel_loop3A_346 = arith.index_cast %parallel_loop3A_343 : i32 to index
        %parallel_loop3A_347 = arith.index_cast %parallel_loop3A_344 : i32 to index
        %parallel_loop3A_348 = arith.index_cast %parallel_loop3A_237 : i32 to index
        %parallel_loop3A_349 = tpu.vector_load %arg6[%parallel_loop3A_345, %parallel_loop3A_346, %parallel_loop3A_347, %parallel_loop3A_348] {strides = array<i32>} : memref<2x4x8x1024xf32, #tpu.memory_space<vmem>>, vector<1x1x1x16xf32>,
        %parallel_loop3A_350 = vector.shape_cast %parallel_loop3A_349 : vector<1x1x1x16xf32> to vector<16xf32>
        %parallel_loop3A_351 = vector.shape_cast %parallel_loop3A_341 : vector<16xf32> to vector<1x1x1x16xf32>
        tpu.vector_store %arg6[%parallel_loop3A_345, %parallel_loop3A_346, %parallel_loop3A_347, %parallel_loop3A_348], %parallel_loop3A_351 {strides = array<i32>} : memref<2x4x8x1024xf32, #tpu.memory_space<vmem>>, vector<1x1x1x16xf32>,
        %parallel_loop3A_352 = arith.constant 1 : i32
        %parallel_loop3A_353 = arith.constant 1 : i32
        %parallel_loop3A_354 = arith.constant 1 : i32
        %parallel_loop3A_355 = arith.index_cast %parallel_loop3A_352 : i32 to index
        %parallel_loop3A_356 = arith.index_cast %parallel_loop3A_353 : i32 to index
        %parallel_loop3A_357 = arith.index_cast %parallel_loop3A_354 : i32 to index
        %parallel_loop3A_358 = arith.index_cast %parallel_loop3A_237 : i32 to index
        %parallel_loop3A_359 = tpu.vector_load %arg6[%parallel_loop3A_355, %parallel_loop3A_356, %parallel_loop3A_357, %parallel_loop3A_358] {strides = array<i32>} : memref<2x4x8x1024xf32, #tpu.memory_space<vmem>>, vector<1x1x1x16xf32>,
        %parallel_loop3A_360 = vector.shape_cast %parallel_loop3A_359 : vector<1x1x1x16xf32> to vector<16xf32>
        %parallel_loop3A_361 = arith.addf %parallel_loop3A_360, %parallel_loop3A_331 : vector<16xf32>
        %parallel_loop3A_362 = arith.constant 1 : i32
        %parallel_loop3A_363 = arith.constant 1 : i32
        %parallel_loop3A_364 = arith.constant 1 : i32
        %parallel_loop3A_365 = arith.index_cast %parallel_loop3A_362 : i32 to index
        %parallel_loop3A_366 = arith.index_cast %parallel_loop3A_363 : i32 to index
        %parallel_loop3A_367 = arith.index_cast %parallel_loop3A_364 : i32 to index
        %parallel_loop3A_368 = arith.index_cast %parallel_loop3A_237 : i32 to index
        %parallel_loop3A_369 = tpu.vector_load %arg6[%parallel_loop3A_365, %parallel_loop3A_366, %parallel_loop3A_367, %parallel_loop3A_368] {strides = array<i32>} : memref<2x4x8x1024xf32, #tpu.memory_space<vmem>>, vector<1x1x1x16xf32>,
        %parallel_loop3A_370 = vector.shape_cast %parallel_loop3A_369 : vector<1x1x1x16xf32> to vector<16xf32>
        %parallel_loop3A_371 = vector.shape_cast %parallel_loop3A_361 : vector<16xf32> to vector<1x1x1x16xf32>
        tpu.vector_store %arg6[%parallel_loop3A_365, %parallel_loop3A_366, %parallel_loop3A_367, %parallel_loop3A_368], %parallel_loop3A_371 {strides = array<i32>} : memref<2x4x8x1024xf32, #tpu.memory_space<vmem>>, vector<1x1x1x16xf32>,
        %parallel_loop3A_372 = arith.constant 1 : i32
        %parallel_loop3A_373 = arith.constant 2 : i32
        %parallel_loop3A_374 = arith.constant 1 : i32
        %parallel_loop3A_375 = arith.index_cast %parallel_loop3A_372 : i32 to index
        %parallel_loop3A_376 = arith.index_cast %parallel_loop3A_373 : i32 to index
        %parallel_loop3A_377 = arith.index_cast %parallel_loop3A_374 : i32 to index
        %parallel_loop3A_378 = arith.index_cast %parallel_loop3A_237 : i32 to index
        %parallel_loop3A_379 = tpu.vector_load %arg6[%parallel_loop3A_375, %parallel_loop3A_376, %parallel_loop3A_377, %parallel_loop3A_378] {strides = array<i32>} : memref<2x4x8x1024xf32, #tpu.memory_space<vmem>>, vector<1x1x1x16xf32>,
        %parallel_loop3A_380 = vector.shape_cast %parallel_loop3A_379 : vector<1x1x1x16xf32> to vector<16xf32>
        %parallel_loop3A_381 = arith.addf %parallel_loop3A_380, %parallel_loop3A_331 : vector<16xf32>
        %parallel_loop3A_382 = arith.constant 1 : i32
        %parallel_loop3A_383 = arith.constant 2 : i32
        %parallel_loop3A_384 = arith.constant 1 : i32
        %parallel_loop3A_385 = arith.index_cast %parallel_loop3A_382 : i32 to index
        %parallel_loop3A_386 = arith.index_cast %parallel_loop3A_383 : i32 to index
        %parallel_loop3A_387 = arith.index_cast %parallel_loop3A_384 : i32 to index
        %parallel_loop3A_388 = arith.index_cast %parallel_loop3A_237 : i32 to index
        %parallel_loop3A_389 = tpu.vector_load %arg6[%parallel_loop3A_385, %parallel_loop3A_386, %parallel_loop3A_387, %parallel_loop3A_388] {strides = array<i32>} : memref<2x4x8x1024xf32, #tpu.memory_space<vmem>>, vector<1x1x1x16xf32>,
        %parallel_loop3A_390 = vector.shape_cast %parallel_loop3A_389 : vector<1x1x1x16xf32> to vector<16xf32>
        %parallel_loop3A_391 = vector.shape_cast %parallel_loop3A_381 : vector<16xf32> to vector<1x1x1x16xf32>
        tpu.vector_store %arg6[%parallel_loop3A_385, %parallel_loop3A_386, %parallel_loop3A_387, %parallel_loop3A_388], %parallel_loop3A_391 {strides = array<i32>} : memref<2x4x8x1024xf32, #tpu.memory_space<vmem>>, vector<1x1x1x16xf32>,
        %parallel_loop3A_392 = arith.constant 1 : i32
        %parallel_loop3A_393 = arith.constant 3 : i32
        %parallel_loop3A_394 = arith.constant 1 : i32
        %parallel_loop3A_395 = arith.index_cast %parallel_loop3A_392 : i32 to index
        %parallel_loop3A_396 = arith.index_cast %parallel_loop3A_393 : i32 to index
        %parallel_loop3A_397 = arith.index_cast %parallel_loop3A_394 : i32 to index
        %parallel_loop3A_398 = arith.index_cast %parallel_loop3A_237 : i32 to index
        %parallel_loop3A_399 = tpu.vector_load %arg6[%parallel_loop3A_395, %parallel_loop3A_396, %parallel_loop3A_397, %parallel_loop3A_398] {strides = array<i32>} : memref<2x4x8x1024xf32, #tpu.memory_space<vmem>>, vector<1x1x1x16xf32>,
        %parallel_loop3A_400 = vector.shape_cast %parallel_loop3A_399 : vector<1x1x1x16xf32> to vector<16xf32>
        %parallel_loop3A_401 = arith.addf %parallel_loop3A_400, %parallel_loop3A_331 : vector<16xf32>
        %parallel_loop3A_402 = arith.constant 1 : i32
        %parallel_loop3A_403 = arith.constant 3 : i32
        %parallel_loop3A_404 = arith.constant 1 : i32
        %parallel_loop3A_405 = arith.index_cast %parallel_loop3A_402 : i32 to index
        %parallel_loop3A_406 = arith.index_cast %parallel_loop3A_403 : i32 to index
        %parallel_loop3A_407 = arith.index_cast %parallel_loop3A_404 : i32 to index
        %parallel_loop3A_408 = arith.index_cast %parallel_loop3A_237 : i32 to index
        %parallel_loop3A_409 = tpu.vector_load %arg6[%parallel_loop3A_405, %parallel_loop3A_406, %parallel_loop3A_407, %parallel_loop3A_408] {strides = array<i32>} : memref<2x4x8x1024xf32, #tpu.memory_space<vmem>>, vector<1x1x1x16xf32>,
        %parallel_loop3A_410 = vector.shape_cast %parallel_loop3A_409 : vector<1x1x1x16xf32> to vector<16xf32>
        %parallel_loop3A_411 = vector.shape_cast %parallel_loop3A_401 : vector<16xf32> to vector<1x1x1x16xf32>
        tpu.vector_store %arg6[%parallel_loop3A_405, %parallel_loop3A_406, %parallel_loop3A_407, %parallel_loop3A_408], %parallel_loop3A_411 {strides = array<i32>} : memref<2x4x8x1024xf32, #tpu.memory_space<vmem>>, vector<1x1x1x16xf32>,
        %parallel_loop3A_412 = arith.constant 1 : i32
        %parallel_loop3A_413 = arith.constant 2 : i32
        %parallel_loop3A_414 = arith.index_cast %parallel_loop3A_412 : i32 to index
        %parallel_loop3A_415 = arith.index_cast %parallel_loop3A_413 : i32 to index
        %parallel_loop3A_416 = arith.index_cast %parallel_loop3A_237 : i32 to index
        %parallel_loop3A_417 = tpu.vector_load %arg5[%parallel_loop3A_414, %parallel_loop3A_415, %parallel_loop3A_416] {strides = array<i32>} : memref<2x8x1024xf32, #tpu.memory_space<vmem>>, vector<1x1x16xf32>,
        %parallel_loop3A_418 = vector.shape_cast %parallel_loop3A_417 : vector<1x1x16xf32> to vector<16xf32>
        %parallel_loop3A_419 = arith.constant 1 : i32
        %parallel_loop3A_420 = arith.constant 0 : i32
        %parallel_loop3A_421 = arith.constant 2 : i32
        %parallel_loop3A_422 = arith.index_cast %parallel_loop3A_419 : i32 to index
        %parallel_loop3A_423 = arith.index_cast %parallel_loop3A_420 : i32 to index
        %parallel_loop3A_424 = arith.index_cast %parallel_loop3A_421 : i32 to index
        %parallel_loop3A_425 = arith.index_cast %parallel_loop3A_237 : i32 to index
        %parallel_loop3A_426 = tpu.vector_load %arg6[%parallel_loop3A_422, %parallel_loop3A_423, %parallel_loop3A_424, %parallel_loop3A_425] {strides = array<i32>} : memref<2x4x8x1024xf32, #tpu.memory_space<vmem>>, vector<1x1x1x16xf32>,
        %parallel_loop3A_427 = vector.shape_cast %parallel_loop3A_426 : vector<1x1x1x16xf32> to vector<16xf32>
        %parallel_loop3A_428 = arith.addf %parallel_loop3A_427, %parallel_loop3A_418 : vector<16xf32>
        %parallel_loop3A_429 = arith.constant 1 : i32
        %parallel_loop3A_430 = arith.constant 0 : i32
        %parallel_loop3A_431 = arith.constant 2 : i32
        %parallel_loop3A_432 = arith.index_cast %parallel_loop3A_429 : i32 to index
        %parallel_loop3A_433 = arith.index_cast %parallel_loop3A_430 : i32 to index
        %parallel_loop3A_434 = arith.index_cast %parallel_loop3A_431 : i32 to index
        %parallel_loop3A_435 = arith.index_cast %parallel_loop3A_237 : i32 to index
        %parallel_loop3A_436 = tpu.vector_load %arg6[%parallel_loop3A_432, %parallel_loop3A_433, %parallel_loop3A_434, %parallel_loop3A_435] {strides = array<i32>} : memref<2x4x8x1024xf32, #tpu.memory_space<vmem>>, vector<1x1x1x16xf32>,
        %parallel_loop3A_437 = vector.shape_cast %parallel_loop3A_436 : vector<1x1x1x16xf32> to vector<16xf32>
        %parallel_loop3A_438 = vector.shape_cast %parallel_loop3A_428 : vector<16xf32> to vector<1x1x1x16xf32>
        tpu.vector_store %arg6[%parallel_loop3A_432, %parallel_loop3A_433, %parallel_loop3A_434, %parallel_loop3A_435], %parallel_loop3A_438 {strides = array<i32>} : memref<2x4x8x1024xf32, #tpu.memory_space<vmem>>, vector<1x1x1x16xf32>,
        %parallel_loop3A_439 = arith.constant 1 : i32
        %parallel_loop3A_440 = arith.constant 1 : i32
        %parallel_loop3A_441 = arith.constant 2 : i32
        %parallel_loop3A_442 = arith.index_cast %parallel_loop3A_439 : i32 to index
        %parallel_loop3A_443 = arith.index_cast %parallel_loop3A_440 : i32 to index
        %parallel_loop3A_444 = arith.index_cast %parallel_loop3A_441 : i32 to index
        %parallel_loop3A_445 = arith.index_cast %parallel_loop3A_237 : i32 to index
        %parallel_loop3A_446 = tpu.vector_load %arg6[%parallel_loop3A_442, %parallel_loop3A_443, %parallel_loop3A_444, %parallel_loop3A_445] {strides = array<i32>} : memref<2x4x8x1024xf32, #tpu.memory_space<vmem>>, vector<1x1x1x16xf32>,
        %parallel_loop3A_447 = vector.shape_cast %parallel_loop3A_446 : vector<1x1x1x16xf32> to vector<16xf32>
        %parallel_loop3A_448 = arith.addf %parallel_loop3A_447, %parallel_loop3A_418 : vector<16xf32>
        %parallel_loop3A_449 = arith.constant 1 : i32
        %parallel_loop3A_450 = arith.constant 1 : i32
        %parallel_loop3A_451 = arith.constant 2 : i32
        %parallel_loop3A_452 = arith.index_cast %parallel_loop3A_449 : i32 to index
        %parallel_loop3A_453 = arith.index_cast %parallel_loop3A_450 : i32 to index
        %parallel_loop3A_454 = arith.index_cast %parallel_loop3A_451 : i32 to index
        %parallel_loop3A_455 = arith.index_cast %parallel_loop3A_237 : i32 to index
        %parallel_loop3A_456 = tpu.vector_load %arg6[%parallel_loop3A_452, %parallel_loop3A_453, %parallel_loop3A_454, %parallel_loop3A_455] {strides = array<i32>} : memref<2x4x8x1024xf32, #tpu.memory_space<vmem>>, vector<1x1x1x16xf32>,
        %parallel_loop3A_457 = vector.shape_cast %parallel_loop3A_456 : vector<1x1x1x16xf32> to vector<16xf32>
        %parallel_loop3A_458 = vector.shape_cast %parallel_loop3A_448 : vector<16xf32> to vector<1x1x1x16xf32>
        tpu.vector_store %arg6[%parallel_loop3A_452, %parallel_loop3A_453, %parallel_loop3A_454, %parallel_loop3A_455], %parallel_loop3A_458 {strides = array<i32>} : memref<2x4x8x1024xf32, #tpu.memory_space<vmem>>, vector<1x1x1x16xf32>,
        %parallel_loop3A_459 = arith.constant 1 : i32
        %parallel_loop3A_460 = arith.constant 2 : i32
        %parallel_loop3A_461 = arith.constant 2 : i32
        %parallel_loop3A_462 = arith.index_cast %parallel_loop3A_459 : i32 to index
        %parallel_loop3A_463 = arith.index_cast %parallel_loop3A_460 : i32 to index
        %parallel_loop3A_464 = arith.index_cast %parallel_loop3A_461 : i32 to index
        %parallel_loop3A_465 = arith.index_cast %parallel_loop3A_237 : i32 to index
        %parallel_loop3A_466 = tpu.vector_load %arg6[%parallel_loop3A_462, %parallel_loop3A_463, %parallel_loop3A_464, %parallel_loop3A_465] {strides = array<i32>} : memref<2x4x8x1024xf32, #tpu.memory_space<vmem>>, vector<1x1x1x16xf32>,
        %parallel_loop3A_467 = vector.shape_cast %parallel_loop3A_466 : vector<1x1x1x16xf32> to vector<16xf32>
        %parallel_loop3A_468 = arith.addf %parallel_loop3A_467, %parallel_loop3A_418 : vector<16xf32>
        %parallel_loop3A_469 = arith.constant 1 : i32
        %parallel_loop3A_470 = arith.constant 2 : i32
        %parallel_loop3A_471 = arith.constant 2 : i32
        %parallel_loop3A_472 = arith.index_cast %parallel_loop3A_469 : i32 to index
        %parallel_loop3A_473 = arith.index_cast %parallel_loop3A_470 : i32 to index
        %parallel_loop3A_474 = arith.index_cast %parallel_loop3A_471 : i32 to index
        %parallel_loop3A_475 = arith.index_cast %parallel_loop3A_237 : i32 to index
        %parallel_loop3A_476 = tpu.vector_load %arg6[%parallel_loop3A_472, %parallel_loop3A_473, %parallel_loop3A_474, %parallel_loop3A_475] {strides = array<i32>} : memref<2x4x8x1024xf32, #tpu.memory_space<vmem>>, vector<1x1x1x16xf32>,
        %parallel_loop3A_477 = vector.shape_cast %parallel_loop3A_476 : vector<1x1x1x16xf32> to vector<16xf32>
        %parallel_loop3A_478 = vector.shape_cast %parallel_loop3A_468 : vector<16xf32> to vector<1x1x1x16xf32>
        tpu.vector_store %arg6[%parallel_loop3A_472, %parallel_loop3A_473, %parallel_loop3A_474, %parallel_loop3A_475], %parallel_loop3A_478 {strides = array<i32>} : memref<2x4x8x1024xf32, #tpu.memory_space<vmem>>, vector<1x1x1x16xf32>,
        %parallel_loop3A_479 = arith.constant 1 : i32
        %parallel_loop3A_480 = arith.constant 3 : i32
        %parallel_loop3A_481 = arith.constant 2 : i32
        %parallel_loop3A_482 = arith.index_cast %parallel_loop3A_479 : i32 to index
        %parallel_loop3A_483 = arith.index_cast %parallel_loop3A_480 : i32 to index
        %parallel_loop3A_484 = arith.index_cast %parallel_loop3A_481 : i32 to index
        %parallel_loop3A_485 = arith.index_cast %parallel_loop3A_237 : i32 to index
        %parallel_loop3A_486 = tpu.vector_load %arg6[%parallel_loop3A_482, %parallel_loop3A_483, %parallel_loop3A_484, %parallel_loop3A_485] {strides = array<i32>} : memref<2x4x8x1024xf32, #tpu.memory_space<vmem>>, vector<1x1x1x16xf32>,
        %parallel_loop3A_487 = vector.shape_cast %parallel_loop3A_486 : vector<1x1x1x16xf32> to vector<16xf32>
        %parallel_loop3A_488 = arith.addf %parallel_loop3A_487, %parallel_loop3A_418 : vector<16xf32>
        %parallel_loop3A_489 = arith.constant 1 : i32
        %parallel_loop3A_490 = arith.constant 3 : i32
        %parallel_loop3A_491 = arith.constant 2 : i32
        %parallel_loop3A_492 = arith.index_cast %parallel_loop3A_489 : i32 to index
        %parallel_loop3A_493 = arith.index_cast %parallel_loop3A_490 : i32 to index
        %parallel_loop3A_494 = arith.index_cast %parallel_loop3A_491 : i32 to index
        %parallel_loop3A_495 = arith.index_cast %parallel_loop3A_237 : i32 to index
        %parallel_loop3A_496 = tpu.vector_load %arg6[%parallel_loop3A_492, %parallel_loop3A_493, %parallel_loop3A_494, %parallel_loop3A_495] {strides = array<i32>} : memref<2x4x8x1024xf32, #tpu.memory_space<vmem>>, vector<1x1x1x16xf32>,
        %parallel_loop3A_497 = vector.shape_cast %parallel_loop3A_496 : vector<1x1x1x16xf32> to vector<16xf32>
        %parallel_loop3A_498 = vector.shape_cast %parallel_loop3A_488 : vector<16xf32> to vector<1x1x1x16xf32>
        tpu.vector_store %arg6[%parallel_loop3A_492, %parallel_loop3A_493, %parallel_loop3A_494, %parallel_loop3A_495], %parallel_loop3A_498 {strides = array<i32>} : memref<2x4x8x1024xf32, #tpu.memory_space<vmem>>, vector<1x1x1x16xf32>,
        %parallel_loop3A_499 = arith.constant 1 : i32
        %parallel_loop3A_500 = arith.constant 3 : i32
        %parallel_loop3A_501 = arith.index_cast %parallel_loop3A_499 : i32 to index
        %parallel_loop3A_502 = arith.index_cast %parallel_loop3A_500 : i32 to index
        %parallel_loop3A_503 = arith.index_cast %parallel_loop3A_237 : i32 to index
        %parallel_loop3A_504 = tpu.vector_load %arg5[%parallel_loop3A_501, %parallel_loop3A_502, %parallel_loop3A_503] {strides = array<i32>} : memref<2x8x1024xf32, #tpu.memory_space<vmem>>, vector<1x1x16xf32>,
        %parallel_loop3A_505 = vector.shape_cast %parallel_loop3A_504 : vector<1x1x16xf32> to vector<16xf32>
        %parallel_loop3A_506 = arith.constant 1 : i32
        %parallel_loop3A_507 = arith.constant 0 : i32
        %parallel_loop3A_508 = arith.constant 3 : i32
        %parallel_loop3A_509 = arith.index_cast %parallel_loop3A_506 : i32 to index
        %parallel_loop3A_510 = arith.index_cast %parallel_loop3A_507 : i32 to index
        %parallel_loop3A_511 = arith.index_cast %parallel_loop3A_508 : i32 to index
        %parallel_loop3A_512 = arith.index_cast %parallel_loop3A_237 : i32 to index
        %parallel_loop3A_513 = tpu.vector_load %arg6[%parallel_loop3A_509, %parallel_loop3A_510, %parallel_loop3A_511, %parallel_loop3A_512] {strides = array<i32>} : memref<2x4x8x1024xf32, #tpu.memory_space<vmem>>, vector<1x1x1x16xf32>,
        %parallel_loop3A_514 = vector.shape_cast %parallel_loop3A_513 : vector<1x1x1x16xf32> to vector<16xf32>
        %parallel_loop3A_515 = arith.addf %parallel_loop3A_514, %parallel_loop3A_505 : vector<16xf32>
        %parallel_loop3A_516 = arith.constant 1 : i32
        %parallel_loop3A_517 = arith.constant 0 : i32
        %parallel_loop3A_518 = arith.constant 3 : i32
        %parallel_loop3A_519 = arith.index_cast %parallel_loop3A_516 : i32 to index
        %parallel_loop3A_520 = arith.index_cast %parallel_loop3A_517 : i32 to index
        %parallel_loop3A_521 = arith.index_cast %parallel_loop3A_518 : i32 to index
        %parallel_loop3A_522 = arith.index_cast %parallel_loop3A_237 : i32 to index
        %parallel_loop3A_523 = tpu.vector_load %arg6[%parallel_loop3A_519, %parallel_loop3A_520, %parallel_loop3A_521, %parallel_loop3A_522] {strides = array<i32>} : memref<2x4x8x1024xf32, #tpu.memory_space<vmem>>, vector<1x1x1x16xf32>,
        %parallel_loop3A_524 = vector.shape_cast %parallel_loop3A_523 : vector<1x1x1x16xf32> to vector<16xf32>
        %parallel_loop3A_525 = vector.shape_cast %parallel_loop3A_515 : vector<16xf32> to vector<1x1x1x16xf32>
        tpu.vector_store %arg6[%parallel_loop3A_519, %parallel_loop3A_520, %parallel_loop3A_521, %parallel_loop3A_522], %parallel_loop3A_525 {strides = array<i32>} : memref<2x4x8x1024xf32, #tpu.memory_space<vmem>>, vector<1x1x1x16xf32>,
        %parallel_loop3A_526 = arith.constant 1 : i32
        %parallel_loop3A_527 = arith.constant 1 : i32
        %parallel_loop3A_528 = arith.constant 3 : i32
        %parallel_loop3A_529 = arith.index_cast %parallel_loop3A_526 : i32 to index
        %parallel_loop3A_530 = arith.index_cast %parallel_loop3A_527 : i32 to index
        %parallel_loop3A_531 = arith.index_cast %parallel_loop3A_528 : i32 to index
        %parallel_loop3A_532 = arith.index_cast %parallel_loop3A_237 : i32 to index
        %parallel_loop3A_533 = tpu.vector_load %arg6[%parallel_loop3A_529, %parallel_loop3A_530, %parallel_loop3A_531, %parallel_loop3A_532] {strides = array<i32>} : memref<2x4x8x1024xf32, #tpu.memory_space<vmem>>, vector<1x1x1x16xf32>,
        %parallel_loop3A_534 = vector.shape_cast %parallel_loop3A_533 : vector<1x1x1x16xf32> to vector<16xf32>
        %parallel_loop3A_535 = arith.addf %parallel_loop3A_534, %parallel_loop3A_505 : vector<16xf32>
        %parallel_loop3A_536 = arith.constant 1 : i32
        %parallel_loop3A_537 = arith.constant 1 : i32
        %parallel_loop3A_538 = arith.constant 3 : i32
        %parallel_loop3A_539 = arith.index_cast %parallel_loop3A_536 : i32 to index
        %parallel_loop3A_540 = arith.index_cast %parallel_loop3A_537 : i32 to index
        %parallel_loop3A_541 = arith.index_cast %parallel_loop3A_538 : i32 to index
        %parallel_loop3A_542 = arith.index_cast %parallel_loop3A_237 : i32 to index
        %parallel_loop3A_543 = tpu.vector_load %arg6[%parallel_loop3A_539, %parallel_loop3A_540, %parallel_loop3A_541, %parallel_loop3A_542] {strides = array<i32>} : memref<2x4x8x1024xf32, #tpu.memory_space<vmem>>, vector<1x1x1x16xf32>,
        %parallel_loop3A_544 = vector.shape_cast %parallel_loop3A_543 : vector<1x1x1x16xf32> to vector<16xf32>
        %parallel_loop3A_545 = vector.shape_cast %parallel_loop3A_535 : vector<16xf32> to vector<1x1x1x16xf32>
        tpu.vector_store %arg6[%parallel_loop3A_539, %parallel_loop3A_540, %parallel_loop3A_541, %parallel_loop3A_542], %parallel_loop3A_545 {strides = array<i32>} : memref<2x4x8x1024xf32, #tpu.memory_space<vmem>>, vector<1x1x1x16xf32>,
        %parallel_loop3A_546 = arith.constant 1 : i32
        %parallel_loop3A_547 = arith.constant 2 : i32
        %parallel_loop3A_548 = arith.constant 3 : i32
        %parallel_loop3A_549 = arith.index_cast %parallel_loop3A_546 : i32 to index
        %parallel_loop3A_550 = arith.index_cast %parallel_loop3A_547 : i32 to index
        %parallel_loop3A_551 = arith.index_cast %parallel_loop3A_548 : i32 to index
        %parallel_loop3A_552 = arith.index_cast %parallel_loop3A_237 : i32 to index
        %parallel_loop3A_553 = tpu.vector_load %arg6[%parallel_loop3A_549, %parallel_loop3A_550, %parallel_loop3A_551, %parallel_loop3A_552] {strides = array<i32>} : memref<2x4x8x1024xf32, #tpu.memory_space<vmem>>, vector<1x1x1x16xf32>,
        %parallel_loop3A_554 = vector.shape_cast %parallel_loop3A_553 : vector<1x1x1x16xf32> to vector<16xf32>
        %parallel_loop3A_555 = arith.addf %parallel_loop3A_554, %parallel_loop3A_505 : vector<16xf32>
        %parallel_loop3A_556 = arith.constant 1 : i32
        %parallel_loop3A_557 = arith.constant 2 : i32
        %parallel_loop3A_558 = arith.constant 3 : i32
        %parallel_loop3A_559 = arith.index_cast %parallel_loop3A_556 : i32 to index
        %parallel_loop3A_560 = arith.index_cast %parallel_loop3A_557 : i32 to index
        %parallel_loop3A_561 = arith.index_cast %parallel_loop3A_558 : i32 to index
        %parallel_loop3A_562 = arith.index_cast %parallel_loop3A_237 : i32 to index
        %parallel_loop3A_563 = tpu.vector_load %arg6[%parallel_loop3A_559, %parallel_loop3A_560, %parallel_loop3A_561, %parallel_loop3A_562] {strides = array<i32>} : memref<2x4x8x1024xf32, #tpu.memory_space<vmem>>, vector<1x1x1x16xf32>,
        %parallel_loop3A_564 = vector.shape_cast %parallel_loop3A_563 : vector<1x1x1x16xf32> to vector<16xf32>
        %parallel_loop3A_565 = vector.shape_cast %parallel_loop3A_555 : vector<16xf32> to vector<1x1x1x16xf32>
        tpu.vector_store %arg6[%parallel_loop3A_559, %parallel_loop3A_560, %parallel_loop3A_561, %parallel_loop3A_562], %parallel_loop3A_565 {strides = array<i32>} : memref<2x4x8x1024xf32, #tpu.memory_space<vmem>>, vector<1x1x1x16xf32>,
        %parallel_loop3A_566 = arith.constant 1 : i32
        %parallel_loop3A_567 = arith.constant 3 : i32
        %parallel_loop3A_568 = arith.constant 3 : i32
        %parallel_loop3A_569 = arith.index_cast %parallel_loop3A_566 : i32 to index
        %parallel_loop3A_570 = arith.index_cast %parallel_loop3A_567 : i32 to index
        %parallel_loop3A_571 = arith.index_cast %parallel_loop3A_568 : i32 to index
        %parallel_loop3A_572 = arith.index_cast %parallel_loop3A_237 : i32 to index
        %parallel_loop3A_573 = tpu.vector_load %arg6[%parallel_loop3A_569, %parallel_loop3A_570, %parallel_loop3A_571, %parallel_loop3A_572] {strides = array<i32>} : memref<2x4x8x1024xf32, #tpu.memory_space<vmem>>, vector<1x1x1x16xf32>,
        %parallel_loop3A_574 = vector.shape_cast %parallel_loop3A_573 : vector<1x1x1x16xf32> to vector<16xf32>
        %parallel_loop3A_575 = arith.addf %parallel_loop3A_574, %parallel_loop3A_505 : vector<16xf32>
        %parallel_loop3A_576 = arith.constant 1 : i32
        %parallel_loop3A_577 = arith.constant 3 : i32
        %parallel_loop3A_578 = arith.constant 3 : i32
        %parallel_loop3A_579 = arith.index_cast %parallel_loop3A_576 : i32 to index
        %parallel_loop3A_580 = arith.index_cast %parallel_loop3A_577 : i32 to index
        %parallel_loop3A_581 = arith.index_cast %parallel_loop3A_578 : i32 to index
        %parallel_loop3A_582 = arith.index_cast %parallel_loop3A_237 : i32 to index
        %parallel_loop3A_583 = tpu.vector_load %arg6[%parallel_loop3A_579, %parallel_loop3A_580, %parallel_loop3A_581, %parallel_loop3A_582] {strides = array<i32>} : memref<2x4x8x1024xf32, #tpu.memory_space<vmem>>, vector<1x1x1x16xf32>,
        %parallel_loop3A_584 = vector.shape_cast %parallel_loop3A_583 : vector<1x1x1x16xf32> to vector<16xf32>
        %parallel_loop3A_585 = vector.shape_cast %parallel_loop3A_575 : vector<16xf32> to vector<1x1x1x16xf32>
        tpu.vector_store %arg6[%parallel_loop3A_579, %parallel_loop3A_580, %parallel_loop3A_581, %parallel_loop3A_582], %parallel_loop3A_585 {strides = array<i32>} : memref<2x4x8x1024xf32, #tpu.memory_space<vmem>>, vector<1x1x1x16xf32>,
        %parallel_loop3A_586 = arith.constant 1 : i32
        %parallel_loop3A_587 = arith.constant 4 : i32
        %parallel_loop3A_588 = arith.index_cast %parallel_loop3A_586 : i32 to index
        %parallel_loop3A_589 = arith.index_cast %parallel_loop3A_587 : i32 to index
        %parallel_loop3A_590 = arith.index_cast %parallel_loop3A_237 : i32 to index
        %parallel_loop3A_591 = tpu.vector_load %arg5[%parallel_loop3A_588, %parallel_loop3A_589, %parallel_loop3A_590] {strides = array<i32>} : memref<2x8x1024xf32, #tpu.memory_space<vmem>>, vector<1x1x16xf32>,
        %parallel_loop3A_592 = vector.shape_cast %parallel_loop3A_591 : vector<1x1x16xf32> to vector<16xf32>
        %parallel_loop3A_593 = arith.constant 1 : i32
        %parallel_loop3A_594 = arith.constant 0 : i32
        %parallel_loop3A_595 = arith.constant 4 : i32
        %parallel_loop3A_596 = arith.index_cast %parallel_loop3A_593 : i32 to index
        %parallel_loop3A_597 = arith.index_cast %parallel_loop3A_594 : i32 to index
        %parallel_loop3A_598 = arith.index_cast %parallel_loop3A_595 : i32 to index
        %parallel_loop3A_599 = arith.index_cast %parallel_loop3A_237 : i32 to index
        %parallel_loop3A_600 = tpu.vector_load %arg6[%parallel_loop3A_596, %parallel_loop3A_597, %parallel_loop3A_598, %parallel_loop3A_599] {strides = array<i32>} : memref<2x4x8x1024xf32, #tpu.memory_space<vmem>>, vector<1x1x1x16xf32>,
        %parallel_loop3A_601 = vector.shape_cast %parallel_loop3A_600 : vector<1x1x1x16xf32> to vector<16xf32>
        %parallel_loop3A_602 = arith.addf %parallel_loop3A_601, %parallel_loop3A_592 : vector<16xf32>
        %parallel_loop3A_603 = arith.constant 1 : i32
        %parallel_loop3A_604 = arith.constant 0 : i32
        %parallel_loop3A_605 = arith.constant 4 : i32
        %parallel_loop3A_606 = arith.index_cast %parallel_loop3A_603 : i32 to index
        %parallel_loop3A_607 = arith.index_cast %parallel_loop3A_604 : i32 to index
        %parallel_loop3A_608 = arith.index_cast %parallel_loop3A_605 : i32 to index
        %parallel_loop3A_609 = arith.index_cast %parallel_loop3A_237 : i32 to index
        %parallel_loop3A_610 = tpu.vector_load %arg6[%parallel_loop3A_606, %parallel_loop3A_607, %parallel_loop3A_608, %parallel_loop3A_609] {strides = array<i32>} : memref<2x4x8x1024xf32, #tpu.memory_space<vmem>>, vector<1x1x1x16xf32>,
        %parallel_loop3A_611 = vector.shape_cast %parallel_loop3A_610 : vector<1x1x1x16xf32> to vector<16xf32>
        %parallel_loop3A_612 = vector.shape_cast %parallel_loop3A_602 : vector<16xf32> to vector<1x1x1x16xf32>
        tpu.vector_store %arg6[%parallel_loop3A_606, %parallel_loop3A_607, %parallel_loop3A_608, %parallel_loop3A_609], %parallel_loop3A_612 {strides = array<i32>} : memref<2x4x8x1024xf32, #tpu.memory_space<vmem>>, vector<1x1x1x16xf32>,
        %parallel_loop3A_613 = arith.constant 1 : i32
        %parallel_loop3A_614 = arith.constant 1 : i32
        %parallel_loop3A_615 = arith.constant 4 : i32
        %parallel_loop3A_616 = arith.index_cast %parallel_loop3A_613 : i32 to index
        %parallel_loop3A_617 = arith.index_cast %parallel_loop3A_614 : i32 to index
        %parallel_loop3A_618 = arith.index_cast %parallel_loop3A_615 : i32 to index
        %parallel_loop3A_619 = arith.index_cast %parallel_loop3A_237 : i32 to index
        %parallel_loop3A_620 = tpu.vector_load %arg6[%parallel_loop3A_616, %parallel_loop3A_617, %parallel_loop3A_618, %parallel_loop3A_619] {strides = array<i32>} : memref<2x4x8x1024xf32, #tpu.memory_space<vmem>>, vector<1x1x1x16xf32>,
        %parallel_loop3A_621 = vector.shape_cast %parallel_loop3A_620 : vector<1x1x1x16xf32> to vector<16xf32>
        %parallel_loop3A_622 = arith.addf %parallel_loop3A_621, %parallel_loop3A_592 : vector<16xf32>
        %parallel_loop3A_623 = arith.constant 1 : i32
        %parallel_loop3A_624 = arith.constant 1 : i32
        %parallel_loop3A_625 = arith.constant 4 : i32
        %parallel_loop3A_626 = arith.index_cast %parallel_loop3A_623 : i32 to index
        %parallel_loop3A_627 = arith.index_cast %parallel_loop3A_624 : i32 to index
        %parallel_loop3A_628 = arith.index_cast %parallel_loop3A_625 : i32 to index
        %parallel_loop3A_629 = arith.index_cast %parallel_loop3A_237 : i32 to index
        %parallel_loop3A_630 = tpu.vector_load %arg6[%parallel_loop3A_626, %parallel_loop3A_627, %parallel_loop3A_628, %parallel_loop3A_629] {strides = array<i32>} : memref<2x4x8x1024xf32, #tpu.memory_space<vmem>>, vector<1x1x1x16xf32>,
        %parallel_loop3A_631 = vector.shape_cast %parallel_loop3A_630 : vector<1x1x1x16xf32> to vector<16xf32>
        %parallel_loop3A_632 = vector.shape_cast %parallel_loop3A_622 : vector<16xf32> to vector<1x1x1x16xf32>
        tpu.vector_store %arg6[%parallel_loop3A_626, %parallel_loop3A_627, %parallel_loop3A_628, %parallel_loop3A_629], %parallel_loop3A_632 {strides = array<i32>} : memref<2x4x8x1024xf32, #tpu.memory_space<vmem>>, vector<1x1x1x16xf32>,
        %parallel_loop3A_633 = arith.constant 1 : i32
        %parallel_loop3A_634 = arith.constant 2 : i32
        %parallel_loop3A_635 = arith.constant 4 : i32
        %parallel_loop3A_636 = arith.index_cast %parallel_loop3A_633 : i32 to index
        %parallel_loop3A_637 = arith.index_cast %parallel_loop3A_634 : i32 to index
        %parallel_loop3A_638 = arith.index_cast %parallel_loop3A_635 : i32 to index
        %parallel_loop3A_639 = arith.index_cast %parallel_loop3A_237 : i32 to index
        %parallel_loop3A_640 = tpu.vector_load %arg6[%parallel_loop3A_636, %parallel_loop3A_637, %parallel_loop3A_638, %parallel_loop3A_639] {strides = array<i32>} : memref<2x4x8x1024xf32, #tpu.memory_space<vmem>>, vector<1x1x1x16xf32>,
        %parallel_loop3A_641 = vector.shape_cast %parallel_loop3A_640 : vector<1x1x1x16xf32> to vector<16xf32>
        %parallel_loop3A_642 = arith.addf %parallel_loop3A_641, %parallel_loop3A_592 : vector<16xf32>
        %parallel_loop3A_643 = arith.constant 1 : i32
        %parallel_loop3A_644 = arith.constant 2 : i32
        %parallel_loop3A_645 = arith.constant 4 : i32
        %parallel_loop3A_646 = arith.index_cast %parallel_loop3A_643 : i32 to index
        %parallel_loop3A_647 = arith.index_cast %parallel_loop3A_644 : i32 to index
        %parallel_loop3A_648 = arith.index_cast %parallel_loop3A_645 : i32 to index
        %parallel_loop3A_649 = arith.index_cast %parallel_loop3A_237 : i32 to index
        %parallel_loop3A_650 = tpu.vector_load %arg6[%parallel_loop3A_646, %parallel_loop3A_647, %parallel_loop3A_648, %parallel_loop3A_649] {strides = array<i32>} : memref<2x4x8x1024xf32, #tpu.memory_space<vmem>>, vector<1x1x1x16xf32>,
        %parallel_loop3A_651 = vector.shape_cast %parallel_loop3A_650 : vector<1x1x1x16xf32> to vector<16xf32>
        %parallel_loop3A_652 = vector.shape_cast %parallel_loop3A_642 : vector<16xf32> to vector<1x1x1x16xf32>
        tpu.vector_store %arg6[%parallel_loop3A_646, %parallel_loop3A_647, %parallel_loop3A_648, %parallel_loop3A_649], %parallel_loop3A_652 {strides = array<i32>} : memref<2x4x8x1024xf32, #tpu.memory_space<vmem>>, vector<1x1x1x16xf32>,
        %parallel_loop3A_653 = arith.constant 1 : i32
        %parallel_loop3A_654 = arith.constant 3 : i32
        %parallel_loop3A_655 = arith.constant 4 : i32
        %parallel_loop3A_656 = arith.index_cast %parallel_loop3A_653 : i32 to index
        %parallel_loop3A_657 = arith.index_cast %parallel_loop3A_654 : i32 to index
        %parallel_loop3A_658 = arith.index_cast %parallel_loop3A_655 : i32 to index
        %parallel_loop3A_659 = arith.index_cast %parallel_loop3A_237 : i32 to index
        %parallel_loop3A_660 = tpu.vector_load %arg6[%parallel_loop3A_656, %parallel_loop3A_657, %parallel_loop3A_658, %parallel_loop3A_659] {strides = array<i32>} : memref<2x4x8x1024xf32, #tpu.memory_space<vmem>>, vector<1x1x1x16xf32>,
        %parallel_loop3A_661 = vector.shape_cast %parallel_loop3A_660 : vector<1x1x1x16xf32> to vector<16xf32>
        %parallel_loop3A_662 = arith.addf %parallel_loop3A_661, %parallel_loop3A_592 : vector<16xf32>
        %parallel_loop3A_663 = arith.constant 1 : i32
        %parallel_loop3A_664 = arith.constant 3 : i32
        %parallel_loop3A_665 = arith.constant 4 : i32
        %parallel_loop3A_666 = arith.index_cast %parallel_loop3A_663 : i32 to index
        %parallel_loop3A_667 = arith.index_cast %parallel_loop3A_664 : i32 to index
        %parallel_loop3A_668 = arith.index_cast %parallel_loop3A_665 : i32 to index
        %parallel_loop3A_669 = arith.index_cast %parallel_loop3A_237 : i32 to index
        %parallel_loop3A_670 = tpu.vector_load %arg6[%parallel_loop3A_666, %parallel_loop3A_667, %parallel_loop3A_668, %parallel_loop3A_669] {strides = array<i32>} : memref<2x4x8x1024xf32, #tpu.memory_space<vmem>>, vector<1x1x1x16xf32>,
        %parallel_loop3A_671 = vector.shape_cast %parallel_loop3A_670 : vector<1x1x1x16xf32> to vector<16xf32>
        %parallel_loop3A_672 = vector.shape_cast %parallel_loop3A_662 : vector<16xf32> to vector<1x1x1x16xf32>
        tpu.vector_store %arg6[%parallel_loop3A_666, %parallel_loop3A_667, %parallel_loop3A_668, %parallel_loop3A_669], %parallel_loop3A_672 {strides = array<i32>} : memref<2x4x8x1024xf32, #tpu.memory_space<vmem>>, vector<1x1x1x16xf32>,
        %parallel_loop3A_673 = arith.constant 1 : i32
        %parallel_loop3A_674 = arith.constant 5 : i32
        %parallel_loop3A_675 = arith.index_cast %parallel_loop3A_673 : i32 to index
        %parallel_loop3A_676 = arith.index_cast %parallel_loop3A_674 : i32 to index
        %parallel_loop3A_677 = arith.index_cast %parallel_loop3A_237 : i32 to index
        %parallel_loop3A_678 = tpu.vector_load %arg5[%parallel_loop3A_675, %parallel_loop3A_676, %parallel_loop3A_677] {strides = array<i32>} : memref<2x8x1024xf32, #tpu.memory_space<vmem>>, vector<1x1x16xf32>,
        %parallel_loop3A_679 = vector.shape_cast %parallel_loop3A_678 : vector<1x1x16xf32> to vector<16xf32>
        %parallel_loop3A_680 = arith.constant 1 : i32
        %parallel_loop3A_681 = arith.constant 0 : i32
        %parallel_loop3A_682 = arith.constant 5 : i32
        %parallel_loop3A_683 = arith.index_cast %parallel_loop3A_680 : i32 to index
        %parallel_loop3A_684 = arith.index_cast %parallel_loop3A_681 : i32 to index
        %parallel_loop3A_685 = arith.index_cast %parallel_loop3A_682 : i32 to index
        %parallel_loop3A_686 = arith.index_cast %parallel_loop3A_237 : i32 to index
        %parallel_loop3A_687 = tpu.vector_load %arg6[%parallel_loop3A_683, %parallel_loop3A_684, %parallel_loop3A_685, %parallel_loop3A_686] {strides = array<i32>} : memref<2x4x8x1024xf32, #tpu.memory_space<vmem>>, vector<1x1x1x16xf32>,
        %parallel_loop3A_688 = vector.shape_cast %parallel_loop3A_687 : vector<1x1x1x16xf32> to vector<16xf32>
        %parallel_loop3A_689 = arith.addf %parallel_loop3A_688, %parallel_loop3A_679 : vector<16xf32>
        %parallel_loop3A_690 = arith.constant 1 : i32
        %parallel_loop3A_691 = arith.constant 0 : i32
        %parallel_loop3A_692 = arith.constant 5 : i32
        %parallel_loop3A_693 = arith.index_cast %parallel_loop3A_690 : i32 to index
        %parallel_loop3A_694 = arith.index_cast %parallel_loop3A_691 : i32 to index
        %parallel_loop3A_695 = arith.index_cast %parallel_loop3A_692 : i32 to index
        %parallel_loop3A_696 = arith.index_cast %parallel_loop3A_237 : i32 to index
        %parallel_loop3A_697 = tpu.vector_load %arg6[%parallel_loop3A_693, %parallel_loop3A_694, %parallel_loop3A_695, %parallel_loop3A_696] {strides = array<i32>} : memref<2x4x8x1024xf32, #tpu.memory_space<vmem>>, vector<1x1x1x16xf32>,
        %parallel_loop3A_698 = vector.shape_cast %parallel_loop3A_697 : vector<1x1x1x16xf32> to vector<16xf32>
        %parallel_loop3A_699 = vector.shape_cast %parallel_loop3A_689 : vector<16xf32> to vector<1x1x1x16xf32>
        tpu.vector_store %arg6[%parallel_loop3A_693, %parallel_loop3A_694, %parallel_loop3A_695, %parallel_loop3A_696], %parallel_loop3A_699 {strides = array<i32>} : memref<2x4x8x1024xf32, #tpu.memory_space<vmem>>, vector<1x1x1x16xf32>,
        %parallel_loop3A_700 = arith.constant 1 : i32
        %parallel_loop3A_701 = arith.constant 1 : i32
        %parallel_loop3A_702 = arith.constant 5 : i32
        %parallel_loop3A_703 = arith.index_cast %parallel_loop3A_700 : i32 to index
        %parallel_loop3A_704 = arith.index_cast %parallel_loop3A_701 : i32 to index
        %parallel_loop3A_705 = arith.index_cast %parallel_loop3A_702 : i32 to index
        %parallel_loop3A_706 = arith.index_cast %parallel_loop3A_237 : i32 to index
        %parallel_loop3A_707 = tpu.vector_load %arg6[%parallel_loop3A_703, %parallel_loop3A_704, %parallel_loop3A_705, %parallel_loop3A_706] {strides = array<i32>} : memref<2x4x8x1024xf32, #tpu.memory_space<vmem>>, vector<1x1x1x16xf32>,
        %parallel_loop3A_708 = vector.shape_cast %parallel_loop3A_707 : vector<1x1x1x16xf32> to vector<16xf32>
        %parallel_loop3A_709 = arith.addf %parallel_loop3A_708, %parallel_loop3A_679 : vector<16xf32>
        %parallel_loop3A_710 = arith.constant 1 : i32
        %parallel_loop3A_711 = arith.constant 1 : i32
        %parallel_loop3A_712 = arith.constant 5 : i32
        %parallel_loop3A_713 = arith.index_cast %parallel_loop3A_710 : i32 to index
        %parallel_loop3A_714 = arith.index_cast %parallel_loop3A_711 : i32 to index
        %parallel_loop3A_715 = arith.index_cast %parallel_loop3A_712 : i32 to index
        %parallel_loop3A_716 = arith.index_cast %parallel_loop3A_237 : i32 to index
        %parallel_loop3A_717 = tpu.vector_load %arg6[%parallel_loop3A_713, %parallel_loop3A_714, %parallel_loop3A_715, %parallel_loop3A_716] {strides = array<i32>} : memref<2x4x8x1024xf32, #tpu.memory_space<vmem>>, vector<1x1x1x16xf32>,
        %parallel_loop3A_718 = vector.shape_cast %parallel_loop3A_717 : vector<1x1x1x16xf32> to vector<16xf32>
        %parallel_loop3A_719 = vector.shape_cast %parallel_loop3A_709 : vector<16xf32> to vector<1x1x1x16xf32>
        tpu.vector_store %arg6[%parallel_loop3A_713, %parallel_loop3A_714, %parallel_loop3A_715, %parallel_loop3A_716], %parallel_loop3A_719 {strides = array<i32>} : memref<2x4x8x1024xf32, #tpu.memory_space<vmem>>, vector<1x1x1x16xf32>,
        %parallel_loop3A_720 = arith.constant 1 : i32
        %parallel_loop3A_721 = arith.constant 2 : i32
        %parallel_loop3A_722 = arith.constant 5 : i32
        %parallel_loop3A_723 = arith.index_cast %parallel_loop3A_720 : i32 to index
        %parallel_loop3A_724 = arith.index_cast %parallel_loop3A_721 : i32 to index
        %parallel_loop3A_725 = arith.index_cast %parallel_loop3A_722 : i32 to index
        %parallel_loop3A_726 = arith.index_cast %parallel_loop3A_237 : i32 to index
        %parallel_loop3A_727 = tpu.vector_load %arg6[%parallel_loop3A_723, %parallel_loop3A_724, %parallel_loop3A_725, %parallel_loop3A_726] {strides = array<i32>} : memref<2x4x8x1024xf32, #tpu.memory_space<vmem>>, vector<1x1x1x16xf32>,
        %parallel_loop3A_728 = vector.shape_cast %parallel_loop3A_727 : vector<1x1x1x16xf32> to vector<16xf32>
        %parallel_loop3A_729 = arith.addf %parallel_loop3A_728, %parallel_loop3A_679 : vector<16xf32>
        %parallel_loop3A_730 = arith.constant 1 : i32
        %parallel_loop3A_731 = arith.constant 2 : i32
        %parallel_loop3A_732 = arith.constant 5 : i32
        %parallel_loop3A_733 = arith.index_cast %parallel_loop3A_730 : i32 to index
        %parallel_loop3A_734 = arith.index_cast %parallel_loop3A_731 : i32 to index
        %parallel_loop3A_735 = arith.index_cast %parallel_loop3A_732 : i32 to index
        %parallel_loop3A_736 = arith.index_cast %parallel_loop3A_237 : i32 to index
        %parallel_loop3A_737 = tpu.vector_load %arg6[%parallel_loop3A_733, %parallel_loop3A_734, %parallel_loop3A_735, %parallel_loop3A_736] {strides = array<i32>} : memref<2x4x8x1024xf32, #tpu.memory_space<vmem>>, vector<1x1x1x16xf32>,
        %parallel_loop3A_738 = vector.shape_cast %parallel_loop3A_737 : vector<1x1x1x16xf32> to vector<16xf32>
        %parallel_loop3A_739 = vector.shape_cast %parallel_loop3A_729 : vector<16xf32> to vector<1x1x1x16xf32>
        tpu.vector_store %arg6[%parallel_loop3A_733, %parallel_loop3A_734, %parallel_loop3A_735, %parallel_loop3A_736], %parallel_loop3A_739 {strides = array<i32>} : memref<2x4x8x1024xf32, #tpu.memory_space<vmem>>, vector<1x1x1x16xf32>,
        %parallel_loop3A_740 = arith.constant 1 : i32
        %parallel_loop3A_741 = arith.constant 3 : i32
        %parallel_loop3A_742 = arith.constant 5 : i32
        %parallel_loop3A_743 = arith.index_cast %parallel_loop3A_740 : i32 to index
        %parallel_loop3A_744 = arith.index_cast %parallel_loop3A_741 : i32 to index
        %parallel_loop3A_745 = arith.index_cast %parallel_loop3A_742 : i32 to index
        %parallel_loop3A_746 = arith.index_cast %parallel_loop3A_237 : i32 to index
        %parallel_loop3A_747 = tpu.vector_load %arg6[%parallel_loop3A_743, %parallel_loop3A_744, %parallel_loop3A_745, %parallel_loop3A_746] {strides = array<i32>} : memref<2x4x8x1024xf32, #tpu.memory_space<vmem>>, vector<1x1x1x16xf32>,
        %parallel_loop3A_748 = vector.shape_cast %parallel_loop3A_747 : vector<1x1x1x16xf32> to vector<16xf32>
        %parallel_loop3A_749 = arith.addf %parallel_loop3A_748, %parallel_loop3A_679 : vector<16xf32>
        %parallel_loop3A_750 = arith.constant 1 : i32
        %parallel_loop3A_751 = arith.constant 3 : i32
        %parallel_loop3A_752 = arith.constant 5 : i32
        %parallel_loop3A_753 = arith.index_cast %parallel_loop3A_750 : i32 to index
        %parallel_loop3A_754 = arith.index_cast %parallel_loop3A_751 : i32 to index
        %parallel_loop3A_755 = arith.index_cast %parallel_loop3A_752 : i32 to index
        %parallel_loop3A_756 = arith.index_cast %parallel_loop3A_237 : i32 to index
        %parallel_loop3A_757 = tpu.vector_load %arg6[%parallel_loop3A_753, %parallel_loop3A_754, %parallel_loop3A_755, %parallel_loop3A_756] {strides = array<i32>} : memref<2x4x8x1024xf32, #tpu.memory_space<vmem>>, vector<1x1x1x16xf32>,
        %parallel_loop3A_758 = vector.shape_cast %parallel_loop3A_757 : vector<1x1x1x16xf32> to vector<16xf32>
        %parallel_loop3A_759 = vector.shape_cast %parallel_loop3A_749 : vector<16xf32> to vector<1x1x1x16xf32>
        tpu.vector_store %arg6[%parallel_loop3A_753, %parallel_loop3A_754, %parallel_loop3A_755, %parallel_loop3A_756], %parallel_loop3A_759 {strides = array<i32>} : memref<2x4x8x1024xf32, #tpu.memory_space<vmem>>, vector<1x1x1x16xf32>,
        %parallel_loop3A_760 = arith.constant 1 : i32
        %parallel_loop3A_761 = arith.constant 6 : i32
        %parallel_loop3A_762 = arith.index_cast %parallel_loop3A_760 : i32 to index
        %parallel_loop3A_763 = arith.index_cast %parallel_loop3A_761 : i32 to index
        %parallel_loop3A_764 = arith.index_cast %parallel_loop3A_237 : i32 to index
        %parallel_loop3A_765 = tpu.vector_load %arg5[%parallel_loop3A_762, %parallel_loop3A_763, %parallel_loop3A_764] {strides = array<i32>} : memref<2x8x1024xf32, #tpu.memory_space<vmem>>, vector<1x1x16xf32>,
        %parallel_loop3A_766 = vector.shape_cast %parallel_loop3A_765 : vector<1x1x16xf32> to vector<16xf32>
        %parallel_loop3A_767 = arith.constant 1 : i32
        %parallel_loop3A_768 = arith.constant 0 : i32
        %parallel_loop3A_769 = arith.constant 6 : i32
        %parallel_loop3A_770 = arith.index_cast %parallel_loop3A_767 : i32 to index
        %parallel_loop3A_771 = arith.index_cast %parallel_loop3A_768 : i32 to index
        %parallel_loop3A_772 = arith.index_cast %parallel_loop3A_769 : i32 to index
        %parallel_loop3A_773 = arith.index_cast %parallel_loop3A_237 : i32 to index
        %parallel_loop3A_774 = tpu.vector_load %arg6[%parallel_loop3A_770, %parallel_loop3A_771, %parallel_loop3A_772, %parallel_loop3A_773] {strides = array<i32>} : memref<2x4x8x1024xf32, #tpu.memory_space<vmem>>, vector<1x1x1x16xf32>,
        %parallel_loop3A_775 = vector.shape_cast %parallel_loop3A_774 : vector<1x1x1x16xf32> to vector<16xf32>
        %parallel_loop3A_776 = arith.addf %parallel_loop3A_775, %parallel_loop3A_766 : vector<16xf32>
        %parallel_loop3A_777 = arith.constant 1 : i32
        %parallel_loop3A_778 = arith.constant 0 : i32
        %parallel_loop3A_779 = arith.constant 6 : i32
        %parallel_loop3A_780 = arith.index_cast %parallel_loop3A_777 : i32 to index
        %parallel_loop3A_781 = arith.index_cast %parallel_loop3A_778 : i32 to index
        %parallel_loop3A_782 = arith.index_cast %parallel_loop3A_779 : i32 to index
        %parallel_loop3A_783 = arith.index_cast %parallel_loop3A_237 : i32 to index
        %parallel_loop3A_784 = tpu.vector_load %arg6[%parallel_loop3A_780, %parallel_loop3A_781, %parallel_loop3A_782, %parallel_loop3A_783] {strides = array<i32>} : memref<2x4x8x1024xf32, #tpu.memory_space<vmem>>, vector<1x1x1x16xf32>,
        %parallel_loop3A_785 = vector.shape_cast %parallel_loop3A_784 : vector<1x1x1x16xf32> to vector<16xf32>
        %parallel_loop3A_786 = vector.shape_cast %parallel_loop3A_776 : vector<16xf32> to vector<1x1x1x16xf32>
        tpu.vector_store %arg6[%parallel_loop3A_780, %parallel_loop3A_781, %parallel_loop3A_782, %parallel_loop3A_783], %parallel_loop3A_786 {strides = array<i32>} : memref<2x4x8x1024xf32, #tpu.memory_space<vmem>>, vector<1x1x1x16xf32>,
        %parallel_loop3A_787 = arith.constant 1 : i32
        %parallel_loop3A_788 = arith.constant 1 : i32
        %parallel_loop3A_789 = arith.constant 6 : i32
        %parallel_loop3A_790 = arith.index_cast %parallel_loop3A_787 : i32 to index
        %parallel_loop3A_791 = arith.index_cast %parallel_loop3A_788 : i32 to index
        %parallel_loop3A_792 = arith.index_cast %parallel_loop3A_789 : i32 to index
        %parallel_loop3A_793 = arith.index_cast %parallel_loop3A_237 : i32 to index
        %parallel_loop3A_794 = tpu.vector_load %arg6[%parallel_loop3A_790, %parallel_loop3A_791, %parallel_loop3A_792, %parallel_loop3A_793] {strides = array<i32>} : memref<2x4x8x1024xf32, #tpu.memory_space<vmem>>, vector<1x1x1x16xf32>,
        %parallel_loop3A_795 = vector.shape_cast %parallel_loop3A_794 : vector<1x1x1x16xf32> to vector<16xf32>
        %parallel_loop3A_796 = arith.addf %parallel_loop3A_795, %parallel_loop3A_766 : vector<16xf32>
        %parallel_loop3A_797 = arith.constant 1 : i32
        %parallel_loop3A_798 = arith.constant 1 : i32
        %parallel_loop3A_799 = arith.constant 6 : i32
        %parallel_loop3A_800 = arith.index_cast %parallel_loop3A_797 : i32 to index
        %parallel_loop3A_801 = arith.index_cast %parallel_loop3A_798 : i32 to index
        %parallel_loop3A_802 = arith.index_cast %parallel_loop3A_799 : i32 to index
        %parallel_loop3A_803 = arith.index_cast %parallel_loop3A_237 : i32 to index
        %parallel_loop3A_804 = tpu.vector_load %arg6[%parallel_loop3A_800, %parallel_loop3A_801, %parallel_loop3A_802, %parallel_loop3A_803] {strides = array<i32>} : memref<2x4x8x1024xf32, #tpu.memory_space<vmem>>, vector<1x1x1x16xf32>,
        %parallel_loop3A_805 = vector.shape_cast %parallel_loop3A_804 : vector<1x1x1x16xf32> to vector<16xf32>
        %parallel_loop3A_806 = vector.shape_cast %parallel_loop3A_796 : vector<16xf32> to vector<1x1x1x16xf32>
        tpu.vector_store %arg6[%parallel_loop3A_800, %parallel_loop3A_801, %parallel_loop3A_802, %parallel_loop3A_803], %parallel_loop3A_806 {strides = array<i32>} : memref<2x4x8x1024xf32, #tpu.memory_space<vmem>>, vector<1x1x1x16xf32>,
        %parallel_loop3A_807 = arith.constant 1 : i32
        %parallel_loop3A_808 = arith.constant 2 : i32
        %parallel_loop3A_809 = arith.constant 6 : i32
        %parallel_loop3A_810 = arith.index_cast %parallel_loop3A_807 : i32 to index
        %parallel_loop3A_811 = arith.index_cast %parallel_loop3A_808 : i32 to index
        %parallel_loop3A_812 = arith.index_cast %parallel_loop3A_809 : i32 to index
        %parallel_loop3A_813 = arith.index_cast %parallel_loop3A_237 : i32 to index
        %parallel_loop3A_814 = tpu.vector_load %arg6[%parallel_loop3A_810, %parallel_loop3A_811, %parallel_loop3A_812, %parallel_loop3A_813] {strides = array<i32>} : memref<2x4x8x1024xf32, #tpu.memory_space<vmem>>, vector<1x1x1x16xf32>,
        %parallel_loop3A_815 = vector.shape_cast %parallel_loop3A_814 : vector<1x1x1x16xf32> to vector<16xf32>
        %parallel_loop3A_816 = arith.addf %parallel_loop3A_815, %parallel_loop3A_766 : vector<16xf32>
        %parallel_loop3A_817 = arith.constant 1 : i32
        %parallel_loop3A_818 = arith.constant 2 : i32
        %parallel_loop3A_819 = arith.constant 6 : i32
        %parallel_loop3A_820 = arith.index_cast %parallel_loop3A_817 : i32 to index
        %parallel_loop3A_821 = arith.index_cast %parallel_loop3A_818 : i32 to index
        %parallel_loop3A_822 = arith.index_cast %parallel_loop3A_819 : i32 to index
        %parallel_loop3A_823 = arith.index_cast %parallel_loop3A_237 : i32 to index
        %parallel_loop3A_824 = tpu.vector_load %arg6[%parallel_loop3A_820, %parallel_loop3A_821, %parallel_loop3A_822, %parallel_loop3A_823] {strides = array<i32>} : memref<2x4x8x1024xf32, #tpu.memory_space<vmem>>, vector<1x1x1x16xf32>,
        %parallel_loop3A_825 = vector.shape_cast %parallel_loop3A_824 : vector<1x1x1x16xf32> to vector<16xf32>
        %parallel_loop3A_826 = vector.shape_cast %parallel_loop3A_816 : vector<16xf32> to vector<1x1x1x16xf32>
        tpu.vector_store %arg6[%parallel_loop3A_820, %parallel_loop3A_821, %parallel_loop3A_822, %parallel_loop3A_823], %parallel_loop3A_826 {strides = array<i32>} : memref<2x4x8x1024xf32, #tpu.memory_space<vmem>>, vector<1x1x1x16xf32>,
        %parallel_loop3A_827 = arith.constant 1 : i32
        %parallel_loop3A_828 = arith.constant 3 : i32
        %parallel_loop3A_829 = arith.constant 6 : i32
        %parallel_loop3A_830 = arith.index_cast %parallel_loop3A_827 : i32 to index
        %parallel_loop3A_831 = arith.index_cast %parallel_loop3A_828 : i32 to index
        %parallel_loop3A_832 = arith.index_cast %parallel_loop3A_829 : i32 to index
        %parallel_loop3A_833 = arith.index_cast %parallel_loop3A_237 : i32 to index
        %parallel_loop3A_834 = tpu.vector_load %arg6[%parallel_loop3A_830, %parallel_loop3A_831, %parallel_loop3A_832, %parallel_loop3A_833] {strides = array<i32>} : memref<2x4x8x1024xf32, #tpu.memory_space<vmem>>, vector<1x1x1x16xf32>,
        %parallel_loop3A_835 = vector.shape_cast %parallel_loop3A_834 : vector<1x1x1x16xf32> to vector<16xf32>
        %parallel_loop3A_836 = arith.addf %parallel_loop3A_835, %parallel_loop3A_766 : vector<16xf32>
        %parallel_loop3A_837 = arith.constant 1 : i32
        %parallel_loop3A_838 = arith.constant 3 : i32
        %parallel_loop3A_839 = arith.constant 6 : i32
        %parallel_loop3A_840 = arith.index_cast %parallel_loop3A_837 : i32 to index
        %parallel_loop3A_841 = arith.index_cast %parallel_loop3A_838 : i32 to index
        %parallel_loop3A_842 = arith.index_cast %parallel_loop3A_839 : i32 to index
        %parallel_loop3A_843 = arith.index_cast %parallel_loop3A_237 : i32 to index
        %parallel_loop3A_844 = tpu.vector_load %arg6[%parallel_loop3A_840, %parallel_loop3A_841, %parallel_loop3A_842, %parallel_loop3A_843] {strides = array<i32>} : memref<2x4x8x1024xf32, #tpu.memory_space<vmem>>, vector<1x1x1x16xf32>,
        %parallel_loop3A_845 = vector.shape_cast %parallel_loop3A_844 : vector<1x1x1x16xf32> to vector<16xf32>
        %parallel_loop3A_846 = vector.shape_cast %parallel_loop3A_836 : vector<16xf32> to vector<1x1x1x16xf32>
        tpu.vector_store %arg6[%parallel_loop3A_840, %parallel_loop3A_841, %parallel_loop3A_842, %parallel_loop3A_843], %parallel_loop3A_846 {strides = array<i32>} : memref<2x4x8x1024xf32, #tpu.memory_space<vmem>>, vector<1x1x1x16xf32>,
        %parallel_loop3A_847 = arith.constant 1 : i32
        %parallel_loop3A_848 = arith.constant 7 : i32
        %parallel_loop3A_849 = arith.index_cast %parallel_loop3A_847 : i32 to index
        %parallel_loop3A_850 = arith.index_cast %parallel_loop3A_848 : i32 to index
        %parallel_loop3A_851 = arith.index_cast %parallel_loop3A_237 : i32 to index
        %parallel_loop3A_852 = tpu.vector_load %arg5[%parallel_loop3A_849, %parallel_loop3A_850, %parallel_loop3A_851] {strides = array<i32>} : memref<2x8x1024xf32, #tpu.memory_space<vmem>>, vector<1x1x16xf32>,
        %parallel_loop3A_853 = vector.shape_cast %parallel_loop3A_852 : vector<1x1x16xf32> to vector<16xf32>
        %parallel_loop3A_854 = arith.constant 1 : i32
        %parallel_loop3A_855 = arith.constant 0 : i32
        %parallel_loop3A_856 = arith.constant 7 : i32
        %parallel_loop3A_857 = arith.index_cast %parallel_loop3A_854 : i32 to index
        %parallel_loop3A_858 = arith.index_cast %parallel_loop3A_855 : i32 to index
        %parallel_loop3A_859 = arith.index_cast %parallel_loop3A_856 : i32 to index
        %parallel_loop3A_860 = arith.index_cast %parallel_loop3A_237 : i32 to index
        %parallel_loop3A_861 = tpu.vector_load %arg6[%parallel_loop3A_857, %parallel_loop3A_858, %parallel_loop3A_859, %parallel_loop3A_860] {strides = array<i32>} : memref<2x4x8x1024xf32, #tpu.memory_space<vmem>>, vector<1x1x1x16xf32>,
        %parallel_loop3A_862 = vector.shape_cast %parallel_loop3A_861 : vector<1x1x1x16xf32> to vector<16xf32>
        %parallel_loop3A_863 = arith.addf %parallel_loop3A_862, %parallel_loop3A_853 : vector<16xf32>
        %parallel_loop3A_864 = arith.constant 1 : i32
        %parallel_loop3A_865 = arith.constant 0 : i32
        %parallel_loop3A_866 = arith.constant 7 : i32
        %parallel_loop3A_867 = arith.index_cast %parallel_loop3A_864 : i32 to index
        %parallel_loop3A_868 = arith.index_cast %parallel_loop3A_865 : i32 to index
        %parallel_loop3A_869 = arith.index_cast %parallel_loop3A_866 : i32 to index
        %parallel_loop3A_870 = arith.index_cast %parallel_loop3A_237 : i32 to index
        %parallel_loop3A_871 = tpu.vector_load %arg6[%parallel_loop3A_867, %parallel_loop3A_868, %parallel_loop3A_869, %parallel_loop3A_870] {strides = array<i32>} : memref<2x4x8x1024xf32, #tpu.memory_space<vmem>>, vector<1x1x1x16xf32>,
        %parallel_loop3A_872 = vector.shape_cast %parallel_loop3A_871 : vector<1x1x1x16xf32> to vector<16xf32>
        %parallel_loop3A_873 = vector.shape_cast %parallel_loop3A_863 : vector<16xf32> to vector<1x1x1x16xf32>
        tpu.vector_store %arg6[%parallel_loop3A_867, %parallel_loop3A_868, %parallel_loop3A_869, %parallel_loop3A_870], %parallel_loop3A_873 {strides = array<i32>} : memref<2x4x8x1024xf32, #tpu.memory_space<vmem>>, vector<1x1x1x16xf32>,
        %parallel_loop3A_874 = arith.constant 1 : i32
        %parallel_loop3A_875 = arith.constant 1 : i32
        %parallel_loop3A_876 = arith.constant 7 : i32
        %parallel_loop3A_877 = arith.index_cast %parallel_loop3A_874 : i32 to index
        %parallel_loop3A_878 = arith.index_cast %parallel_loop3A_875 : i32 to index
        %parallel_loop3A_879 = arith.index_cast %parallel_loop3A_876 : i32 to index
        %parallel_loop3A_880 = arith.index_cast %parallel_loop3A_237 : i32 to index
        %parallel_loop3A_881 = tpu.vector_load %arg6[%parallel_loop3A_877, %parallel_loop3A_878, %parallel_loop3A_879, %parallel_loop3A_880] {strides = array<i32>} : memref<2x4x8x1024xf32, #tpu.memory_space<vmem>>, vector<1x1x1x16xf32>,
        %parallel_loop3A_882 = vector.shape_cast %parallel_loop3A_881 : vector<1x1x1x16xf32> to vector<16xf32>
        %parallel_loop3A_883 = arith.addf %parallel_loop3A_882, %parallel_loop3A_853 : vector<16xf32>
        %parallel_loop3A_884 = arith.constant 1 : i32
        %parallel_loop3A_885 = arith.constant 1 : i32
        %parallel_loop3A_886 = arith.constant 7 : i32
        %parallel_loop3A_887 = arith.index_cast %parallel_loop3A_884 : i32 to index
        %parallel_loop3A_888 = arith.index_cast %parallel_loop3A_885 : i32 to index
        %parallel_loop3A_889 = arith.index_cast %parallel_loop3A_886 : i32 to index
        %parallel_loop3A_890 = arith.index_cast %parallel_loop3A_237 : i32 to index
        %parallel_loop3A_891 = tpu.vector_load %arg6[%parallel_loop3A_887, %parallel_loop3A_888, %parallel_loop3A_889, %parallel_loop3A_890] {strides = array<i32>} : memref<2x4x8x1024xf32, #tpu.memory_space<vmem>>, vector<1x1x1x16xf32>,
        %parallel_loop3A_892 = vector.shape_cast %parallel_loop3A_891 : vector<1x1x1x16xf32> to vector<16xf32>
        %parallel_loop3A_893 = vector.shape_cast %parallel_loop3A_883 : vector<16xf32> to vector<1x1x1x16xf32>
        tpu.vector_store %arg6[%parallel_loop3A_887, %parallel_loop3A_888, %parallel_loop3A_889, %parallel_loop3A_890], %parallel_loop3A_893 {strides = array<i32>} : memref<2x4x8x1024xf32, #tpu.memory_space<vmem>>, vector<1x1x1x16xf32>,
        %parallel_loop3A_894 = arith.constant 1 : i32
        %parallel_loop3A_895 = arith.constant 2 : i32
        %parallel_loop3A_896 = arith.constant 7 : i32
        %parallel_loop3A_897 = arith.index_cast %parallel_loop3A_894 : i32 to index
        %parallel_loop3A_898 = arith.index_cast %parallel_loop3A_895 : i32 to index
        %parallel_loop3A_899 = arith.index_cast %parallel_loop3A_896 : i32 to index
        %parallel_loop3A_900 = arith.index_cast %parallel_loop3A_237 : i32 to index
        %parallel_loop3A_901 = tpu.vector_load %arg6[%parallel_loop3A_897, %parallel_loop3A_898, %parallel_loop3A_899, %parallel_loop3A_900] {strides = array<i32>} : memref<2x4x8x1024xf32, #tpu.memory_space<vmem>>, vector<1x1x1x16xf32>,
        %parallel_loop3A_902 = vector.shape_cast %parallel_loop3A_901 : vector<1x1x1x16xf32> to vector<16xf32>
        %parallel_loop3A_903 = arith.addf %parallel_loop3A_902, %parallel_loop3A_853 : vector<16xf32>
        %parallel_loop3A_904 = arith.constant 1 : i32
        %parallel_loop3A_905 = arith.constant 2 : i32
        %parallel_loop3A_906 = arith.constant 7 : i32
        %parallel_loop3A_907 = arith.index_cast %parallel_loop3A_904 : i32 to index
        %parallel_loop3A_908 = arith.index_cast %parallel_loop3A_905 : i32 to index
        %parallel_loop3A_909 = arith.index_cast %parallel_loop3A_906 : i32 to index
        %parallel_loop3A_910 = arith.index_cast %parallel_loop3A_237 : i32 to index
        %parallel_loop3A_911 = tpu.vector_load %arg6[%parallel_loop3A_907, %parallel_loop3A_908, %parallel_loop3A_909, %parallel_loop3A_910] {strides = array<i32>} : memref<2x4x8x1024xf32, #tpu.memory_space<vmem>>, vector<1x1x1x16xf32>,
        %parallel_loop3A_912 = vector.shape_cast %parallel_loop3A_911 : vector<1x1x1x16xf32> to vector<16xf32>
        %parallel_loop3A_913 = vector.shape_cast %parallel_loop3A_903 : vector<16xf32> to vector<1x1x1x16xf32>
        tpu.vector_store %arg6[%parallel_loop3A_907, %parallel_loop3A_908, %parallel_loop3A_909, %parallel_loop3A_910], %parallel_loop3A_913 {strides = array<i32>} : memref<2x4x8x1024xf32, #tpu.memory_space<vmem>>, vector<1x1x1x16xf32>,
        %parallel_loop3A_914 = arith.constant 1 : i32
        %parallel_loop3A_915 = arith.constant 3 : i32
        %parallel_loop3A_916 = arith.constant 7 : i32
        %parallel_loop3A_917 = arith.index_cast %parallel_loop3A_914 : i32 to index
        %parallel_loop3A_918 = arith.index_cast %parallel_loop3A_915 : i32 to index
        %parallel_loop3A_919 = arith.index_cast %parallel_loop3A_916 : i32 to index
        %parallel_loop3A_920 = arith.index_cast %parallel_loop3A_237 : i32 to index
        %parallel_loop3A_921 = tpu.vector_load %arg6[%parallel_loop3A_917, %parallel_loop3A_918, %parallel_loop3A_919, %parallel_loop3A_920] {strides = array<i32>} : memref<2x4x8x1024xf32, #tpu.memory_space<vmem>>, vector<1x1x1x16xf32>,
        %parallel_loop3A_922 = vector.shape_cast %parallel_loop3A_921 : vector<1x1x1x16xf32> to vector<16xf32>
        %parallel_loop3A_923 = arith.addf %parallel_loop3A_922, %parallel_loop3A_853 : vector<16xf32>
        %parallel_loop3A_924 = arith.constant 1 : i32
        %parallel_loop3A_925 = arith.constant 3 : i32
        %parallel_loop3A_926 = arith.constant 7 : i32
        %parallel_loop3A_927 = arith.index_cast %parallel_loop3A_924 : i32 to index
        %parallel_loop3A_928 = arith.index_cast %parallel_loop3A_925 : i32 to index
        %parallel_loop3A_929 = arith.index_cast %parallel_loop3A_926 : i32 to index
        %parallel_loop3A_930 = arith.index_cast %parallel_loop3A_237 : i32 to index
        %parallel_loop3A_931 = tpu.vector_load %arg6[%parallel_loop3A_927, %parallel_loop3A_928, %parallel_loop3A_929, %parallel_loop3A_930] {strides = array<i32>} : memref<2x4x8x1024xf32, #tpu.memory_space<vmem>>, vector<1x1x1x16xf32>,
        %parallel_loop3A_932 = vector.shape_cast %parallel_loop3A_931 : vector<1x1x1x16xf32> to vector<16xf32>
        %parallel_loop3A_933 = vector.shape_cast %parallel_loop3A_923 : vector<16xf32> to vector<1x1x1x16xf32>
        tpu.vector_store %arg6[%parallel_loop3A_927, %parallel_loop3A_928, %parallel_loop3A_929, %parallel_loop3A_930], %parallel_loop3A_933 {strides = array<i32>} : memref<2x4x8x1024xf32, #tpu.memory_space<vmem>>, vector<1x1x1x16xf32>,
      } {sc.loop_unroll_factor = 2 : i64, sc.parallel_access}
      %mul3A_212 = arith.constant 8 : i32
      %mul3A_213 = arith.muli %add3A_162, %mul3A_212 : i32
      %add3A_214 = arith.addi %mul3A_2, %mul3A_213 : i32
      %dma_start3A_215 = arith.constant 1 : i32
      %dma_start3A_216 = arith.constant 1 : i32
      %dma_start3A_217 = arith.constant 0 : i32
      %dma_start3A_218 = arith.constant 0 : i32
      %dma_start3A_219 = arith.constant 0 : i32
      %dma_start3A_220 = tpu.memref_slice %arg6[%dma_start3A_215, %dma_start3A_217, %dma_start3A_218, %dma_start3A_219] : memref<2x4x8x1024xf32, #tpu.memory_space<vmem>> -> memref<1x4x8x1024xf32, #tpu.memory_space<vmem>>
      %dma_start3A_221 = tpu.memref_squeeze %dma_start3A_220 : memref<1x4x8x1024xf32, #tpu.memory_space<vmem>> -> memref<4x8x1024xf32, #tpu.memory_space<vmem>>
      %dma_start3A_222 = arith.constant 0 : i32
      %dma_start3A_223 = arith.constant 0 : i32
      %dma_start3A_224 = tpu.memref_slice %arg4[%dma_start3A_222, %add3A_214, %dma_start3A_223] : memref<4x8192x1024xf32, #tpu.memory_space<hbm>> -> memref<4x8x1024xf32, #tpu.memory_space<hbm>>
      %dma_start3A_225 = tpu.memref_slice %arg8[%dma_start3A_216] : memref<2x!tpu.dma_semaphore, #tpu.memory_space<semaphore_mem>> -> memref<1x!tpu.dma_semaphore, #tpu.memory_space<semaphore_mem>>
      %dma_start3A_226 = tpu.memref_squeeze %dma_start3A_225 : memref<1x!tpu.dma_semaphore, #tpu.memory_space<semaphore_mem>> -> memref<!tpu.dma_semaphore, #tpu.memory_space<semaphore_mem>>
      %dma_start3A_227 = arith.constant 0 : i32
      %dma_start3A_228 = arith.constant 0 : i32
      %dma_start3A_229 = tpu.memref_slice %arg4[%dma_start3A_227, %add3A_214, %dma_start3A_228] : memref<4x8192x1024xf32, #tpu.memory_space<hbm>> -> memref<4x8x1024xf32, #tpu.memory_space<hbm>>
      %dma_start3A_230 = arith.constant 0 : i32
      %dma_start3A_231 = arith.constant 0 : i32
      %dma_start3A_232 = arith.constant 0 : i32
      %dma_start3A_233 = tpu.memref_slice %arg6[%dma_start3A_215, %dma_start3A_230, %dma_start3A_231, %dma_start3A_232] : memref<2x4x8x1024xf32, #tpu.memory_space<vmem>> -> memref<1x4x8x1024xf32, #tpu.memory_space<vmem>>
      %dma_start3A_234 = tpu.memref_squeeze %dma_start3A_233 : memref<1x4x8x1024xf32, #tpu.memory_space<vmem>> -> memref<4x8x1024xf32, #tpu.memory_space<vmem>>
      tpu.enqueue_dma source(%dma_start3A_234 : memref<4x8x1024xf32, #tpu.memory_space<vmem>>) target(%dma_start3A_229 : memref<4x8x1024xf32, #tpu.memory_space<hbm>>) target_semaphore(%dma_start3A_226 : memref<!tpu.dma_semaphore, #tpu.memory_space<semaphore_mem>>)
    }
    %scan3A_44 = arith.constant 16 : i32
    %add3A_45 = arith.constant 240 : i32
    %add3A_46 = arith.addi %mul3A_2, %add3A_45 : i32
    %dma_wait3A = arith.constant 0 : i32
    %dma_wait3A_47 = arith.constant 0 : i32
    %dma_wait3A_48 = arith.constant 0 : i32
    %dma_wait3A_49 = arith.constant 0 : i32
    %dma_wait3A_50 = arith.constant 0 : i32
    %dma_wait3A_51 = tpu.memref_slice %arg6[%dma_wait3A, %dma_wait3A_48, %dma_wait3A_49, %dma_wait3A_50] : memref<2x4x8x1024xf32, #tpu.memory_space<vmem>> -> memref<1x4x8x1024xf32, #tpu.memory_space<vmem>>
    %dma_wait3A_52 = tpu.memref_squeeze %dma_wait3A_51 : memref<1x4x8x1024xf32, #tpu.memory_space<vmem>> -> memref<4x8x1024xf32, #tpu.memory_space<vmem>>
    %dma_wait3A_53 = arith.constant 0 : i32
    %dma_wait3A_54 = arith.constant 0 : i32
    %dma_wait3A_55 = tpu.memref_slice %arg4[%dma_wait3A_53, %add3A_46, %dma_wait3A_54] : memref<4x8192x1024xf32, #tpu.memory_space<hbm>> -> memref<4x8x1024xf32, #tpu.memory_space<hbm>>
    %dma_wait3A_56 = tpu.memref_slice %arg8[%dma_wait3A_47] : memref<2x!tpu.dma_semaphore, #tpu.memory_space<semaphore_mem>> -> memref<1x!tpu.dma_semaphore, #tpu.memory_space<semaphore_mem>>
    %dma_wait3A_57 = tpu.memref_squeeze %dma_wait3A_56 : memref<1x!tpu.dma_semaphore, #tpu.memory_space<semaphore_mem>> -> memref<!tpu.dma_semaphore, #tpu.memory_space<semaphore_mem>>
    %dma_wait3A_58 = arith.constant 0 : i32
    %dma_wait3A_59 = arith.constant 0 : i32
    %dma_wait3A_60 = tpu.memref_slice %arg4[%dma_wait3A_58, %add3A_46, %dma_wait3A_59] : memref<4x8192x1024xf32, #tpu.memory_space<hbm>> -> memref<4x8x1024xf32, #tpu.memory_space<hbm>>
    %dma_wait3A_61 = arith.constant 0 : i32
    %dma_wait3A_62 = arith.constant 0 : i32
    %dma_wait3A_63 = arith.constant 0 : i32
    %dma_wait3A_64 = tpu.memref_slice %arg6[%dma_wait3A, %dma_wait3A_61, %dma_wait3A_62, %dma_wait3A_63] : memref<2x4x8x1024xf32, #tpu.memory_space<vmem>> -> memref<1x4x8x1024xf32, #tpu.memory_space<vmem>>
    %dma_wait3A_65 = tpu.memref_squeeze %dma_wait3A_64 : memref<1x4x8x1024xf32, #tpu.memory_space<vmem>> -> memref<4x8x1024xf32, #tpu.memory_space<vmem>>
    tpu.wait_dma2 semaphore(%dma_wait3A_57 : memref<!tpu.dma_semaphore, #tpu.memory_space<semaphore_mem>>) src(%dma_wait3A_65 : memref<4x8x1024xf32, #tpu.memory_space<vmem>>) dst(%dma_wait3A_60 : memref<4x8x1024xf32, #tpu.memory_space<hbm>>)
    %add3A_66 = arith.constant 248 : i32
    %add3A_67 = arith.addi %mul3A_2, %add3A_66 : i32
    %dma_wait3A_68 = arith.constant 1 : i32
    %dma_wait3A_69 = arith.constant 1 : i32
    %dma_wait3A_70 = arith.constant 0 : i32
    %dma_wait3A_71 = arith.constant 0 : i32
    %dma_wait3A_72 = arith.constant 0 : i32
    %dma_wait3A_73 = tpu.memref_slice %arg6[%dma_wait3A_68, %dma_wait3A_70, %dma_wait3A_71, %dma_wait3A_72] : memref<2x4x8x1024xf32, #tpu.memory_space<vmem>> -> memref<1x4x8x1024xf32, #tpu.memory_space<vmem>>
    %dma_wait3A_74 = tpu.memref_squeeze %dma_wait3A_73 : memref<1x4x8x1024xf32, #tpu.memory_space<vmem>> -> memref<4x8x1024xf32, #tpu.memory_space<vmem>>
    %dma_wait3A_75 = arith.constant 0 : i32
    %dma_wait3A_76 = arith.constant 0 : i32
    %dma_wait3A_77 = tpu.memref_slice %arg4[%dma_wait3A_75, %add3A_67, %dma_wait3A_76] : memref<4x8192x1024xf32, #tpu.memory_space<hbm>> -> memref<4x8x1024xf32, #tpu.memory_space<hbm>>
    %dma_wait3A_78 = tpu.memref_slice %arg8[%dma_wait3A_69] : memref<2x!tpu.dma_semaphore, #tpu.memory_space<semaphore_mem>> -> memref<1x!tpu.dma_semaphore, #tpu.memory_space<semaphore_mem>>
    %dma_wait3A_79 = tpu.memref_squeeze %dma_wait3A_78 : memref<1x!tpu.dma_semaphore, #tpu.memory_space<semaphore_mem>> -> memref<!tpu.dma_semaphore, #tpu.memory_space<semaphore_mem>>
    %dma_wait3A_80 = arith.constant 0 : i32
    %dma_wait3A_81 = arith.constant 0 : i32
    %dma_wait3A_82 = tpu.memref_slice %arg4[%dma_wait3A_80, %add3A_67, %dma_wait3A_81] : memref<4x8192x1024xf32, #tpu.memory_space<hbm>> -> memref<4x8x1024xf32, #tpu.memory_space<hbm>>
    %dma_wait3A_83 = arith.constant 0 : i32
    %dma_wait3A_84 = arith.constant 0 : i32
    %dma_wait3A_85 = arith.constant 0 : i32
    %dma_wait3A_86 = tpu.memref_slice %arg6[%dma_wait3A_68, %dma_wait3A_83, %dma_wait3A_84, %dma_wait3A_85] : memref<2x4x8x1024xf32, #tpu.memory_space<vmem>> -> memref<1x4x8x1024xf32, #tpu.memory_space<vmem>>
    %dma_wait3A_87 = tpu.memref_squeeze %dma_wait3A_86 : memref<1x4x8x1024xf32, #tpu.memory_space<vmem>> -> memref<4x8x1024xf32, #tpu.memory_space<vmem>>
    tpu.wait_dma2 semaphore(%dma_wait3A_79 : memref<!tpu.dma_semaphore, #tpu.memory_space<semaphore_mem>>) src(%dma_wait3A_87 : memref<4x8x1024xf32, #tpu.memory_space<vmem>>) dst(%dma_wait3A_82 : memref<4x8x1024xf32, #tpu.memory_space<hbm>>)
    return
  }
}

</mosaic_0001>

<sc_bundles>
// kernel: kernel.3.cloned.1.call-start
scs
__scs_entry_jumppad:
0x0: {  	(pc) =	sbr.rel $0x88, $3  }
0x1: {  	(tag) =	ssettag $0x0;
	lr =	simm.s32 $0x1  }
0x2: {  	[smem:$0x3F9F] =	sst lr;
	_ =	strace $0xD0000000  }
0x3: {  	_ = 	snop  }
0x4: {  	_ = 	snop  }
0x5: {  	_ = 	snop  }
0x6: {  	_ = 	snop  }
0x7: {  	_ = 	snop  }
__scs_overlays_trampoline_lowered:
0x8: {  	[smem:$0x3FAE] =	sst s0  }
0x9: {  	[smem:$0x3FAF] =	sst s1  }
0xa: {  	[smem:$0x3FB0] =	sst s2  }
0xb: {  	[smem:$0x3FB1] =	sst s3  }
0xc: {  	[smem:$0x3FB2] =	sst s4  }
0xd: {  	[smem:$0x3FB3] =	sst s5  }
0xe: {  	[smem:$0x3FB4] =	sst s6  }
0xf: {  	[smem:$0x3FB5] =	sst s7  }
0x10: {  	[smem:$0x3FB6] =	sst s8  }
0x11: {  	[smem:$0x3FB7] =	sst s9;
	s0 =	simm.s32 @!p0 $0x0  }
0x12: {  	s1 =	sld [smem:$0x3F9D];
	s0 =	simm.s32 @p0 $0x1  }
0x13: {  	[smem:$0x3FB8] =	sst s0;
	s0 =	simm.s32 @!p1 $0x0  }
0x14: {  	s2 =	sld [smem:$0x3F9C];
	s0 =	simm.s32 @p1 $0x1  }
0x15: {  	[smem:$0x3FB9] =	sst s0;
	s0 =	simm.s32 @!p2 $0x0  }
0x16: {  	s3 =	sld [smem:$0x3FDB];
	s0 =	simm.s32 @p2 $0x1  }
0x17: {  	s4 =	simm.s32 $0x1BF5;
	[smem:$0x3FBB] =	sst s0  }
0x18: {  	s0 =	sld [smem:$0x3F9E];
	_ =	swait.ge [sflag:s4], $0x0  }
0x19: {  	s7 =	sld [smem:$0x3F9F]  }
0x1a: {  	s8 =	sadd.s32 $0xFFFFE003, lr  }
0x1b: {  	s9 =	sadd.s32 $0xFFFFFEF7, lr;
	s5 =	simm.s32 $0xFFFFFFFF;
	p2 =	slt.u32 s8, $0xFFFFF086  }
0x1c: {  	p1 =	slt.u32 s9, $0xF7A;
	s5 =	simm.s32 @!p2 $0x0  }
0x1d: {  	s5 =	simm.s32 @p1 $0x1;
	p0 =	seq.s32 s7, s2  }
0x1e: {  	s7 =	smul.u32 @!p0 $0xF7A, s2;
	p2 =	seq.s32 @!p0 s5, $0x0  }
0x1f: {  	s9 =	smul.u32 $0xF7A, s1;
	s8 =	simm.s32 @!p0 $0x1BF5;
	p2 =	por !p2, p0  }
0x20: {  	[sflag:s8] =	ssyncset.s32 @!p0 $0xFFFFF086;
	s6 =	sadd.s32 @!p0 s3, s7;
	s7 =	simm.s32 @!p0 $0x108  }
0x21: {  	s3 =	sadd.s32 s3, s9;
	s6 =	sadd.s32 @!p0 $0x88, s6;
	s7 =	simm.s32 @p2 $0x1082  }
0x22: {  	[simem:s7], [sflag:s8] =	dma.local @!p0 [hbm:s6], $0xF7A  }
0x23: {  	s9 =	sor.u32 $0xD0000000, s2;
	s6 =	simm.s32 $0x108;
	_ =	swait.ge @!p0 [sflag:s8], $0x0  }
0x24: {  	s3 =	sadd.s32 $0x88, s3;
	s6 =	simm.s32 @!p1 $0x1082;
	[sflag:s4] =	ssyncset.s32 $0xFFFFF086  }
0x25: {  	[simem:s6], [sflag:s4] =	dma.local [hbm:s3], $0xF7A  }
0x26: {  	[smem:$0x3F9F] =	sst s1;
	(tag) =	ssettag s2;
	_ =	strace s9  }
0x27: {  	s1 =	sld [smem:$0x3FAF]  }
0x28: {  	s2 =	sld [smem:$0x3FB0]  }
0x29: {  	s4 =	sld [smem:$0x3FB2]  }
0x2a: {  	p0 =	seq.s32 s5, $0x0;
	s5 =	sld [smem:$0x3FB3]  }
0x2b: {  	s6 =	sld [smem:$0x3FB4]  }
0x2c: {  	s7 =	sld [smem:$0x3FB5]  }
0x2d: {  	s3 =	simm.s32 $0x108;
	s8 =	sld [smem:$0x3FB6]  }
0x2e: {  	s3 =	simm.s32 @!p0 $0x1082;
	s9 =	sld [smem:$0x3FB7]  }
0x2f: {  	lr =	sadd.s32 s0, s3;
	s0 =	sld [smem:$0x3FAE]  }
0x30: {  	s3 =	sld [smem:$0x3FB1]  }
0x31: {  	[smem:$0x3FBA] =	sst s10  }
0x32: {  	s10 =	sld [smem:$0x3FB8];
	_ =	sdelay $0x3  }
0x33: {  	p0 =	seq.s32 s10, $0x1;
	s10 =	sld [smem:$0x3FBA];
	_ =	sdelay $0x3  }
0x34: {  	[smem:$0x3FBA] =	sst s10  }
0x35: {  	s10 =	sld [smem:$0x3FB9];
	_ =	sdelay $0x3  }
0x36: {  	p1 =	seq.s32 s10, $0x1;
	s10 =	sld [smem:$0x3FBA];
	_ =	sdelay $0x3  }
0x37: {  	[smem:$0x3FBA] =	sst s10  }
0x38: {  	s10 =	sld [smem:$0x3FBB]  }
0x39: {  	_ = 	snop;
	(pc) =	sbr.ind lr, $3  }
0x3a: {  	_ = 	snop  }
0x3b: {  	_ = 	snop  }
0x3c: {  	p2 =	seq.s32 s10, $0x1;
	s10 =	sld [smem:$0x3FBA]  }
0x3d: {  	_ =	shalt  }
0x3e: {  	_ =	shalt  }
0x3f: {  	_ =	shalt  }
0x40: {  	_ =	shalt  }
0x41: {  	_ =	shalt  }
0x42: {  	_ =	shalt  }
0x43: {  	_ =	shalt  }
0x44: {  	_ =	shalt  }
0x45: {  	_ =	shalt  }
0x46: {  	_ =	shalt  }
0x47: {  	_ =	shalt  }
0x48: {  	_ =	shalt  }
0x49: {  	_ =	shalt  }
0x4a: {  	_ =	shalt  }
0x4b: {  	_ =	shalt  }
0x4c: {  	_ =	shalt  }
0x4d: {  	_ =	shalt  }
0x4e: {  	_ =	shalt  }
0x4f: {  	_ =	shalt  }
0x50: {  	_ =	shalt  }
0x51: {  	_ =	shalt  }
0x52: {  	_ =	shalt  }
0x53: {  	_ =	shalt  }
0x54: {  	_ =	shalt  }
0x55: {  	_ =	shalt  }
0x56: {  	_ =	shalt  }
0x57: {  	_ =	shalt  }
0x58: {  	_ =	shalt  }
0x59: {  	_ =	shalt  }
0x5a: {  	_ =	shalt  }
0x5b: {  	_ =	shalt  }
0x5c: {  	_ =	shalt  }
0x5d: {  	_ =	shalt  }
0x5e: {  	_ =	shalt  }
0x5f: {  	_ =	shalt  }
0x60: {  	_ =	shalt  }
0x61: {  	_ =	shalt  }
0x62: {  	_ =	shalt  }
0x63: {  	_ =	shalt  }
0x64: {  	_ =	shalt  }
0x65: {  	_ =	shalt  }
0x66: {  	_ =	shalt  }
0x67: {  	_ =	shalt  }
0x68: {  	_ =	shalt  }
0x69: {  	_ =	shalt  }
0x6a: {  	_ =	shalt  }
0x6b: {  	_ =	shalt  }
0x6c: {  	_ =	shalt  }
0x6d: {  	_ =	shalt  }
0x6e: {  	_ =	shalt  }
0x6f: {  	_ =	shalt  }
0x70: {  	_ =	shalt  }
0x71: {  	_ =	shalt  }
0x72: {  	_ =	shalt  }
0x73: {  	_ =	shalt  }
0x74: {  	_ =	shalt  }
0x75: {  	_ =	shalt  }
0x76: {  	_ =	shalt  }
0x77: {  	_ =	shalt  }
0x78: {  	_ =	shalt  }
0x79: {  	_ =	shalt  }
0x7a: {  	_ =	shalt  }
0x7b: {  	_ =	shalt  }
0x7c: {  	_ =	shalt  }
0x7d: {  	_ =	shalt  }
0x7e: {  	_ =	shalt  }
0x7f: {  	_ =	shalt  }
0x80: {  	_ =	shalt  }
0x81: {  	_ =	shalt  }
0x82: {  	_ =	shalt  }
0x83: {  	_ =	shalt  }
0x84: {  	_ =	shalt  }
0x85: {  	_ =	shalt  }
0x86: {  	_ =	shalt  }
0x87: {  	_ =	shalt  }
.Lfunc_end0:
.L_simem_size_0:
called_computation_lowered:
.L_overlay_start_0:
0x88: {  	s2 =	sld [smem:$0x3FD9]  }
0x89: {  	s3 =	sld [smem:$0x3FFE];
	_ =	sdelay $0x1  }
0x8a: {  	s1 =	srdreg.scid  }
0x8b: {  	s0 =	sand.u32 $0x1, s1  }
0x8c: {  	s18 =	sshll.u32 s0, $0xA;
	s2 =	sadd.s32 s3, s2  }
0x8d: {  	s2 =	sadd.s32 s2, s18  }
0x8e: {  	[smem:$0x3FC6] =	sst s2  }
0x8f: {  	_ = 	snop  }
0x90: {  	s2 =	sld [smem:$0x3FC9]  }
0x91: {  	s19 =	sld [smem:$0x3FC8]  }
0x92: {  	s4 =	sld [smem:$0x3FD0];
	(tm) =	ssettm $0x1  }
0x93: {  	s5 =	sld [smem:$0x3FFB];
	_ =	sdelay $0x3  }
0x94: {  	_ =	strace s5  }
0x95: {  	s5 =	sld [smem:$0x3FFC];
	_ =	sdelay $0x3  }
0x96: {  	_ =	strace s5  }
0x97: {  	s5 =	sld [smem:$0x3FFD];
	_ =	sdelay $0x3  }
0x98: {  	_ =	strace s5  }
0x99: {  	_ =	strace $0x8FFFFFFF  }
0x9a: {  	s20 =	sld [smem:$0x3FDB];
	_ =	sdelay $0x1  }
0x9b: {  	s6 =	simm.s32 $_scs_section_size  }
0x9c: {  	s7 =	simm.s32 $_size__tile_overlayer_lowered;
	s8 =	simm.s32 $_tile_overlayer_lowered  }
0x9d: {  	s23 =	simm.s32 $0x1BFF;
	s22 =	sshll.u32 s8, $0x1;
	s5 =	sadd.s32 s6, s20  }
0x9e: {  	s9 =	simm.s32 $0x0;
	s21 =	sshll.u32 s7, $0x1;
	s7 =	sadd.s32 s22, s5  }
0x9f: {  	[timem:s9], [sflag:s23] =	dma.local [hbm:s7], s21  }
0xa0: {  	_ =	swait.ge [sflag:s23], s21  }
0xa1: {  	s6 =	ssub.s32 $0x0, s21;
	[sflag:s23] =	ssyncset.done $0x0  }
0xa2: {  	[sflag:s23] =	ssyncadd.s32 s6;
	_ =	sdelay $0x1  }
0xa3: {  	s24 =	simm.s32 $0x1B8B  }
0xa4: {  	_ =	swait.ge [sflag:s24], $0x1  }
0xa5: {  	[sflag:s24] =	ssyncset.done $0x0  }
0xa6: {  	s25 =	simm.s32 $0x1B8E;
	[sflag:s24] =	ssyncadd.s32 $0xFFFFFFFF  }
0xa7: {  	s26 =	simm.s32 $execute0_lowered;
	[smem:$0x3FD2] =	sst s25  }
0xa8: {  	s6 =	sshll.u32 s26, $0x1;
	_ =	strace $0x80000046;
	[dreg:$0x1] =	wrdreg $0xFFFFFFFF  }
0xa9: {  	s28 =	simm.s32 $_size_execute0_lowered;
	s5 =	sadd.s32 s5, s6;
	[dreg:$0x0] =	wrdreg $0x0  }
0xaa: {  	s6 =	sshll.u32 s28, $0x1;
	[dreg:$0x2] =	wrdreg s5  }
0xab: {  	[dreg:$0x3] =	wrdreg s6  }
0xac: {  	[dreg:$0x4] =	wrdreg $0xC0  }
0xad: {  	_ =	task [dreg:s9], $0x5FFFF  }
0xae: {  	[dreg:$0x1] =	wrdreg $0xFFFFFFFF  }
0xaf: {  	[dreg:$0x0] =	wrdreg $0x60  }
0xb0: {  	[dreg:$0x2] =	wrdreg s2  }
0xb1: {  	[dreg:$0x3] =	wrdreg s19  }
0xb2: {  	[dreg:$0x4] =	wrdreg s4  }
0xb3: {  	[dreg:$0x5] =	wrdreg $0x9  }
0xb4: {  	_ =	task.clear_ibuf [dreg:s9], $0x6FFFF;
	_ =	strace $0x90000046  }
0xb5: {  	s29 =	simm.s32 $0x9;
	_ =	strace $0x80000048  }
0xb6: {  	_ =	swait.ge [sflag:s29], $0x1  }
0xb7: {  	[sflag:s29] =	ssyncadd.s32 $0xFFFFFFFF  }
0xb8: {  	_ =	strace $0x90000048  }
0xb9: {  	_ =	sfence  }
0xba: {  	s30 =	sld [smem:$0x0];
	_ =	sdelay $0x2  }
0xbb: {  	s31 =	sshll.u32 s1, $0xD;
	s1 =	sshrl.u32 s1, $0x2  }
0xbc: {  	s3 =	sand.u32 $0x4000, s31;
	s1 =	sadd.s32 s1, s30  }
0xbd: {  	s0 =	sor.u32 s3, s0;
	s1 =	sshll.u32 s1, $0x11  }
0xbe: {  	s0 =	sor.u32 s1, s0  }
0xbf: {  	s0 =	sadd.s32 $0x8F2B, s0  }
0xc0: {  	[sflag:s0] =	ssyncadd.remote.s32 $0x1  }
0xc1: {  	_ =	sfence.sel $0xFFFF  }
0xc2: {  	[dreg:$0x0] =	wrdreg $0xFFFFFFFF;
	(pc) =	sbr.abs _section_cstart, $3  }
0xc3: {  	[dreg:$0x1] =	wrdreg $0xFFFFFFFF  }
0xc4: {  	_ =	task.clear_ibuf [dreg:s9], $0x2FFFF;
	_ =	strace $0x9FFFFFFF  }
0xc5: {  	(tm) =	ssettm $0x7FFFFFFF  }
tec
execute0_lowered:
.L_overlay_start_1:
0x0: {  	(tag) =	ssettag $0x1  }
0x1: {  	s4 =	rddreg [dreg:$0x0];
	s0 =	srdreg.scid  }
0x2: {  	s5 =	rddreg [dreg:$0x1];
	s2 =	stileid.u32;
	s0 =	sand.u32 $0x1, s0  }
0x3: {  	s2 =	sshll.u32 s2, $0x9;
	s1 =	ssub.s32 $0x2, s0;
	s0 =	sshll.u32 s0, $0x8  }
0x4: {  	s6 =	rddreg [dreg:$0x2];
	s3 =	simm.s32 $0x0;
	s0 =	sor.u32 s0, s2  }
0x5: {  	[smem:$0x7FF] =	sst s3;
	s2 =	sshll.u32 s0, $0x7;
	s0 =	sshrl.u32 s0, $0x3  }
0x6: {  	_ =	strace $0x80000047;
	s29 =	sadd.s32 s5, s2;
	[smem:$0x7FB] =	sst s0  }
0x7: {  	s3 =	simm.s32 $0x2000;
	s30 =	sadd.s32 s4, s2;
	[smem:$0x7F8] =	sst s29  }
0x8: {  	s28 =	sshrl.u32 s1, $0x1;
	s2 =	sadd.s32 s6, s2;
	[smem:$0x7F9] =	sst s30  }
0x9: {  	s1 =	ssub.s32 s1, s28;
	s0 =	sor.u32 $0x2, s0;
	[smem:$0x7FA] =	sst s2  }
0xa: {  	s31 =	smax.u32 s1, $0x1;
	s4 =	simm.s32 $0x800000;
	[smem:$0x7FC] =	sst s0  }
0xb: {  	s5 =	simm.s32 $0xC000;
	[smem:$0x7FD] =	sst s31;
	s2 =	simm.s32 $0x0  }
.LBB2_1:
0xc: {  	s1 =	sld [smem:$0x7F8];
	_ =	sdelay $0x1  }
0xd: {  	s0 =	simm.s32 $0x0;
	s30 =	sld [smem:$0x7F9]  }
0xe: {  	[tilespmem:s0], [sflag:$0x1] =	stream.linear.gather [hbm4b:s1+s0], $0x2000, $0x38;
	[tilespmem:$0x14000] =	vst v63  }
0xf: {  	[smem:$0x7F7] =	sst s2;
	s31 =	simm.s32 $0x4000;
	s0 =	simm.s32 $0x0  }
0x10: {  	[tilespmem:s31], [sflag:$0x1] =	stream.strided.gather [hbm4b:s30+s3], $0x8000, s4, s3, $0x38;
	[tilespmem:$0x14000] =	vst v63  }
.LBB2_2:
0x11: {  	p0 =	seq.s32 s0, $0x0  }
0x12: {  	[smem:$0x7F5] =	sst s0;
	s1 =	simm.s32 @!p0 $0x4  }
0x13: {  	_ =	swait.ge @!p0 [sflag:s1], $0x8000  }
0x14: {  	s2 =	sld [smem:$0x7FB];
	_ =	sdelay $0x1  }
0x15: {  	s11 =	sshllo.u32 s0, $0x1;
	[sflag:s1] =	ssyncset.done @!p0 $0x0  }
0x16: {  	[sflag:s1] =	ssyncadd.s32 @!p0 $0xFFFF8000;
	s0 =	sadd.s32 s2, s11  }
0x17: {  	s12 =	rddreg [dreg:$0x1];
	s2 =	sshll.u32 s0, $0xA  }
0x18: {  	s13 =	simm.s32 $0x0;
	s14 =	rddreg [dreg:$0x0];
	s0 =	sadd.s32 s12, s2  }
0x19: {  	[tilespmem:s3], [sflag:$0x2] =	stream.linear.gather [hbm4b:s0+s13], $0x2000, $0x38;
	[tilespmem:$0x14000] =	vst v63  }
0x1a: {  	s15 =	simm.s32 $0x1;
	[smem:$0x7EE] =	sst s2;
	s0 =	sadd.s32 s14, s2  }
0x1b: {  	[tilespmem:s5], [sflag:$0x2] =	stream.strided.gather [hbm4b:s0+s3], $0x8000, s4, s3, $0x38;
	[tilespmem:$0x14000] =	vst v63  }
0x1c: {  	_ =	swait.ge [sflag:s15], $0x2000  }
0x1d: {  	[sflag:s15] =	ssyncset.done $0x0  }
0x1e: {  	[sflag:s15] =	ssyncadd.s32 $0xFFFFE000  }
0x1f: {  	s30 =	sand.u32 $0x60, s13;
	_ =	swait.ge [sflag:s15], $0x8000  }
0x20: {  	s8 =	sand.u32 $0x1C00, s13;
	s9 =	sor.u32 $0x10, s30;
	[sflag:s15] =	ssyncset.done $0x0  }
0x21: {  	s3 =	sor.u32 s8, s9;
	[sflag:s15] =	ssyncadd.s32 $0xFFFF8000  }
0x22: {  	v0 =	vld [tilespmem:s3+$0x0]  }
0x23: {  	v1 =	vld [tilespmem:s3+$0x4000];
	_ =	sdelay $0x4  }
0x24: {  	v1 =	vadd.f32 v1, v0  }
0x25: {  	s16 =	sor.u32 $0x6000, s8  }
0x26: {  	s17 =	sor.u32 s9, s16;
	[tilespmem:s3+$0x4000] =	vst v1  }
0x27: {  	v1 =	vld [tilespmem:s17+$0x0];
	_ =	sdelay $0x4  }
0x28: {  	v1 =	vadd.f32 v1, v0  }
0x29: {  	s18 =	sor.u32 $0x8000, s8  }
0x2a: {  	s6 =	sor.u32 s9, s18;
	[tilespmem:s17+$0x0] =	vst v1  }
0x2b: {  	v1 =	vld [tilespmem:s6+$0x0]  }
0x2c: {  	s0 =	sor.u32 s30, s8  }
0x2d: {  	v2 =	vld [tilespmem:s0+$0x0]  }
0x2e: {  	v3 =	vld [tilespmem:s0+$0x4000];
	_ =	sdelay $0x1  }
0x2f: {  	v1 =	vadd.f32 v1, v0  }
0x30: {  	s7 =	sor.u32 $0xA000, s8  }
0x31: {  	s19 =	sor.u32 s9, s7;
	[tilespmem:s6+$0x0] =	vst v1  }
0x32: {  	v3 =	vadd.f32 v3, v2;
	v1 =	vld [tilespmem:s19+$0x0];
	_ =	sdelay $0x1  }
0x33: {  	s4 =	sor.u32 s30, s16;
	[tilespmem:s0+$0x4000] =	vst v3  }
0x34: {  	v3 =	vld [tilespmem:s4+$0x0];
	_ =	sdelay $0x1  }
0x35: {  	v0 =	vadd.f32 v1, v0;
	_ =	sdelay $0x1  }
0x36: {  	[tilespmem:s19+$0x0] =	vst v0  }
0x37: {  	v3 =	vadd.f32 v3, v2;
	v0 =	vld [tilespmem:s3+$0x80]  }
0x38: {  	v1 =	vld [tilespmem:s3+$0x4080]  }
0x39: {  	s5 =	sor.u32 s30, s18;
	[tilespmem:s4+$0x0] =	vst v3  }
0x3a: {  	v3 =	vld [tilespmem:s5+$0x0];
	_ =	sdelay $0x2  }
0x3b: {  	v1 =	vadd.f32 v1, v0  }
0x3c: {  	s20 =	sor.u32 $0x6080, s8  }
0x3d: {  	s21 =	sor.u32 s9, s20;
	v3 =	vadd.f32 v3, v2;
	[tilespmem:s3+$0x4080] =	vst v1  }
0x3e: {  	v1 =	vld [tilespmem:s21+$0x0]  }
0x3f: {  	s7 =	sor.u32 s30, s7;
	[tilespmem:s5+$0x0] =	vst v3  }
0x40: {  	v3 =	vld [tilespmem:s7+$0x0];
	_ =	sdelay $0x2  }
0x41: {  	v1 =	vadd.f32 v1, v0  }
0x42: {  	s22 =	sor.u32 $0x8080, s8  }
0x43: {  	s24 =	sor.u32 s9, s22;
	v2 =	vadd.f32 v3, v2;
	[tilespmem:s21+$0x0] =	vst v1  }
0x44: {  	v1 =	vld [tilespmem:s24+$0x0]  }
0x45: {  	[tilespmem:s7+$0x0] =	vst v2  }
0x46: {  	v2 =	vld [tilespmem:s0+$0x80]  }
0x47: {  	v3 =	vld [tilespmem:s0+$0x4080];
	_ =	sdelay $0x1  }
0x48: {  	v1 =	vadd.f32 v1, v0  }
0x49: {  	s25 =	sor.u32 $0xA080, s8  }
0x4a: {  	s26 =	sor.u32 s9, s25;
	[tilespmem:s24+$0x0] =	vst v1  }
0x4b: {  	v3 =	vadd.f32 v3, v2;
	v1 =	vld [tilespmem:s26+$0x0];
	_ =	sdelay $0x1  }
0x4c: {  	s4 =	sor.u32 s30, s20;
	[tilespmem:s0+$0x4080] =	vst v3  }
0x4d: {  	v3 =	vld [tilespmem:s4+$0x0];
	_ =	sdelay $0x1  }
0x4e: {  	v0 =	vadd.f32 v1, v0;
	_ =	sdelay $0x1  }
0x4f: {  	[tilespmem:s26+$0x0] =	vst v0  }
0x50: {  	v3 =	vadd.f32 v3, v2;
	v0 =	vld [tilespmem:s3+$0x100]  }
0x51: {  	v1 =	vld [tilespmem:s3+$0x4100]  }
0x52: {  	s5 =	sor.u32 s30, s22;
	[tilespmem:s4+$0x0] =	vst v3  }
0x53: {  	v3 =	vld [tilespmem:s5+$0x0];
	_ =	sdelay $0x2  }
0x54: {  	v1 =	vadd.f32 v1, v0  }
0x55: {  	s29 =	sor.u32 $0x6100, s8  }
0x56: {  	s12 =	sor.u32 s9, s29;
	v3 =	vadd.f32 v3, v2;
	[tilespmem:s3+$0x4100] =	vst v1  }
0x57: {  	s13 =	simm.s32 $0x20;
	v1 =	vld [tilespmem:s12+$0x0]  }
0x58: {  	s14 =	simm.s32 $0x100;
	s19 =	sand.u32 $0x60, s13;
	s7 =	sor.u32 s30, s25;
	[tilespmem:s5+$0x0] =	vst v3  }
0x59: {  	s28 =	sand.u32 $0x1C00, s14;
	s2 =	sor.u32 $0x10, s19;
	v3 =	vld [tilespmem:s7+$0x0]  }
0x5a: {  	s14 =	sor.u32 s28, s2  }
0x5b: {  	v4 =	vld [tilespmem:s14+$0x0]  }
0x5c: {  	v5 =	vld [tilespmem:s14+$0x4000];
	v1 =	vadd.f32 v1, v0  }
0x5d: {  	s15 =	sor.u32 $0x8100, s8  }
0x5e: {  	s16 =	sor.u32 s9, s15;
	v2 =	vadd.f32 v3, v2;
	[tilespmem:s12+$0x0] =	vst v1  }
0x5f: {  	v1 =	vld [tilespmem:s16+$0x0]  }
0x60: {  	[tilespmem:s7+$0x0] =	vst v2  }
0x61: {  	v2 =	vadd.f32 v5, v4;
	v3 =	vld [tilespmem:s0+$0x100]  }
0x62: {  	s17 =	sor.u32 $0x6000, s28;
	v5 =	vld [tilespmem:s0+$0x4100]  }
0x63: {  	s10 =	sor.u32 s2, s17;
	[tilespmem:s14+$0x4000] =	vst v2  }
0x64: {  	s18 =	sor.u32 s19, s28;
	v2 =	vld [tilespmem:s10+$0x0];
	v1 =	vadd.f32 v1, v0  }
0x65: {  	s11 =	sor.u32 $0xA100, s8;
	v6 =	vld [tilespmem:s18+$0x0]  }
0x66: {  	s20 =	sor.u32 s9, s11;
	v7 =	vld [tilespmem:s18+$0x4000];
	[tilespmem:s16+$0x0] =	vst v1  }
0x67: {  	v5 =	vadd.f32 v5, v3;
	v1 =	vld [tilespmem:s20+$0x0];
	_ =	sdelay $0x1  }
0x68: {  	s4 =	sor.u32 s30, s29;
	v2 =	vadd.f32 v2, v4;
	[tilespmem:s0+$0x4100] =	vst v5  }
0x69: {  	v5 =	vld [tilespmem:s4+$0x0];
	s12 =	sor.u32 $0x8000, s28  }
0x6a: {  	[tilespmem:s10+$0x0] =	vst v2;
	s21 =	sor.u32 s2, s12  }
0x6b: {  	v2 =	vadd.f32 v7, v6;
	v0 =	vadd.f32 v1, v0;
	v1 =	vld [tilespmem:s21+$0x0];
	_ =	sdelay $0x1  }
0x6c: {  	s22 =	sor.u32 s19, s17;
	[tilespmem:s18+$0x4000] =	vst v2  }
0x6d: {  	v7 =	vld [tilespmem:s22+$0x0];
	v5 =	vadd.f32 v5, v3;
	[tilespmem:s20+$0x0] =	vst v0  }
0x6e: {  	v0 =	vld [tilespmem:s3+$0x180]  }
0x6f: {  	s5 =	sor.u32 s30, s15;
	[tilespmem:s4+$0x0] =	vst v5;
	v2 =	vld [tilespmem:s3+$0x4180];
	v1 =	vadd.f32 v1, v4  }
0x70: {  	s24 =	sor.u32 $0xA000, s28;
	v5 =	vld [tilespmem:s5+$0x0]  }
0x71: {  	s25 =	sor.u32 s2, s24;
	[tilespmem:s21+$0x0] =	vst v1  }
0x72: {  	v7 =	vadd.f32 v7, v6;
	v1 =	vld [tilespmem:s25+$0x0];
	_ =	sdelay $0x1  }
0x73: {  	s12 =	sor.u32 s19, s12;
	[tilespmem:s22+$0x0] =	vst v7;
	v2 =	vadd.f32 v2, v0  }
0x74: {  	s26 =	sor.u32 $0x6180, s8;
	v7 =	vld [tilespmem:s12+$0x0];
	v5 =	vadd.f32 v5, v3  }
0x75: {  	s13 =	sor.u32 s9, s26;
	[tilespmem:s3+$0x4180] =	vst v2  }
0x76: {  	s29 =	sor.u32 s30, s11;
	[tilespmem:s5+$0x0] =	vst v5;
	v2 =	vld [tilespmem:s13+$0x0];
	v1 =	vadd.f32 v1, v4  }
0x77: {  	v4 =	vld [tilespmem:s29+$0x0]  }
0x78: {  	[tilespmem:s25+$0x0] =	vst v1  }
0x79: {  	v5 =	vadd.f32 v7, v6;
	v1 =	vld [tilespmem:s14+$0x80]  }
0x7a: {  	v7 =	vld [tilespmem:s14+$0x4080]  }
0x7b: {  	s4 =	sor.u32 s19, s24;
	[tilespmem:s12+$0x0] =	vst v5;
	v2 =	vadd.f32 v2, v0  }
0x7c: {  	s1 =	sor.u32 $0x8180, s8;
	v3 =	vadd.f32 v4, v3;
	v4 =	vld [tilespmem:s4+$0x0]  }
0x7d: {  	s11 =	sor.u32 s9, s1;
	[tilespmem:s13+$0x0] =	vst v2  }
0x7e: {  	v2 =	vld [tilespmem:s11+$0x0];
	[tilespmem:s29+$0x0] =	vst v3  }
0x7f: {  	v3 =	vadd.f32 v7, v1;
	v5 =	vld [tilespmem:s0+$0x180]  }
0x80: {  	v7 =	vld [tilespmem:s0+$0x4180]  }
0x81: {  	s13 =	sor.u32 $0x6080, s28;
	[tilespmem:s14+$0x4080] =	vst v3;
	v3 =	vadd.f32 v4, v6  }
0x82: {  	s15 =	sor.u32 s2, s13  }
0x83: {  	v2 =	vadd.f32 v2, v0;
	v4 =	vld [tilespmem:s15+$0x0];
	[tilespmem:s4+$0x0] =	vst v3  }
0x84: {  	s16 =	sor.u32 $0xA180, s8;
	v3 =	vld [tilespmem:s18+$0x80]  }
0x85: {  	s17 =	sor.u32 s9, s16;
	[tilespmem:s11+$0x0] =	vst v2;
	v6 =	vadd.f32 v7, v5;
	v7 =	vld [tilespmem:s18+$0x4080]  }
0x86: {  	v2 =	vld [tilespmem:s17+$0x0]  }
0x87: {  	s20 =	sor.u32 s30, s26;
	[tilespmem:s0+$0x4180] =	vst v6  }
0x88: {  	v4 =	vadd.f32 v4, v1;
	v6 =	vld [tilespmem:s20+$0x0]  }
0x89: {  	s21 =	sor.u32 $0x8080, s28  }
0x8a: {  	s22 =	sor.u32 s2, s21;
	[tilespmem:s15+$0x0] =	vst v4;
	v4 =	vadd.f32 v7, v3  }
0x8b: {  	v0 =	vadd.f32 v2, v0;
	v2 =	vld [tilespmem:s22+$0x0]  }
0x8c: {  	s6 =	sor.u32 s19, s13;
	[tilespmem:s18+$0x4080] =	vst v4  }
0x8d: {  	[tilespmem:s17+$0x0] =	vst v0;
	v6 =	vadd.f32 v6, v5;
	v7 =	vld [tilespmem:s6+$0x0]  }
0x8e: {  	v0 =	vld [tilespmem:s3+$0x200]  }
0x8f: {  	s5 =	sor.u32 s30, s1;
	v4 =	vld [tilespmem:s3+$0x4200];
	[tilespmem:s20+$0x0] =	vst v6  }
0x90: {  	v2 =	vadd.f32 v2, v1;
	v6 =	vld [tilespmem:s5+$0x0]  }
0x91: {  	s24 =	sor.u32 $0xA080, s28  }
0x92: {  	s25 =	sor.u32 s2, s24;
	[tilespmem:s22+$0x0] =	vst v2;
	v7 =	vadd.f32 v7, v3  }
0x93: {  	v2 =	vld [tilespmem:s25+$0x0]  }
0x94: {  	s10 =	sor.u32 s19, s21;
	v4 =	vadd.f32 v4, v0;
	[tilespmem:s6+$0x0] =	vst v7  }
0x95: {  	s26 =	sor.u32 $0x6200, s8;
	v6 =	vadd.f32 v6, v5;
	v7 =	vld [tilespmem:s10+$0x0]  }
0x96: {  	s15 =	sor.u32 s9, s26;
	[tilespmem:s3+$0x4200] =	vst v4  }
0x97: {  	s16 =	sor.u32 s30, s16;
	v4 =	vld [tilespmem:s15+$0x0];
	[tilespmem:s5+$0x0] =	vst v6  }
0x98: {  	v1 =	vadd.f32 v2, v1;
	v2 =	vld [tilespmem:s16+$0x0];
	_ =	sdelay $0x1  }
0x99: {  	[tilespmem:s25+$0x0] =	vst v1;
	v6 =	vadd.f32 v7, v3  }
0x9a: {  	v1 =	vld [tilespmem:s14+$0x100]  }
0x9b: {  	s20 =	sor.u32 s19, s24;
	v4 =	vadd.f32 v4, v0;
	v7 =	vld [tilespmem:s14+$0x4100];
	[tilespmem:s10+$0x0] =	vst v6  }
0x9c: {  	s7 =	sor.u32 $0x8200, s8;
	v2 =	vadd.f32 v2, v5;
	v5 =	vld [tilespmem:s20+$0x0]  }
0x9d: {  	s17 =	sor.u32 s9, s7;
	[tilespmem:s15+$0x0] =	vst v4  }
0x9e: {  	v4 =	vld [tilespmem:s17+$0x0];
	[tilespmem:s16+$0x0] =	vst v2  }
0x9f: {  	v6 =	vld [tilespmem:s0+$0x200]  }
0xa0: {  	v2 =	vadd.f32 v7, v1;
	v7 =	vld [tilespmem:s0+$0x4200]  }
0xa1: {  	s21 =	sor.u32 $0x6100, s28;
	v3 =	vadd.f32 v5, v3  }
0xa2: {  	s15 =	sor.u32 s2, s21;
	[tilespmem:s14+$0x4100] =	vst v2  }
0xa3: {  	v2 =	vadd.f32 v4, v0;
	v4 =	vld [tilespmem:s15+$0x0];
	[tilespmem:s20+$0x0] =	vst v3  }
0xa4: {  	s4 =	sor.u32 $0xA200, s8;
	v3 =	vld [tilespmem:s18+$0x100]  }
0xa5: {  	s22 =	simm.s32 $0x40;
	s16 =	sor.u32 s9, s4;
	[tilespmem:s17+$0x0] =	vst v2;
	v5 =	vadd.f32 v7, v6;
	v7 =	vld [tilespmem:s18+$0x4100]  }
0xa6: {  	s24 =	simm.s32 $0x200;
	s1 =	sand.u32 $0x60, s22;
	v2 =	vld [tilespmem:s16+$0x0]  }
0xa7: {  	s6 =	sor.u32 $0x10, s1;
	s10 =	sand.u32 $0x1C00, s24  }
0xa8: {  	s29 =	sor.u32 s10, s6  }
0xa9: {  	v8 =	vld [tilespmem:s29+$0x0];
	v4 =	vadd.f32 v4, v1  }
0xaa: {  	s11 =	sor.u32 s30, s26;
	s25 =	sor.u32 $0x8100, s28;
	[tilespmem:s0+$0x4200] =	vst v5;
	v5 =	vld [tilespmem:s29+$0x4000];
	v7 =	vadd.f32 v7, v3  }
0xab: {  	s26 =	sor.u32 s2, s25;
	[tilespmem:s15+$0x0] =	vst v4;
	v4 =	vld [tilespmem:s11+$0x0];
	v0 =	vadd.f32 v2, v0  }
0xac: {  	s20 =	sor.u32 s1, s10;
	v2 =	vld [tilespmem:s26+$0x0];
	[tilespmem:s18+$0x4100] =	vst v7  }
0xad: {  	v7 =	vld [tilespmem:s20+$0x4000];
	[tilespmem:s16+$0x0] =	vst v0  }
0xae: {  	v9 =	vld [tilespmem:s3+$0x280]  }
0xaf: {  	v5 =	vadd.f32 v5, v8;
	v10 =	vld [tilespmem:s3+$0x4280]  }
0xb0: {  	s13 =	sor.u32 s19, s21;
	s5 =	sor.u32 $0x6000, s10;
	v0 =	vld [tilespmem:s20+$0x0];
	v4 =	vadd.f32 v4, v6  }
0xb1: {  	s17 =	sor.u32 s6, s5;
	v11 =	vld [tilespmem:s13+$0x0];
	[tilespmem:s29+$0x4000] =	vst v5;
	v2 =	vadd.f32 v2, v1  }
0xb2: {  	s7 =	sor.u32 s30, s7;
	s21 =	sor.u32 $0xA100, s28;
	[tilespmem:s11+$0x0] =	vst v4;
	v4 =	vld [tilespmem:s17+$0x0]  }
0xb3: {  	s22 =	sor.u32 s2, s21;
	[tilespmem:s26+$0x0] =	vst v2;
	v2 =	vld [tilespmem:s7+$0x0]  }
0xb4: {  	v5 =	vld [tilespmem:s22+$0x0];
	v10 =	vadd.f32 v10, v9  }
0xb5: {  	s11 =	sor.u32 $0x6280, s8;
	v7 =	vadd.f32 v7, v0  }
0xb6: {  	s24 =	sor.u32 s9, s11;
	[tilespmem:s3+$0x4280] =	vst v10;
	v10 =	vadd.f32 v11, v3  }
0xb7: {  	s16 =	sor.u32 s1, s5;
	[tilespmem:s20+$0x4000] =	vst v7;
	v4 =	vadd.f32 v4, v8;
	v7 =	vld [tilespmem:s24+$0x0]  }
0xb8: {  	s12 =	sor.u32 s19, s25;
	s25 =	sor.u32 $0x8000, s10;
	[tilespmem:s13+$0x0] =	vst v10;
	v10 =	vld [tilespmem:s16+$0x0];
	v2 =	vadd.f32 v2, v6  }
0xb9: {  	s26 =	sor.u32 s6, s25;
	[tilespmem:s17+$0x0] =	vst v4;
	v4 =	vld [tilespmem:s12+$0x0];
	v1 =	vadd.f32 v5, v1  }
0xba: {  	s5 =	sor.u32 s30, s4;
	[tilespmem:s7+$0x0] =	vst v2;
	v2 =	vld [tilespmem:s26+$0x0]  }
0xbb: {  	[tilespmem:s22+$0x0] =	vst v1;
	v1 =	vld [tilespmem:s5+$0x0]  }
0xbc: {  	v5 =	vld [tilespmem:s14+$0x180];
	v7 =	vadd.f32 v7, v9  }
0xbd: {  	s4 =	sor.u32 $0x8280, s8;
	v11 =	vld [tilespmem:s14+$0x4180];
	v10 =	vadd.f32 v10, v0  }
0xbe: {  	s15 =	sor.u32 s9, s4;
	[tilespmem:s24+$0x0] =	vst v7;
	v4 =	vadd.f32 v4, v3  }
0xbf: {  	s13 =	sor.u32 s1, s25;
	[tilespmem:s16+$0x0] =	vst v10;
	v2 =	vadd.f32 v2, v8;
	v7 =	vld [tilespmem:s15+$0x0]  }
0xc0: {  	s21 =	sor.u32 s19, s21;
	s24 =	sor.u32 $0xA000, s10;
	[tilespmem:s12+$0x0] =	vst v4;
	v4 =	vld [tilespmem:s13+$0x0]  }
0xc1: {  	s25 =	sor.u32 s6, s24;
	v1 =	vadd.f32 v1, v6;
	[tilespmem:s26+$0x0] =	vst v2;
	v2 =	vld [tilespmem:s21+$0x0]  }
0xc2: {  	v10 =	vadd.f32 v11, v5;
	v6 =	vld [tilespmem:s25+$0x0]  }
0xc3: {  	s26 =	sor.u32 $0x6180, s28;
	[tilespmem:s5+$0x0] =	vst v1  }
0xc4: {  	s5 =	sor.u32 s2, s26;
	v1 =	vld [tilespmem:s0+$0x280];
	[tilespmem:s14+$0x4180] =	vst v10;
	v7 =	vadd.f32 v7, v9  }
0xc5: {  	s7 =	sor.u32 $0xA280, s8;
	v10 =	vld [tilespmem:s5+$0x0];
	v4 =	vadd.f32 v4, v0  }
0xc6: {  	s22 =	sor.u32 s9, s7;
	[tilespmem:s15+$0x0] =	vst v7;
	v7 =	vld [tilespmem:s0+$0x4280];
	v2 =	vadd.f32 v2, v3  }
0xc7: {  	s15 =	sor.u32 s1, s24;
	[tilespmem:s13+$0x0] =	vst v4;
	v3 =	vadd.f32 v6, v8;
	v4 =	vld [tilespmem:s22+$0x0]  }
0xc8: {  	[tilespmem:s21+$0x0] =	vst v2;
	v2 =	vld [tilespmem:s15+$0x0]  }
0xc9: {  	s23 =	simm.s32 $0x0;
	[tilespmem:s25+$0x0] =	vst v3;
	v3 =	vld [tilespmem:s18+$0x180]  }
0xca: {  	s16 =	sand.u32 $0x3, s23;
	v8 =	vadd.f32 v10, v5;
	v6 =	vld [tilespmem:s29+$0x80]  }
0xcb: {  	s3 =	sshll.u32 s16, $0x5;
	s12 =	sor.u32 $0x8180, s28;
	v10 =	vld [tilespmem:s29+$0x4080];
	v7 =	vadd.f32 v7, v1  }
0xcc: {  	s3 =	sadd.s32 $0x0, s3;
	s21 =	sor.u32 s2, s12;
	[tilespmem:s5+$0x0] =	vst v8;
	v8 =	vld [tilespmem:s18+$0x4180];
	v4 =	vadd.f32 v4, v9  }
0xcd: {  	s11 =	sor.u32 s30, s11;
	[tilespmem:s0+$0x4280] =	vst v7;
	v7 =	vld [tilespmem:s21+$0x0];
	s0 =	sadd.s32 $0x10, s3  }
0xce: {  	v0 =	vadd.f32 v2, v0;
	[tilespmem:s22+$0x0] =	vst v4;
	v2 =	vld [tilespmem:s11+$0x0];
	s23 =	sor.u32 $0x300, s0  }
0xcf: {  	v4 =	vld [tilespmem:s23+$0x0]  }
0xd0: {  	[tilespmem:s15+$0x0] =	vst v0;
	v0 =	vadd.f32 v10, v6;
	v9 =	vld [tilespmem:s23+$0x4000]  }
0xd1: {  	s24 =	sor.u32 $0x6080, s10;
	v10 =	vld [tilespmem:s20+$0x80];
	v8 =	vadd.f32 v8, v3  }
0xd2: {  	s25 =	sor.u32 s6, s24;
	v11 =	vld [tilespmem:s20+$0x4080];
	[tilespmem:s29+$0x4080] =	vst v0;
	v0 =	vadd.f32 v7, v5  }
0xd3: {  	s17 =	sor.u32 s19, s26;
	s22 =	sor.u32 $0xA180, s28;
	[tilespmem:s18+$0x4180] =	vst v8;
	v7 =	vld [tilespmem:s25+$0x0]  }
0xd4: {  	s26 =	sor.u32 s2, s22;
	[tilespmem:s21+$0x0] =	vst v0;
	v0 =	vadd.f32 v2, v1;
	v2 =	vld [tilespmem:s17+$0x0]  }
0xd5: {  	v9 =	vadd.f32 v9, v4;
	v8 =	vld [tilespmem:s26+$0x0]  }
0xd6: {  	s5 =	sor.u32 s30, s4;
	s4 =	sor.u32 $0x6300, s8;
	[tilespmem:s11+$0x0] =	vst v0  }
0xd7: {  	[tilespmem:s23+$0x4000] =	vst v9;
	v9 =	vadd.f32 v11, v10;
	s23 =	sor.u32 s9, s4;
	v0 =	vld [tilespmem:s5+$0x0]  }
0xd8: {  	v7 =	vadd.f32 v7, v6;
	v11 =	vld [tilespmem:s23+$0x0]  }
0xd9: {  	s13 =	sor.u32 s1, s24;
	s24 =	sor.u32 $0x8080, s10;
	[tilespmem:s20+$0x4080] =	vst v9;
	v2 =	vadd.f32 v2, v3  }
0xda: {  	[tilespmem:s25+$0x0] =	vst v7;
	v7 =	vld [tilespmem:s13+$0x0];
	s25 =	sor.u32 s6, s24;
	v5 =	vadd.f32 v8, v5  }
0xdb: {  	s12 =	sor.u32 s19, s12;
	[tilespmem:s17+$0x0] =	vst v2;
	v2 =	vld [tilespmem:s25+$0x0]  }
0xdc: {  	[tilespmem:s26+$0x0] =	vst v5;
	v0 =	vadd.f32 v0, v1;
	v5 =	vld [tilespmem:s12+$0x0]  }
0xdd: {  	v9 =	vadd.f32 v11, v4;
	v8 =	vld [tilespmem:s14+$0x200]  }
0xde: {  	s7 =	sor.u32 s30, s7;
	[tilespmem:s5+$0x0] =	vst v0;
	v0 =	vld [tilespmem:s14+$0x4200]  }
0xdf: {  	s15 =	sor.u32 $0x8300, s8;
	[tilespmem:s23+$0x0] =	vst v9;
	v7 =	vadd.f32 v7, v10;
	v9 =	vld [tilespmem:s7+$0x0]  }
0xe0: {  	s5 =	sor.u32 s9, s15;
	v2 =	vadd.f32 v2, v6  }
0xe1: {  	v11 =	vld [tilespmem:s5+$0x0];
	[tilespmem:s13+$0x0] =	vst v7  }
0xe2: {  	s17 =	sor.u32 s1, s24;
	s26 =	sor.u32 $0xA080, s10;
	[tilespmem:s25+$0x0] =	vst v2;
	v2 =	vadd.f32 v5, v3  }
0xe3: {  	s21 =	sor.u32 s6, s26;
	v5 =	vld [tilespmem:s17+$0x0];
	v0 =	vadd.f32 v0, v8  }
0xe4: {  	v7 =	vld [tilespmem:s21+$0x0];
	[tilespmem:s12+$0x0] =	vst v2;
	v1 =	vadd.f32 v9, v1  }
0xe5: {  	s23 =	sor.u32 s19, s22;
	s22 =	sor.u32 $0x6200, s28;
	[tilespmem:s14+$0x4200] =	vst v0  }
0xe6: {  	s24 =	sor.u32 $0xA300, s8;
	s16 =	sor.u32 s2, s22;
	v2 =	vld [tilespmem:s23+$0x0];
	v0 =	vadd.f32 v11, v4;
	[tilespmem:s7+$0x0] =	vst v1  }
0xe7: {  	s3 =	sor.u32 $0x300, s3;
	v1 =	vld [tilespmem:s16+$0x0];
	[smem:$0x7EF] =	sst s24  }
0xe8: {  	s25 =	sor.u32 s9, s24;
	v5 =	vadd.f32 v5, v10;
	[tilespmem:s5+$0x0] =	vst v0;
	v0 =	vld [tilespmem:s3+$0x0]  }
0xe9: {  	v6 =	vadd.f32 v7, v6;
	v7 =	vld [tilespmem:s25+$0x0]  }
0xea: {  	s26 =	sor.u32 s1, s26;
	[tilespmem:s17+$0x0] =	vst v5;
	v5 =	vld [tilespmem:s3+$0x4000]  }
0xeb: {  	[tilespmem:s21+$0x0] =	vst v6;
	v2 =	vadd.f32 v2, v3;
	v3 =	vld [tilespmem:s26+$0x0]  }
0xec: {  	v6 =	vld [tilespmem:s29+$0x100];
	v1 =	vadd.f32 v1, v8  }
0xed: {  	s21 =	sor.u32 $0x8200, s28;
	v9 =	vld [tilespmem:s29+$0x4100];
	[tilespmem:s23+$0x0] =	vst v2  }
0xee: {  	s5 =	sor.u32 s2, s21;
	[tilespmem:s16+$0x0] =	vst v1;
	v1 =	vld [tilespmem:s18+$0x200]  }
0xef: {  	v2 =	vadd.f32 v7, v4;
	v4 =	vld [tilespmem:s5+$0x0]  }
0xf0: {  	v5 =	vadd.f32 v5, v0;
	v7 =	vld [tilespmem:s18+$0x4200]  }
0xf1: {  	s7 =	sor.u32 $0x380, s0;
	[tilespmem:s25+$0x0] =	vst v2  }
0xf2: {  	[tilespmem:s3+$0x4000] =	vst v5;
	v5 =	vadd.f32 v9, v6;
	v2 =	vld [tilespmem:s7+$0x0]  }
0xf3: {  	s24 =	sor.u32 $0x6100, s10;
	s23 =	sor.u32 s30, s4;
	v3 =	vadd.f32 v3, v10;
	v9 =	vld [tilespmem:s7+$0x4000]  }
0xf4: {  	s25 =	sor.u32 s6, s24;
	v10 =	vld [tilespmem:s23+$0x0];
	[tilespmem:s29+$0x4100] =	vst v5  }
0xf5: {  	s11 =	simm.s32 $0x60;
	[tilespmem:s26+$0x0] =	vst v3;
	v4 =	vadd.f32 v4, v8;
	v5 =	vadd.f32 v7, v1;
	v7 =	vld [tilespmem:s25+$0x0]  }
0xf6: {  	s22 =	sor.u32 s19, s22;
	s17 =	sor.u32 $0xA200, s28;
	s16 =	smov.u32 s2;
	v3 =	vld [tilespmem:s20+$0x100]  }
0xf7: {  	s12 =	simm.s32 $0x300;
	s26 =	sor.u32 s16, s17;
	[tilespmem:s5+$0x0] =	vst v4;
	v4 =	vld [tilespmem:s20+$0x4100];
	s5 =	sand.u32 $0x60, s11  }
0xf8: {  	s13 =	sor.u32 $0x6380, s8;
	s4 =	sand.u32 $0x1C00, s12;
	[tilespmem:s18+$0x4200] =	vst v5;
	v5 =	vld [tilespmem:s26+$0x0];
	v9 =	vadd.f32 v9, v2;
	s12 =	sor.u32 $0x10, s5  }
0xf9: {  	v11 =	vld [tilespmem:s22+$0x0];
	[smem:$0x7F0] =	sst s13;
	s3 =	sor.u32 s4, s12  }
0xfa: {  	s31 =	sor.u32 s9, s13;
	[tilespmem:s7+$0x4000] =	vst v9;
	v9 =	vld [tilespmem:s3+$0x0];
	v7 =	vadd.f32 v7, v6  }
0xfb: {  	s0 =	smov.u32 s6;
	s11 =	smov.u32 s10;
	s10 =	sor.u32 $0x8100, s10;
	v13 =	vld [tilespmem:s3+$0x4000]  }
0xfc: {  	s2 =	sor.u32 s0, s10;
	v12 =	vld [tilespmem:s31+$0x0];
	[tilespmem:s25+$0x0] =	vst v7  }
0xfd: {  	s6 =	sor.u32 s5, s4;
	v5 =	vadd.f32 v5, v8;
	v8 =	vld [tilespmem:s2+$0x0]  }
0xfe: {  	v7 =	vld [tilespmem:s6+$0x0];
	v4 =	vadd.f32 v4, v3  }
0xff: {  	v10 =	vadd.f32 v10, v0;
	[tilespmem:s26+$0x0] =	vst v5;
	v5 =	vld [tilespmem:s6+$0x4000]  }
0x100: {  	[tilespmem:s20+$0x4100] =	vst v4;
	v4 =	vadd.f32 v13, v9;
	v14 =	vld [tilespmem:s14+$0x280]  }
0x101: {  	s24 =	sor.u32 s1, s24;
	[tilespmem:s23+$0x0] =	vst v10;
	v10 =	vadd.f32 v11, v1;
	v47 =	vld [tilespmem:s14+$0x4280]  }
0x102: {  	s23 =	sor.u32 $0x6000, s4;
	s26 =	sor.u32 s30, s15;
	v11 =	vld [tilespmem:s24+$0x0];
	[tilespmem:s3+$0x4000] =	vst v4;
	v4 =	vadd.f32 v8, v6  }
0x103: {  	s15 =	sor.u32 s12, s23;
	[tilespmem:s22+$0x0] =	vst v10;
	v15 =	vld [tilespmem:s26+$0x0]  }
0x104: {  	s21 =	sor.u32 s19, s21;
	s25 =	sor.u32 $0x8380, s8;
	s22 =	sor.u32 $0xA100, s11;
	v8 =	vadd.f32 v12, v2;
	v10 =	vld [tilespmem:s15+$0x0];
	[tilespmem:s2+$0x0] =	vst v4  }
0x105: {  	s13 =	smov.u32 s1;
	s1 =	sor.u32 s0, s22;
	v4 =	vadd.f32 v5, v7;
	v5 =	vld [tilespmem:s21+$0x0];
	[smem:$0x7F1] =	sst s25  }
0x106: {  	v48 =	vadd.f32 v47, v14;
	[tilespmem:s31+$0x0] =	vst v8;
	v8 =	vld [tilespmem:s1+$0x0]  }
0x107: {  	s2 =	sor.u32 s5, s23;
	s23 =	sor.u32 $0x6280, s28;
	[tilespmem:s6+$0x4000] =	vst v4;
	v4 =	vadd.f32 v11, v3  }
0x108: {  	v11 =	vadd.f32 v15, v0;
	[tilespmem:s14+$0x4280] =	vst v48;
	v50 =	vld [tilespmem:s2+$0x0];
	s14 =	sor.u32 s16, s23  }
0x109: {  	s10 =	sor.u32 s13, s10;
	[tilespmem:s24+$0x0] =	vst v4;
	v4 =	vadd.f32 v10, v9;
	v10 =	vld [tilespmem:s14+$0x0]  }
0x10a: {  	s7 =	smov.u32 s0;
	[tilespmem:s26+$0x0] =	vst v11;
	v11 =	vld [tilespmem:s10+$0x0];
	v5 =	vadd.f32 v5, v1  }
0x10b: {  	s0 =	sor.u32 $0x8000, s4;
	s31 =	sor.u32 s9, s25;
	s26 =	sld [smem:$0x7EF];
	[tilespmem:s15+$0x0] =	vst v4;
	v4 =	vadd.f32 v8, v6  }
0x10c: {  	v49 =	vld [tilespmem:s31+$0x0];
	s15 =	sor.u32 s12, s0;
	[tilespmem:s21+$0x0] =	vst v5  }
0x10d: {  	s17 =	sor.u32 s19, s17;
	v5 =	vld [tilespmem:s15+$0x0];
	[tilespmem:s1+$0x0] =	vst v4;
	v4 =	vadd.f32 v50, v7  }
0x10e: {  	s25 =	sor.u32 s30, s26;
	v6 =	vld [tilespmem:s17+$0x0];
	v10 =	vadd.f32 v10, v14  }
0x10f: {  	v51 =	vld [tilespmem:s25+$0x0];
	[tilespmem:s2+$0x0] =	vst v4;
	v4 =	vadd.f32 v11, v3  }
0x110: {  	v8 =	vld [tilespmem:s29+$0x180];
	[tilespmem:s14+$0x0] =	vst v10  }
0x111: {  	s24 =	sor.u32 $0xA380, s8;
	s1 =	sor.u32 s5, s0;
	v11 =	vld [tilespmem:s29+$0x4180];
	v10 =	vadd.f32 v49, v2;
	[tilespmem:s10+$0x0] =	vst v4  }
0x112: {  	s21 =	sor.u32 $0x8280, s28;
	v52 =	vld [tilespmem:s1+$0x0];
	[smem:$0x7F2] =	sst s24  }
0x113: {  	s0 =	sor.u32 s9, s24;
	s14 =	sor.u32 s16, s21;
	[tilespmem:s31+$0x0] =	vst v10  }
0x114: {  	s2 =	sor.u32 s13, s22;
	v4 =	vadd.f32 v5, v9;
	v5 =	vld [tilespmem:s14+$0x0];
	[smem:$0x7F4] =	sst s0  }
0x115: {  	s26 =	sor.u32 $0xA000, s4;
	v1 =	vadd.f32 v6, v1;
	v10 =	vld [tilespmem:s2+$0x0]  }
0x116: {  	[tilespmem:s15+$0x0] =	vst v4;
	v4 =	vld [tilespmem:s0+$0x0];
	s0 =	sor.u32 s12, s26  }
0x117: {  	v6 =	vadd.f32 v11, v8;
	[tilespmem:s17+$0x0] =	vst v1;
	v1 =	vld [tilespmem:s0+$0x0]  }
0x118: {  	s24 =	sor.u32 $0x6180, s11;
	v11 =	vadd.f32 v52, v7;
	v53 =	vld [tilespmem:s18+$0x280]  }
0x119: {  	s17 =	sor.u32 s7, s24;
	[tilespmem:s29+$0x4180] =	vst v6;
	v6 =	vld [tilespmem:s18+$0x4280];
	v5 =	vadd.f32 v5, v14  }
0x11a: {  	s9 =	sor.u32 s5, s26;
	s22 =	sor.u32 $0xA280, s28;
	[tilespmem:s1+$0x0] =	vst v11;
	v3 =	vadd.f32 v10, v3;
	v10 =	vld [tilespmem:s17+$0x0]  }
0x11b: {  	s8 =	sor.u32 s16, s22;
	[tilespmem:s14+$0x0] =	vst v5;
	v5 =	vld [tilespmem:s9+$0x0]  }
0x11c: {  	v1 =	vadd.f32 v1, v9;
	[tilespmem:s2+$0x0] =	vst v3;
	v3 =	vld [tilespmem:s8+$0x0]  }
0x11d: {  	v9 =	vld [tilespmem:s20+$0x180]  }
0x11e: {  	s10 =	simm.s32 $0x1;
	s15 =	simm.s32 $0x1;
	v6 =	vadd.f32 v6, v53;
	[tilespmem:s0+$0x0] =	vst v1;
	v1 =	vld [tilespmem:s20+$0x4180]  }
0x11f: {  	s26 =	sand.u32 $0x3, s10;
	v11 =	vld [tilespmem:s3+$0x80];
	[dreg:$0xc] =	wrdreg s15;
	v10 =	vadd.f32 v10, v8  }
0x120: {  	s10 =	sshll.u32 s26, $0x5;
	[tilespmem:s18+$0x4280] =	vst v6;
	v5 =	vadd.f32 v5, v7  }
0x121: {  	s15 =	sor.u32 s19, s23;
	v6 =	vld [tilespmem:s3+$0x4080];
	s18 =	sor.u32 $0x8180, s11;
	[tilespmem:s17+$0x0] =	vst v10;
	s17 =	sadd.s32 $0x100, s10  }
0x122: {  	v7 =	vld [tilespmem:s15+$0x0];
	s0 =	sor.u32 s7, s18;
	v3 =	vadd.f32 v3, v14;
	[tilespmem:s9+$0x0] =	vst v5;
	s23 =	sadd.s32 $0x10, s17  }
0x123: {  	v5 =	vld [tilespmem:s0+$0x0];
	[smem:$0x7F3] =	sst s23  }
0x124: {  	v1 =	vadd.f32 v1, v9;
	s26 =	sor.u32 $0x300, s23;
	[tilespmem:s8+$0x0] =	vst v3;
	v10 =	vld [tilespmem:s6+$0x80]  }
0x125: {  	v0 =	vadd.f32 v51, v0;
	v54 =	vld [tilespmem:s26+$0x0]  }
0x126: {  	s14 =	simm.s32 $0x0;
	v3 =	vadd.f32 v6, v11;
	[tilespmem:s20+$0x4180] =	vst v1;
	v6 =	vld [tilespmem:s26+$0x4000]  }
0x127: {  	s24 =	sor.u32 s13, s24;
	s2 =	smov.u32 s20;
	v1 =	vld [tilespmem:s6+$0x4080];
	s20 =	sor.u32 s14, s14;
	[tilespmem:s25+$0x0] =	vst v0  }
0x128: {  	s8 =	sor.u32 $0x6080, s4;
	v7 =	vadd.f32 v7, v53;
	s10 =	sor.u32 $0x380, s20;
	[tilespmem:s3+$0x4080] =	vst v3;
	v3 =	vld [tilespmem:s24+$0x0]  }
0x129: {  	s31 =	sor.u32 s12, s8;
	v0 =	vld [tilespmem:s10+$0x0];
	v5 =	vadd.f32 v5, v8  }
0x12a: {  	[tilespmem:s15+$0x0] =	vst v7;
	s15 =	sor.u32 s19, s21;
	v7 =	vld [tilespmem:s31+$0x0];
	s21 =	sor.u32 $0xA180, s11  }
0x12b: {  	s1 =	sor.u32 s7, s21;
	[tilespmem:s0+$0x0] =	vst v5;
	v5 =	vld [tilespmem:s15+$0x0];
	v6 =	vadd.f32 v6, v54  }
0x12c: {  	v55 =	vld [tilespmem:s1+$0x0]  }
0x12d: {  	v1 =	vadd.f32 v1, v10;
	[tilespmem:s26+$0x4000] =	vst v6;
	v6 =	vld [tilespmem:s10+$0x4000]  }
0x12e: {  	v3 =	vadd.f32 v3, v9  }
0x12f: {  	s14 =	sor.u32 $0x6300, s28;
	[tilespmem:s6+$0x4080] =	vst v1;
	v1 =	vadd.f32 v7, v11  }
0x130: {  	s23 =	sor.u32 s16, s14;
	[tilespmem:s24+$0x0] =	vst v3;
	v5 =	vadd.f32 v5, v53  }
0x131: {  	s26 =	sor.u32 s5, s8;
	v7 =	vld [tilespmem:s23+$0x0];
	[tilespmem:s31+$0x0] =	vst v1;
	v8 =	vadd.f32 v55, v8  }
0x132: {  	s18 =	sor.u32 s13, s18;
	v3 =	vld [tilespmem:s26+$0x0];
	s24 =	sor.u32 $0x8080, s4;
	[tilespmem:s15+$0x0] =	vst v5;
	v6 =	vadd.f32 v6, v0  }
0x133: {  	v1 =	vld [tilespmem:s18+$0x0];
	s31 =	sor.u32 s12, s24;
	[tilespmem:s1+$0x0] =	vst v8  }
0x134: {  	v56 =	vld [tilespmem:s31+$0x0];
	[tilespmem:s10+$0x4000] =	vst v6  }
0x135: {  	s25 =	sor.u32 s19, s22;
	s20 =	sld [smem:$0x7F0]  }
0x136: {  	v8 =	vld [tilespmem:s25+$0x0];
	v7 =	vadd.f32 v7, v54  }
0x137: {  	v5 =	vld [tilespmem:s29+$0x200];
	v3 =	vadd.f32 v3, v10  }
0x138: {  	s1 =	sor.u32 $0x8300, s28;
	v6 =	vld [tilespmem:s29+$0x4200];
	v1 =	vadd.f32 v1, v9;
	[tilespmem:s23+$0x0] =	vst v7;
	s10 =	sor.u32 s30, s20  }
0x139: {  	s8 =	smov.u32 s13;
	s13 =	sor.u32 s16, s1;
	[tilespmem:s26+$0x0] =	vst v3;
	v3 =	vadd.f32 v56, v11;
	v7 =	vld [tilespmem:s10+$0x0]  }
0x13a: {  	s22 =	sor.u32 $0xA080, s4;
	v57 =	vld [tilespmem:s13+$0x0];
	[tilespmem:s18+$0x0] =	vst v1;
	s18 =	sor.u32 s8, s21  }
0x13b: {  	s23 =	sor.u32 s12, s22;
	v1 =	vadd.f32 v8, v53;
	[tilespmem:s31+$0x0] =	vst v3;
	v3 =	vld [tilespmem:s18+$0x0]  }
0x13c: {  	s20 =	sor.u32 s5, s24;
	v8 =	vld [tilespmem:s23+$0x0]  }
0x13d: {  	s15 =	sor.u32 $0x300, s17;
	v58 =	vld [tilespmem:s20+$0x0];
	[tilespmem:s25+$0x0] =	vst v1;
	v6 =	vadd.f32 v6, v5  }
0x13e: {  	v1 =	vld [tilespmem:s15+$0x0];
	[dreg:$0x7] =	wrdreg s29;
	v7 =	vadd.f32 v7, v0  }
0x13f: {  	[tilespmem:s29+$0x4200] =	vst v6  }
0x140: {  	s17 =	sor.u32 $0x6200, s11;
	[tilespmem:s10+$0x0] =	vst v7  }
0x141: {  	s25 =	sor.u32 s7, s17;
	s26 =	sld [smem:$0x7F1]  }
0x142: {  	v6 =	vadd.f32 v57, v54;
	v60 =	vld [tilespmem:s25+$0x0];
	_ =	sdelay $0x1  }
0x143: {  	v59 =	vld [tilespmem:s15+$0x4000];
	v7 =	vadd.f32 v58, v10;
	[tilespmem:s13+$0x0] =	vst v6;
	s10 =	sor.u32 s30, s26  }
0x144: {  	v3 =	vadd.f32 v3, v9;
	v9 =	vld [tilespmem:s10+$0x0];
	[dreg:$0xa] =	wrdreg s16  }
0x145: {  	v6 =	vadd.f32 v8, v11;
	[tilespmem:s20+$0x0] =	vst v7  }
0x146: {  	s24 =	sor.u32 $0xA300, s28;
	v11 =	vadd.f32 v60, v5;
	[tilespmem:s18+$0x0] =	vst v3  }
0x147: {  	s29 =	sor.u32 s16, s24;
	[tilespmem:s23+$0x0] =	vst v6  }
0x148: {  	s20 =	sor.u32 s5, s22;
	v7 =	vld [tilespmem:s29+$0x0];
	[tilespmem:s25+$0x0] =	vst v11  }
0x149: {  	v8 =	vld [tilespmem:s20+$0x0];
	s22 =	sld [smem:$0x7F2]  }
0x14a: {  	v3 =	vld [tilespmem:s2+$0x200]  }
0x14b: {  	s0 =	smov.u32 s7;
	s18 =	sor.u32 $0x8200, s11;
	v6 =	vld [tilespmem:s3+$0x100]  }
0x14c: {  	s7 =	smov.u32 s0;
	v12 =	vadd.f32 v59, v1;
	v61 =	vld [tilespmem:s3+$0x4100];
	s13 =	sor.u32 s0, s18;
	s0 =	sor.u32 s30, s22  }
0x14d: {  	v11 =	vld [tilespmem:s2+$0x4200];
	v7 =	vadd.f32 v7, v54;
	[dreg:$0xe] =	wrdreg s0  }
0x14e: {  	s9 =	smov.u32 s12;
	[tilespmem:s15+$0x4000] =	vst v12  }
0x14f: {  	s21 =	simm.s32 $0x100;
	s26 =	smov.u32 s11;
	[tilespmem:s29+$0x0] =	vst v7;
	s29 =	simm.s32 $0x200  }
0x150: {  	s16 =	simm.s32 $0x20;
	s23 =	smov.u32 s2;
	v62 =	vld [tilespmem:s13+$0x0];
	[dreg:$0x4] =	wrdreg s29  }
0x151: {  	s11 =	simm.s32 $0x200;
	s2 =	simm.s32 $0x40;
	s29 =	sld [smem:$0x7F4]  }
0x152: {  	v2 =	vadd.f32 v4, v2;
	s12 =	simm.s32 $0x300;
	s21 =	sor.u32 s21, s16;
	s2 =	sor.u32 s11, s2  }
0x153: {  	s11 =	sor.u32 $0x380, s21;
	s22 =	sor.u32 s19, s14;
	[dreg:$0xb] =	wrdreg s12  }
0x154: {  	s14 =	simm.s32 $0x60;
	s15 =	simm.s32 $0x300;
	s25 =	sld [smem:$0x7F3];
	[tilespmem:s29+$0x0] =	vst v2  }
0x155: {  	v4 =	vadd.f32 v8, v10;
	s16 =	sor.u32 s15, s14;
	s15 =	sor.u32 $0x380, s2;
	v8 =	vld [tilespmem:s22+$0x0];
	[dreg:$0xf] =	wrdreg s11  }
0x156: {  	s16 =	sor.u32 $0x380, s16;
	[dreg:$0x9] =	wrdreg s15  }
0x157: {  	v9 =	vadd.f32 v9, v0;
	[dreg:$0x8] =	wrdreg s16  }
0x158: {  	s12 =	sor.u32 $0x380, s25;
	[tilespmem:s20+$0x0] =	vst v4  }
0x159: {  	v2 =	vld [tilespmem:s12+$0x0];
	[tilespmem:s10+$0x0] =	vst v9  }
0x15a: {  	v7 =	vld [tilespmem:s12+$0x4000];
	[dreg:$0x6] =	wrdreg s19  }
0x15b: {  	v10 =	vadd.f32 v61, v6;
	v4 =	vld [tilespmem:s6+$0x100]  }
0x15c: {  	v9 =	vld [tilespmem:s6+$0x4100];
	[dreg:$0x1d] =	wrdreg s3  }
0x15d: {  	[tilespmem:s3+$0x4100] =	vst v10  }
0x15e: {  	s25 =	sld [smem:$0x7F5]  }
0x15f: {  	s31 =	sor.u32 s8, s17;
	s21 =	sor.u32 $0x6100, s4;
	s30 =	smov.u32 s8  }
0x160: {  	s0 =	smov.u32 s6;
	s14 =	sor.u32 s8, s18;
	s18 =	sor.u32 s5, s21  }
0x161: {  	s8 =	smov.u32 s9;
	s29 =	simm.s32 $0x300;
	s2 =	sshll.u32 s25, $0x1  }
0x162: {  	v63 =	vadd.f32 v11, v3;
	s15 =	sor.u32 s19, s24;
	s24 =	sor.u32 s9, s21;
	[smem:$0x7F6] =	sst s2  }
0x163: {  	s16 =	sor.u32 s19, s1;
	s11 =	smov.u32 s4;
	v10 =	vld [tilespmem:s24+$0x0];
	[dreg:$0x5] =	wrdreg s23  }
0x164: {  	s1 =	smov.u32 s5;
	s4 =	simm.s32 $0x80;
	s9 =	smov.u32 s26;
	[tilespmem:s23+$0x4200] =	vst v63  }
0x165: {  	v11 =	vadd.f32 v62, v5;
	v8 =	vadd.f32 v8, v1;
	s6 =	simm.s32 $0x6;
	s2 =	sor.u32 $0xA200, s26;
	[dreg:$0xd] =	wrdreg s29  }
.LBB2_3:
0x166: {  	s19 =	smov.u32 s14;
	s21 =	rddreg [dreg:$0xb]  }
0x167: {  	s14 =	sand.u32 $0x60, s4;
	v12 =	vld [tilespmem:s31+$0x0];
	s25 =	sor.u32 s7, s2;
	s21 =	sadd.s32 $0x100, s21;
	[tilespmem:s13+$0x0] =	vst v11  }
0x168: {  	[dreg:$0x13] =	wrdreg s4;
	s20 =	sor.u32 $0x10, s14;
	[tilespmem:s22+$0x0] =	vst v8;
	s17 =	sand.u32 $0x1C00, s21;
	v11 =	vld [tilespmem:s25+$0x0];
	v7 =	vadd.f32 v7, v2  }
0x169: {  	s10 =	sor.u32 $0x6380, s28;
	s4 =	rddreg [dreg:$0xa];
	v13 =	vld [tilespmem:s16+$0x0];
	s23 =	sor.u32 s17, s20  }
0x16a: {  	s3 =	smov.u32 s28;
	s28 =	sor.u32 s4, s10;
	v8 =	vld [tilespmem:s23+$0x0];
	v9 =	vadd.f32 v9, v4;
	[tilespmem:s12+$0x4000] =	vst v7  }
0x16b: {  	[dreg:$0x1f] =	wrdreg s15;
	s15 =	smov.u32 s7;
	v10 =	vadd.f32 v10, v6;
	v14 =	vld [tilespmem:s28+$0x0]  }
0x16c: {  	s7 =	sor.u32 s30, s2;
	s29 =	sor.u32 $0x8100, s11;
	s22 =	sor.u32 s14, s17;
	v15 =	vld [tilespmem:s23+$0x4000];
	[tilespmem:s0+$0x4100] =	vst v9;
	v9 =	vadd.f32 v12, v3  }
0x16d: {  	[dreg:$0x1e] =	wrdreg s7;
	s7 =	sor.u32 s8, s29;
	[tilespmem:s24+$0x0] =	vst v10;
	v7 =	vld [tilespmem:s22+$0x0];
	v5 =	vadd.f32 v11, v5  }
0x16e: {  	s5 =	rddreg [dreg:$0x13];
	v10 =	vld [tilespmem:s7+$0x0];
	[tilespmem:s31+$0x0] =	vst v9;
	v9 =	vadd.f32 v13, v1  }
0x16f: {  	s6 =	sadd.s32 $0x2, s6;
	s12 =	rddreg [dreg:$0x7];
	v11 =	vld [tilespmem:s22+$0x4000];
	[tilespmem:s25+$0x0] =	vst v5  }
0x170: {  	s2 =	sor.u32 s1, s29;
	[dreg:$0x12] =	wrdreg s6;
	v5 =	vld [tilespmem:s12+$0x280];
	[tilespmem:s16+$0x0] =	vst v9;
	v9 =	vadd.f32 v14, v2  }
0x171: {  	p0 =	slt.u32 s6, $0x3E;
	s26 =	sor.u32 s21, s5;
	s5 =	rddreg [dreg:$0x6];
	v41 =	vld [tilespmem:s12+$0x4280];
	v40 =	vadd.f32 v15, v8  }
0x172: {  	s6 =	sor.u32 $0xA100, s11;
	[smem:$0x7ED] =	sst s2;
	s25 =	sor.u32 $0x8380, s3;
	v42 =	vld [tilespmem:s18+$0x0];
	[tilespmem:s28+$0x0] =	vst v9  }
0x173: {  	s13 =	sor.u32 s5, s10;
	s29 =	sor.u32 $0x6000, s17;
	s28 =	sor.u32 s4, s25;
	[tilespmem:s23+$0x4000] =	vst v40  }
0x174: {  	s2 =	sor.u32 s5, s25;
	s25 =	sor.u32 s14, s29;
	s29 =	sor.u32 s20, s29;
	v9 =	vadd.f32 v10, v6;
	v10 =	vld [tilespmem:s28+$0x0]  }
0x175: {  	s10 =	smov.u32 s11;
	s11 =	smov.u32 s9;
	[dreg:$0x16] =	wrdreg s13;
	v11 =	vadd.f32 v11, v7;
	v12 =	vld [tilespmem:s29+$0x0]  }
0x176: {  	s13 =	smov.u32 s0;
	s0 =	smov.u32 s5;
	s5 =	sor.u32 s8, s6;
	[tilespmem:s7+$0x0] =	vst v9;
	v9 =	vld [tilespmem:s19+$0x0]  }
0x177: {  	[dreg:$0x15] =	wrdreg s2;
	s2 =	smov.u32 s19;
	s19 =	sor.u32 $0x6280, s9;
	[tilespmem:s22+$0x4000] =	vst v11;
	v11 =	vld [tilespmem:s5+$0x0];
	v14 =	vadd.f32 v42, v4  }
0x178: {  	v13 =	vadd.f32 v41, v5;
	s31 =	sor.u32 s30, s19;
	s9 =	sor.u32 s15, s19;
	s19 =	rddreg [dreg:$0x1f];
	v43 =	vld [tilespmem:s25+$0x0]  }
0x179: {  	v44 =	vld [tilespmem:s19+$0x0];
	[tilespmem:s18+$0x0] =	vst v14;
	s18 =	sld [smem:$0x7ED];
	v10 =	vadd.f32 v10, v2  }
0x17a: {  	s26 =	sor.u32 $0x380, s26;
	[tilespmem:s12+$0x4280] =	vst v13;
	v12 =	vadd.f32 v12, v8  }
0x17b: {  	[dreg:$0x17] =	wrdreg s26;
	s3 =	sor.u32 $0xA380, s3;
	v45 =	vld [tilespmem:s9+$0x0];
	[tilespmem:s28+$0x0] =	vst v10  }
0x17c: {  	s26 =	rddreg [dreg:$0x1d];
	s16 =	sor.u32 $0x8000, s17;
	v9 =	vadd.f32 v9, v3;
	v16 =	vld [tilespmem:s18+$0x0];
	s28 =	sor.u32 s4, s3;
	[tilespmem:s29+$0x0] =	vst v12  }
0x17d: {  	s12 =	smov.u32 s26;
	v6 =	vadd.f32 v11, v6;
	s29 =	sor.u32 s20, s16;
	v10 =	vld [tilespmem:s28+$0x0]  }
0x17e: {  	s26 =	sor.u32 s14, s16;
	v11 =	vadd.f32 v43, v7;
	[tilespmem:s2+$0x0] =	vst v9;
	s16 =	smov.u32 s14;
	s14 =	rddreg [dreg:$0x1e];
	v12 =	vld [tilespmem:s29+$0x0]  }
0x17f: {  	v1 =	vadd.f32 v44, v1;
	[tilespmem:s5+$0x0] =	vst v6;
	v9 =	vld [tilespmem:s14+$0x0]  }
0x180: {  	s24 =	sor.u32 s1, s6;
	s6 =	smov.u32 s10;
	s7 =	smov.u32 s11;
	[tilespmem:s25+$0x0] =	vst v11;
	v11 =	vadd.f32 v45, v5;
	v6 =	vld [tilespmem:s12+$0x180]  }
0x181: {  	s11 =	smov.u32 s15;
	s4 =	smov.u32 s17;
	s17 =	sor.u32 $0x8280, s7;
	v47 =	vld [tilespmem:s12+$0x4180];
	[tilespmem:s19+$0x0] =	vst v1;
	v46 =	vadd.f32 v16, v4  }
0x182: {  	s0 =	sor.u32 s0, s3;
	s10 =	smov.u32 s20;
	s5 =	sor.u32 s11, s17;
	v1 =	vld [tilespmem:s26+$0x0];
	[tilespmem:s9+$0x0] =	vst v11;
	v2 =	vadd.f32 v10, v2  }
0x183: {  	[dreg:$0x1a] =	wrdreg s0;
	s0 =	smov.u32 s30;
	s30 =	smov.u32 s1;
	v11 =	vld [tilespmem:s5+$0x0];
	[tilespmem:s18+$0x0] =	vst v46;
	v10 =	vadd.f32 v12, v8  }
0x184: {  	s20 =	sor.u32 $0xA000, s4;
	s25 =	smov.u32 s30;
	s30 =	rddreg [dreg:$0xf];
	v48 =	vld [tilespmem:s24+$0x0];
	v3 =	vadd.f32 v9, v3;
	[tilespmem:s28+$0x0] =	vst v2  }
0x185: {  	s2 =	sor.u32 s10, s20;
	v9 =	vld [tilespmem:s30+$0x0];
	[tilespmem:s29+$0x0] =	vst v10  }
0x186: {  	[tilespmem:s14+$0x0] =	vst v3;
	v10 =	vadd.f32 v47, v6;
	s29 =	rddreg [dreg:$0x5];
	v2 =	vld [tilespmem:s2+$0x0]  }
0x187: {  	s1 =	smov.u32 s8;
	s3 =	smov.u32 s23;
	s23 =	sor.u32 $0x6180, s6;
	v3 =	vadd.f32 v1, v7;
	v1 =	vld [tilespmem:s29+$0x280]  }
0x188: {  	s14 =	sor.u32 s1, s23;
	v11 =	vadd.f32 v11, v5;
	[tilespmem:s12+$0x4180] =	vst v10;
	v10 =	vld [tilespmem:s29+$0x4280]  }
0x189: {  	s9 =	sor.u32 s16, s20;
	s28 =	smov.u32 s7;
	s7 =	sor.u32 $0xA280, s7;
	[tilespmem:s26+$0x0] =	vst v3;
	v3 =	vadd.f32 v48, v4;
	v49 =	vld [tilespmem:s14+$0x0]  }
0x18a: {  	v13 =	vld [tilespmem:s9+$0x0];
	[tilespmem:s5+$0x0] =	vst v11;
	s5 =	sor.u32 s11, s7  }
0x18b: {  	[tilespmem:s24+$0x0] =	vst v3;
	v2 =	vadd.f32 v2, v8;
	v8 =	vld [tilespmem:s5+$0x0]  }
0x18c: {  	s20 =	rddreg [dreg:$0xc];
	v3 =	vld [tilespmem:s13+$0x180]  }
0x18d: {  	s8 =	smov.u32 s0;
	s19 =	sor.u32 s0, s17;
	v11 =	vld [tilespmem:s13+$0x4180];
	[tilespmem:s2+$0x0] =	vst v2;
	v2 =	vadd.f32 v10, v1;
	s2 =	sadd.s32 $0x1, s20  }
0x18e: {  	s17 =	sor.u32 s25, s23;
	v10 =	vadd.f32 v49, v6;
	v4 =	vld [tilespmem:s3+$0x80];
	[dreg:$0xc] =	wrdreg s2;
	s2 =	sand.u32 $0x3, s2  }
0x18f: {  	s23 =	sor.u32 $0x8180, s6;
	s26 =	rddreg [dreg:$0x4];
	v7 =	vadd.f32 v13, v7;
	v50 =	vld [tilespmem:s3+$0x4080];
	s24 =	sshll.u32 s2, $0x5;
	[tilespmem:s29+$0x4280] =	vst v2  }
0x190: {  	s2 =	sor.u32 s25, s23;
	[tilespmem:s14+$0x0] =	vst v10;
	s23 =	sor.u32 s1, s23;
	v10 =	vld [tilespmem:s31+$0x0];
	s0 =	sadd.s32 s24, s26;
	v5 =	vadd.f32 v8, v5  }
0x191: {  	s29 =	smov.u32 s13;
	[tilespmem:s9+$0x0] =	vst v7;
	v8 =	vld [tilespmem:s23+$0x0];
	s13 =	sadd.s32 $0x10, s0  }
0x192: {  	v11 =	vadd.f32 v11, v3;
	v2 =	vld [tilespmem:s22+$0x80];
	[tilespmem:s5+$0x0] =	vst v5;
	s24 =	sor.u32 $0x300, s13  }
0x193: {  	s14 =	rddreg [dreg:$0xd];
	s26 =	smov.u32 s21;
	v7 =	vld [tilespmem:s24+$0x0]  }
0x194: {  	[dreg:$0xd] =	wrdreg s26;
	s26 =	smov.u32 s22;
	[tilespmem:s29+$0x4180] =	vst v11;
	v5 =	vadd.f32 v50, v4;
	v11 =	vld [tilespmem:s24+$0x4000]  }
0x195: {  	s15 =	sor.u32 s8, s7;
	s7 =	sor.u32 $0x6080, s4;
	v51 =	vld [tilespmem:s26+$0x4080];
	v10 =	vadd.f32 v10, v1  }
0x196: {  	s9 =	sor.u32 s10, s7;
	[tilespmem:s3+$0x4080] =	vst v5;
	v5 =	vld [tilespmem:s17+$0x0];
	v8 =	vadd.f32 v8, v6  }
0x197: {  	[dreg:$0x1c] =	wrdreg s13;
	s13 =	sor.u32 $0xA180, s6;
	v52 =	vld [tilespmem:s9+$0x0];
	[tilespmem:s31+$0x0] =	vst v10  }
0x198: {  	[dreg:$0xb] =	wrdreg s21;
	s21 =	sor.u32 s1, s13;
	[tilespmem:s23+$0x0] =	vst v8;
	v8 =	vld [tilespmem:s19+$0x0]  }
0x199: {  	s20 =	smov.u32 s14;
	s18 =	sor.u32 $0x300, s0;
	v10 =	vld [tilespmem:s21+$0x0];
	v11 =	vadd.f32 v11, v7  }
0x19a: {  	s0 =	sor.u32 $0x6300, s28;
	s14 =	sor.u32 s25, s13;
	s13 =	rddreg [dreg:$0xe];
	v12 =	vadd.f32 v51, v2;
	v53 =	vld [tilespmem:s30+$0x4000]  }
0x19b: {  	s5 =	sor.u32 s11, s0;
	v5 =	vadd.f32 v5, v3;
	[tilespmem:s24+$0x4000] =	vst v11;
	v11 =	vld [tilespmem:s13+$0x0]  }
0x19c: {  	[dreg:$0x4] =	wrdreg s20;
	s20 =	sor.u32 s16, s7;
	[tilespmem:s26+$0x4080] =	vst v12;
	v54 =	vadd.f32 v52, v4;
	v55 =	vld [tilespmem:s5+$0x0]  }
0x19d: {  	s7 =	sor.u32 $0x8080, s4;
	v56 =	vld [tilespmem:s20+$0x0];
	[tilespmem:s17+$0x0] =	vst v5;
	v5 =	vadd.f32 v8, v1  }
0x19e: {  	[tilespmem:s9+$0x0] =	vst v54;
	s9 =	sor.u32 s10, s7;
	v8 =	vld [tilespmem:s2+$0x0];
	v6 =	vadd.f32 v10, v6  }
0x19f: {  	s22 =	sor.u32 s8, s0;
	s0 =	rddreg [dreg:$0x16];
	v57 =	vadd.f32 v53, v9;
	v10 =	vld [tilespmem:s9+$0x0];
	[tilespmem:s19+$0x0] =	vst v5  }
0x1a0: {  	[tilespmem:s21+$0x0] =	vst v6;
	v11 =	vadd.f32 v11, v0;
	s19 =	rddreg [dreg:$0x9];
	v6 =	vld [tilespmem:s15+$0x0]  }
0x1a1: {  	v0 =	vmov v9;
	v5 =	vld [tilespmem:s12+$0x200];
	v9 =	vadd.f32 v55, v7;
	[tilespmem:s30+$0x4000] =	vst v57;
	s21 =	smov.u32 s19;
	s19 =	rddreg [dreg:$0x17]  }
0x1a2: {  	v58 =	vadd.f32 v56, v2;
	v59 =	vld [tilespmem:s12+$0x4200];
	[dreg:$0xf] =	wrdreg s21;
	s21 =	smov.u32 s19;
	s19 =	sor.u32 $0x8300, s28;
	[tilespmem:s13+$0x0] =	vst v11  }
0x1a3: {  	v8 =	vadd.f32 v8, v3;
	[tilespmem:s5+$0x0] =	vst v9;
	s5 =	sor.u32 s11, s19;
	v9 =	vld [tilespmem:s0+$0x0]  }
0x1a4: {  	[dreg:$0x7] =	wrdreg s12;
	s17 =	sor.u32 s16, s7;
	[tilespmem:s20+$0x0] =	vst v58;
	v10 =	vadd.f32 v10, v4;
	v11 =	vld [tilespmem:s5+$0x0]  }
0x1a5: {  	s23 =	rddreg [dreg:$0x8];
	s13 =	sor.u32 $0xA080, s4;
	v12 =	vld [tilespmem:s17+$0x0];
	[tilespmem:s2+$0x0] =	vst v8;
	v1 =	vadd.f32 v6, v1  }
0x1a6: {  	[dreg:$0x8] =	wrdreg s21;
	s21 =	sor.u32 s8, s19;
	s19 =	sor.u32 s10, s13;
	[tilespmem:s9+$0x0] =	vst v10;
	v6 =	vld [tilespmem:s14+$0x0]  }
0x1a7: {  	s24 =	smov.u32 s23;
	s23 =	rddreg [dreg:$0x1a];
	v10 =	vadd.f32 v59, v5;
	v8 =	vld [tilespmem:s19+$0x0];
	[tilespmem:s15+$0x0] =	vst v1  }
0x1a8: {  	[dreg:$0x9] =	wrdreg s24;
	s24 =	smov.u32 s23;
	s23 =	sor.u32 $0x6200, s6;
	v9 =	vadd.f32 v9, v0;
	v1 =	vld [tilespmem:s18+$0x0]  }
0x1a9: {  	[dreg:$0xe] =	wrdreg s24;
	s24 =	sor.u32 s1, s23;
	[tilespmem:s12+$0x4200] =	vst v10;
	v10 =	vld [tilespmem:s18+$0x4000];
	v11 =	vadd.f32 v11, v7  }
0x1aa: {  	s7 =	sor.u32 $0xA300, s28;
	s12 =	rddreg [dreg:$0x15];
	v12 =	vadd.f32 v12, v2;
	v60 =	vld [tilespmem:s24+$0x0];
	[tilespmem:s0+$0x0] =	vst v9  }
0x1ab: {  	[dreg:$0xa] =	wrdreg s11;
	s11 =	sor.u32 s11, s7;
	v3 =	vadd.f32 v6, v3;
	[tilespmem:s5+$0x0] =	vst v11;
	v9 =	vld [tilespmem:s12+$0x0]  }
0x1ac: {  	s2 =	sor.u32 s16, s13;
	[tilespmem:s17+$0x0] =	vst v12;
	v4 =	vadd.f32 v8, v4;
	v8 =	vld [tilespmem:s11+$0x0]  }
0x1ad: {  	v11 =	vld [tilespmem:s2+$0x0];
	[tilespmem:s14+$0x0] =	vst v3  }
0x1ae: {  	[tilespmem:s19+$0x0] =	vst v4;
	v3 =	vld [tilespmem:s29+$0x200];
	v4 =	vadd.f32 v10, v1  }
0x1af: {  	[dreg:$0x6] =	wrdreg s8;
	v10 =	vadd.f32 v60, v5;
	v6 =	vld [tilespmem:s3+$0x100]  }
0x1b0: {  	[dreg:$0x1d] =	wrdreg s3;
	s20 =	sor.u32 $0x8200, s6;
	v61 =	vld [tilespmem:s3+$0x4100];
	[tilespmem:s18+$0x4000] =	vst v4;
	v4 =	vadd.f32 v9, v0  }
0x1b1: {  	[dreg:$0x5] =	wrdreg s29;
	s13 =	sor.u32 s1, s20;
	[tilespmem:s24+$0x0] =	vst v10;
	v9 =	vld [tilespmem:s29+$0x4200];
	v7 =	vadd.f32 v8, v7  }
0x1b2: {  	s31 =	sor.u32 s25, s23;
	s30 =	smov.u32 s25;
	s23 =	rddreg [dreg:$0x1c];
	v2 =	vadd.f32 v11, v2;
	v8 =	vld [tilespmem:s13+$0x0];
	[tilespmem:s12+$0x0] =	vst v4  }
0x1b3: {  	s9 =	smov.u32 s6;
	s15 =	sor.u32 s8, s7;
	s12 =	sor.u32 $0x380, s23;
	v62 =	vld [tilespmem:s22+$0x0];
	[tilespmem:s11+$0x0] =	vst v7  }
.Ltmp0:
0x1b4: {  	s7 =	smov.u32 s1;
	s1 =	smov.u32 s16;
	[tilespmem:s2+$0x0] =	vst v2;
	v2 =	vld [tilespmem:s12+$0x0];
	(pc) =	sbr.rel @p0 .LBB2_3-.Ltmp0, $4  }
0x1b5: {  	s8 =	smov.u32 s10;
	s0 =	smov.u32 s26;
	s24 =	sor.u32 $0x6100, s4;
	v10 =	vadd.f32 v61, v6;
	v7 =	vld [tilespmem:s12+$0x4000]  }
0x1b6: {  	s14 =	sor.u32 s25, s20;
	s25 =	rddreg [dreg:$0x13];
	s18 =	sor.u32 s16, s24;
	v4 =	vld [tilespmem:s26+$0x100];
	v63 =	vadd.f32 v9, v3  }
0x1b7: {  	s16 =	smov.u32 s21;
	s24 =	sor.u32 s10, s24;
	s11 =	smov.u32 s4;
	v9 =	vld [tilespmem:s26+$0x4100];
	[tilespmem:s3+$0x4100] =	vst v10  }
0x1b8: {  	s4 =	sadd.s32 $0x20, s25;
	s2 =	sor.u32 $0xA200, s6;
	s6 =	rddreg [dreg:$0x12];
	v11 =	vadd.f32 v8, v5;
	v10 =	vld [tilespmem:s24+$0x0];
	[tilespmem:s29+$0x4200] =	vst v63;
	v8 =	vadd.f32 v62, v1  }
0x1b9: {  	_ =	sdelay $0x1  }
0x1ba: {  	s4 =	sor.u32 s7, s2;
	[tilespmem:s13+$0x0] =	vst v11  }
0x1bb: {  	v11 =	vld [tilespmem:s4+$0x0]  }
0x1bc: {  	v10 =	vadd.f32 v10, v6  }
0x1bd: {  	s5 =	sor.u32 $0x8100, s11  }
0x1be: {  	s6 =	sor.u32 s8, s5;
	[tilespmem:s24+$0x0] =	vst v10;
	v10 =	vld [tilespmem:s31+$0x0]  }
0x1bf: {  	v9 =	vadd.f32 v9, v4;
	v12 =	vld [tilespmem:s6+$0x0]  }
0x1c0: {  	v5 =	vadd.f32 v11, v5  }
0x1c1: {  	[tilespmem:s0+$0x4100] =	vst v9  }
0x1c2: {  	[tilespmem:s4+$0x0] =	vst v5  }
0x1c3: {  	s20 =	smov.u32 s0;
	v9 =	vld [tilespmem:s18+$0x0];
	s0 =	rddreg [dreg:$0x7];
	v5 =	vadd.f32 v10, v3  }
0x1c4: {  	v10 =	vld [tilespmem:s0+$0x280];
	v11 =	vadd.f32 v12, v6  }
0x1c5: {  	s23 =	smov.u32 s8;
	s10 =	sor.u32 $0xA100, s11;
	[tilespmem:s31+$0x0] =	vst v5;
	v5 =	vld [tilespmem:s0+$0x4280]  }
0x1c6: {  	s3 =	smov.u32 s11;
	s11 =	sor.u32 s23, s10;
	[tilespmem:s6+$0x0] =	vst v11;
	v11 =	vld [tilespmem:s14+$0x0]  }
0x1c7: {  	v38 =	vld [tilespmem:s11+$0x0]  }
0x1c8: {  	v9 =	vadd.f32 v9, v4;
	_ =	sdelay $0x1  }
0x1c9: {  	s5 =	sor.u32 s1, s5;
	[tilespmem:s18+$0x0] =	vst v9;
	v5 =	vadd.f32 v5, v10  }
0x1ca: {  	s13 =	sor.u32 $0x6280, s9;
	v9 =	vld [tilespmem:s5+$0x0];
	v11 =	vadd.f32 v11, v3  }
0x1cb: {  	s6 =	sor.u32 s7, s13;
	[tilespmem:s0+$0x4280] =	vst v5;
	v5 =	vadd.f32 v38, v6  }
0x1cc: {  	s19 =	sor.u32 s30, s2;
	[tilespmem:s14+$0x0] =	vst v11;
	v6 =	vld [tilespmem:s6+$0x0]  }
0x1cd: {  	[tilespmem:s11+$0x0] =	vst v5;
	v5 =	vld [tilespmem:s19+$0x0]  }
0x1ce: {  	s11 =	rddreg [dreg:$0x1d]  }
0x1cf: {  	v9 =	vadd.f32 v9, v4;
	v11 =	vld [tilespmem:s11+$0x180]  }
0x1d0: {  	v39 =	vld [tilespmem:s11+$0x4180]  }
0x1d1: {  	[tilespmem:s5+$0x0] =	vst v9;
	v6 =	vadd.f32 v6, v10  }
0x1d2: {  	s4 =	sor.u32 s1, s10;
	s31 =	smov.u32 s9;
	[tilespmem:s22+$0x0] =	vst v8;
	v3 =	vadd.f32 v5, v3  }
0x1d3: {  	s10 =	sor.u32 $0x8280, s31;
	v9 =	vld [tilespmem:s4+$0x0];
	[tilespmem:s6+$0x0] =	vst v6  }
0x1d4: {  	v7 =	vadd.f32 v7, v2;
	s22 =	sor.u32 s7, s10;
	[tilespmem:s19+$0x0] =	vst v3  }
0x1d5: {  	v3 =	vld [tilespmem:s22+$0x0];
	v6 =	vadd.f32 v39, v11;
	s24 =	rddreg [dreg:$0x5]  }
0x1d6: {  	s26 =	sor.u32 $0x6180, s3;
	[tilespmem:s12+$0x4000] =	vst v7;
	v8 =	vld [tilespmem:s24+$0x280]  }
0x1d7: {  	s17 =	sor.u32 s23, s26;
	[tilespmem:s11+$0x4180] =	vst v6;
	v6 =	vld [tilespmem:s24+$0x4280]  }
0x1d8: {  	s2 =	sor.u32 $0x6380, s28;
	v4 =	vadd.f32 v9, v4;
	v7 =	vld [tilespmem:s17+$0x0];
	s29 =	rddreg [dreg:$0xa]  }
0x1d9: {  	s18 =	sor.u32 s29, s2  }
0x1da: {  	[tilespmem:s4+$0x0] =	vst v4;
	v4 =	vld [tilespmem:s18+$0x0];
	v3 =	vadd.f32 v3, v10  }
0x1db: {  	v5 =	vld [tilespmem:s16+$0x0]  }
0x1dc: {  	v9 =	vld [tilespmem:s20+$0x180];
	[tilespmem:s22+$0x0] =	vst v3;
	v3 =	vadd.f32 v6, v8  }
0x1dd: {  	s6 =	sor.u32 $0xA280, s31;
	v40 =	vld [tilespmem:s20+$0x4180];
	v7 =	vadd.f32 v7, v11  }
0x1de: {  	s19 =	sor.u32 s7, s6;
	[tilespmem:s24+$0x4280] =	vst v3  }
0x1df: {  	v6 =	vld [tilespmem:s19+$0x0];
	v3 =	vadd.f32 v4, v2;
	[tilespmem:s17+$0x0] =	vst v7  }
0x1e0: {  	s9 =	sor.u32 s30, s13;
	s14 =	sor.u32 $0x8180, s3;
	v4 =	vadd.f32 v5, v1;
	s0 =	rddreg [dreg:$0xc]  }
0x1e1: {  	v5 =	vld [tilespmem:s9+$0x0];
	s17 =	sor.u32 s23, s14;
	s8 =	sadd.s32 $0x1, s0;
	[tilespmem:s18+$0x0] =	vst v3  }
0x1e2: {  	s21 =	smov.u32 s1;
	s1 =	sor.u32 $0x8380, s28;
	v7 =	vld [tilespmem:s17+$0x0];
	v3 =	vadd.f32 v40, v9;
	[tilespmem:s16+$0x0] =	vst v4;
	s22 =	sand.u32 $0x3, s8  }
0x1e3: {  	s18 =	sor.u32 s29, s1;
	s24 =	rddreg [dreg:$0x4];
	s5 =	sshll.u32 s22, $0x5  }
0x1e4: {  	s13 =	sor.u32 s21, s26;
	v4 =	vld [tilespmem:s18+$0x0];
	v6 =	vadd.f32 v6, v10;
	[tilespmem:s20+$0x4180] =	vst v3;
	s12 =	sadd.s32 s5, s24  }
0x1e5: {  	v10 =	vld [tilespmem:s13+$0x0];
	s5 =	sadd.s32 $0x10, s12  }
0x1e6: {  	v41 =	vld [tilespmem:s15+$0x0];
	[tilespmem:s19+$0x0] =	vst v6;
	v5 =	vadd.f32 v5, v8;
	s26 =	sor.u32 $0x300, s5  }
0x1e7: {  	v6 =	vadd.f32 v7, v11;
	v3 =	vld [tilespmem:s26+$0x0]  }
0x1e8: {  	[tilespmem:s9+$0x0] =	vst v5;
	s9 =	sor.u32 s30, s10;
	v5 =	vld [tilespmem:s26+$0x4000]  }
0x1e9: {  	[tilespmem:s17+$0x0] =	vst v6;
	v6 =	vld [tilespmem:s9+$0x0]  }
0x1ea: {  	v7 =	vadd.f32 v10, v9  }
0x1eb: {  	v4 =	vadd.f32 v4, v2  }
0x1ec: {  	s4 =	sor.u32 $0xA380, s28;
	s24 =	sor.u32 s21, s14;
	v1 =	vadd.f32 v41, v1;
	[tilespmem:s13+$0x0] =	vst v7  }
0x1ed: {  	s25 =	smov.u32 s7;
	s7 =	sor.u32 s29, s4;
	[tilespmem:s18+$0x0] =	vst v4;
	v5 =	vadd.f32 v5, v3;
	v7 =	vld [tilespmem:s24+$0x0]  }
0x1ee: {  	s10 =	sor.u32 $0x6300, s31;
	[tilespmem:s15+$0x0] =	vst v1;
	v10 =	vld [tilespmem:s7+$0x0];
	v6 =	vadd.f32 v6, v8  }
0x1ef: {  	s15 =	sor.u32 s25, s10;
	s22 =	rddreg [dreg:$0xf];
	[tilespmem:s26+$0x4000] =	vst v5  }
0x1f0: {  	s19 =	sor.u32 $0xA180, s3;
	s26 =	rddreg [dreg:$0xe];
	[tilespmem:s9+$0x0] =	vst v6;
	v6 =	vld [tilespmem:s15+$0x0]  }
0x1f1: {  	s0 =	sor.u32 s23, s19  }
0x1f2: {  	v4 =	vld [tilespmem:s0+$0x0];
	v7 =	vadd.f32 v7, v9  }
0x1f3: {  	v2 =	vadd.f32 v10, v2  }
0x1f4: {  	s19 =	sor.u32 s21, s19;
	[tilespmem:s24+$0x0] =	vst v7  }
0x1f5: {  	[tilespmem:s7+$0x0] =	vst v2;
	v2 =	vadd.f32 v6, v3;
	v6 =	vld [tilespmem:s19+$0x0];
	_ =	sdelay $0x1  }
0x1f6: {  	v1 =	vld [tilespmem:s22+$0x0];
	v4 =	vadd.f32 v4, v11  }
0x1f7: {  	s16 =	sor.u32 s30, s6;
	v42 =	vld [tilespmem:s22+$0x4000]  }
0x1f8: {  	[tilespmem:s0+$0x0] =	vst v4;
	v4 =	vld [tilespmem:s16+$0x0]  }
0x1f9: {  	v5 =	vld [tilespmem:s26+$0x0];
	v6 =	vadd.f32 v6, v9  }
0x1fa: {  	v11 =	vld [tilespmem:s11+$0x200]  }
0x1fb: {  	v10 =	vld [tilespmem:s11+$0x4200];
	s0 =	rddreg [dreg:$0x6];
	[tilespmem:s19+$0x0] =	vst v6  }
0x1fc: {  	v6 =	vld [tilespmem:s20+$0x200]  }
0x1fd: {  	v4 =	vadd.f32 v4, v8;
	v8 =	vld [tilespmem:s20+$0x4200]  }
0x1fe: {  	v7 =	vadd.f32 v42, v1;
	_ =	sdelay $0x1  }
0x1ff: {  	[tilespmem:s22+$0x4000] =	vst v7;
	v7 =	vadd.f32 v10, v11  }
0x200: {  	v5 =	vadd.f32 v5, v0;
	s22 =	sor.u32 $0x6200, s3  }
0x201: {  	s24 =	sor.u32 s23, s22;
	[tilespmem:s11+$0x4200] =	vst v7;
	v8 =	vadd.f32 v8, v6  }
0x202: {  	[tilespmem:s26+$0x0] =	vst v5;
	v7 =	vld [tilespmem:s24+$0x0]  }
0x203: {  	s26 =	sor.u32 s21, s22;
	[tilespmem:s20+$0x4200] =	vst v8  }
0x204: {  	v8 =	vld [tilespmem:s26+$0x0];
	_ =	sdelay $0x2  }
0x205: {  	v7 =	vadd.f32 v7, v11  }
0x206: {  	s7 =	sor.u32 $0x8200, s3;
	[tilespmem:s16+$0x0] =	vst v4  }
0x207: {  	s16 =	sor.u32 s23, s7;
	[tilespmem:s24+$0x0] =	vst v7;
	v7 =	vadd.f32 v8, v6  }
0x208: {  	v8 =	vld [tilespmem:s16+$0x0]  }
0x209: {  	s14 =	sor.u32 s21, s7;
	[tilespmem:s26+$0x0] =	vst v7  }
0x20a: {  	v7 =	vld [tilespmem:s14+$0x0]  }
0x20b: {  	s6 =	sor.u32 s0, s2;
	s2 =	sor.u32 $0x8300, s31  }
0x20c: {  	[tilespmem:s15+$0x0] =	vst v2;
	s9 =	sor.u32 s25, s2;
	v0 =	vld [tilespmem:s6+$0x0]  }
0x20d: {  	s12 =	sor.u32 $0x300, s12;
	v2 =	vld [tilespmem:s9+$0x0];
	v8 =	vadd.f32 v8, v11  }
0x20e: {  	s17 =	sor.u32 $0xA200, s3;
	v4 =	vld [tilespmem:s12+$0x0]  }
0x20f: {  	s18 =	sor.u32 s23, s17;
	v5 =	vld [tilespmem:s12+$0x4000];
	[tilespmem:s16+$0x0] =	vst v8;
	v7 =	vadd.f32 v7, v6  }
0x210: {  	v8 =	vld [tilespmem:s18+$0x0]  }
0x211: {  	s13 =	sor.u32 s21, s17;
	[tilespmem:s14+$0x0] =	vst v7  }
0x212: {  	v7 =	vld [tilespmem:s13+$0x0];
	_ =	sdelay $0x2  }
0x213: {  	v8 =	vadd.f32 v8, v11;
	_ =	sdelay $0x1  }
0x214: {  	[tilespmem:s18+$0x0] =	vst v8;
	v6 =	vadd.f32 v7, v6  }
0x215: {  	v7 =	vld [tilespmem:s11+$0x280]  }
0x216: {  	v8 =	vld [tilespmem:s11+$0x4280];
	[tilespmem:s13+$0x0] =	vst v6  }
0x217: {  	v6 =	vld [tilespmem:s20+$0x280]  }
0x218: {  	v9 =	vld [tilespmem:s20+$0x4280];
	_ =	sdelay $0x2  }
0x219: {  	v8 =	vadd.f32 v8, v7  }
0x21a: {  	s19 =	sor.u32 $0x6280, s3  }
0x21b: {  	s22 =	sor.u32 s23, s19;
	[tilespmem:s11+$0x4280] =	vst v8;
	v8 =	vadd.f32 v9, v6  }
0x21c: {  	v9 =	vld [tilespmem:s22+$0x0]  }
0x21d: {  	s13 =	sor.u32 s21, s19;
	[tilespmem:s20+$0x4280] =	vst v8  }
0x21e: {  	v8 =	vld [tilespmem:s13+$0x0];
	_ =	sdelay $0x2  }
0x21f: {  	v9 =	vadd.f32 v9, v7  }
0x220: {  	s24 =	sor.u32 $0x8280, s3  }
0x221: {  	s26 =	sor.u32 s23, s24;
	[tilespmem:s22+$0x0] =	vst v9;
	v8 =	vadd.f32 v8, v6  }
0x222: {  	v9 =	vld [tilespmem:s26+$0x0]  }
0x223: {  	s7 =	sor.u32 s21, s24;
	[tilespmem:s13+$0x0] =	vst v8  }
0x224: {  	v8 =	vld [tilespmem:s7+$0x0];
	_ =	sdelay $0x2  }
0x225: {  	v9 =	vadd.f32 v9, v7  }
0x226: {  	s14 =	sor.u32 $0xA280, s3  }
0x227: {  	s15 =	sor.u32 s23, s14;
	[tilespmem:s26+$0x0] =	vst v9;
	v8 =	vadd.f32 v8, v6  }
0x228: {  	v9 =	vld [tilespmem:s15+$0x0]  }
0x229: {  	s13 =	sor.u32 s21, s14;
	[tilespmem:s7+$0x0] =	vst v8  }
0x22a: {  	s16 =	sadd.s32 $0x1, s8;
	v8 =	vld [tilespmem:s13+$0x0]  }
0x22b: {  	s7 =	sand.u32 $0x3, s16  }
0x22c: {  	s7 =	sshll.u32 s7, $0x5;
	s17 =	rddreg [dreg:$0xd]  }
0x22d: {  	s8 =	sadd.s32 s7, s17;
	v7 =	vadd.f32 v9, v7  }
0x22e: {  	s7 =	sadd.s32 $0x10, s8  }
0x22f: {  	s18 =	sor.u32 $0x300, s7;
	[tilespmem:s15+$0x0] =	vst v7;
	v6 =	vadd.f32 v8, v6  }
0x230: {  	v7 =	vld [tilespmem:s18+$0x0]  }
0x231: {  	s8 =	sor.u32 $0x300, s8;
	v8 =	vld [tilespmem:s18+$0x4000];
	[tilespmem:s13+$0x0] =	vst v6  }
0x232: {  	v6 =	vld [tilespmem:s8+$0x0]  }
0x233: {  	v9 =	vld [tilespmem:s8+$0x4000]  }
0x234: {  	v5 =	vadd.f32 v5, v4;
	_ =	sdelay $0x1  }
0x235: {  	s10 =	sor.u32 s30, s10;
	[tilespmem:s12+$0x4000] =	vst v5;
	v5 =	vadd.f32 v8, v7  }
0x236: {  	s19 =	sor.u32 $0x6300, s3;
	v8 =	vld [tilespmem:s10+$0x0]  }
0x237: {  	s20 =	sor.u32 s23, s19;
	[tilespmem:s18+$0x4000] =	vst v5;
	v5 =	vadd.f32 v9, v6  }
0x238: {  	v9 =	vld [tilespmem:s20+$0x0]  }
0x239: {  	s12 =	sor.u32 s21, s19;
	[tilespmem:s8+$0x4000] =	vst v5  }
0x23a: {  	v5 =	vld [tilespmem:s12+$0x0]  }
0x23b: {  	v8 =	vadd.f32 v8, v4;
	_ =	sdelay $0x1  }
0x23c: {  	s2 =	sor.u32 s30, s2;
	[tilespmem:s10+$0x0] =	vst v8;
	v8 =	vadd.f32 v9, v7  }
0x23d: {  	s22 =	sor.u32 $0x8300, s3;
	v9 =	vld [tilespmem:s2+$0x0]  }
0x23e: {  	s24 =	sor.u32 s23, s22;
	[tilespmem:s20+$0x0] =	vst v8;
	v5 =	vadd.f32 v5, v6  }
0x23f: {  	v8 =	vld [tilespmem:s24+$0x0]  }
0x240: {  	v2 =	vadd.f32 v2, v3;
	s8 =	sor.u32 s21, s22;
	[tilespmem:s12+$0x0] =	vst v5  }
0x241: {  	s26 =	sor.u32 $0xA300, s31;
	v5 =	vld [tilespmem:s8+$0x0]  }
0x242: {  	[tilespmem:s9+$0x0] =	vst v2;
	s12 =	sor.u32 s25, s26;
	v2 =	vadd.f32 v9, v4  }
0x243: {  	v9 =	vld [tilespmem:s12+$0x0]  }
0x244: {  	s11 =	sor.u32 s30, s26;
	[tilespmem:s2+$0x0] =	vst v2;
	v2 =	vadd.f32 v8, v7  }
0x245: {  	v8 =	vld [tilespmem:s11+$0x0]  }
0x246: {  	s13 =	sor.u32 $0xA300, s3;
	[tilespmem:s24+$0x0] =	vst v2;
	v2 =	vadd.f32 v5, v6  }
0x247: {  	s14 =	sor.u32 s23, s13  }
0x248: {  	s2 =	sor.u32 s21, s13;
	v5 =	vld [tilespmem:s14+$0x0];
	v3 =	vadd.f32 v9, v3;
	[tilespmem:s8+$0x0] =	vst v2  }
0x249: {  	v2 =	vld [tilespmem:s2+$0x0]  }
0x24a: {  	[tilespmem:s12+$0x0] =	vst v3;
	v3 =	vadd.f32 v8, v4  }
0x24b: {  	s5 =	sor.u32 $0x380, s5  }
0x24c: {  	v4 =	vld [tilespmem:s5+$0x0];
	[tilespmem:s11+$0x0] =	vst v3  }
0x24d: {  	v8 =	vld [tilespmem:s5+$0x4000];
	v3 =	vadd.f32 v5, v7;
	s11 =	rddreg [dreg:$0x9]  }
0x24e: {  	v5 =	vld [tilespmem:s11+$0x0];
	v2 =	vadd.f32 v2, v6  }
0x24f: {  	s7 =	sor.u32 $0x380, s7;
	v7 =	vld [tilespmem:s11+$0x4000];
	[tilespmem:s14+$0x0] =	vst v3  }
0x250: {  	v3 =	vld [tilespmem:s7+$0x0];
	[tilespmem:s2+$0x0] =	vst v2  }
0x251: {  	v6 =	vld [tilespmem:s7+$0x4000];
	s9 =	rddreg [dreg:$0x8]  }
0x252: {  	v2 =	vld [tilespmem:s9+$0x0]  }
0x253: {  	v9 =	vld [tilespmem:s9+$0x4000]  }
0x254: {  	v8 =	vadd.f32 v8, v4  }
0x255: {  	s15 =	sor.u32 $0x6380, s31  }
0x256: {  	s16 =	sor.u32 s25, s15;
	[tilespmem:s5+$0x4000] =	vst v8;
	v6 =	vadd.f32 v6, v3  }
0x257: {  	s17 =	sor.u32 $0x6380, s3;
	v7 =	vadd.f32 v7, v5;
	v8 =	vld [tilespmem:s16+$0x0]  }
0x258: {  	s18 =	sor.u32 s23, s17;
	[tilespmem:s7+$0x4000] =	vst v6;
	v6 =	vadd.f32 v9, v2  }
0x259: {  	s2 =	sor.u32 s30, s15;
	[tilespmem:s11+$0x4000] =	vst v7;
	v7 =	vld [tilespmem:s18+$0x0]  }
0x25a: {  	s8 =	sor.u32 s21, s17;
	v9 =	vld [tilespmem:s2+$0x0];
	[tilespmem:s9+$0x4000] =	vst v6  }
0x25b: {  	v6 =	vld [tilespmem:s8+$0x0]  }
0x25c: {  	v8 =	vadd.f32 v8, v4  }
0x25d: {  	v0 =	vadd.f32 v0, v1;
	s19 =	sor.u32 $0x8380, s31  }
0x25e: {  	s20 =	sor.u32 s25, s19;
	[tilespmem:s16+$0x0] =	vst v8;
	v7 =	vadd.f32 v7, v3  }
0x25f: {  	s1 =	sor.u32 s0, s1;
	s22 =	sor.u32 $0x8380, s3;
	[tilespmem:s6+$0x0] =	vst v0;
	v0 =	vld [tilespmem:s20+$0x0];
	v8 =	vadd.f32 v9, v5  }
0x260: {  	s24 =	sor.u32 s23, s22;
	v9 =	vld [tilespmem:s1+$0x0];
	[tilespmem:s18+$0x0] =	vst v7;
	v6 =	vadd.f32 v6, v2  }
0x261: {  	s9 =	sor.u32 s30, s19;
	[tilespmem:s2+$0x0] =	vst v8;
	v7 =	vld [tilespmem:s24+$0x0]  }
0x262: {  	s26 =	sor.u32 s21, s22;
	v8 =	vld [tilespmem:s9+$0x0];
	[tilespmem:s8+$0x0] =	vst v6  }
0x263: {  	v6 =	vld [tilespmem:s26+$0x0]  }
0x264: {  	v0 =	vadd.f32 v0, v4  }
0x265: {  	v9 =	vadd.f32 v9, v1;
	s8 =	sor.u32 $0xA380, s31  }
0x266: {  	[tilespmem:s20+$0x0] =	vst v0;
	s10 =	sor.u32 s25, s8;
	v0 =	vadd.f32 v7, v3  }
0x267: {  	s4 =	sor.u32 s0, s4;
	s11 =	sor.u32 $0xA380, s3;
	[tilespmem:s1+$0x0] =	vst v9;
	v7 =	vld [tilespmem:s10+$0x0];
	v8 =	vadd.f32 v8, v5  }
0x268: {  	s3 =	sor.u32 s23, s11;
	v9 =	vld [tilespmem:s4+$0x0];
	[tilespmem:s24+$0x0] =	vst v0;
	v0 =	vadd.f32 v6, v2  }
0x269: {  	s6 =	sor.u32 s30, s8;
	[tilespmem:s9+$0x0] =	vst v8;
	v6 =	vld [tilespmem:s3+$0x0]  }
0x26a: {  	s12 =	sor.u32 s21, s11;
	v8 =	vld [tilespmem:s6+$0x0];
	[tilespmem:s26+$0x0] =	vst v0  }
0x26b: {  	v0 =	vld [tilespmem:s12+$0x0]  }
0x26c: {  	v4 =	vadd.f32 v7, v4  }
0x26d: {  	v1 =	vadd.f32 v9, v1  }
0x26e: {  	[tilespmem:s10+$0x0] =	vst v4;
	v3 =	vadd.f32 v6, v3  }
0x26f: {  	[tilespmem:s4+$0x0] =	vst v1;
	v1 =	vadd.f32 v8, v5  }
0x270: {  	[tilespmem:s3+$0x0] =	vst v3;
	v0 =	vadd.f32 v0, v2  }
0x271: {  	[tilespmem:s6+$0x0] =	vst v1  }
0x272: {  	s4 =	sld [smem:$0x7F5];
	[tilespmem:s12+$0x0] =	vst v0  }
0x273: {  	s0 =	sld [smem:$0x7FA]  }
0x274: {  	s14 =	simm.s32 $0x2000;
	s15 =	simm.s32 $0x800000  }
0x275: {  	s16 =	simm.s32 $0x4000;
	s13 =	sshll.u32 s4, $0xB;
	s1 =	sld [smem:$0x7FC]  }
0x276: {  	p0 =	seq.s32 s4, $0xF;
	s2 =	sld [smem:$0x7F6];
	s0 =	sadd.s32 s13, s0  }
0x277: {  	[hbm4b:s0+s14] =	stream.strided.scatter [tilespmem:s16], [sflag:$0x3], $0x8000, s15, s14, $0x38;
	[tilespmem:$0x14000] =	vst v63  }
0x278: {  	s0 =	simm.s32 @!p0 $0x3  }
0x279: {  	_ =	swait.ge @!p0 [sflag:s0], $0x8000  }
0x27a: {  	s1 =	sadd.s32 @!p0 s2, s1;
	[sflag:s0] =	ssyncset.done @!p0 $0x0  }
0x27b: {  	s1 =	sshll.u32 @!p0 s1, $0xA;
	[sflag:s0] =	ssyncadd.s32 @!p0 $0xFFFF8000  }
0x27c: {  	s1 =	sand.u32 @!p0 $0x1FFFF800, s1;
	s0 =	rddreg [dreg:$0x1]  }
0x27d: {  	s2 =	simm.s32 @!p0 $0x0;
	s0 =	sadd.s32 @!p0 s0, s1  }
0x27e: {  	[tilespmem:s2], [sflag:$0x1] =	stream.linear.gather @!p0 [hbm4b:s0+s2], $0x2000, $0x38;
	[tilespmem:$0x14000] =	vst v63  }
0x27f: {  	s17 =	simm.s32 $0x2;
	s3 =	simm.s32 @!p0 $0x4000;
	s0 =	rddreg [dreg:$0x0]  }
0x280: {  	s2 =	simm.s32 @!p0 $0x800000;
	s0 =	sadd.s32 @!p0 s0, s1;
	s1 =	simm.s32 @!p0 $0x2000  }
0x281: {  	[tilespmem:s3], [sflag:$0x1] =	stream.strided.gather @!p0 [hbm4b:s0+s1], $0x8000, s2, s1, $0x38;
	[tilespmem:$0x14000] =	vst v63  }
0x282: {  	_ =	swait.ge [sflag:s17], $0x2000  }
0x283: {  	[sflag:s17] =	ssyncset.done $0x0  }
0x284: {  	s18 =	simm.s32 $0x0;
	[sflag:s17] =	ssyncadd.s32 $0xFFFFE000  }
0x285: {  	s6 =	sand.u32 $0x1C00, s18;
	s3 =	sand.u32 $0x60, s18;
	_ =	swait.ge [sflag:s17], $0x8000  }
0x286: {  	s0 =	sor.u32 $0x2000, s6;
	s5 =	sor.u32 $0x10, s3;
	[sflag:s17] =	ssyncset.done $0x0  }
0x287: {  	s20 =	sor.u32 $0xC000, s6;
	s19 =	sor.u32 s5, s0;
	[sflag:s17] =	ssyncadd.s32 $0xFFFF8000  }
0x288: {  	s21 =	sor.u32 s5, s20;
	v0 =	vld [tilespmem:s19+$0x0]  }
0x289: {  	v1 =	vld [tilespmem:s21+$0x0];
	_ =	sdelay $0x4  }
0x28a: {  	v1 =	vadd.f32 v1, v0  }
0x28b: {  	s22 =	sor.u32 $0xE000, s6  }
0x28c: {  	s23 =	sor.u32 s5, s22;
	[tilespmem:s21+$0x0] =	vst v1  }
0x28d: {  	v1 =	vld [tilespmem:s23+$0x0];
	_ =	sdelay $0x3  }
0x28e: {  	s0 =	sor.u32 s3, s0  }
0x28f: {  	s2 =	sor.u32 s3, s20;
	v2 =	vld [tilespmem:s0+$0x0];
	v1 =	vadd.f32 v1, v0  }
0x290: {  	s24 =	sor.u32 $0x10000, s6;
	v3 =	vld [tilespmem:s2+$0x0]  }
0x291: {  	s25 =	sor.u32 s5, s24;
	[tilespmem:s23+$0x0] =	vst v1  }
0x292: {  	v1 =	vld [tilespmem:s25+$0x0];
	_ =	sdelay $0x2  }
0x293: {  	v3 =	vadd.f32 v3, v2;
	_ =	sdelay $0x1  }
0x294: {  	s4 =	sor.u32 s3, s22;
	[tilespmem:s2+$0x0] =	vst v3;
	v1 =	vadd.f32 v1, v0  }
0x295: {  	s26 =	sor.u32 $0x12000, s6;
	v3 =	vld [tilespmem:s4+$0x0]  }
0x296: {  	s7 =	sor.u32 s5, s26;
	[tilespmem:s25+$0x0] =	vst v1  }
0x297: {  	v1 =	vld [tilespmem:s7+$0x0];
	_ =	sdelay $0x2  }
0x298: {  	v3 =	vadd.f32 v3, v2;
	_ =	sdelay $0x1  }
0x299: {  	s0 =	sor.u32 s3, s24;
	[tilespmem:s4+$0x0] =	vst v3;
	v0 =	vadd.f32 v1, v0  }
0x29a: {  	s8 =	sor.u32 $0x2080, s6;
	v1 =	vld [tilespmem:s0+$0x0]  }
0x29b: {  	s9 =	sor.u32 $0xC080, s6;
	s10 =	sor.u32 s5, s8;
	[tilespmem:s7+$0x0] =	vst v0  }
0x29c: {  	s11 =	sor.u32 s5, s9;
	v0 =	vld [tilespmem:s10+$0x0]  }
0x29d: {  	v3 =	vld [tilespmem:s11+$0x0];
	_ =	sdelay $0x1  }
0x29e: {  	v1 =	vadd.f32 v1, v2;
	_ =	sdelay $0x1  }
0x29f: {  	s2 =	sor.u32 s3, s26;
	[tilespmem:s0+$0x0] =	vst v1  }
0x2a0: {  	v1 =	vld [tilespmem:s2+$0x0];
	v3 =	vadd.f32 v3, v0  }
0x2a1: {  	s12 =	sor.u32 $0xE080, s6  }
0x2a2: {  	s13 =	sor.u32 s5, s12;
	[tilespmem:s11+$0x0] =	vst v3  }
0x2a3: {  	v3 =	vld [tilespmem:s13+$0x0];
	_ =	sdelay $0x1  }
0x2a4: {  	v1 =	vadd.f32 v1, v2;
	_ =	sdelay $0x1  }
0x2a5: {  	s4 =	sor.u32 s3, s8;
	[tilespmem:s2+$0x0] =	vst v1  }
0x2a6: {  	s14 =	sor.u32 s3, s9;
	v1 =	vld [tilespmem:s4+$0x0];
	v2 =	vadd.f32 v3, v0  }
0x2a7: {  	s15 =	sor.u32 $0x10080, s6;
	v3 =	vld [tilespmem:s14+$0x0]  }
0x2a8: {  	s16 =	sor.u32 s5, s15;
	[tilespmem:s13+$0x0] =	vst v2  }
0x2a9: {  	v2 =	vld [tilespmem:s16+$0x0];
	_ =	sdelay $0x2  }
0x2aa: {  	v3 =	vadd.f32 v3, v1;
	_ =	sdelay $0x1  }
0x2ab: {  	s0 =	sor.u32 s3, s12;
	[tilespmem:s14+$0x0] =	vst v3;
	v2 =	vadd.f32 v2, v0  }
0x2ac: {  	s17 =	sor.u32 $0x12080, s6;
	v3 =	vld [tilespmem:s0+$0x0]  }
0x2ad: {  	s25 =	sor.u32 s5, s17;
	[tilespmem:s16+$0x0] =	vst v2  }
0x2ae: {  	s9 =	simm.s32 $0x20;
	s26 =	simm.s32 $0x100;
	v2 =	vld [tilespmem:s25+$0x0]  }
0x2af: {  	s22 =	sand.u32 $0x1C00, s26;
	s23 =	sand.u32 $0x60, s9  }
0x2b0: {  	s24 =	sor.u32 $0x10, s23;
	s7 =	sor.u32 $0x2000, s22  }
0x2b1: {  	s10 =	sor.u32 s24, s7;
	s11 =	sor.u32 $0xC000, s22;
	v3 =	vadd.f32 v3, v1  }
0x2b2: {  	v4 =	vld [tilespmem:s10+$0x0];
	s18 =	sor.u32 s24, s11  }
0x2b3: {  	s4 =	sor.u32 s3, s15;
	[tilespmem:s0+$0x0] =	vst v3;
	v0 =	vadd.f32 v2, v0;
	v2 =	vld [tilespmem:s18+$0x0]  }
0x2b4: {  	s19 =	sor.u32 $0x2100, s6;
	v3 =	vld [tilespmem:s4+$0x0]  }
0x2b5: {  	s20 =	sor.u32 $0xC100, s6;
	s21 =	sor.u32 s5, s19;
	[tilespmem:s25+$0x0] =	vst v0  }
0x2b6: {  	s25 =	sor.u32 s5, s20;
	v0 =	vld [tilespmem:s21+$0x0]  }
0x2b7: {  	v5 =	vld [tilespmem:s25+$0x0]  }
0x2b8: {  	v2 =	vadd.f32 v2, v4  }
0x2b9: {  	s26 =	sor.u32 $0xE000, s22;
	v3 =	vadd.f32 v3, v1  }
0x2ba: {  	s13 =	sor.u32 s24, s26;
	[tilespmem:s18+$0x0] =	vst v2  }
0x2bb: {  	s2 =	sor.u32 s3, s17;
	[tilespmem:s4+$0x0] =	vst v3;
	v2 =	vld [tilespmem:s13+$0x0]  }
0x2bc: {  	v3 =	vld [tilespmem:s2+$0x0];
	v5 =	vadd.f32 v5, v0  }
0x2bd: {  	s14 =	sor.u32 $0xE100, s6  }
0x2be: {  	s15 =	sor.u32 s5, s14;
	[tilespmem:s25+$0x0] =	vst v5  }
0x2bf: {  	v5 =	vld [tilespmem:s15+$0x0]  }
0x2c0: {  	v2 =	vadd.f32 v2, v4  }
0x2c1: {  	s12 =	sor.u32 $0x10000, s22;
	v1 =	vadd.f32 v3, v1  }
0x2c2: {  	s16 =	sor.u32 s24, s12;
	[tilespmem:s13+$0x0] =	vst v2  }
0x2c3: {  	s0 =	sor.u32 s3, s19;
	[tilespmem:s2+$0x0] =	vst v1;
	v1 =	vld [tilespmem:s16+$0x0]  }
0x2c4: {  	s17 =	sor.u32 s3, s20;
	v2 =	vld [tilespmem:s0+$0x0];
	v3 =	vadd.f32 v5, v0  }
0x2c5: {  	s18 =	sor.u32 $0x10100, s6;
	v5 =	vld [tilespmem:s17+$0x0]  }
0x2c6: {  	s19 =	sor.u32 s5, s18;
	[tilespmem:s15+$0x0] =	vst v3  }
0x2c7: {  	s7 =	sor.u32 s23, s7;
	v3 =	vld [tilespmem:s19+$0x0]  }
0x2c8: {  	v6 =	vld [tilespmem:s7+$0x0];
	s9 =	sor.u32 s23, s11;
	v1 =	vadd.f32 v1, v4  }
0x2c9: {  	s7 =	sor.u32 $0x12000, s22;
	v7 =	vld [tilespmem:s9+$0x0]  }
0x2ca: {  	s20 =	sor.u32 s24, s7;
	v5 =	vadd.f32 v5, v2;
	[tilespmem:s16+$0x0] =	vst v1  }
0x2cb: {  	v1 =	vld [tilespmem:s20+$0x0]  }
0x2cc: {  	s4 =	sor.u32 s3, s14;
	[tilespmem:s17+$0x0] =	vst v5;
	v3 =	vadd.f32 v3, v0  }
0x2cd: {  	s21 =	sor.u32 $0x12100, s6;
	v5 =	vld [tilespmem:s4+$0x0]  }
0x2ce: {  	v7 =	vadd.f32 v7, v6;
	s25 =	sor.u32 s5, s21;
	[tilespmem:s19+$0x0] =	vst v3  }
0x2cf: {  	v3 =	vld [tilespmem:s25+$0x0]  }
0x2d0: {  	s26 =	sor.u32 s23, s26;
	[tilespmem:s9+$0x0] =	vst v7;
	v1 =	vadd.f32 v1, v4  }
0x2d1: {  	s9 =	sor.u32 $0x2080, s22;
	v4 =	vld [tilespmem:s26+$0x0]  }
0x2d2: {  	s11 =	sor.u32 $0xC080, s22;
	s13 =	sor.u32 s24, s9;
	v5 =	vadd.f32 v5, v2;
	[tilespmem:s20+$0x0] =	vst v1  }
0x2d3: {  	s14 =	sor.u32 s24, s11;
	v1 =	vld [tilespmem:s13+$0x0]  }
0x2d4: {  	s0 =	sor.u32 s3, s18;
	[tilespmem:s4+$0x0] =	vst v5;
	v0 =	vadd.f32 v3, v0;
	v3 =	vld [tilespmem:s14+$0x0]  }
0x2d5: {  	s15 =	sor.u32 $0x2180, s6;
	v5 =	vld [tilespmem:s0+$0x0]  }
0x2d6: {  	s16 =	sor.u32 $0xC180, s6;
	s17 =	sor.u32 s5, s15;
	v4 =	vadd.f32 v4, v6;
	[tilespmem:s25+$0x0] =	vst v0  }
0x2d7: {  	s18 =	sor.u32 s5, s16;
	v0 =	vld [tilespmem:s17+$0x0]  }
0x2d8: {  	s12 =	sor.u32 s23, s12;
	[tilespmem:s26+$0x0] =	vst v4;
	v4 =	vld [tilespmem:s18+$0x0]  }
0x2d9: {  	v7 =	vld [tilespmem:s12+$0x0];
	v3 =	vadd.f32 v3, v1  }
0x2da: {  	s10 =	sor.u32 $0xE080, s22;
	v5 =	vadd.f32 v5, v2  }
0x2db: {  	s19 =	sor.u32 s24, s10;
	[tilespmem:s14+$0x0] =	vst v3  }
0x2dc: {  	s2 =	sor.u32 s3, s21;
	[tilespmem:s0+$0x0] =	vst v5;
	v3 =	vld [tilespmem:s19+$0x0]  }
0x2dd: {  	v5 =	vld [tilespmem:s2+$0x0];
	v4 =	vadd.f32 v4, v0  }
0x2de: {  	s20 =	sor.u32 $0xE180, s6;
	v7 =	vadd.f32 v7, v6  }
0x2df: {  	s21 =	sor.u32 s5, s20;
	[tilespmem:s18+$0x0] =	vst v4  }
0x2e0: {  	s7 =	sor.u32 s23, s7;
	[tilespmem:s12+$0x0] =	vst v7;
	v4 =	vld [tilespmem:s21+$0x0]  }
0x2e1: {  	v7 =	vld [tilespmem:s7+$0x0];
	v3 =	vadd.f32 v3, v1  }
0x2e2: {  	s12 =	sor.u32 $0x10080, s22;
	v2 =	vadd.f32 v5, v2  }
0x2e3: {  	s25 =	sor.u32 s24, s12;
	[tilespmem:s19+$0x0] =	vst v3  }
0x2e4: {  	s4 =	sor.u32 s3, s15;
	[tilespmem:s2+$0x0] =	vst v2;
	v2 =	vld [tilespmem:s25+$0x0]  }
0x2e5: {  	s13 =	sor.u32 s3, s16;
	v3 =	vld [tilespmem:s4+$0x0];
	v4 =	vadd.f32 v4, v0  }
0x2e6: {  	s26 =	sor.u32 $0x10180, s6;
	v5 =	vld [tilespmem:s13+$0x0];
	v6 =	vadd.f32 v7, v6  }
0x2e7: {  	s14 =	sor.u32 s5, s26;
	[tilespmem:s21+$0x0] =	vst v4  }
0x2e8: {  	s15 =	sor.u32 s23, s9;
	[tilespmem:s7+$0x0] =	vst v6;
	v4 =	vld [tilespmem:s14+$0x0]  }
0x2e9: {  	s16 =	sor.u32 s23, s11;
	v6 =	vld [tilespmem:s15+$0x0];
	v2 =	vadd.f32 v2, v1  }
0x2ea: {  	s2 =	sor.u32 $0x12080, s22;
	v7 =	vld [tilespmem:s16+$0x0]  }
0x2eb: {  	s17 =	sor.u32 s24, s2;
	v5 =	vadd.f32 v5, v3;
	[tilespmem:s25+$0x0] =	vst v2  }
0x2ec: {  	v2 =	vld [tilespmem:s17+$0x0]  }
0x2ed: {  	s18 =	sor.u32 s3, s20;
	[tilespmem:s13+$0x0] =	vst v5;
	v4 =	vadd.f32 v4, v0  }
0x2ee: {  	s13 =	sor.u32 $0x12180, s6;
	v5 =	vld [tilespmem:s18+$0x0]  }
0x2ef: {  	s19 =	sor.u32 s5, s13;
	[tilespmem:s14+$0x0] =	vst v4;
	v4 =	vadd.f32 v7, v6  }
0x2f0: {  	v7 =	vld [tilespmem:s19+$0x0]  }
0x2f1: {  	s10 =	sor.u32 s23, s10;
	[tilespmem:s16+$0x0] =	vst v4;
	v1 =	vadd.f32 v2, v1  }
0x2f2: {  	s1 =	sor.u32 $0x2100, s22;
	v2 =	vld [tilespmem:s10+$0x0]  }
0x2f3: {  	s0 =	sor.u32 $0xC100, s22;
	s20 =	sor.u32 s24, s1;
	v4 =	vadd.f32 v5, v3;
	[tilespmem:s17+$0x0] =	vst v1  }
0x2f4: {  	s21 =	sor.u32 s24, s0;
	v1 =	vld [tilespmem:s20+$0x0]  }
0x2f5: {  	s4 =	sor.u32 s3, s26;
	[tilespmem:s18+$0x0] =	vst v4;
	v4 =	vld [tilespmem:s21+$0x0];
	v0 =	vadd.f32 v7, v0  }
0x2f6: {  	s26 =	simm.s32 $0x200;
	s14 =	sor.u32 $0x2200, s6;
	v5 =	vld [tilespmem:s4+$0x0]  }
0x2f7: {  	s15 =	sor.u32 $0xC200, s6;
	s25 =	sor.u32 s5, s14;
	s17 =	simm.s32 $0x40;
	[tilespmem:s19+$0x0] =	vst v0;
	v0 =	vadd.f32 v2, v6  }
0x2f8: {  	s26 =	sand.u32 $0x1C00, s26;
	s16 =	sor.u32 s5, s15;
	v2 =	vld [tilespmem:s25+$0x0];
	s25 =	sand.u32 $0x60, s17  }
0x2f9: {  	s8 =	sor.u32 $0x2000, s26;
	s18 =	sor.u32 s23, s12;
	v7 =	vld [tilespmem:s16+$0x0];
	[tilespmem:s10+$0x0] =	vst v0;
	s29 =	sor.u32 $0x10, s25  }
0x2fa: {  	s11 =	sor.u32 $0xC000, s26;
	v4 =	vadd.f32 v4, v1;
	v0 =	vld [tilespmem:s18+$0x0];
	s19 =	sor.u32 s29, s8  }
0x2fb: {  	v5 =	vadd.f32 v5, v3;
	s10 =	sor.u32 $0xE100, s22;
	s20 =	sor.u32 s29, s11;
	v8 =	vld [tilespmem:s19+$0x0]  }
0x2fc: {  	[tilespmem:s21+$0x0] =	vst v4;
	s21 =	sor.u32 s24, s10;
	v4 =	vld [tilespmem:s20+$0x0]  }
0x2fd: {  	s13 =	sor.u32 s3, s13;
	[tilespmem:s4+$0x0] =	vst v5;
	v5 =	vld [tilespmem:s21+$0x0]  }
0x2fe: {  	v9 =	vld [tilespmem:s13+$0x0]  }
0x2ff: {  	v0 =	vadd.f32 v0, v6  }
0x300: {  	v7 =	vadd.f32 v7, v2  }
0x301: {  	s17 =	sor.u32 $0xE200, s6;
	s4 =	sor.u32 s23, s2;
	[tilespmem:s18+$0x0] =	vst v0;
	v0 =	vadd.f32 v4, v8  }
0x302: {  	s9 =	sor.u32 $0xE000, s26;
	[tilespmem:s16+$0x0] =	vst v7;
	s16 =	sor.u32 s5, s17;
	v5 =	vadd.f32 v5, v1;
	v4 =	vld [tilespmem:s4+$0x0]  }
0x303: {  	s2 =	sor.u32 $0x10100, s22;
	v7 =	vld [tilespmem:s16+$0x0];
	v3 =	vadd.f32 v9, v3;
	s18 =	sor.u32 s29, s9;
	[tilespmem:s20+$0x0] =	vst v0  }
0x304: {  	s19 =	sor.u32 s24, s2;
	[tilespmem:s21+$0x0] =	vst v5;
	v0 =	vld [tilespmem:s18+$0x0]  }
0x305: {  	s20 =	sor.u32 s3, s14;
	[tilespmem:s13+$0x0] =	vst v3;
	v3 =	vld [tilespmem:s19+$0x0]  }
0x306: {  	s21 =	sor.u32 s3, s15;
	v5 =	vld [tilespmem:s20+$0x0]  }
0x307: {  	v9 =	vld [tilespmem:s21+$0x0];
	v4 =	vadd.f32 v4, v6;
	_ =	sdelay $0x1  }
0x308: {  	s1 =	sor.u32 s23, s1;
	[tilespmem:s4+$0x0] =	vst v4;
	v0 =	vadd.f32 v0, v8  }
0x309: {  	s0 =	sor.u32 s23, s0;
	s7 =	sor.u32 $0x10000, s26;
	v3 =	vadd.f32 v3, v1;
	v4 =	vld [tilespmem:s1+$0x0]  }
0x30a: {  	s14 =	sor.u32 s29, s7;
	v6 =	vadd.f32 v7, v2;
	s4 =	sor.u32 $0x12100, s22;
	v7 =	vld [tilespmem:s0+$0x0];
	[tilespmem:s18+$0x0] =	vst v0  }
0x30b: {  	v0 =	vadd.f32 v9, v5;
	[tilespmem:s19+$0x0] =	vst v3;
	s19 =	sor.u32 s24, s4;
	v3 =	vld [tilespmem:s14+$0x0]  }
0x30c: {  	s8 =	sor.u32 s25, s8;
	[tilespmem:s16+$0x0] =	vst v6;
	v6 =	vld [tilespmem:s19+$0x0]  }
0x30d: {  	s12 =	sor.u32 $0x10200, s6;
	v10 =	vld [tilespmem:s8+$0x0];
	s20 =	sor.u32 s3, s17;
	[tilespmem:s21+$0x0] =	vst v0  }
0x30e: {  	s15 =	sor.u32 s5, s12;
	v0 =	vld [tilespmem:s20+$0x0]  }
0x30f: {  	s11 =	sor.u32 s25, s11;
	v9 =	vld [tilespmem:s15+$0x0];
	v7 =	vadd.f32 v7, v4  }
0x310: {  	v11 =	vld [tilespmem:s11+$0x0];
	v3 =	vadd.f32 v3, v8  }
0x311: {  	s10 =	sor.u32 s23, s10;
	s8 =	sor.u32 $0x12000, s26;
	[tilespmem:s0+$0x0] =	vst v7;
	v1 =	vadd.f32 v6, v1  }
0x312: {  	s18 =	sor.u32 s29, s8;
	s0 =	sor.u32 $0x2180, s22;
	v6 =	vld [tilespmem:s10+$0x0];
	[tilespmem:s14+$0x0] =	vst v3  }
0x313: {  	s1 =	sor.u32 $0xC180, s22;
	s21 =	sor.u32 s24, s0;
	v0 =	vadd.f32 v0, v5;
	[tilespmem:s19+$0x0] =	vst v1;
	v1 =	vld [tilespmem:s18+$0x0]  }
0x314: {  	s17 =	sor.u32 s24, s1;
	v3 =	vadd.f32 v9, v2;
	v7 =	vld [tilespmem:s21+$0x0]  }
0x315: {  	s12 =	sor.u32 s3, s12;
	s19 =	sor.u32 $0x12200, s6;
	v9 =	vld [tilespmem:s17+$0x0];
	[tilespmem:s20+$0x0] =	vst v0;
	v0 =	vadd.f32 v11, v10  }
0x316: {  	[tilespmem:s15+$0x0] =	vst v3;
	s20 =	sor.u32 s5, s19;
	v3 =	vld [tilespmem:s12+$0x0]  }
0x317: {  	s21 =	sor.u32 s25, s9;
	v11 =	vld [tilespmem:s20+$0x0];
	[tilespmem:s11+$0x0] =	vst v0;
	v0 =	vadd.f32 v6, v4  }
0x318: {  	v6 =	vld [tilespmem:s21+$0x0];
	v1 =	vadd.f32 v1, v8  }
0x319: {  	s11 =	sor.u32 s23, s2;
	[tilespmem:s10+$0x0] =	vst v0;
	s10 =	sor.u32 $0x2080, s26  }
0x31a: {  	s9 =	sor.u32 $0xC080, s26;
	v8 =	vadd.f32 v9, v7;
	v0 =	vld [tilespmem:s11+$0x0];
	[tilespmem:s18+$0x0] =	vst v1;
	s18 =	sor.u32 s29, s10  }
0x31b: {  	s13 =	sor.u32 s29, s9;
	s2 =	sor.u32 $0xE180, s22;
	v1 =	vadd.f32 v3, v5;
	v3 =	vld [tilespmem:s18+$0x0]  }
0x31c: {  	s14 =	sor.u32 s24, s2;
	v2 =	vadd.f32 v11, v2;
	[tilespmem:s17+$0x0] =	vst v8;
	v8 =	vld [tilespmem:s13+$0x0]  }
0x31d: {  	s17 =	sor.u32 s3, s19;
	s18 =	sor.u32 $0x2280, s6;
	v6 =	vadd.f32 v6, v10;
	[tilespmem:s12+$0x0] =	vst v1;
	v1 =	vld [tilespmem:s14+$0x0]  }
0x31e: {  	[tilespmem:s20+$0x0] =	vst v2;
	s19 =	sor.u32 s5, s18;
	v2 =	vld [tilespmem:s17+$0x0]  }
0x31f: {  	s20 =	sor.u32 $0xC280, s6;
	s12 =	sor.u32 s25, s7;
	v9 =	vld [tilespmem:s19+$0x0];
	[tilespmem:s21+$0x0] =	vst v6;
	v0 =	vadd.f32 v0, v4  }
0x320: {  	s19 =	sor.u32 s5, s20;
	v6 =	vld [tilespmem:s12+$0x0]  }
0x321: {  	v11 =	vld [tilespmem:s19+$0x0];
	s21 =	sor.u32 s23, s4;
	[tilespmem:s11+$0x0] =	vst v0;
	v0 =	vadd.f32 v8, v3  }
0x322: {  	s7 =	sor.u32 $0xE080, s26;
	v8 =	vld [tilespmem:s21+$0x0];
	v1 =	vadd.f32 v1, v7  }
0x323: {  	s4 =	sor.u32 $0x10180, s22;
	s11 =	sor.u32 s29, s7;
	v2 =	vadd.f32 v2, v5;
	[tilespmem:s13+$0x0] =	vst v0  }
0x324: {  	s13 =	sor.u32 s24, s4;
	[tilespmem:s14+$0x0] =	vst v1;
	v0 =	vld [tilespmem:s11+$0x0]  }
0x325: {  	s18 =	sor.u32 s3, s18;
	[tilespmem:s17+$0x0] =	vst v2;
	v1 =	vadd.f32 v6, v10;
	v2 =	vld [tilespmem:s13+$0x0]  }
0x326: {  	s15 =	sor.u32 s3, s20;
	v5 =	vadd.f32 v11, v9;
	v6 =	vld [tilespmem:s18+$0x0]  }
0x327: {  	s8 =	sor.u32 s25, s8;
	s20 =	sor.u32 $0xE280, s6;
	v11 =	vld [tilespmem:s15+$0x0];
	[tilespmem:s12+$0x0] =	vst v1;
	v1 =	vadd.f32 v8, v4  }
0x328: {  	s17 =	sor.u32 s5, s20;
	[tilespmem:s19+$0x0] =	vst v5;
	v4 =	vld [tilespmem:s8+$0x0]  }
0x329: {  	s0 =	sor.u32 s23, s0;
	v5 =	vld [tilespmem:s17+$0x0];
	[tilespmem:s21+$0x0] =	vst v1;
	v0 =	vadd.f32 v0, v3  }
0x32a: {  	s12 =	sor.u32 $0x10080, s26;
	s21 =	sor.u32 s23, s1;
	v8 =	vld [tilespmem:s0+$0x0];
	v1 =	vadd.f32 v2, v7  }
0x32b: {  	s18 =	sor.u32 s29, s12;
	s1 =	sor.u32 $0x12180, s22;
	v2 =	vld [tilespmem:s21+$0x0];
	[tilespmem:s11+$0x0] =	vst v0  }
0x32c: {  	s19 =	sor.u32 s24, s1;
	v0 =	vadd.f32 v11, v6;
	[tilespmem:s13+$0x0] =	vst v1;
	v1 =	vld [tilespmem:s18+$0x0]  }
0x32d: {  	v4 =	vadd.f32 v4, v10;
	v10 =	vld [tilespmem:s19+$0x0]  }
0x32e: {  	s20 =	sor.u32 s3, s20;
	[tilespmem:s15+$0x0] =	vst v0  }
0x32f: {  	s10 =	sor.u32 s25, s10;
	v0 =	vadd.f32 v5, v9;
	v5 =	vld [tilespmem:s20+$0x0];
	[tilespmem:s8+$0x0] =	vst v4  }
0x330: {  	s9 =	sor.u32 s25, s9;
	s14 =	sor.u32 $0x10280, s6;
	v2 =	vadd.f32 v2, v8;
	v4 =	vld [tilespmem:s10+$0x0]  }
0x331: {  	s15 =	sor.u32 s5, s14;
	[tilespmem:s17+$0x0] =	vst v0;
	v0 =	vld [tilespmem:s9+$0x0];
	v1 =	vadd.f32 v1, v3  }
0x332: {  	s16 =	sor.u32 s23, s2;
	v11 =	vld [tilespmem:s15+$0x0];
	s10 =	sor.u32 $0x12080, s26;
	[tilespmem:s21+$0x0] =	vst v2;
	v2 =	vadd.f32 v10, v7  }
0x333: {  	s2 =	sor.u32 $0x2200, s22;
	s21 =	sor.u32 s29, s10;
	v7 =	vld [tilespmem:s16+$0x0];
	[tilespmem:s18+$0x0] =	vst v1  }
0x334: {  	s0 =	sor.u32 $0xC200, s22;
	v1 =	vadd.f32 v5, v6;
	[tilespmem:s19+$0x0] =	vst v2;
	s19 =	sor.u32 s24, s2;
	v2 =	vld [tilespmem:s21+$0x0]  }
0x335: {  	s17 =	sor.u32 s24, s0;
	v10 =	vld [tilespmem:s19+$0x0]  }
0x336: {  	s18 =	sor.u32 s3, s14;
	[tilespmem:s20+$0x0] =	vst v1;
	v0 =	vadd.f32 v0, v4;
	v1 =	vld [tilespmem:s17+$0x0]  }
0x337: {  	v5 =	vadd.f32 v11, v9;
	v11 =	vld [tilespmem:s18+$0x0]  }
0x338: {  	s13 =	sor.u32 $0x12280, s6;
	s19 =	sor.u32 s25, s7;
	v7 =	vadd.f32 v7, v8;
	[tilespmem:s9+$0x0] =	vst v0  }
0x339: {  	s20 =	sor.u32 s5, s13;
	[tilespmem:s15+$0x0] =	vst v5;
	v0 =	vld [tilespmem:s19+$0x0];
	v2 =	vadd.f32 v2, v3  }
0x33a: {  	s4 =	sor.u32 s23, s4;
	s11 =	sor.u32 $0x2100, s26;
	v3 =	vld [tilespmem:s20+$0x0];
	[tilespmem:s16+$0x0] =	vst v7  }
0x33b: {  	s8 =	sor.u32 $0xC100, s26;
	v5 =	vld [tilespmem:s4+$0x0];
	v1 =	vadd.f32 v1, v10;
	[tilespmem:s21+$0x0] =	vst v2;
	s21 =	sor.u32 s29, s11  }
0x33c: {  	s7 =	sor.u32 $0xE200, s22;
	s15 =	sor.u32 s29, s8;
	v2 =	vadd.f32 v11, v6;
	v7 =	vld [tilespmem:s21+$0x0]  }
0x33d: {  	s16 =	sor.u32 s24, s7;
	[tilespmem:s17+$0x0] =	vst v1;
	v11 =	vld [tilespmem:s15+$0x0]  }
0x33e: {  	s13 =	sor.u32 s3, s13;
	[tilespmem:s18+$0x0] =	vst v2;
	v0 =	vadd.f32 v0, v4;
	v2 =	vld [tilespmem:s16+$0x0]  }
0x33f: {  	v1 =	vadd.f32 v3, v9;
	v3 =	vld [tilespmem:s13+$0x0]  }
0x340: {  	s12 =	sor.u32 s25, s12;
	s17 =	sor.u32 $0x2300, s6;
	[tilespmem:s19+$0x0] =	vst v0  }
0x341: {  	s19 =	sor.u32 $0xC300, s6;
	v0 =	vadd.f32 v5, v8;
	[tilespmem:s20+$0x0] =	vst v1;
	s20 =	sor.u32 s5, s17;
	v5 =	vld [tilespmem:s12+$0x0]  }
0x342: {  	s18 =	sor.u32 s5, s19;
	v1 =	vld [tilespmem:s20+$0x0];
	v9 =	vadd.f32 v11, v7  }
0x343: {  	s1 =	sor.u32 s23, s1;
	s9 =	sor.u32 $0xE100, s26;
	v11 =	vld [tilespmem:s18+$0x0];
	[tilespmem:s4+$0x0] =	vst v0;
	v0 =	vadd.f32 v2, v10  }
0x344: {  	s14 =	sor.u32 s29, s9;
	s4 =	sor.u32 $0x10200, s22;
	v2 =	vadd.f32 v3, v6;
	v3 =	vld [tilespmem:s1+$0x0];
	[tilespmem:s15+$0x0] =	vst v9  }
0x345: {  	s15 =	sor.u32 s24, s4;
	[tilespmem:s16+$0x0] =	vst v0;
	v6 =	vld [tilespmem:s14+$0x0]  }
0x346: {  	s16 =	sor.u32 s3, s17;
	[tilespmem:s13+$0x0] =	vst v2;
	v2 =	vadd.f32 v5, v4;
	v5 =	vld [tilespmem:s15+$0x0]  }
0x347: {  	s21 =	sor.u32 s3, s19;
	v0 =	vld [tilespmem:s16+$0x0]  }
0x348: {  	s19 =	sor.u32 s25, s10;
	v9 =	vadd.f32 v11, v1;
	v11 =	vld [tilespmem:s21+$0x0];
	[tilespmem:s12+$0x0] =	vst v2  }
0x349: {  	s20 =	sor.u32 $0xE300, s6;
	v2 =	vadd.f32 v3, v8;
	v3 =	vld [tilespmem:s19+$0x0]  }
0x34a: {  	s17 =	sor.u32 s5, s20;
	[tilespmem:s18+$0x0] =	vst v9;
	v6 =	vadd.f32 v6, v7  }
0x34b: {  	s2 =	sor.u32 s23, s2;
	s10 =	sor.u32 $0x10100, s26;
	v9 =	vld [tilespmem:s17+$0x0];
	[tilespmem:s1+$0x0] =	vst v2;
	v2 =	vadd.f32 v5, v10  }
0x34c: {  	v5 =	vld [tilespmem:s2+$0x0];
	[tilespmem:s14+$0x0] =	vst v6;
	s14 =	sor.u32 s29, s10  }
0x34d: {  	s18 =	sor.u32 s23, s0;
	s2 =	sor.u32 $0x12200, s22;
	v6 =	vadd.f32 v11, v0;
	[tilespmem:s15+$0x0] =	vst v2;
	v2 =	vld [tilespmem:s14+$0x0]  }
0x34e: {  	v11 =	vld [tilespmem:s18+$0x0];
	s15 =	sor.u32 s24, s2;
	v3 =	vadd.f32 v3, v4  }
0x34f: {  	s13 =	simm.s32 $0x60;
	s12 =	sor.u32 s3, s20;
	v4 =	vld [tilespmem:s15+$0x0];
	[tilespmem:s21+$0x0] =	vst v6;
	s21 =	simm.s32 $0x300  }
0x350: {  	s11 =	sor.u32 s25, s11;
	s30 =	sand.u32 $0x60, s13;
	v43 =	vld [tilespmem:s12+$0x0];
	s0 =	sand.u32 $0x1C00, s21;
	[tilespmem:s19+$0x0] =	vst v3  }
0x351: {  	s13 =	sor.u32 s25, s8;
	s28 =	sor.u32 $0x10, s30;
	s19 =	sor.u32 $0x2000, s0;
	v8 =	vld [tilespmem:s11+$0x0]  }
0x352: {  	v13 =	vld [tilespmem:s13+$0x0];
	s20 =	sor.u32 s28, s19;
	v2 =	vadd.f32 v2, v7  }
0x353: {  	s8 =	sor.u32 $0x12100, s26;
	s1 =	sor.u32 s30, s19;
	v6 =	vld [tilespmem:s20+$0x0]  }
0x354: {  	s21 =	sor.u32 $0xC000, s0;
	s11 =	sor.u32 s29, s8;
	v3 =	vadd.f32 v4, v10;
	v4 =	vld [tilespmem:s1+$0x0];
	[tilespmem:s14+$0x0] =	vst v2  }
0x355: {  	v2 =	vadd.f32 v11, v5;
	s14 =	sor.u32 s30, s21;
	v10 =	vld [tilespmem:s11+$0x0]  }
0x356: {  	v9 =	vadd.f32 v9, v1;
	[tilespmem:s15+$0x0] =	vst v3;
	s15 =	sor.u32 s28, s21;
	v14 =	vld [tilespmem:s14+$0x0]  }
0x357: {  	s20 =	sor.u32 s23, s7;
	[tilespmem:s18+$0x0] =	vst v2;
	s18 =	sor.u32 $0x10300, s6;
	v2 =	vld [tilespmem:s15+$0x0]  }
0x358: {  	[tilespmem:s17+$0x0] =	vst v9;
	s1 =	sor.u32 $0x2280, s22;
	s17 =	sor.u32 s5, s18;
	v9 =	vld [tilespmem:s20+$0x0]  }
0x359: {  	s7 =	sor.u32 $0xC280, s22;
	s16 =	sor.u32 s24, s1;
	v13 =	vadd.f32 v13, v8;
	v11 =	vld [tilespmem:s17+$0x0]  }
0x35a: {  	s19 =	sor.u32 s24, s7;
	v3 =	vld [tilespmem:s16+$0x0];
	v7 =	vadd.f32 v10, v7  }
0x35b: {  	v44 =	vld [tilespmem:s19+$0x0];
	[tilespmem:s13+$0x0] =	vst v13;
	s13 =	sor.u32 s25, s9;
	s9 =	sor.u32 $0x2180, s26;
	v10 =	vadd.f32 v43, v0  }
0x35c: {  	v13 =	vld [tilespmem:s13+$0x0];
	s21 =	sor.u32 s29, s9;
	[tilespmem:s11+$0x0] =	vst v7;
	v7 =	vadd.f32 v2, v6  }
0x35d: {  	[tilespmem:s12+$0x0] =	vst v10;
	s11 =	sor.u32 s3, s18;
	v9 =	vadd.f32 v9, v5;
	s12 =	sor.u32 $0xE000, s0;
	v2 =	vld [tilespmem:s21+$0x0]  }
0x35e: {  	v10 =	vld [tilespmem:s11+$0x0];
	[tilespmem:s15+$0x0] =	vst v7;
	v7 =	vadd.f32 v11, v1;
	s15 =	sor.u32 s28, s12  }
0x35f: {  	s16 =	sor.u32 s23, s4;
	[tilespmem:s20+$0x0] =	vst v9;
	v9 =	vadd.f32 v14, v4;
	s20 =	sor.u32 $0x12300, s6;
	v11 =	vld [tilespmem:s15+$0x0]  }
0x360: {  	v12 =	vadd.f32 v44, v3;
	s21 =	sor.u32 s5, s20;
	[tilespmem:s17+$0x0] =	vst v7;
	v7 =	vld [tilespmem:s16+$0x0]  }
0x361: {  	s4 =	sor.u32 $0xE280, s22;
	s12 =	sor.u32 s30, s12;
	v13 =	vadd.f32 v13, v8;
	[tilespmem:s14+$0x0] =	vst v9;
	v9 =	vld [tilespmem:s21+$0x0]  }
0x362: {  	[tilespmem:s19+$0x0] =	vst v12;
	s14 =	sor.u32 s24, s4;
	v45 =	vld [tilespmem:s12+$0x0]  }
0x363: {  	[tilespmem:s13+$0x0] =	vst v13;
	s13 =	sor.u32 s25, s10;
	s10 =	sor.u32 $0xC180, s26;
	v46 =	vld [tilespmem:s14+$0x0];
	v10 =	vadd.f32 v10, v0  }
0x364: {  	v47 =	vld [tilespmem:s13+$0x0];
	s19 =	sor.u32 s29, s10;
	v11 =	vadd.f32 v11, v6  }
0x365: {  	s18 =	sor.u32 s3, s20;
	[tilespmem:s11+$0x0] =	vst v10;
	v10 =	vld [tilespmem:s19+$0x0];
	s11 =	sor.u32 $0x10000, s0;
	v7 =	vadd.f32 v7, v5  }
0x366: {  	[tilespmem:s15+$0x0] =	vst v11;
	v1 =	vadd.f32 v9, v1;
	v9 =	vld [tilespmem:s18+$0x0];
	s15 =	sor.u32 s28, s11  }
0x367: {  	s20 =	sor.u32 $0x2380, s6;
	[tilespmem:s16+$0x0] =	vst v7;
	s16 =	sor.u32 s23, s2;
	v7 =	vadd.f32 v45, v4;
	v11 =	vld [tilespmem:s15+$0x0]  }
0x368: {  	v13 =	vadd.f32 v46, v3;
	[tilespmem:s21+$0x0] =	vst v1;
	v48 =	vld [tilespmem:s16+$0x0];
	s21 =	sor.u32 s5, s20  }
0x369: {  	s2 =	sor.u32 $0x10280, s22;
	v1 =	vld [tilespmem:s21+$0x0];
	[tilespmem:s12+$0x0] =	vst v7;
	s12 =	sor.u32 s30, s11;
	v7 =	vadd.f32 v47, v8  }
0x36a: {  	[tilespmem:s14+$0x0] =	vst v13;
	s14 =	sor.u32 s24, s2;
	v10 =	vadd.f32 v10, v2;
	v49 =	vld [tilespmem:s12+$0x0]  }
0x36b: {  	s17 =	sor.u32 s25, s8;
	s11 =	sor.u32 $0xE180, s26;
	[tilespmem:s13+$0x0] =	vst v7;
	v0 =	vadd.f32 v9, v0;
	v9 =	vld [tilespmem:s14+$0x0]  }
0x36c: {  	s21 =	sor.u32 s29, s11;
	[tilespmem:s19+$0x0] =	vst v10;
	v7 =	vadd.f32 v11, v6;
	v10 =	vld [tilespmem:s17+$0x0]  }
0x36d: {  	s19 =	sor.u32 $0x12000, s0;
	v11 =	vld [tilespmem:s21+$0x0];
	[tilespmem:s18+$0x0] =	vst v0;
	s18 =	sor.u32 s3, s20;
	v5 =	vadd.f32 v48, v5  }
0x36e: {  	s20 =	sor.u32 s28, s19;
	[tilespmem:s15+$0x0] =	vst v7;
	v0 =	vld [tilespmem:s18+$0x0]  }
0x36f: {  	s1 =	sor.u32 s23, s1;
	s8 =	sor.u32 $0xC380, s6;
	[tilespmem:s16+$0x0] =	vst v5;
	v5 =	vld [tilespmem:s20+$0x0]  }
0x370: {  	v50 =	vadd.f32 v49, v4;
	v7 =	vld [tilespmem:s1+$0x0];
	s1 =	sor.u32 s5, s8  }
0x371: {  	s16 =	sor.u32 s23, s7;
	v51 =	vld [tilespmem:s1+$0x0];
	v8 =	vadd.f32 v10, v8  }
0x372: {  	s18 =	sor.u32 s30, s19;
	v10 =	vld [tilespmem:s16+$0x0];
	[tilespmem:s12+$0x0] =	vst v50;
	v11 =	vadd.f32 v11, v2  }
0x373: {  	s9 =	sor.u32 s25, s9;
	v9 =	vadd.f32 v9, v3;
	s12 =	sor.u32 $0x10180, s26;
	v12 =	vld [tilespmem:s18+$0x0];
	[tilespmem:s17+$0x0] =	vst v8  }
0x374: {  	s7 =	sor.u32 $0x12280, s22;
	[tilespmem:s21+$0x0] =	vst v11;
	v5 =	vadd.f32 v5, v6;
	v6 =	vld [tilespmem:s9+$0x0];
	s9 =	sor.u32 s29, s12  }
0x375: {  	[tilespmem:s14+$0x0] =	vst v9;
	s14 =	sor.u32 s24, s7;
	v9 =	vld [tilespmem:s9+$0x0]  }
0x376: {  	s15 =	sor.u32 s25, s10;
	s17 =	sor.u32 $0x2080, s0;
	v11 =	vld [tilespmem:s14+$0x0]  }
0x377: {  	s19 =	sor.u32 $0xC080, s0;
	s21 =	sor.u32 s28, s17;
	[tilespmem:s20+$0x0] =	vst v5;
	v5 =	vadd.f32 v10, v7;
	v10 =	vld [tilespmem:s15+$0x0]  }
0x378: {  	s20 =	sor.u32 s28, s19;
	v8 =	vld [tilespmem:s21+$0x0];
	v4 =	vadd.f32 v12, v4  }
0x379: {  	v52 =	vld [tilespmem:s20+$0x0];
	[tilespmem:s16+$0x0] =	vst v5;
	v5 =	vadd.f32 v51, v1;
	s16 =	sor.u32 s23, s4  }
0x37a: {  	s13 =	sor.u32 $0xE380, s6;
	[tilespmem:s18+$0x0] =	vst v4;
	s18 =	sor.u32 s30, s17;
	v4 =	vld [tilespmem:s16+$0x0];
	v9 =	vadd.f32 v9, v2  }
0x37b: {  	s10 =	sor.u32 $0x12180, s26;
	v3 =	vadd.f32 v11, v3;
	[tilespmem:s1+$0x0] =	vst v5;
	s1 =	sor.u32 s5, s13;
	v5 =	vld [tilespmem:s18+$0x0]  }
0x37c: {  	s4 =	sor.u32 $0x2300, s22;
	s17 =	sor.u32 s29, s10;
	v11 =	vld [tilespmem:s1+$0x0];
	[tilespmem:s9+$0x0] =	vst v9  }
0x37d: {  	s21 =	sor.u32 s24, s4;
	[tilespmem:s14+$0x0] =	vst v3;
	s9 =	sor.u32 $0xC300, s22;
	v3 =	vld [tilespmem:s17+$0x0]  }
0x37e: {  	v10 =	vadd.f32 v10, v6;
	v9 =	vld [tilespmem:s21+$0x0];
	s18 =	sor.u32 s24, s9  }
0x37f: {  	s19 =	sor.u32 s30, s19;
	v12 =	vadd.f32 v52, v8;
	v53 =	vld [tilespmem:s18+$0x0]  }
0x380: {  	s21 =	sor.u32 $0xE080, s0;
	[tilespmem:s15+$0x0] =	vst v10;
	s15 =	sor.u32 s25, s11;
	v10 =	vld [tilespmem:s19+$0x0];
	v4 =	vadd.f32 v4, v7  }
0x381: {  	[tilespmem:s20+$0x0] =	vst v12;
	v54 =	vld [tilespmem:s15+$0x0];
	s20 =	sor.u32 s28, s21;
	v11 =	vadd.f32 v11, v1  }
0x382: {  	s2 =	sor.u32 s23, s2;
	s14 =	sor.u32 $0x10380, s6;
	[tilespmem:s16+$0x0] =	vst v4;
	v4 =	vld [tilespmem:s20+$0x0];
	v2 =	vadd.f32 v3, v2  }
0x383: {  	s16 =	sor.u32 s5, s14;
	[tilespmem:s1+$0x0] =	vst v11;
	v11 =	vld [tilespmem:s2+$0x0]  }
0x384: {  	s8 =	sor.u32 s3, s8;
	s11 =	sor.u32 $0x2200, s26;
	v13 =	vadd.f32 v53, v9;
	[tilespmem:s17+$0x0] =	vst v2;
	v2 =	vld [tilespmem:s16+$0x0]  }
0x385: {  	v55 =	vld [tilespmem:s8+$0x0];
	v10 =	vadd.f32 v10, v5;
	s1 =	sor.u32 $0xE300, s22;
	s17 =	sor.u32 s29, s11  }
0x386: {  	v12 =	vadd.f32 v54, v6;
	v3 =	vld [tilespmem:s17+$0x0];
	[tilespmem:s18+$0x0] =	vst v13;
	s17 =	sor.u32 s24, s1  }
0x387: {  	[tilespmem:s19+$0x0] =	vst v10;
	s18 =	sor.u32 s30, s21;
	v4 =	vadd.f32 v4, v8;
	v10 =	vld [tilespmem:s17+$0x0]  }
0x388: {  	s12 =	sor.u32 s25, s12;
	s19 =	sor.u32 $0x10080, s0;
	[tilespmem:s15+$0x0] =	vst v12;
	v56 =	vld [tilespmem:s18+$0x0];
	v11 =	vadd.f32 v11, v7  }
0x389: {  	[tilespmem:s20+$0x0] =	vst v4;
	v4 =	vld [tilespmem:s12+$0x0];
	s20 =	sor.u32 s28, s19;
	v2 =	vadd.f32 v2, v1  }
0x38a: {  	s7 =	sor.u32 s23, s7;
	s6 =	sor.u32 $0x12380, s6;
	[tilespmem:s2+$0x0] =	vst v11;
	v11 =	vld [tilespmem:s20+$0x0]  }
0x38b: {  	s2 =	sor.u32 s5, s6;
	s5 =	sor.u32 $0xC200, s26;
	v57 =	vld [tilespmem:s7+$0x0];
	[tilespmem:s16+$0x0] =	vst v2;
	v2 =	vadd.f32 v55, v0  }
0x38c: {  	v10 =	vadd.f32 v10, v9;
	s16 =	sor.u32 s29, s5;
	v58 =	vld [tilespmem:s2+$0x0]  }
0x38d: {  	s13 =	sor.u32 s3, s13;
	v59 =	vld [tilespmem:s16+$0x0];
	[tilespmem:s8+$0x0] =	vst v2;
	v2 =	vadd.f32 v56, v5;
	s8 =	sor.u32 $0x10300, s22  }
0x38e: {  	v4 =	vadd.f32 v4, v6;
	[tilespmem:s17+$0x0] =	vst v10;
	v10 =	vld [tilespmem:s13+$0x0];
	s21 =	sor.u32 s24, s8  }
0x38f: {  	s15 =	sor.u32 s30, s19;
	[tilespmem:s18+$0x0] =	vst v2;
	v2 =	vadd.f32 v11, v8;
	v11 =	vld [tilespmem:s21+$0x0]  }
0x390: {  	s10 =	sor.u32 s25, s10;
	[tilespmem:s12+$0x0] =	vst v4;
	v7 =	vadd.f32 v57, v7;
	s18 =	sor.u32 $0x12080, s0;
	v4 =	vld [tilespmem:s15+$0x0]  }
0x391: {  	v60 =	vld [tilespmem:s10+$0x0];
	[tilespmem:s20+$0x0] =	vst v2;
	s20 =	sor.u32 s28, s18  }
0x392: {  	s4 =	sor.u32 s23, s4;
	[tilespmem:s7+$0x0] =	vst v7;
	v12 =	vadd.f32 v59, v3;
	v7 =	vld [tilespmem:s20+$0x0]  }
0x393: {  	s9 =	sor.u32 s23, s9;
	v2 =	vld [tilespmem:s4+$0x0];
	s4 =	sor.u32 $0xE200, s26;
	v10 =	vadd.f32 v10, v0  }
0x394: {  	v61 =	vld [tilespmem:s9+$0x0];
	[tilespmem:s16+$0x0] =	vst v12;
	s7 =	sor.u32 s29, s4;
	v11 =	vadd.f32 v11, v9  }
0x395: {  	s14 =	sor.u32 s3, s14;
	s16 =	sor.u32 $0x12300, s22;
	v15 =	vld [tilespmem:s7+$0x0];
	v4 =	vadd.f32 v4, v5;
	[tilespmem:s13+$0x0] =	vst v10  }
0x396: {  	v6 =	vadd.f32 v60, v6;
	s13 =	sor.u32 s24, s16;
	[tilespmem:s21+$0x0] =	vst v11;
	v10 =	vld [tilespmem:s14+$0x0]  }
0x397: {  	s12 =	sor.u32 s30, s18;
	[tilespmem:s15+$0x0] =	vst v4;
	v4 =	vadd.f32 v7, v8;
	v7 =	vld [tilespmem:s13+$0x0]  }
0x398: {  	s11 =	sor.u32 s25, s11;
	[tilespmem:s10+$0x0] =	vst v6;
	s15 =	sor.u32 $0x2100, s0;
	v11 =	vld [tilespmem:s12+$0x0]  }
0x399: {  	s17 =	sor.u32 $0xC100, s0;
	v12 =	vadd.f32 v61, v2;
	s21 =	sor.u32 s28, s15;
	[tilespmem:s20+$0x0] =	vst v4;
	v4 =	vld [tilespmem:s11+$0x0]  }
0x39a: {  	s19 =	sor.u32 s28, s17;
	v6 =	vadd.f32 v15, v3;
	v8 =	vld [tilespmem:s21+$0x0]  }
0x39b: {  	s20 =	sor.u32 s25, s5;
	s5 =	smov.u32 s28;
	[tilespmem:s9+$0x0] =	vst v12;
	v62 =	vld [tilespmem:s19+$0x0];
	s21 =	sor.u32 $0x10200, s26  }
0x39c: {  	s28 =	sor.u32 s3, s6;
	s9 =	simm.s32 $0x6;
	v63 =	vld [tilespmem:s20+$0x0];
	[tilespmem:s7+$0x0] =	vst v6;
	s11 =	sor.u32 s29, s21;
	v6 =	vadd.f32 v7, v9  }
0x39d: {  	v1 =	vadd.f32 v58, v1;
	s3 =	sor.u32 $0x2380, s22;
	s7 =	sor.u32 s23, s1;
	v9 =	vld [tilespmem:s11+$0x0];
	[dreg:$0x10] =	wrdreg s9  }
0x39e: {  	s10 =	sor.u32 s24, s3;
	s9 =	sor.u32 $0xC380, s22;
	v5 =	vadd.f32 v11, v5;
	v12 =	vld [tilespmem:s7+$0x0];
	[tilespmem:s13+$0x0] =	vst v6  }
0x39f: {  	s31 =	sor.u32 s23, s16;
	s16 =	sor.u32 $0xE100, s0;
	[tilespmem:s2+$0x0] =	vst v1;
	v6 =	vadd.f32 v10, v0;
	v1 =	vld [tilespmem:s10+$0x0];
	s10 =	sor.u32 s24, s9  }
0x3a0: {  	s18 =	sor.u32 s30, s17;
	s17 =	sor.u32 s30, s16;
	s15 =	sor.u32 s30, s15;
	[tilespmem:s12+$0x0] =	vst v5;
	v11 =	vadd.f32 v62, v8;
	v5 =	vld [tilespmem:s10+$0x0]  }
0x3a1: {  	s6 =	sor.u32 s23, s8;
	s2 =	simm.s32 $0x400;
	s13 =	sor.u32 s25, s4;
	[tilespmem:s14+$0x0] =	vst v6;
	v7 =	vld [tilespmem:s15+$0x0];
	v6 =	vadd.f32 v63, v4  }
0x3a2: {  	s12 =	sor.u32 s25, s21;
	s21 =	sor.u32 s23, s3;
	s3 =	sor.u32 s5, s16;
	v10 =	vld [tilespmem:s18+$0x0];
	[tilespmem:s19+$0x0] =	vst v11  }
0x3a3: {  	s15 =	sor.u32 s23, s9;
	s9 =	simm.s32 $0x80;
	s14 =	sor.u32 $0x12200, s26;
	v9 =	vadd.f32 v9, v3;
	v11 =	vld [tilespmem:s3+$0x0];
	[tilespmem:s20+$0x0] =	vst v6;
	v6 =	vadd.f32 v12, v2  }
.LBB2_5:
0x3a4: {  	[dreg:$0x1b] =	wrdreg s21  }
0x3a5: {  	s19 =	sand.u32 $0x60, s9;
	s16 =	sand.u32 $0x1C00, s2;
	v12 =	vld [tilespmem:s13+$0x0];
	s21 =	sor.u32 s29, s14;
	[tilespmem:s11+$0x0] =	vst v9  }
0x3a6: {  	[dreg:$0x18] =	wrdreg s15;
	s20 =	sor.u32 $0x2000, s16;
	s15 =	sor.u32 $0x10, s19;
	[tilespmem:s7+$0x0] =	vst v6;
	v9 =	vld [tilespmem:s21+$0x0];
	v5 =	vadd.f32 v5, v1  }
0x3a7: {  	s7 =	sor.u32 s19, s20;
	s11 =	sor.u32 s15, s20;
	v13 =	vld [tilespmem:s6+$0x0];
	s20 =	sor.u32 $0xE380, s22  }
0x3a8: {  	s1 =	sor.u32 $0xC000, s16;
	v6 =	vld [tilespmem:s11+$0x0];
	s4 =	sor.u32 s24, s20;
	v10 =	vadd.f32 v10, v7;
	[tilespmem:s10+$0x0] =	vst v5  }
0x3a9: {  	[dreg:$0x19] =	wrdreg s28;
	s28 =	smov.u32 s22;
	s22 =	sor.u32 s15, s1;
	v11 =	vadd.f32 v11, v8;
	v14 =	vld [tilespmem:s4+$0x0]  }
0x3aa: {  	[dreg:$0x11] =	wrdreg s2;
	s8 =	sor.u32 $0x10100, s0;
	s2 =	sor.u32 s19, s1;
	v15 =	vld [tilespmem:s22+$0x0];
	[tilespmem:s18+$0x0] =	vst v10;
	v10 =	vadd.f32 v12, v4  }
0x3ab: {  	s1 =	smov.u32 s23;
	s11 =	sor.u32 s23, s20;
	s20 =	sor.u32 s30, s8;
	[tilespmem:s3+$0x0] =	vst v11;
	v3 =	vadd.f32 v9, v3  }
0x3ac: {  	s23 =	sor.u32 s5, s8;
	s8 =	smov.u32 s5;
	s5 =	smov.u32 s30;
	v5 =	vld [tilespmem:s7+$0x0];
	[tilespmem:s13+$0x0] =	vst v10;
	v10 =	vadd.f32 v13, v2  }
0x3ad: {  	s30 =	smov.u32 s29;
	s10 =	sor.u32 $0xC280, s26;
	v9 =	vld [tilespmem:s23+$0x0];
	s13 =	sor.u32 $0x2280, s26;
	[tilespmem:s21+$0x0] =	vst v3  }
0x3ae: {  	v11 =	vld [tilespmem:s2+$0x0];
	s18 =	sor.u32 s25, s13;
	s3 =	sor.u32 s29, s13;
	s21 =	rddreg [dreg:$0x10];
	[tilespmem:s6+$0x0] =	vst v10;
	v10 =	vadd.f32 v14, v1  }
0x3af: {  	s29 =	smov.u32 s24;
	s24 =	sor.u32 s30, s10;
	s13 =	sadd.s32 $0x2, s21;
	v3 =	vld [tilespmem:s3+$0x0];
	v41 =	vadd.f32 v15, v6  }
0x3b0: {  	v42 =	vld [tilespmem:s24+$0x0];
	s6 =	sor.u32 $0x10380, s28;
	[dreg:$0x10] =	wrdreg s13;
	[tilespmem:s4+$0x0] =	vst v10  }
0x3b1: {  	p0 =	slt.u32 s13, $0x3E;
	s13 =	sor.u32 $0xE000, s16;
	v43 =	vld [tilespmem:s17+$0x0];
	s4 =	sor.u32 s29, s6;
	[tilespmem:s22+$0x0] =	vst v41  }
0x3b2: {  	s21 =	sor.u32 s1, s6;
	s6 =	sor.u32 s15, s13;
	v10 =	vld [tilespmem:s4+$0x0]  }
0x3b3: {  	v9 =	vadd.f32 v9, v8;
	v12 =	vld [tilespmem:s6+$0x0]  }
0x3b4: {  	v11 =	vadd.f32 v11, v5;
	s22 =	sor.u32 $0x12100, s0  }
0x3b5: {  	[tilespmem:s23+$0x0] =	vst v9;
	s23 =	sor.u32 s8, s22;
	v9 =	vld [tilespmem:s12+$0x0];
	v13 =	vadd.f32 v42, v3  }
0x3b6: {  	s3 =	sor.u32 s19, s13;
	[tilespmem:s2+$0x0] =	vst v11;
	v11 =	vld [tilespmem:s23+$0x0];
	v14 =	vadd.f32 v43, v7  }
0x3b7: {  	s14 =	sor.u32 s25, s14;
	s7 =	sor.u32 s25, s10;
	s10 =	sor.u32 $0xE280, s26;
	v44 =	vld [tilespmem:s3+$0x0];
	[tilespmem:s24+$0x0] =	vst v13;
	v10 =	vadd.f32 v10, v1  }
0x3b8: {  	[dreg:$0x14] =	wrdreg s21;
	s13 =	sor.u32 s25, s10;
	s2 =	sor.u32 s30, s10;
	v45 =	vld [tilespmem:s31+$0x0];
	[tilespmem:s17+$0x0] =	vst v14;
	v12 =	vadd.f32 v12, v6  }
0x3b9: {  	s21 =	sor.u32 s5, s22;
	s22 =	sor.u32 $0x12380, s28;
	s28 =	smov.u32 s26;
	v46 =	vld [tilespmem:s2+$0x0];
	[tilespmem:s4+$0x0] =	vst v10  }
0x3ba: {  	s26 =	smov.u32 s0;
	s24 =	sor.u32 $0x10000, s16;
	v16 =	vld [tilespmem:s20+$0x0];
	v9 =	vadd.f32 v9, v4;
	s4 =	sor.u32 s29, s22;
	[tilespmem:s6+$0x0] =	vst v12  }
0x3bb: {  	s10 =	sor.u32 s1, s22;
	s1 =	smov.u32 s25;
	v8 =	vadd.f32 v11, v8;
	s6 =	sor.u32 s15, s24;
	v10 =	vld [tilespmem:s4+$0x0]  }
0x3bc: {  	s25 =	smov.u32 s5;
	s5 =	smov.u32 s19;
	s17 =	sor.u32 $0x2180, s26;
	v11 =	vadd.f32 v44, v5;
	[tilespmem:s12+$0x0] =	vst v9;
	v12 =	vld [tilespmem:s6+$0x0]  }
0x3bd: {  	s0 =	sor.u32 s8, s17;
	s22 =	sor.u32 s19, s24;
	v2 =	vadd.f32 v45, v2;
	s24 =	sor.u32 $0xC180, s26;
	v9 =	vld [tilespmem:s14+$0x0];
	[tilespmem:s23+$0x0] =	vst v8  }
0x3be: {  	s19 =	sor.u32 s25, s17;
	[tilespmem:s3+$0x0] =	vst v11;
	s17 =	sor.u32 s25, s24;
	s3 =	sor.u32 s8, s24;
	v11 =	vadd.f32 v46, v3;
	v8 =	vld [tilespmem:s0+$0x0]  }
0x3bf: {  	v47 =	vadd.f32 v16, v7;
	s24 =	smov.u32 s30;
	s0 =	smov.u32 s16;
	v48 =	vld [tilespmem:s3+$0x0];
	s16 =	sor.u32 $0x10280, s28;
	[tilespmem:s31+$0x0] =	vst v2  }
0x3c0: {  	v2 =	vld [tilespmem:s22+$0x0];
	[tilespmem:s2+$0x0] =	vst v11;
	s2 =	sor.u32 s24, s16;
	v1 =	vadd.f32 v10, v1  }
0x3c1: {  	s29 =	smov.u32 s8;
	s30 =	smov.u32 s5;
	[tilespmem:s20+$0x0] =	vst v47;
	v11 =	vld [tilespmem:s2+$0x0];
	v10 =	vadd.f32 v12, v6  }
0x3c2: {  	s5 =	smov.u32 s15;
	s15 =	rddreg [dreg:$0x1b];
	s8 =	sor.u32 $0x12000, s0;
	v49 =	vld [tilespmem:s21+$0x0];
	v4 =	vadd.f32 v9, v4;
	[tilespmem:s4+$0x0] =	vst v1  }
0x3c3: {  	v9 =	vld [tilespmem:s15+$0x0];
	[tilespmem:s6+$0x0] =	vst v10;
	s6 =	sor.u32 s5, s8  }
0x3c4: {  	[tilespmem:s14+$0x0] =	vst v4;
	v10 =	vadd.f32 v48, v8;
	v1 =	vld [tilespmem:s6+$0x0]  }
0x3c5: {  	s12 =	sor.u32 s1, s16;
	s16 =	sor.u32 $0xE180, s26;
	v4 =	vadd.f32 v2, v5;
	v2 =	vld [tilespmem:s18+$0x0]  }
0x3c6: {  	v11 =	vadd.f32 v11, v3;
	[tilespmem:s3+$0x0] =	vst v10;
	s3 =	sor.u32 s29, s16;
	v10 =	vld [tilespmem:s7+$0x0]  }
0x3c7: {  	s20 =	sor.u32 $0x12280, s28;
	s4 =	sor.u32 s30, s8;
	[tilespmem:s22+$0x0] =	vst v4;
	v4 =	vadd.f32 v49, v7;
	v7 =	vld [tilespmem:s3+$0x0]  }
0x3c8: {  	v50 =	vld [tilespmem:s4+$0x0];
	[tilespmem:s2+$0x0] =	vst v11;
	s2 =	sor.u32 s24, s20  }
0x3c9: {  	[tilespmem:s21+$0x0] =	vst v4;
	v11 =	vld [tilespmem:s2+$0x0];
	v1 =	vadd.f32 v1, v6  }
0x3ca: {  	s21 =	sor.u32 $0x2080, s0;
	v4 =	vld [tilespmem:s19+$0x0]  }
0x3cb: {  	s8 =	sor.u32 $0xC080, s0;
	s15 =	sor.u32 s5, s21;
	v13 =	vld [tilespmem:s17+$0x0];
	[tilespmem:s6+$0x0] =	vst v1;
	v1 =	vadd.f32 v10, v2  }
0x3cc: {  	s6 =	sor.u32 s5, s8;
	v7 =	vadd.f32 v7, v8;
	v6 =	vld [tilespmem:s15+$0x0]  }
0x3cd: {  	s23 =	smov.u32 s1;
	v5 =	vadd.f32 v50, v5;
	v10 =	vld [tilespmem:s6+$0x0];
	[tilespmem:s7+$0x0] =	vst v1  }
0x3ce: {  	s1 =	sor.u32 s23, s20;
	s20 =	sor.u32 $0x10180, s26;
	v3 =	vadd.f32 v11, v3;
	[tilespmem:s3+$0x0] =	vst v7  }
0x3cf: {  	s19 =	sor.u32 s30, s21;
	s21 =	sor.u32 s29, s20;
	s7 =	sor.u32 $0x2300, s28;
	v7 =	vld [tilespmem:s13+$0x0];
	[tilespmem:s4+$0x0] =	vst v5  }
0x3d0: {  	s18 =	sor.u32 s30, s8;
	s8 =	sor.u32 $0xC300, s28;
	v11 =	vld [tilespmem:s21+$0x0];
	[tilespmem:s2+$0x0] =	vst v3;
	s4 =	sor.u32 s24, s7  }
0x3d1: {  	v51 =	vadd.f32 v13, v4;
	v5 =	vld [tilespmem:s4+$0x0];
	s4 =	sor.u32 s24, s8  }
0x3d2: {  	v3 =	vadd.f32 v10, v6;
	v10 =	vld [tilespmem:s4+$0x0]  }
0x3d3: {  	v1 =	vld [tilespmem:s19+$0x0];
	[tilespmem:s17+$0x0] =	vst v51  }
0x3d4: {  	s14 =	sor.u32 s25, s16;
	s17 =	sor.u32 $0xE080, s0;
	v12 =	vld [tilespmem:s18+$0x0];
	v7 =	vadd.f32 v7, v2  }
0x3d5: {  	[tilespmem:s6+$0x0] =	vst v3;
	s6 =	sor.u32 s5, s17;
	v3 =	vld [tilespmem:s14+$0x0];
	v11 =	vadd.f32 v11, v8  }
0x3d6: {  	s16 =	sor.u32 s25, s20;
	s20 =	sor.u32 $0x12180, s26;
	v52 =	vld [tilespmem:s6+$0x0];
	[tilespmem:s13+$0x0] =	vst v7  }
0x3d7: {  	s3 =	sor.u32 s29, s20;
	s15 =	sor.u32 s23, s7;
	[tilespmem:s21+$0x0] =	vst v11;
	v7 =	vld [tilespmem:s12+$0x0];
	v10 =	vadd.f32 v10, v5  }
0x3d8: {  	s2 =	sor.u32 s23, s8;
	s8 =	rddreg [dreg:$0x18];
	s21 =	sor.u32 $0xE300, s28;
	v11 =	vld [tilespmem:s3+$0x0]  }
0x3d9: {  	v12 =	vadd.f32 v12, v1;
	v53 =	vld [tilespmem:s8+$0x0];
	s7 =	sor.u32 s23, s21;
	[tilespmem:s4+$0x0] =	vst v10;
	s4 =	sor.u32 s24, s21;
	s21 =	rddreg [dreg:$0x19]  }
0x3da: {  	v3 =	vadd.f32 v3, v4;
	v10 =	vld [tilespmem:s21+$0x0]  }
0x3db: {  	s19 =	sor.u32 s30, s17;
	[tilespmem:s18+$0x0] =	vst v12;
	v54 =	vadd.f32 v52, v6;
	v55 =	vld [tilespmem:s4+$0x0]  }
0x3dc: {  	s17 =	sor.u32 s25, s20;
	s20 =	sor.u32 $0x10080, s0;
	v56 =	vld [tilespmem:s19+$0x0];
	[tilespmem:s14+$0x0] =	vst v3;
	v3 =	vadd.f32 v7, v2  }
0x3dd: {  	s13 =	sor.u32 s5, s20;
	[tilespmem:s6+$0x0] =	vst v54;
	v7 =	vld [tilespmem:s16+$0x0];
	v8 =	vadd.f32 v11, v8  }
0x3de: {  	s14 =	sor.u32 $0x2200, s26;
	v57 =	vadd.f32 v53, v9;
	v11 =	vld [tilespmem:s13+$0x0];
	[tilespmem:s12+$0x0] =	vst v3  }
0x3df: {  	s18 =	sor.u32 s30, s20;
	s20 =	sor.u32 $0xC200, s26;
	s6 =	sor.u32 s29, s14;
	[tilespmem:s3+$0x0] =	vst v8;
	v8 =	vld [tilespmem:s1+$0x0];
	v10 =	vadd.f32 v10, v0  }
0x3e0: {  	s3 =	sor.u32 s29, s20;
	v0 =	vmov v9;
	v3 =	vld [tilespmem:s6+$0x0];
	v9 =	vadd.f32 v55, v5;
	[tilespmem:s8+$0x0] =	vst v57  }
0x3e1: {  	v59 =	vld [tilespmem:s3+$0x0];
	s8 =	sor.u32 $0x10300, s28;
	v58 =	vadd.f32 v56, v1;
	[tilespmem:s21+$0x0] =	vst v10  }
0x3e2: {  	s12 =	sor.u32 s25, s14;
	s14 =	sor.u32 s25, s20;
	s20 =	sor.u32 s24, s8;
	v7 =	vadd.f32 v7, v4;
	[tilespmem:s4+$0x0] =	vst v9;
	v9 =	vld [tilespmem:s11+$0x0]  }
0x3e3: {  	[tilespmem:s19+$0x0] =	vst v58;
	v10 =	vadd.f32 v11, v6;
	v11 =	vld [tilespmem:s20+$0x0]  }
0x3e4: {  	s22 =	smov.u32 s28;
	s28 =	smov.u32 s10;
	s10 =	sor.u32 $0x12080, s0;
	v12 =	vld [tilespmem:s18+$0x0];
	[tilespmem:s16+$0x0] =	vst v7;
	v2 =	vadd.f32 v8, v2  }
0x3e5: {  	s16 =	sor.u32 s5, s10;
	[tilespmem:s13+$0x0] =	vst v10;
	v7 =	vld [tilespmem:s17+$0x0]  }
0x3e6: {  	v10 =	vadd.f32 v59, v3;
	v8 =	vld [tilespmem:s16+$0x0];
	[tilespmem:s1+$0x0] =	vst v2  }
0x3e7: {  	s21 =	sor.u32 $0xE200, s26;
	v2 =	vld [tilespmem:s15+$0x0];
	v9 =	vadd.f32 v9, v0  }
0x3e8: {  	s6 =	sor.u32 s23, s8;
	s8 =	sor.u32 s29, s21;
	[tilespmem:s3+$0x0] =	vst v10;
	v10 =	vld [tilespmem:s2+$0x0];
	v11 =	vadd.f32 v11, v5  }
0x3e9: {  	s19 =	sor.u32 $0x12300, s22;
	s13 =	sor.u32 s25, s21;
	s21 =	rddreg [dreg:$0x14];
	v60 =	vld [tilespmem:s8+$0x0];
	v12 =	vadd.f32 v12, v1;
	[tilespmem:s11+$0x0] =	vst v9  }
0x3ea: {  	s15 =	sor.u32 s24, s19;
	v4 =	vadd.f32 v7, v4;
	[tilespmem:s20+$0x0] =	vst v11;
	v7 =	vld [tilespmem:s21+$0x0]  }
0x3eb: {  	s4 =	sor.u32 s30, s10;
	[tilespmem:s18+$0x0] =	vst v12;
	v6 =	vadd.f32 v8, v6;
	v9 =	vld [tilespmem:s15+$0x0]  }
0x3ec: {  	s1 =	sor.u32 $0x2100, s0;
	v11 =	vld [tilespmem:s4+$0x0];
	[tilespmem:s17+$0x0] =	vst v4  }
0x3ed: {  	s10 =	sor.u32 $0xC100, s0;
	s11 =	sor.u32 s5, s1;
	[tilespmem:s16+$0x0] =	vst v6;
	v4 =	vld [tilespmem:s12+$0x0];
	v6 =	vadd.f32 v10, v2  }
0x3ee: {  	s20 =	sor.u32 s5, s10;
	v10 =	vadd.f32 v60, v3;
	v8 =	vld [tilespmem:s11+$0x0]  }
0x3ef: {  	s17 =	sor.u32 s30, s1;
	s1 =	sor.u32 $0x10200, s26;
	v61 =	vld [tilespmem:s20+$0x0];
	[tilespmem:s2+$0x0] =	vst v6;
	v6 =	vadd.f32 v7, v0  }
0x3f0: {  	s11 =	sor.u32 s29, s1;
	[tilespmem:s8+$0x0] =	vst v10;
	v62 =	vld [tilespmem:s14+$0x0];
	v5 =	vadd.f32 v9, v5  }
0x3f1: {  	s3 =	sor.u32 $0x2380, s22;
	v9 =	vld [tilespmem:s11+$0x0];
	v1 =	vadd.f32 v11, v1;
	[tilespmem:s21+$0x0] =	vst v6  }
0x3f2: {  	s18 =	sor.u32 s30, s10;
	s10 =	sor.u32 $0xC380, s22;
	s2 =	sor.u32 s24, s3;
	[tilespmem:s15+$0x0] =	vst v5;
	v6 =	vld [tilespmem:s7+$0x0]  }
.Ltmp1:
0x3f3: {  	s15 =	sor.u32 s23, s10;
	s10 =	sor.u32 s24, s10;
	[tilespmem:s4+$0x0] =	vst v1;
	v1 =	vld [tilespmem:s2+$0x0];
	(pc) =	sbr.rel @p0 .LBB2_5-.Ltmp1, $4  }
0x3f4: {  	s9 =	sadd.s32 $0x20, s9;
	v11 =	vadd.f32 v61, v8;
	v5 =	vld [tilespmem:s10+$0x0]  }
0x3f5: {  	s31 =	sor.u32 s23, s19;
	s19 =	sor.u32 $0xE100, s0;
	s12 =	sor.u32 s25, s1;
	v7 =	vld [tilespmem:s17+$0x0];
	v63 =	vadd.f32 v62, v4  }
0x3f6: {  	s21 =	sor.u32 s23, s3;
	s3 =	sor.u32 s5, s19;
	v10 =	vld [tilespmem:s18+$0x0];
	[tilespmem:s20+$0x0] =	vst v11;
	s20 =	rddreg [dreg:$0x11]  }
0x3f7: {  	s17 =	sor.u32 s30, s19;
	v9 =	vadd.f32 v9, v3;
	v11 =	vld [tilespmem:s3+$0x0];
	s2 =	sadd.s32 $0x100, s20;
	[tilespmem:s14+$0x0] =	vst v63;
	s14 =	sor.u32 $0x12200, s26;
	v6 =	vadd.f32 v6, v2  }
0x3f8: {  	_ =	sdelay $0x2  }
0x3f9: {  	v10 =	vadd.f32 v10, v7;
	_ =	sdelay $0x1  }
0x3fa: {  	[tilespmem:s18+$0x0] =	vst v10  }
0x3fb: {  	v10 =	vld [tilespmem:s17+$0x0];
	_ =	sdelay $0x2  }
0x3fc: {  	v11 =	vadd.f32 v11, v8  }
0x3fd: {  	s2 =	sor.u32 $0x10100, s0  }
0x3fe: {  	s1 =	sor.u32 s5, s2;
	[tilespmem:s3+$0x0] =	vst v11;
	v10 =	vadd.f32 v10, v7  }
0x3ff: {  	v11 =	vld [tilespmem:s1+$0x0]  }
0x400: {  	s2 =	sor.u32 s30, s2;
	[tilespmem:s17+$0x0] =	vst v10  }
0x401: {  	v10 =	vld [tilespmem:s2+$0x0];
	_ =	sdelay $0x2  }
0x402: {  	v11 =	vadd.f32 v11, v8  }
0x403: {  	s4 =	sor.u32 $0x12100, s0  }
0x404: {  	s8 =	sor.u32 s5, s4;
	[tilespmem:s1+$0x0] =	vst v11;
	v10 =	vadd.f32 v10, v7  }
0x405: {  	v11 =	vld [tilespmem:s8+$0x0]  }
0x406: {  	s4 =	sor.u32 s30, s4;
	[tilespmem:s2+$0x0] =	vst v10  }
0x407: {  	v10 =	vld [tilespmem:s4+$0x0];
	_ =	sdelay $0x2  }
0x408: {  	v15 =	vadd.f32 v11, v8  }
0x409: {  	s9 =	sor.u32 $0x2180, s0;
	s16 =	smov.u32 s5  }
0x40a: {  	s18 =	sor.u32 s16, s9;
	s17 =	sor.u32 $0xC180, s0;
	[tilespmem:s8+$0x0] =	vst v15;
	v16 =	vadd.f32 v10, v7  }
0x40b: {  	s19 =	sor.u32 s16, s17;
	v8 =	vld [tilespmem:s18+$0x0]  }
0x40c: {  	s2 =	sor.u32 s30, s9;
	v17 =	vld [tilespmem:s19+$0x0];
	[tilespmem:s4+$0x0] =	vst v16  }
0x40d: {  	s20 =	sor.u32 s30, s17;
	v7 =	vld [tilespmem:s2+$0x0]  }
0x40e: {  	v18 =	vld [tilespmem:s20+$0x0];
	_ =	sdelay $0x2  }
0x40f: {  	v10 =	vadd.f32 v17, v8  }
0x410: {  	s1 =	sor.u32 $0xE180, s0  }
0x411: {  	s5 =	sor.u32 s16, s1;
	[tilespmem:s19+$0x0] =	vst v10;
	v19 =	vadd.f32 v18, v7  }
0x412: {  	v20 =	vld [tilespmem:s5+$0x0]  }
0x413: {  	s2 =	sor.u32 s30, s1;
	[tilespmem:s20+$0x0] =	vst v19  }
0x414: {  	v10 =	vld [tilespmem:s2+$0x0];
	_ =	sdelay $0x2  }
0x415: {  	v11 =	vadd.f32 v20, v8  }
0x416: {  	s8 =	sor.u32 $0x10180, s0  }
0x417: {  	s9 =	sor.u32 s16, s8;
	[tilespmem:s5+$0x0] =	vst v11;
	v10 =	vadd.f32 v10, v7  }
0x418: {  	v11 =	vld [tilespmem:s9+$0x0]  }
0x419: {  	s4 =	sor.u32 s30, s8;
	[tilespmem:s2+$0x0] =	vst v10  }
0x41a: {  	v10 =	vld [tilespmem:s4+$0x0];
	_ =	sdelay $0x2  }
0x41b: {  	v11 =	vadd.f32 v11, v8  }
0x41c: {  	s17 =	sor.u32 $0x12180, s0  }
0x41d: {  	s18 =	sor.u32 s16, s17;
	[tilespmem:s9+$0x0] =	vst v11;
	v10 =	vadd.f32 v10, v7  }
0x41e: {  	v11 =	vld [tilespmem:s18+$0x0]  }
0x41f: {  	s2 =	sor.u32 s30, s17;
	[tilespmem:s4+$0x0] =	vst v10  }
0x420: {  	v10 =	vld [tilespmem:s2+$0x0];
	_ =	sdelay $0x2  }
0x421: {  	v8 =	vadd.f32 v11, v8  }
0x422: {  	s19 =	sor.u32 $0x2200, s0  }
0x423: {  	s1 =	sor.u32 s16, s19;
	s20 =	sor.u32 $0xC200, s0;
	[tilespmem:s18+$0x0] =	vst v8;
	v7 =	vadd.f32 v10, v7  }
0x424: {  	s8 =	sor.u32 s16, s20;
	v8 =	vld [tilespmem:s1+$0x0]  }
0x425: {  	s9 =	sor.u32 s30, s19;
	v21 =	vld [tilespmem:s8+$0x0];
	[tilespmem:s2+$0x0] =	vst v7  }
0x426: {  	s17 =	sor.u32 s30, s20;
	v22 =	vld [tilespmem:s9+$0x0]  }
0x427: {  	v23 =	vld [tilespmem:s17+$0x0];
	_ =	sdelay $0x2  }
0x428: {  	v7 =	vadd.f32 v21, v8  }
0x429: {  	v12 =	vld [tilespmem:s13+$0x0];
	s18 =	sor.u32 $0xE200, s0  }
0x42a: {  	s19 =	sor.u32 s16, s18;
	[tilespmem:s8+$0x0] =	vst v7;
	v24 =	vadd.f32 v23, v22  }
0x42b: {  	v25 =	vld [tilespmem:s19+$0x0]  }
0x42c: {  	s2 =	sor.u32 s30, s18;
	[tilespmem:s17+$0x0] =	vst v24  }
0x42d: {  	v7 =	vld [tilespmem:s2+$0x0]  }
0x42e: {  	v12 =	vadd.f32 v12, v4;
	_ =	sdelay $0x1  }
0x42f: {  	[tilespmem:s13+$0x0] =	vst v12;
	v11 =	vadd.f32 v25, v8  }
0x430: {  	v12 =	vld [tilespmem:s12+$0x0];
	s20 =	sor.u32 $0x10200, s0  }
0x431: {  	s1 =	sor.u32 s16, s20;
	[tilespmem:s19+$0x0] =	vst v11;
	v7 =	vadd.f32 v7, v22  }
0x432: {  	v11 =	vld [tilespmem:s1+$0x0]  }
0x433: {  	s4 =	sor.u32 s30, s20;
	[tilespmem:s2+$0x0] =	vst v7  }
0x434: {  	v7 =	vld [tilespmem:s4+$0x0]  }
0x435: {  	[tilespmem:s11+$0x0] =	vst v9;
	v26 =	vadd.f32 v12, v4;
	s5 =	sor.u32 s29, s14  }
0x436: {  	v27 =	vld [tilespmem:s5+$0x0]  }
0x437: {  	s11 =	sor.u32 s25, s14;
	[tilespmem:s12+$0x0] =	vst v26;
	v28 =	vadd.f32 v11, v8  }
0x438: {  	v29 =	vld [tilespmem:s11+$0x0];
	s8 =	sor.u32 $0x12200, s0  }
0x439: {  	s12 =	sor.u32 s16, s8;
	[tilespmem:s1+$0x0] =	vst v28;
	v7 =	vadd.f32 v7, v22  }
0x43a: {  	v9 =	vld [tilespmem:s12+$0x0]  }
0x43b: {  	v3 =	vadd.f32 v27, v3;
	s8 =	sor.u32 s30, s8;
	[tilespmem:s4+$0x0] =	vst v7  }
0x43c: {  	s13 =	sor.u32 $0x2280, s26;
	v7 =	vld [tilespmem:s8+$0x0]  }
0x43d: {  	v30 =	vadd.f32 v29, v4;
	s14 =	sor.u32 s29, s13;
	[tilespmem:s5+$0x0] =	vst v3;
	s9 =	sor.u32 $0xC280, s26  }
0x43e: {  	v31 =	vld [tilespmem:s14+$0x0];
	s17 =	sor.u32 s29, s9  }
0x43f: {  	[tilespmem:s11+$0x0] =	vst v30;
	s18 =	sor.u32 s25, s9;
	v32 =	vld [tilespmem:s17+$0x0];
	v33 =	vadd.f32 v9, v8  }
0x440: {  	v35 =	vld [tilespmem:s18+$0x0];
	s19 =	sor.u32 $0x2280, s0;
	s4 =	sor.u32 s25, s13  }
0x441: {  	s20 =	sor.u32 $0xC280, s0;
	s1 =	sor.u32 s16, s19;
	v34 =	vld [tilespmem:s4+$0x0];
	[tilespmem:s12+$0x0] =	vst v33;
	v36 =	vadd.f32 v7, v22  }
0x442: {  	s11 =	sor.u32 s16, s20;
	v37 =	vld [tilespmem:s1+$0x0]  }
0x443: {  	s4 =	sor.u32 s30, s19;
	v38 =	vld [tilespmem:s11+$0x0];
	[tilespmem:s8+$0x0] =	vst v36  }
0x444: {  	v39 =	vadd.f32 v32, v31;
	s12 =	sor.u32 s30, s20;
	v40 =	vld [tilespmem:s4+$0x0]  }
0x445: {  	s13 =	sor.u32 $0xE280, s26;
	v41 =	vld [tilespmem:s12+$0x0]  }
0x446: {  	[tilespmem:s17+$0x0] =	vst v39;
	s14 =	sor.u32 s29, s13;
	v42 =	vadd.f32 v35, v34  }
0x447: {  	v43 =	vld [tilespmem:s14+$0x0]  }
0x448: {  	[tilespmem:s18+$0x0] =	vst v42;
	v44 =	vadd.f32 v38, v37;
	s4 =	sor.u32 s25, s13  }
0x449: {  	s17 =	sor.u32 $0xE280, s0;
	v45 =	vld [tilespmem:s4+$0x0]  }
0x44a: {  	s18 =	sor.u32 s16, s17;
	[tilespmem:s11+$0x0] =	vst v44;
	v46 =	vadd.f32 v41, v40  }
0x44b: {  	v47 =	vld [tilespmem:s18+$0x0]  }
0x44c: {  	s5 =	sor.u32 s30, s17;
	v9 =	vadd.f32 v43, v31;
	[tilespmem:s12+$0x0] =	vst v46  }
0x44d: {  	s19 =	sor.u32 $0x10280, s26;
	v3 =	vld [tilespmem:s5+$0x0]  }
0x44e: {  	s20 =	sor.u32 s29, s19;
	[tilespmem:s14+$0x0] =	vst v9;
	v48 =	vadd.f32 v45, v34  }
0x44f: {  	v49 =	vld [tilespmem:s20+$0x0]  }
0x450: {  	s8 =	sor.u32 s25, s19;
	v50 =	vadd.f32 v47, v37;
	[tilespmem:s4+$0x0] =	vst v48  }
0x451: {  	s1 =	sor.u32 $0x10280, s0;
	v51 =	vld [tilespmem:s8+$0x0]  }
0x452: {  	s9 =	sor.u32 s16, s1;
	[tilespmem:s18+$0x0] =	vst v50;
	v3 =	vadd.f32 v3, v40  }
0x453: {  	v9 =	vld [tilespmem:s9+$0x0]  }
0x454: {  	v10 =	vadd.f32 v49, v31;
	s4 =	sor.u32 s30, s1;
	[tilespmem:s5+$0x0] =	vst v3  }
0x455: {  	s11 =	sor.u32 $0x12280, s26;
	v3 =	vld [tilespmem:s4+$0x0]  }
0x456: {  	s12 =	sor.u32 s29, s11;
	[tilespmem:s20+$0x0] =	vst v10;
	v52 =	vadd.f32 v51, v34  }
0x457: {  	v53 =	vld [tilespmem:s12+$0x0]  }
0x458: {  	s5 =	sor.u32 s25, s11;
	v9 =	vadd.f32 v9, v37;
	[tilespmem:s8+$0x0] =	vst v52  }
0x459: {  	s13 =	sor.u32 $0x12280, s0;
	v10 =	vld [tilespmem:s5+$0x0]  }
0x45a: {  	s14 =	sor.u32 s16, s13;
	[tilespmem:s9+$0x0] =	vst v9;
	v3 =	vadd.f32 v3, v40  }
0x45b: {  	v9 =	vld [tilespmem:s14+$0x0]  }
0x45c: {  	v4 =	vadd.f32 v53, v31;
	s8 =	sor.u32 s30, s13;
	[tilespmem:s4+$0x0] =	vst v3  }
0x45d: {  	s17 =	sor.u32 $0x2300, s26;
	v3 =	vld [tilespmem:s8+$0x0]  }
0x45e: {  	s19 =	sor.u32 s29, s17;
	s18 =	sor.u32 $0xC300, s26;
	[tilespmem:s12+$0x0] =	vst v4;
	v54 =	vadd.f32 v10, v34  }
0x45f: {  	s20 =	sor.u32 s29, s18;
	v55 =	vld [tilespmem:s19+$0x0]  }
0x460: {  	v56 =	vld [tilespmem:s20+$0x0];
	s4 =	sor.u32 s25, s17;
	v57 =	vadd.f32 v9, v37;
	[tilespmem:s5+$0x0] =	vst v54  }
0x461: {  	s1 =	sor.u32 s25, s18;
	s11 =	sor.u32 $0x2300, s0;
	v58 =	vld [tilespmem:s4+$0x0]  }
0x462: {  	s12 =	sor.u32 $0xC300, s0;
	s13 =	sor.u32 s16, s11;
	v59 =	vld [tilespmem:s1+$0x0];
	[tilespmem:s14+$0x0] =	vst v57;
	v3 =	vadd.f32 v3, v40  }
0x463: {  	s14 =	sor.u32 s16, s12;
	v4 =	vld [tilespmem:s13+$0x0]  }
0x464: {  	s4 =	sor.u32 s30, s11;
	v60 =	vld [tilespmem:s14+$0x0];
	[tilespmem:s8+$0x0] =	vst v3  }
0x465: {  	v10 =	vadd.f32 v56, v55;
	s17 =	sor.u32 s30, s12;
	v61 =	vld [tilespmem:s4+$0x0]  }
0x466: {  	s18 =	sor.u32 $0xE300, s26;
	v62 =	vld [tilespmem:s17+$0x0]  }
0x467: {  	s19 =	sor.u32 s29, s18;
	[tilespmem:s20+$0x0] =	vst v10;
	v9 =	vadd.f32 v59, v58  }
0x468: {  	v10 =	vld [tilespmem:s19+$0x0]  }
0x469: {  	v3 =	vadd.f32 v60, v4;
	s4 =	sor.u32 s25, s18;
	[tilespmem:s1+$0x0] =	vst v9  }
0x46a: {  	s20 =	sor.u32 $0xE300, s0;
	v9 =	vld [tilespmem:s4+$0x0]  }
0x46b: {  	s1 =	sor.u32 s16, s20;
	[tilespmem:s14+$0x0] =	vst v3;
	v63 =	vadd.f32 v62, v61  }
0x46c: {  	[tilespmem:s7+$0x0] =	vst v6;
	v16 =	vld [tilespmem:s1+$0x0]  }
0x46d: {  	v17 =	vld [tilespmem:s6+$0x0];
	s5 =	sor.u32 s30, s20;
	v10 =	vadd.f32 v10, v55;
	[tilespmem:s17+$0x0] =	vst v63  }
0x46e: {  	s9 =	sor.u32 $0x10300, s26;
	v3 =	vld [tilespmem:s5+$0x0]  }
0x46f: {  	s11 =	sor.u32 s29, s9;
	[tilespmem:s19+$0x0] =	vst v10;
	v9 =	vadd.f32 v9, v58  }
0x470: {  	v10 =	vld [tilespmem:s11+$0x0]  }
0x471: {  	s7 =	sor.u32 s25, s9;
	v6 =	vadd.f32 v16, v4;
	[tilespmem:s4+$0x0] =	vst v9  }
0x472: {  	v18 =	vadd.f32 v17, v2;
	s12 =	sor.u32 $0x10300, s0;
	v19 =	vld [tilespmem:s7+$0x0]  }
0x473: {  	s13 =	sor.u32 s16, s12;
	[tilespmem:s1+$0x0] =	vst v6;
	v3 =	vadd.f32 v3, v61  }
0x474: {  	[tilespmem:s6+$0x0] =	vst v18;
	v6 =	vld [tilespmem:s13+$0x0]  }
0x475: {  	v10 =	vadd.f32 v10, v55;
	v9 =	vld [tilespmem:s31+$0x0];
	s4 =	sor.u32 s30, s12;
	[tilespmem:s5+$0x0] =	vst v3  }
0x476: {  	s14 =	sor.u32 $0x12300, s26;
	v3 =	vld [tilespmem:s4+$0x0]  }
0x477: {  	s17 =	sor.u32 s29, s14;
	[tilespmem:s11+$0x0] =	vst v10;
	v20 =	vadd.f32 v19, v58  }
0x478: {  	v21 =	vld [tilespmem:s17+$0x0]  }
0x479: {  	s5 =	sor.u32 s25, s14;
	v6 =	vadd.f32 v6, v4;
	[tilespmem:s7+$0x0] =	vst v20  }
0x47a: {  	s18 =	sor.u32 $0x12300, s0;
	v22 =	vadd.f32 v9, v2;
	v23 =	vld [tilespmem:s5+$0x0]  }
0x47b: {  	s19 =	sor.u32 s16, s18;
	[tilespmem:s13+$0x0] =	vst v6;
	v3 =	vadd.f32 v3, v61  }
0x47c: {  	[tilespmem:s31+$0x0] =	vst v22;
	v24 =	vld [tilespmem:s19+$0x0]  }
0x47d: {  	s1 =	sor.u32 s30, s18;
	v8 =	vadd.f32 v21, v55;
	v25 =	vld [tilespmem:s21+$0x0];
	[tilespmem:s4+$0x0] =	vst v3  }
0x47e: {  	s20 =	sor.u32 $0x2380, s26;
	v3 =	vld [tilespmem:s1+$0x0]  }
0x47f: {  	s31 =	sor.u32 s29, s20;
	v26 =	vld [tilespmem:s15+$0x0];
	s21 =	sor.u32 $0xC380, s26;
	[tilespmem:s17+$0x0] =	vst v8;
	v7 =	vadd.f32 v23, v58  }
0x480: {  	v8 =	vld [tilespmem:s31+$0x0];
	s7 =	sor.u32 s29, s21  }
0x481: {  	v27 =	vld [tilespmem:s7+$0x0];
	s4 =	sor.u32 s25, s20;
	v2 =	vadd.f32 v24, v4;
	[tilespmem:s5+$0x0] =	vst v7  }
0x482: {  	s11 =	sor.u32 $0x2380, s0;
	s8 =	sor.u32 s25, s21;
	v28 =	vld [tilespmem:s4+$0x0]  }
0x483: {  	s12 =	sor.u32 $0xC380, s0;
	s13 =	sor.u32 s16, s11;
	v7 =	vld [tilespmem:s8+$0x0];
	[tilespmem:s19+$0x0] =	vst v2;
	v29 =	vadd.f32 v3, v61  }
0x484: {  	s14 =	sor.u32 s16, s12;
	v30 =	vld [tilespmem:s13+$0x0]  }
0x485: {  	s4 =	sor.u32 s30, s11;
	v31 =	vld [tilespmem:s14+$0x0];
	[tilespmem:s1+$0x0] =	vst v29  }
0x486: {  	s17 =	sor.u32 s30, s12;
	v33 =	vld [tilespmem:s4+$0x0]  }
0x487: {  	v32 =	vadd.f32 v5, v1;
	v34 =	vld [tilespmem:s17+$0x0]  }
0x488: {  	s18 =	sor.u32 $0xE380, s22;
	v35 =	vadd.f32 v27, v8  }
0x489: {  	[tilespmem:s10+$0x0] =	vst v32;
	v10 =	vadd.f32 v26, v25;
	s20 =	sor.u32 $0xE380, s26;
	s19 =	sor.u32 s24, s18  }
0x48a: {  	s21 =	sor.u32 s29, s20;
	[tilespmem:s7+$0x0] =	vst v35;
	v36 =	vld [tilespmem:s19+$0x0];
	v7 =	vadd.f32 v7, v28  }
0x48b: {  	[tilespmem:s15+$0x0] =	vst v10;
	v38 =	vld [tilespmem:s21+$0x0];
	v37 =	vadd.f32 v31, v30;
	s4 =	sor.u32 s23, s18  }
0x48c: {  	s31 =	sor.u32 $0xE380, s0;
	s7 =	sor.u32 s25, s20;
	[tilespmem:s8+$0x0] =	vst v7;
	v39 =	vld [tilespmem:s4+$0x0];
	v40 =	vadd.f32 v34, v33  }
0x48d: {  	s9 =	sor.u32 s16, s31;
	[tilespmem:s14+$0x0] =	vst v37;
	v42 =	vld [tilespmem:s7+$0x0]  }
0x48e: {  	s10 =	sor.u32 s30, s31;
	v41 =	vld [tilespmem:s9+$0x0];
	[tilespmem:s17+$0x0] =	vst v40  }
0x48f: {  	v9 =	vadd.f32 v36, v1;
	v2 =	vld [tilespmem:s10+$0x0]  }
0x490: {  	s11 =	sor.u32 $0x10380, s22;
	v43 =	vadd.f32 v38, v8  }
0x491: {  	s12 =	sor.u32 s24, s11;
	s13 =	sor.u32 $0x10380, s26;
	[tilespmem:s19+$0x0] =	vst v9;
	v11 =	vadd.f32 v39, v25  }
0x492: {  	[tilespmem:s21+$0x0] =	vst v43;
	s14 =	sor.u32 s29, s13;
	v44 =	vld [tilespmem:s12+$0x0];
	v45 =	vadd.f32 v42, v28  }
0x493: {  	s1 =	sor.u32 s23, s11;
	v9 =	vld [tilespmem:s14+$0x0];
	v7 =	vadd.f32 v41, v30;
	[tilespmem:s4+$0x0] =	vst v11  }
0x494: {  	s15 =	sor.u32 $0x10380, s0;
	s18 =	sor.u32 s25, s13;
	[tilespmem:s7+$0x0] =	vst v45;
	v46 =	vld [tilespmem:s1+$0x0];
	v2 =	vadd.f32 v2, v33  }
0x495: {  	s17 =	sor.u32 s16, s15;
	[tilespmem:s9+$0x0] =	vst v7;
	v48 =	vld [tilespmem:s18+$0x0]  }
0x496: {  	s4 =	sor.u32 s30, s15;
	v7 =	vld [tilespmem:s17+$0x0];
	[tilespmem:s10+$0x0] =	vst v2  }
0x497: {  	v47 =	vadd.f32 v44, v1;
	v49 =	vld [tilespmem:s4+$0x0]  }
0x498: {  	s19 =	sor.u32 $0x12380, s22;
	v50 =	vadd.f32 v9, v8  }
0x499: {  	v52 =	vld [tilespmem:s28+$0x0];
	s21 =	sor.u32 $0x12380, s26;
	s20 =	sor.u32 s24, s19;
	[tilespmem:s12+$0x0] =	vst v47;
	v12 =	vadd.f32 v46, v25  }
0x49a: {  	s22 =	sor.u32 s29, s21;
	[tilespmem:s14+$0x0] =	vst v50;
	v51 =	vld [tilespmem:s20+$0x0];
	v10 =	vadd.f32 v48, v28  }
0x49b: {  	s5 =	sor.u32 s23, s19;
	v53 =	vld [tilespmem:s22+$0x0];
	v7 =	vadd.f32 v7, v30;
	[tilespmem:s1+$0x0] =	vst v12  }
0x49c: {  	s24 =	sor.u32 $0x12380, s0;
	s29 =	sor.u32 s25, s21;
	[tilespmem:s18+$0x0] =	vst v10;
	v54 =	vld [tilespmem:s5+$0x0];
	v11 =	vadd.f32 v49, v33  }
0x49d: {  	s26 =	sor.u32 s16, s24;
	[tilespmem:s17+$0x0] =	vst v7;
	v57 =	vld [tilespmem:s29+$0x0]  }
0x49e: {  	v0 =	vadd.f32 v52, v0;
	s0 =	sor.u32 s30, s24;
	v55 =	vld [tilespmem:s26+$0x0];
	[tilespmem:s4+$0x0] =	vst v11  }
0x49f: {  	v56 =	vadd.f32 v51, v1;
	v58 =	vld [tilespmem:s0+$0x0]  }
0x4a0: {  	[tilespmem:s28+$0x0] =	vst v0;
	v59 =	vadd.f32 v53, v8  }
0x4a1: {  	[tilespmem:s20+$0x0] =	vst v56;
	v60 =	vadd.f32 v54, v25  }
0x4a2: {  	[tilespmem:s22+$0x0] =	vst v59;
	v62 =	vadd.f32 v57, v28  }
0x4a3: {  	v61 =	vadd.f32 v55, v30;
	[tilespmem:s5+$0x0] =	vst v60  }
0x4a4: {  	[tilespmem:s29+$0x0] =	vst v62;
	v63 =	vadd.f32 v58, v33  }
0x4a5: {  	[tilespmem:s26+$0x0] =	vst v61  }
0x4a6: {  	[tilespmem:s0+$0x0] =	vst v63  }
0x4a7: {  	s1 =	sld [smem:$0x7EE]  }
0x4a8: {  	s30 =	rddreg [dreg:$0x2]  }
0x4a9: {  	s3 =	simm.s32 $0x2000;
	s31 =	sld [smem:$0x7F5]  }
0x4aa: {  	s4 =	simm.s32 $0x800000;
	s5 =	simm.s32 $0xC000;
	s0 =	sadd.s32 s30, s1  }
0x4ab: {  	[hbm4b:s0+s3] =	stream.strided.scatter [tilespmem:s5], [sflag:$0x4], $0x8000, s4, s3, $0x38;
	[tilespmem:$0x14000] =	vst v63  }
0x4ac: {  	s0 =	sadd.s32 $0x1, s31  }
0x4ad: {  	p0 =	sne.s32 s0, $0x10  }
.Ltmp2:
0x4ae: {  	_ = 	snop;
	(pc) =	sbr.rel @p0 .LBB2_2-.Ltmp2, $1  }
0x4af: {  	_ =	sdelay $0x3  }
0x4b0: {  	s0 =	simm.s32 $0x3  }
0x4b1: {  	_ =	swait.ge [sflag:s0], $0x8000  }
0x4b2: {  	[sflag:s0] =	ssyncset.done $0x0  }
0x4b3: {  	s1 =	simm.s32 $0x4;
	[sflag:s0] =	ssyncadd.s32 $0xFFFF8000  }
0x4b4: {  	_ =	swait.ge [sflag:s1], $0x8000  }
0x4b5: {  	s2 =	sld [smem:$0x7F7]  }
0x4b6: {  	s31 =	sld [smem:$0x7FD];
	_ =	sdelay $0x1  }
0x4b7: {  	s2 =	sadd.s32 $0x1, s2  }
0x4b8: {  	p0 =	sne.s32 s2, s31  }
.Ltmp3:
0x4b9: {  	_ = 	snop;
	(pc) =	sbr.rel @p0 .LBB2_1-.Ltmp3, $3  }
0x4ba: {  	_ =	sdelay $0x1  }
0x4bb: {  	[sflag:s1] =	ssyncset.done $0x0  }
0x4bc: {  	[sflag:s1] =	ssyncadd.s32 $0xFFFF8000  }
0x4bd: {  	_ =	sfence.sel $0x180000  }
0x4be: {  	[bflag:$0x0] =	sbarrier.arrive $0xFFFF  }
0x4bf: {  	_ =	strace $0x90000047  }
0x4c0: {  	s0 =	stileid.u32;
	[bflag:$0x2] =	sbarrier.arrive $0xFFFF  }
0x4c1: {  	p0 =	sne.s32 s0, $0x0;
	s0 =	rddreg [dreg:$0x3]  }
0x4c2: {  	s0 =	sadd.s32 @!p0 $0x100000, s0  }
0x4c3: {  	[sflag:s0] =	ssyncadd.tile.s32 @!p0 $0x1;
	_ =	shalt  }
.Lfunc_end2:
_tile_overlayer_lowered:
.L_overlay_start_2:
0x4c4: {  	(tag) =	ssettag $0x2  }
0x4c5: {  	s0 =	rddreg [dreg:$0x0];
	s2 =	stileid.u32  }
0x4c6: {  	s1 =	rddreg [dreg:$0x1];
	p0 =	sne.s32 s2, $0x0  }
0x4c7: {  	s3 =	rddreg [dreg:$0x2];
	[bflag:$0x3] =	sbarrier.arrive $0xFFFF;
	s2 =	simm.s32 @!p0 $0x1C05  }
0x4c8: {  	[timem:s3], [sflag:s2] =	dma.local @!p0 [hbm:s0], s1  }
0x4c9: {  	s0 =	simm.s32 @!p0 $0x5  }
0x4ca: {  	_ =	swait.ge @!p0 [sflag:s0], s1  }
0x4cb: {  	s1 =	ssub.s32 @!p0 $0x0, s1;
	[sflag:s0] =	ssyncset.done @!p0 $0x0  }
0x4cc: {  	[sflag:s0] =	ssyncadd.s32 @!p0 s1  }
0x4cd: {  	[bflag:$0x3] =	sbarrier.arrive $0xFFFF  }
0x4ce: {  	_ =	shalt  }

</sc_bundles>
